<compile_context>
chip_gen: v7x
topology: tpu7x:2x2x1
jax: 0.10.2.dev20260603
libtpu: 0.0.44.dev20260713+nightly
codegen_flags: <defaults>
</compile_context>

<pallas_src>
import functools

import jax
import jax.numpy as jnp
from jax import lax
from jax.experimental import pallas as pl
from jax.experimental.pallas import tpu as pltpu
from jax.experimental.pallas import tpu_sc as plsc

NC = 2
NS = 16
NW = NC * NS
L = 16

B = 320000
D = 128
V = 10000
CH = 64
DW = D // 2
NCHUNK = B // CH


def _body(z_hbm, idx_hbm, out_hbm,
          idx0, idx1, rows0, rows1, out0, out1, tmp_v, z_sh,
          isem0, isem1, gsem0, gsem1, osem0, osem1):
    idx2 = (idx0, idx1)
    rows = (rows0, rows1)
    out_v = (out0, out1)
    isem = (isem0, isem1)
    gsem = (gsem0, gsem1)
    osem = (osem0, osem1)

    wid = lax.axis_index("s") * NC + lax.axis_index("c")
    nj = (NCHUNK - wid + NW - 1) // NW
    lanes = lax.iota(jnp.int32, L)
    lane15 = jnp.full((L,), L - 1, dtype=jnp.int32)

    def chunk_of(j):
        return wid + j * NW

    def issue_gather(s):
        src = z_sh if s == 0 else z_hbm
        pltpu.async_copy(src.at[idx2[s].at[0]], rows[s], gsem[s])

    def wait_gather(s):
        src = z_sh if s == 0 else z_hbm
        pltpu.make_async_copy(src.at[idx2[s].at[0]], rows[s], gsem[s]).wait()

    def wait_idx(s):
        pltpu.make_async_copy(idx_hbm.at[pl.ds(0, 1)], idx2[s], isem[s]).wait()

    def wait_out(s):
        pltpu.make_async_copy(out_v[s], out_hbm.at[pl.ds(0, CH)], osem[s]).wait()

    def compute(s):
        rr, ov = rows[s], out_v[s]

        def group_body(g, gcarry):
            for k in range(L):
                e = g * L + k
                acc0 = jnp.zeros((L,), jnp.float32)
                acc1 = jnp.zeros((L,), jnp.float32)
                for jw in range(DW // L):
                    a = plsc.bitcast(rr[e, pl.ds(jw * L, L)], jnp.bfloat16)
                    b = plsc.bitcast(rr[CH + e, pl.ds(jw * L, L)], jnp.bfloat16)
                    p0, p1 = plsc.unpack(a * b,
                                         format=plsc.PackFormat.INTERLEAVED,
                                         preferred_element_type=jnp.float32)
                    acc0 = acc0 + p0
                    acc1 = acc1 + p1
                tmp_v[k, pl.ds(0, L)] = acc0 + acc1
            sums = [jnp.zeros((L,), jnp.float32) for _ in range(4)]
            for f in range(L):
                fv = jnp.full((L,), f, dtype=jnp.int32)
                sums[f % 4] = sums[f % 4] + plsc.load_gather(tmp_v, [lanes, fv])
            ov[pl.ds(g * L, L)] = (sums[0] + sums[1]) + (sums[2] + sums[3])
            return gcarry

        lax.fori_loop(0, CH // L, group_body, None)

    sid = lax.axis_index("s")
    rows_per_sub = (V // NS) // 8 * 8
    pltpu.sync_copy(z_hbm.at[pl.ds(sid * rows_per_sub, rows_per_sub)],
                    z_sh.at[pl.ds(sid * rows_per_sub, rows_per_sub)])
    tail = V - NS * rows_per_sub

    @pl.when(sid == 0)
    def _():
        pltpu.sync_copy(z_hbm.at[pl.ds(NS * rows_per_sub, tail)],
                        z_sh.at[pl.ds(NS * rows_per_sub, tail)])

    plsc.subcore_barrier()

    pltpu.sync_copy(idx_hbm.at[pl.ds(chunk_of(0), 1)], idx2[0])
    issue_gather(0)

    @pl.when(nj > 1)
    def _():
        pltpu.async_copy(idx_hbm.at[pl.ds(chunk_of(1), 1)], idx2[1], isem[1])

    npairs = (nj + 1) // 2

    def pair_body(p, carry):
        for s in (0, 1):
            j = 2 * p + s
            o = 1 - s

            @pl.when(j < nj)
            def _process():
                @pl.when(j + 1 < nj)
                def _():
                    wait_idx(o)
                    issue_gather(o)

                wait_gather(s)

                @pl.when(j + 2 < nj)
                def _():
                    pltpu.async_copy(idx_hbm.at[pl.ds(chunk_of(j + 2), 1)],
                                     idx2[s], isem[s])

                @pl.when(j >= 2)
                def _():
                    wait_out(s)

                compute(s)
                pltpu.async_copy(out_v[s],
                                 out_hbm.at[pl.ds(chunk_of(j) * CH, CH)],
                                 osem[s])

        return carry

    lax.fori_loop(0, npairs, pair_body, None)

    wait_out(0)
    wait_out(1)


@functools.lru_cache(maxsize=None)
def _build():
    return pl.kernel(
        _body,
        out_type=jax.ShapeDtypeStruct((B,), jnp.float32),
        mesh=plsc.VectorSubcoreMesh(core_axis_name="c", subcore_axis_name="s"),
        compiler_params=pltpu.CompilerParams(needs_layout_passes=False),
        scratch_types=[
            pltpu.VMEM((1, 2 * CH), jnp.int32),
            pltpu.VMEM((1, 2 * CH), jnp.int32),
            pltpu.VMEM((2 * CH, D), jnp.int32),
            pltpu.VMEM((2 * CH, D), jnp.int32),
            pltpu.VMEM((CH,), jnp.float32),
            pltpu.VMEM((CH,), jnp.float32),
            pltpu.VMEM((L, 24), jnp.float32),
            pltpu.VMEM_SHARED((V, D), jnp.int32),
            pltpu.SemaphoreType.DMA,
            pltpu.SemaphoreType.DMA,
            pltpu.SemaphoreType.DMA,
            pltpu.SemaphoreType.DMA,
            pltpu.SemaphoreType.DMA,
            pltpu.SemaphoreType.DMA,
        ],
    )


@jax.jit
def kernel(z, edge_label_index):
    idx = edge_label_index.astype(jnp.int32)
    idx_pack = idx.reshape(2, NCHUNK, CH).transpose(1, 0, 2).reshape(NCHUNK,
                                                                     2 * CH)
    zb = z.astype(jnp.bfloat16).reshape(V, DW, 2)
    z32 = lax.bitcast_convert_type(zb, jnp.int32)
    z32 = jnp.pad(z32, ((0, 0), (0, D - DW)))
    return _build()(z32, idx_pack)

# --- scband reference (transcript-rebuilt; emitter-appended) ---
"""Pipeline reference for scband-dot-decoder-85341000172343 (READ-ONLY COPY).

The authoritative reference and input builder live on the scoring server;
editing this copy changes nothing except your own understanding.
"""

import jax, jax.numpy as jnp
import numpy as np


def setup_inputs(seed: int = 0) -> dict:
    key = jax.random.key(seed)
    k1, k2 = jax.random.split(key)
    z = jax.random.normal(k1, (10000, 128), dtype=jnp.float32)
    edge_label_index = jax.random.randint(k2, (2, 320000), 0, 10000, dtype=jnp.int64)
    return {"z": z, "edge_label_index": edge_label_index}


def reference(z, edge_label_index):
    src = edge_label_index[0]
    dst = edge_label_index[1]
    z_src = jnp.take(z, src, axis=0)
    z_dst = jnp.take(z, dst, axis=0)
    return (z_src * z_dst).sum(axis=-1)

if __name__ == "__main__":
    import jax
    _d = setup_inputs()
    print(jax.jit(kernel)(*tuple(_d.values())))

</pallas_src>

<mosaic_0001>
#map = affine_map<(d0, d1) -> (0, 0)>
#map1 = affine_map<(d0, d1) -> (0)>
module attributes {stable_mosaic.version = 14 : i64} {
  func.func @_body(%arg0: i32, %arg1: i32, %arg2: memref<10000x128xi32, #tpu.memory_space<hbm>>, %arg3: memref<5000x128xi32, #tpu.memory_space<hbm>>, %arg4: memref<320000xf32, #tpu.memory_space<hbm>>, %arg5: memref<1x128xi32, #tpu.memory_space<vmem>>, %arg6: memref<1x128xi32, #tpu.memory_space<vmem>>, %arg7: memref<128x128xi32, #tpu.memory_space<vmem>>, %arg8: memref<128x128xi32, #tpu.memory_space<vmem>>, %arg9: memref<64xf32, #tpu.memory_space<vmem>>, %arg10: memref<64xf32, #tpu.memory_space<vmem>>, %arg11: memref<16x24xf32, #tpu.memory_space<vmem>>, %arg12: memref<10000x128xi32, #tpu.memory_space<vmem_shared>>, %arg13: memref<!tpu.dma_semaphore, #tpu.memory_space<semaphore_mem>>, %arg14: memref<!tpu.dma_semaphore, #tpu.memory_space<semaphore_mem>>, %arg15: memref<!tpu.dma_semaphore, #tpu.memory_space<semaphore_mem>>, %arg16: memref<!tpu.dma_semaphore, #tpu.memory_space<semaphore_mem>>, %arg17: memref<!tpu.dma_semaphore, #tpu.memory_space<semaphore_mem>>, %arg18: memref<!tpu.dma_semaphore, #tpu.memory_space<semaphore_mem>>) attributes {dimension_semantics = [#tpu.dimension_semantics<core_parallel>, #tpu.dimension_semantics<subcore_parallel>], iteration_bounds = array<i64: 2, 16>, scalar_prefetch = 0 : i64, scratch_operands = 14 : i64, tpu.core_type = #tpu.core_type<sc_vector_subcore>, window_params = [{transform_indices = #map}, {transform_indices = #map}, {transform_indices = #map1}]} {
    %mul3A = arith.constant 2 : i32
    %mul3A_0 = arith.muli %arg1, %mul3A : i32
    %add3A = arith.addi %mul3A_0, %arg0 : i32
    %sub3A = arith.constant 5000 : i32
    %sub3A_1 = arith.subi %sub3A, %add3A : i32
    %add3A_2 = arith.constant 32 : i32
    %add3A_3 = arith.addi %sub3A_1, %add3A_2 : i32
    %sub3A_4 = arith.constant 1 : i32
    %sub3A_5 = arith.subi %add3A_3, %sub3A_4 : i32
    %jit3A = arith.constant 32 : i32
    %div3A = arith.divsi %sub3A_5, %jit3A : i32
    %sign3A = arith.constant 0 : i32
    %sign3A_6 = arith.cmpi sgt, %sub3A_5, %sign3A : i32
    %sign3A_7 = arith.extui %sign3A_6 : i1 to i32
    %sign3A_8 = arith.constant 0 : i32
    %sign3A_9 = arith.cmpi slt, %sub3A_5, %sign3A_8 : i32
    %sign3A_10 = arith.extui %sign3A_9 : i1 to i32
    %sign3A_11 = arith.subi %sign3A_7, %sign3A_10 : i32
    %sign3A_12 = arith.constant 0 : i32
    %sign3A_13 = arith.cmpi sgt, %jit3A, %sign3A_12 : i32
    %sign3A_14 = arith.extui %sign3A_13 : i1 to i32
    %sign3A_15 = arith.constant 0 : i32
    %sign3A_16 = arith.cmpi slt, %jit3A, %sign3A_15 : i32
    %sign3A_17 = arith.extui %sign3A_16 : i1 to i32
    %sign3A_18 = arith.subi %sign3A_14, %sign3A_17 : i32
    %ne3A = arith.cmpi ne, %sign3A_11, %sign3A_18 : i32
    %rem3A = arith.remsi %sub3A_5, %jit3A : i32
    %ne3A_19 = arith.constant 0 : i32
    %ne3A_20 = arith.cmpi ne, %rem3A, %ne3A_19 : i32
    %and3A = arith.andi %ne3A, %ne3A_20 : i1
    %sub3A_21 = arith.constant 1 : i32
    %sub3A_22 = arith.subi %div3A, %sub3A_21 : i32
    %select_n3A = arith.select %and3A, %sub3A_22, %div3A : i32
    %iota3A = tpu.iota {dimensions = array<i32: 0>} : vector<16xi32>
    %broadcast_in_dim3A = arith.constant 15 : i32
    %broadcast_in_dim3A_23 = vector.broadcast %broadcast_in_dim3A : i32 to vector<16xi32>
    %mul3A_24 = arith.constant 624 : i32
    %mul3A_25 = arith.muli %arg1, %mul3A_24 : i32
    %mul3A_26 = arith.constant 624 : i32
    %mul3A_27 = arith.muli %arg1, %mul3A_26 : i32
    "tpu.region"() ({
      %run_scoped3A = tpu.sem_alloc : memref<!tpu.dma_semaphore, #tpu.memory_space<semaphore_mem>>
      %dma_start3A_83 = arith.constant 0 : i32
      %dma_start3A_84 = tpu.memref_slice %arg12[%mul3A_27, %dma_start3A_83] : memref<10000x128xi32, #tpu.memory_space<vmem_shared>> -> memref<624x128xi32, #tpu.memory_space<vmem_shared>>
      %dma_start3A_85 = arith.constant 0 : i32
      %dma_start3A_86 = tpu.memref_slice %arg2[%mul3A_25, %dma_start3A_85] : memref<10000x128xi32, #tpu.memory_space<hbm>> -> memref<624x128xi32, #tpu.memory_space<hbm>>
      tpu.enqueue_dma source(%dma_start3A_86 : memref<624x128xi32, #tpu.memory_space<hbm>>) target(%dma_start3A_84 : memref<624x128xi32, #tpu.memory_space<vmem_shared>>) target_semaphore(%run_scoped3A : memref<!tpu.dma_semaphore, #tpu.memory_space<semaphore_mem>>)
      %dma_wait3A_87 = arith.constant 0 : i32
      %dma_wait3A_88 = tpu.memref_slice %arg12[%mul3A_27, %dma_wait3A_87] : memref<10000x128xi32, #tpu.memory_space<vmem_shared>> -> memref<624x128xi32, #tpu.memory_space<vmem_shared>>
      %dma_wait3A_89 = arith.constant 0 : i32
      %dma_wait3A_90 = tpu.memref_slice %arg2[%mul3A_25, %dma_wait3A_89] : memref<10000x128xi32, #tpu.memory_space<hbm>> -> memref<624x128xi32, #tpu.memory_space<hbm>>
      tpu.wait_dma2 semaphore(%run_scoped3A : memref<!tpu.dma_semaphore, #tpu.memory_space<semaphore_mem>>) src(%dma_wait3A_90 : memref<624x128xi32, #tpu.memory_space<hbm>>) dst(%dma_wait3A_88 : memref<624x128xi32, #tpu.memory_space<vmem_shared>>)
      tpu.yield
    }) : () -> ()
    %eq3A = arith.constant 0 : i32
    %eq3A_28 = arith.cmpi eq, %arg1, %eq3A : i32
    %convert_element_type3A = arith.extui %eq3A_28 : i1 to i32
    %cond3A = arith.constant 0 : i32
    %cond3A_29 = arith.cmpi ne, %convert_element_type3A, %cond3A : i32
    scf.if %cond3A_29 {
      "tpu.region"() ({
        %run_scoped3A = tpu.sem_alloc : memref<!tpu.dma_semaphore, #tpu.memory_space<semaphore_mem>>
        %dma_start3A_83 = arith.constant 9984 : i32
        %dma_start3A_84 = arith.constant 0 : i32
        %dma_start3A_85 = tpu.memref_slice %arg12[%dma_start3A_83, %dma_start3A_84] : memref<10000x128xi32, #tpu.memory_space<vmem_shared>> -> memref<16x128xi32, #tpu.memory_space<vmem_shared>>
        %dma_start3A_86 = arith.constant 9984 : i32
        %dma_start3A_87 = arith.constant 0 : i32
        %dma_start3A_88 = tpu.memref_slice %arg2[%dma_start3A_86, %dma_start3A_87] : memref<10000x128xi32, #tpu.memory_space<hbm>> -> memref<16x128xi32, #tpu.memory_space<hbm>>
        tpu.enqueue_dma source(%dma_start3A_88 : memref<16x128xi32, #tpu.memory_space<hbm>>) target(%dma_start3A_85 : memref<16x128xi32, #tpu.memory_space<vmem_shared>>) target_semaphore(%run_scoped3A : memref<!tpu.dma_semaphore, #tpu.memory_space<semaphore_mem>>)
        %dma_wait3A_89 = arith.constant 9984 : i32
        %dma_wait3A_90 = arith.constant 0 : i32
        %dma_wait3A_91 = tpu.memref_slice %arg12[%dma_wait3A_89, %dma_wait3A_90] : memref<10000x128xi32, #tpu.memory_space<vmem_shared>> -> memref<16x128xi32, #tpu.memory_space<vmem_shared>>
        %dma_wait3A_92 = arith.constant 9984 : i32
        %dma_wait3A_93 = arith.constant 0 : i32
        %dma_wait3A_94 = tpu.memref_slice %arg2[%dma_wait3A_92, %dma_wait3A_93] : memref<10000x128xi32, #tpu.memory_space<hbm>> -> memref<16x128xi32, #tpu.memory_space<hbm>>
        tpu.wait_dma2 semaphore(%run_scoped3A : memref<!tpu.dma_semaphore, #tpu.memory_space<semaphore_mem>>) src(%dma_wait3A_94 : memref<16x128xi32, #tpu.memory_space<hbm>>) dst(%dma_wait3A_91 : memref<16x128xi32, #tpu.memory_space<vmem_shared>>)
        tpu.yield
      }) : () -> ()
    } else {
    }
    %barrier3A = arith.constant 0 : index
    tpu.barrier barrier_id(%barrier3A)
    %add3A_30 = arith.constant 0 : i32
    %add3A_31 = arith.addi %add3A, %add3A_30 : i32
    "tpu.region"() ({
      %run_scoped3A = tpu.sem_alloc : memref<!tpu.dma_semaphore, #tpu.memory_space<semaphore_mem>>
      %dma_start3A_83 = arith.constant 0 : i32
      %dma_start3A_84 = tpu.memref_slice %arg3[%add3A_31, %dma_start3A_83] : memref<5000x128xi32, #tpu.memory_space<hbm>> -> memref<1x128xi32, #tpu.memory_space<hbm>>
      %dma_start3A_85 = arith.constant 0 : i32
      %dma_start3A_86 = tpu.memref_slice %arg3[%add3A_31, %dma_start3A_85] : memref<5000x128xi32, #tpu.memory_space<hbm>> -> memref<1x128xi32, #tpu.memory_space<hbm>>
      tpu.enqueue_dma source(%dma_start3A_86 : memref<1x128xi32, #tpu.memory_space<hbm>>) target(%arg5 : memref<1x128xi32, #tpu.memory_space<vmem>>) target_semaphore(%run_scoped3A : memref<!tpu.dma_semaphore, #tpu.memory_space<semaphore_mem>>)
      %dma_wait3A_87 = arith.constant 0 : i32
      %dma_wait3A_88 = tpu.memref_slice %arg3[%add3A_31, %dma_wait3A_87] : memref<5000x128xi32, #tpu.memory_space<hbm>> -> memref<1x128xi32, #tpu.memory_space<hbm>>
      %dma_wait3A_89 = arith.constant 0 : i32
      %dma_wait3A_90 = tpu.memref_slice %arg3[%add3A_31, %dma_wait3A_89] : memref<5000x128xi32, #tpu.memory_space<hbm>> -> memref<1x128xi32, #tpu.memory_space<hbm>>
      tpu.wait_dma2 semaphore(%run_scoped3A : memref<!tpu.dma_semaphore, #tpu.memory_space<semaphore_mem>>) src(%dma_wait3A_90 : memref<1x128xi32, #tpu.memory_space<hbm>>) dst(%arg5 : memref<1x128xi32, #tpu.memory_space<vmem>>)
      tpu.yield
    }) : () -> ()
    %dma_start3A = arith.constant 0 : i32
    %dma_start3A_32 = arith.constant 0 : i32
    %dma_start3A_33 = tpu.memref_slice %arg5[%dma_start3A, %dma_start3A_32] : memref<1x128xi32, #tpu.memory_space<vmem>> -> memref<1x128xi32, #tpu.memory_space<vmem>>
    %dma_start3A_34 = tpu.memref_squeeze %dma_start3A_33 : memref<1x128xi32, #tpu.memory_space<vmem>> -> memref<128xi32, #tpu.memory_space<vmem>>
    %dma_start3A_35 = arith.constant 0 : i32
    %dma_start3A_36 = arith.constant 0 : i32
    %dma_start3A_37 = tpu.memref_slice %arg12[%dma_start3A_35, %dma_start3A_36] : memref<10000x128xi32, #tpu.memory_space<vmem_shared>> -> memref<10000x128xi32, #tpu.memory_space<vmem_shared>>
    tpu.enqueue_indirect_dma source(%dma_start3A_37 : memref<10000x128xi32, #tpu.memory_space<vmem_shared>>) target(%arg7 : memref<128x128xi32, #tpu.memory_space<vmem>>) offsets(%dma_start3A_34 : memref<128xi32, #tpu.memory_space<vmem>>) semaphore(%arg15 : memref<!tpu.dma_semaphore, #tpu.memory_space<semaphore_mem>>)
    %gt3A = arith.constant 1 : i32
    %gt3A_38 = arith.cmpi sgt, %select_n3A, %gt3A : i32
    %convert_element_type3A_39 = arith.extui %gt3A_38 : i1 to i32
    %cond3A_40 = arith.constant 0 : i32
    %cond3A_41 = arith.cmpi ne, %convert_element_type3A_39, %cond3A_40 : i32
    scf.if %cond3A_41 {
      %add3A_83 = arith.constant 32 : i32
      %add3A_84 = arith.addi %add3A, %add3A_83 : i32
      %dma_start3A_85 = arith.constant 0 : i32
      %dma_start3A_86 = tpu.memref_slice %arg3[%add3A_84, %dma_start3A_85] : memref<5000x128xi32, #tpu.memory_space<hbm>> -> memref<1x128xi32, #tpu.memory_space<hbm>>
      %dma_start3A_87 = arith.constant 0 : i32
      %dma_start3A_88 = tpu.memref_slice %arg3[%add3A_84, %dma_start3A_87] : memref<5000x128xi32, #tpu.memory_space<hbm>> -> memref<1x128xi32, #tpu.memory_space<hbm>>
      tpu.enqueue_dma source(%dma_start3A_88 : memref<1x128xi32, #tpu.memory_space<hbm>>) target(%arg6 : memref<1x128xi32, #tpu.memory_space<vmem>>) target_semaphore(%arg14 : memref<!tpu.dma_semaphore, #tpu.memory_space<semaphore_mem>>)
    } else {
    }
    %add3A_42 = arith.constant 1 : i32
    %add3A_43 = arith.addi %select_n3A, %add3A_42 : i32
    %jit3A_44 = arith.constant 2 : i32
    %div3A_45 = arith.divsi %add3A_43, %jit3A_44 : i32
    %sign3A_46 = arith.constant 0 : i32
    %sign3A_47 = arith.cmpi sgt, %add3A_43, %sign3A_46 : i32
    %sign3A_48 = arith.extui %sign3A_47 : i1 to i32
    %sign3A_49 = arith.constant 0 : i32
    %sign3A_50 = arith.cmpi slt, %add3A_43, %sign3A_49 : i32
    %sign3A_51 = arith.extui %sign3A_50 : i1 to i32
    %sign3A_52 = arith.subi %sign3A_48, %sign3A_51 : i32
    %sign3A_53 = arith.constant 0 : i32
    %sign3A_54 = arith.cmpi sgt, %jit3A_44, %sign3A_53 : i32
    %sign3A_55 = arith.extui %sign3A_54 : i1 to i32
    %sign3A_56 = arith.constant 0 : i32
    %sign3A_57 = arith.cmpi slt, %jit3A_44, %sign3A_56 : i32
    %sign3A_58 = arith.extui %sign3A_57 : i1 to i32
    %sign3A_59 = arith.subi %sign3A_55, %sign3A_58 : i32
    %ne3A_60 = arith.cmpi ne, %sign3A_52, %sign3A_59 : i32
    %rem3A_61 = arith.remsi %add3A_43, %jit3A_44 : i32
    %ne3A_62 = arith.constant 0 : i32
    %ne3A_63 = arith.cmpi ne, %rem3A_61, %ne3A_62 : i32
    %and3A_64 = arith.andi %ne3A_60, %ne3A_63 : i1
    %sub3A_65 = arith.constant 1 : i32
    %sub3A_66 = arith.subi %div3A_45, %sub3A_65 : i32
    %select_n3A_67 = arith.select %and3A_64, %sub3A_66, %div3A_45 : i32
    %while3A = arith.constant 0 : i32
    %while3A_68 = arith.subi %select_n3A_67, %while3A : i32
    %while3A_69 = arith.addi %while3A, %while3A_68 : i32
    %while3A_70 = arith.constant 1 : i32
    %while3A_71 = arith.divsi %while3A_68, %while3A_70 : i32
    %while3A_72 = arith.muli %while3A_71, %while3A_70 : i32
    %while3A_73 = arith.addi %while3A, %while3A_72 : i32
    %while3A_74 = arith.constant 1 : i32
    scf.for %while3A_83 = %while3A to %while3A_73 step %while3A_74  : i32 {
      %mul3A_84 = arith.constant 2 : i32
      %mul3A_85 = arith.muli %mul3A_84, %while3A_83 : i32
      %add3A_86 = arith.constant 0 : i32
      %add3A_87 = arith.addi %mul3A_85, %add3A_86 : i32
      %lt3A = arith.cmpi slt, %add3A_87, %select_n3A : i32
      %convert_element_type3A_88 = arith.extui %lt3A : i1 to i32
      %cond3A_89 = arith.constant 0 : i32
      %cond3A_90 = arith.cmpi ne, %convert_element_type3A_88, %cond3A_89 : i32
      scf.if %cond3A_90 {
        %add3A_99 = arith.constant 1 : i32
        %add3A_100 = arith.addi %add3A_87, %add3A_99 : i32
        %lt3A_101 = arith.cmpi slt, %add3A_100, %select_n3A : i32
        %convert_element_type3A_102 = arith.extui %lt3A_101 : i1 to i32
        %cond3A_103 = arith.constant 0 : i32
        %cond3A_104 = arith.cmpi ne, %convert_element_type3A_102, %cond3A_103 : i32
        scf.if %cond3A_104 {
          %dma_wait3A_133 = arith.constant 0 : i32
          %dma_wait3A_134 = arith.constant 0 : i32
          %dma_wait3A_135 = tpu.memref_slice %arg3[%dma_wait3A_133, %dma_wait3A_134] : memref<5000x128xi32, #tpu.memory_space<hbm>> -> memref<1x128xi32, #tpu.memory_space<hbm>>
          %dma_wait3A_136 = arith.constant 0 : i32
          %dma_wait3A_137 = arith.constant 0 : i32
          %dma_wait3A_138 = tpu.memref_slice %arg3[%dma_wait3A_136, %dma_wait3A_137] : memref<5000x128xi32, #tpu.memory_space<hbm>> -> memref<1x128xi32, #tpu.memory_space<hbm>>
          tpu.wait_dma2 semaphore(%arg14 : memref<!tpu.dma_semaphore, #tpu.memory_space<semaphore_mem>>) src(%dma_wait3A_138 : memref<1x128xi32, #tpu.memory_space<hbm>>) dst(%arg6 : memref<1x128xi32, #tpu.memory_space<vmem>>)
          %dma_start3A_139 = arith.constant 0 : i32
          %dma_start3A_140 = arith.constant 0 : i32
          %dma_start3A_141 = tpu.memref_slice %arg6[%dma_start3A_139, %dma_start3A_140] : memref<1x128xi32, #tpu.memory_space<vmem>> -> memref<1x128xi32, #tpu.memory_space<vmem>>
          %dma_start3A_142 = tpu.memref_squeeze %dma_start3A_141 : memref<1x128xi32, #tpu.memory_space<vmem>> -> memref<128xi32, #tpu.memory_space<vmem>>
          %dma_start3A_143 = arith.constant 0 : i32
          %dma_start3A_144 = arith.constant 0 : i32
          %dma_start3A_145 = tpu.memref_slice %arg2[%dma_start3A_143, %dma_start3A_144] : memref<10000x128xi32, #tpu.memory_space<hbm>> -> memref<10000x128xi32, #tpu.memory_space<hbm>>
          tpu.enqueue_indirect_dma source(%dma_start3A_145 : memref<10000x128xi32, #tpu.memory_space<hbm>>) target(%arg8 : memref<128x128xi32, #tpu.memory_space<vmem>>) offsets(%dma_start3A_142 : memref<128xi32, #tpu.memory_space<vmem>>) semaphore(%arg16 : memref<!tpu.dma_semaphore, #tpu.memory_space<semaphore_mem>>)
        } else {
        }
        %dma_wait3A_105 = arith.constant 0 : i32
        %dma_wait3A_106 = arith.constant 0 : i32
        %dma_wait3A_107 = tpu.memref_slice %arg5[%dma_wait3A_105, %dma_wait3A_106] : memref<1x128xi32, #tpu.memory_space<vmem>> -> memref<1x128xi32, #tpu.memory_space<vmem>>
        %dma_wait3A_108 = tpu.memref_squeeze %dma_wait3A_107 : memref<1x128xi32, #tpu.memory_space<vmem>> -> memref<128xi32, #tpu.memory_space<vmem>>
        %dma_wait3A_109 = arith.constant 0 : i32
        %dma_wait3A_110 = arith.constant 0 : i32
        %dma_wait3A_111 = tpu.memref_slice %arg12[%dma_wait3A_109, %dma_wait3A_110] : memref<10000x128xi32, #tpu.memory_space<vmem_shared>> -> memref<10000x128xi32, #tpu.memory_space<vmem_shared>>
        tpu.wait_indirect_dma semaphore(%arg15 : memref<!tpu.dma_semaphore, #tpu.memory_space<semaphore_mem>>) src(%dma_wait3A_111 : memref<10000x128xi32, #tpu.memory_space<vmem_shared>>) dst(%arg7 : memref<128x128xi32, #tpu.memory_space<vmem>>)
        %add3A_112 = arith.constant 2 : i32
        %add3A_113 = arith.addi %add3A_87, %add3A_112 : i32
        %lt3A_114 = arith.cmpi slt, %add3A_113, %select_n3A : i32
        %convert_element_type3A_115 = arith.extui %lt3A_114 : i1 to i32
        %cond3A_116 = arith.constant 0 : i32
        %cond3A_117 = arith.cmpi ne, %convert_element_type3A_115, %cond3A_116 : i32
        scf.if %cond3A_117 {
          %add3A_133 = arith.constant 2 : i32
          %add3A_134 = arith.addi %add3A_87, %add3A_133 : i32
          %mul3A_135 = arith.constant 32 : i32
          %mul3A_136 = arith.muli %add3A_134, %mul3A_135 : i32
          %add3A_137 = arith.addi %add3A, %mul3A_136 : i32
          %dma_start3A_138 = arith.constant 0 : i32
          %dma_start3A_139 = tpu.memref_slice %arg3[%add3A_137, %dma_start3A_138] : memref<5000x128xi32, #tpu.memory_space<hbm>> -> memref<1x128xi32, #tpu.memory_space<hbm>>
          %dma_start3A_140 = arith.constant 0 : i32
          %dma_start3A_141 = tpu.memref_slice %arg3[%add3A_137, %dma_start3A_140] : memref<5000x128xi32, #tpu.memory_space<hbm>> -> memref<1x128xi32, #tpu.memory_space<hbm>>
          tpu.enqueue_dma source(%dma_start3A_141 : memref<1x128xi32, #tpu.memory_space<hbm>>) target(%arg5 : memref<1x128xi32, #tpu.memory_space<vmem>>) target_semaphore(%arg13 : memref<!tpu.dma_semaphore, #tpu.memory_space<semaphore_mem>>)
        } else {
        }
        %ge3A = arith.constant 2 : i32
        %ge3A_118 = arith.cmpi sge, %add3A_87, %ge3A : i32
        %convert_element_type3A_119 = arith.extui %ge3A_118 : i1 to i32
        %cond3A_120 = arith.constant 0 : i32
        %cond3A_121 = arith.cmpi ne, %convert_element_type3A_119, %cond3A_120 : i32
        scf.if %cond3A_121 {
          %dma_wait3A_133 = arith.constant 0 : i32
          %dma_wait3A_134 = tpu.memref_slice %arg4[%dma_wait3A_133] : memref<320000xf32, #tpu.memory_space<hbm>> -> memref<64xf32, #tpu.memory_space<hbm>>
          %dma_wait3A_135 = arith.constant 0 : i32
          %dma_wait3A_136 = tpu.memref_slice %arg4[%dma_wait3A_135] : memref<320000xf32, #tpu.memory_space<hbm>> -> memref<64xf32, #tpu.memory_space<hbm>>
          tpu.wait_dma2 semaphore(%arg17 : memref<!tpu.dma_semaphore, #tpu.memory_space<semaphore_mem>>) src(%arg9 : memref<64xf32, #tpu.memory_space<vmem>>) dst(%dma_wait3A_136 : memref<64xf32, #tpu.memory_space<hbm>>)
        } else {
        }
        %scan3A = arith.constant 0 : i32
        %scan3A_122 = arith.constant 4 : i32
        %scan3A_123 = arith.addi %scan3A, %scan3A_122 : i32
        %scan3A_124 = arith.constant 1 : i32
        scf.for %scan3A_133 = %scan3A to %scan3A_123 step %scan3A_124  : i32 {
          %mul3A_134 = arith.constant 16 : i32
          %mul3A_135 = arith.muli %scan3A_133, %mul3A_134 : i32
          %add3A_136 = arith.constant 0 : i32
          %add3A_137 = arith.addi %mul3A_135, %add3A_136 : i32
          %broadcast_in_dim3A_138 = arith.constant 0.000000e+00 : f32
          %broadcast_in_dim3A_139 = vector.broadcast %broadcast_in_dim3A_138 : f32 to vector<16xf32>
          %broadcast_in_dim3A_140 = arith.constant 0.000000e+00 : f32
          %broadcast_in_dim3A_141 = vector.broadcast %broadcast_in_dim3A_140 : f32 to vector<16xf32>
          %get3A = arith.index_cast %add3A_137 : i32 to index
          %get3A_142 = arith.constant 0 : index
          %get3A_143 = tpu.vector_load %arg7[%get3A, %get3A_142] {strides = array<i32>} : memref<128x128xi32, #tpu.memory_space<vmem>>, vector<16xi32>,
          %bitcast3A = vector.bitcast %get3A_143 : vector<16xi32> to vector<32xbf16>
          %add3A_144 = arith.constant 64 : i32
          %add3A_145 = arith.addi %add3A_144, %add3A_137 : i32
          %get3A_146 = arith.index_cast %add3A_145 : i32 to index
          %get3A_147 = arith.constant 0 : index
          %get3A_148 = tpu.vector_load %arg7[%get3A_146, %get3A_147] {strides = array<i32>} : memref<128x128xi32, #tpu.memory_space<vmem>>, vector<16xi32>,
          %bitcast3A_149 = vector.bitcast %get3A_148 : vector<16xi32> to vector<32xbf16>
          %mul3A_150 = arith.mulf %bitcast3A, %bitcast3A_149 : vector<32xbf16>
          %unpack3A = tpu.unpack_subelements %mul3A_150, 0 {pack_format = #tpu.pack_format<interleaved>} : vector<32xbf16> -> vector<16xf32>
          %unpack3A_151 = tpu.unpack_subelements %mul3A_150, 1 {pack_format = #tpu.pack_format<interleaved>} : vector<32xbf16> -> vector<16xf32>
          %add3A_152 = arith.addf %broadcast_in_dim3A_139, %unpack3A : vector<16xf32>
          %add3A_153 = arith.addf %broadcast_in_dim3A_141, %unpack3A_151 : vector<16xf32>
          %get3A_154 = arith.index_cast %add3A_137 : i32 to index
          %get3A_155 = arith.constant 16 : index
          %get3A_156 = tpu.vector_load %arg7[%get3A_154, %get3A_155] {strides = array<i32>} : memref<128x128xi32, #tpu.memory_space<vmem>>, vector<16xi32>,
          %bitcast3A_157 = vector.bitcast %get3A_156 : vector<16xi32> to vector<32xbf16>
          %add3A_158 = arith.constant 64 : i32
          %add3A_159 = arith.addi %add3A_158, %add3A_137 : i32
          %get3A_160 = arith.index_cast %add3A_159 : i32 to index
          %get3A_161 = arith.constant 16 : index
          %get3A_162 = tpu.vector_load %arg7[%get3A_160, %get3A_161] {strides = array<i32>} : memref<128x128xi32, #tpu.memory_space<vmem>>, vector<16xi32>,
          %bitcast3A_163 = vector.bitcast %get3A_162 : vector<16xi32> to vector<32xbf16>
          %mul3A_164 = arith.mulf %bitcast3A_157, %bitcast3A_163 : vector<32xbf16>
          %unpack3A_165 = tpu.unpack_subelements %mul3A_164, 0 {pack_format = #tpu.pack_format<interleaved>} : vector<32xbf16> -> vector<16xf32>
          %unpack3A_166 = tpu.unpack_subelements %mul3A_164, 1 {pack_format = #tpu.pack_format<interleaved>} : vector<32xbf16> -> vector<16xf32>
          %add3A_167 = arith.addf %add3A_152, %unpack3A_165 : vector<16xf32>
          %add3A_168 = arith.addf %add3A_153, %unpack3A_166 : vector<16xf32>
          %get3A_169 = arith.index_cast %add3A_137 : i32 to index
          %get3A_170 = arith.constant 32 : index
          %get3A_171 = tpu.vector_load %arg7[%get3A_169, %get3A_170] {strides = array<i32>} : memref<128x128xi32, #tpu.memory_space<vmem>>, vector<16xi32>,
          %bitcast3A_172 = vector.bitcast %get3A_171 : vector<16xi32> to vector<32xbf16>
          %add3A_173 = arith.constant 64 : i32
          %add3A_174 = arith.addi %add3A_173, %add3A_137 : i32
          %get3A_175 = arith.index_cast %add3A_174 : i32 to index
          %get3A_176 = arith.constant 32 : index
          %get3A_177 = tpu.vector_load %arg7[%get3A_175, %get3A_176] {strides = array<i32>} : memref<128x128xi32, #tpu.memory_space<vmem>>, vector<16xi32>,
          %bitcast3A_178 = vector.bitcast %get3A_177 : vector<16xi32> to vector<32xbf16>
          %mul3A_179 = arith.mulf %bitcast3A_172, %bitcast3A_178 : vector<32xbf16>
          %unpack3A_180 = tpu.unpack_subelements %mul3A_179, 0 {pack_format = #tpu.pack_format<interleaved>} : vector<32xbf16> -> vector<16xf32>
          %unpack3A_181 = tpu.unpack_subelements %mul3A_179, 1 {pack_format = #tpu.pack_format<interleaved>} : vector<32xbf16> -> vector<16xf32>
          %add3A_182 = arith.addf %add3A_167, %unpack3A_180 : vector<16xf32>
          %add3A_183 = arith.addf %add3A_168, %unpack3A_181 : vector<16xf32>
          %get3A_184 = arith.index_cast %add3A_137 : i32 to index
          %get3A_185 = arith.constant 48 : index
          %get3A_186 = tpu.vector_load %arg7[%get3A_184, %get3A_185] {strides = array<i32>} : memref<128x128xi32, #tpu.memory_space<vmem>>, vector<16xi32>,
          %bitcast3A_187 = vector.bitcast %get3A_186 : vector<16xi32> to vector<32xbf16>
          %add3A_188 = arith.constant 64 : i32
          %add3A_189 = arith.addi %add3A_188, %add3A_137 : i32
          %get3A_190 = arith.index_cast %add3A_189 : i32 to index
          %get3A_191 = arith.constant 48 : index
          %get3A_192 = tpu.vector_load %arg7[%get3A_190, %get3A_191] {strides = array<i32>} : memref<128x128xi32, #tpu.memory_space<vmem>>, vector<16xi32>,
          %bitcast3A_193 = vector.bitcast %get3A_192 : vector<16xi32> to vector<32xbf16>
          %mul3A_194 = arith.mulf %bitcast3A_187, %bitcast3A_193 : vector<32xbf16>
          %unpack3A_195 = tpu.unpack_subelements %mul3A_194, 0 {pack_format = #tpu.pack_format<interleaved>} : vector<32xbf16> -> vector<16xf32>
          %unpack3A_196 = tpu.unpack_subelements %mul3A_194, 1 {pack_format = #tpu.pack_format<interleaved>} : vector<32xbf16> -> vector<16xf32>
          %add3A_197 = arith.addf %add3A_182, %unpack3A_195 : vector<16xf32>
          %add3A_198 = arith.addf %add3A_183, %unpack3A_196 : vector<16xf32>
          %add3A_199 = arith.addf %add3A_197, %add3A_198 : vector<16xf32>
          %swap3A = arith.constant 0 : i32
          %swap3A_200 = arith.index_cast %swap3A : i32 to index
          %swap3A_201 = arith.constant 0 : index
          %swap3A_202 = tpu.vector_load %arg11[%swap3A_200, %swap3A_201] {strides = array<i32>} : memref<16x24xf32, #tpu.memory_space<vmem>>, vector<16xf32>,
          tpu.vector_store %arg11[%swap3A_200, %swap3A_201], %add3A_199 {strides = array<i32>} : memref<16x24xf32, #tpu.memory_space<vmem>>, vector<16xf32>,
          %mul3A_203 = arith.constant 16 : i32
          %mul3A_204 = arith.muli %scan3A_133, %mul3A_203 : i32
          %add3A_205 = arith.constant 1 : i32
          %add3A_206 = arith.addi %mul3A_204, %add3A_205 : i32
          %broadcast_in_dim3A_207 = arith.constant 0.000000e+00 : f32
          %broadcast_in_dim3A_208 = vector.broadcast %broadcast_in_dim3A_207 : f32 to vector<16xf32>
          %broadcast_in_dim3A_209 = arith.constant 0.000000e+00 : f32
          %broadcast_in_dim3A_210 = vector.broadcast %broadcast_in_dim3A_209 : f32 to vector<16xf32>
          %get3A_211 = arith.index_cast %add3A_206 : i32 to index
          %get3A_212 = arith.constant 0 : index
          %get3A_213 = tpu.vector_load %arg7[%get3A_211, %get3A_212] {strides = array<i32>} : memref<128x128xi32, #tpu.memory_space<vmem>>, vector<16xi32>,
          %bitcast3A_214 = vector.bitcast %get3A_213 : vector<16xi32> to vector<32xbf16>
          %add3A_215 = arith.constant 64 : i32
          %add3A_216 = arith.addi %add3A_215, %add3A_206 : i32
          %get3A_217 = arith.index_cast %add3A_216 : i32 to index
          %get3A_218 = arith.constant 0 : index
          %get3A_219 = tpu.vector_load %arg7[%get3A_217, %get3A_218] {strides = array<i32>} : memref<128x128xi32, #tpu.memory_space<vmem>>, vector<16xi32>,
          %bitcast3A_220 = vector.bitcast %get3A_219 : vector<16xi32> to vector<32xbf16>
          %mul3A_221 = arith.mulf %bitcast3A_214, %bitcast3A_220 : vector<32xbf16>
          %unpack3A_222 = tpu.unpack_subelements %mul3A_221, 0 {pack_format = #tpu.pack_format<interleaved>} : vector<32xbf16> -> vector<16xf32>
          %unpack3A_223 = tpu.unpack_subelements %mul3A_221, 1 {pack_format = #tpu.pack_format<interleaved>} : vector<32xbf16> -> vector<16xf32>
          %add3A_224 = arith.addf %broadcast_in_dim3A_208, %unpack3A_222 : vector<16xf32>
          %add3A_225 = arith.addf %broadcast_in_dim3A_210, %unpack3A_223 : vector<16xf32>
          %get3A_226 = arith.index_cast %add3A_206 : i32 to index
          %get3A_227 = arith.constant 16 : index
          %get3A_228 = tpu.vector_load %arg7[%get3A_226, %get3A_227] {strides = array<i32>} : memref<128x128xi32, #tpu.memory_space<vmem>>, vector<16xi32>,
          %bitcast3A_229 = vector.bitcast %get3A_228 : vector<16xi32> to vector<32xbf16>
          %add3A_230 = arith.constant 64 : i32
          %add3A_231 = arith.addi %add3A_230, %add3A_206 : i32
          %get3A_232 = arith.index_cast %add3A_231 : i32 to index
          %get3A_233 = arith.constant 16 : index
          %get3A_234 = tpu.vector_load %arg7[%get3A_232, %get3A_233] {strides = array<i32>} : memref<128x128xi32, #tpu.memory_space<vmem>>, vector<16xi32>,
          %bitcast3A_235 = vector.bitcast %get3A_234 : vector<16xi32> to vector<32xbf16>
          %mul3A_236 = arith.mulf %bitcast3A_229, %bitcast3A_235 : vector<32xbf16>
          %unpack3A_237 = tpu.unpack_subelements %mul3A_236, 0 {pack_format = #tpu.pack_format<interleaved>} : vector<32xbf16> -> vector<16xf32>
          %unpack3A_238 = tpu.unpack_subelements %mul3A_236, 1 {pack_format = #tpu.pack_format<interleaved>} : vector<32xbf16> -> vector<16xf32>
          %add3A_239 = arith.addf %add3A_224, %unpack3A_237 : vector<16xf32>
          %add3A_240 = arith.addf %add3A_225, %unpack3A_238 : vector<16xf32>
          %get3A_241 = arith.index_cast %add3A_206 : i32 to index
          %get3A_242 = arith.constant 32 : index
          %get3A_243 = tpu.vector_load %arg7[%get3A_241, %get3A_242] {strides = array<i32>} : memref<128x128xi32, #tpu.memory_space<vmem>>, vector<16xi32>,
          %bitcast3A_244 = vector.bitcast %get3A_243 : vector<16xi32> to vector<32xbf16>
          %add3A_245 = arith.constant 64 : i32
          %add3A_246 = arith.addi %add3A_245, %add3A_206 : i32
          %get3A_247 = arith.index_cast %add3A_246 : i32 to index
          %get3A_248 = arith.constant 32 : index
          %get3A_249 = tpu.vector_load %arg7[%get3A_247, %get3A_248] {strides = array<i32>} : memref<128x128xi32, #tpu.memory_space<vmem>>, vector<16xi32>,
          %bitcast3A_250 = vector.bitcast %get3A_249 : vector<16xi32> to vector<32xbf16>
          %mul3A_251 = arith.mulf %bitcast3A_244, %bitcast3A_250 : vector<32xbf16>
          %unpack3A_252 = tpu.unpack_subelements %mul3A_251, 0 {pack_format = #tpu.pack_format<interleaved>} : vector<32xbf16> -> vector<16xf32>
          %unpack3A_253 = tpu.unpack_subelements %mul3A_251, 1 {pack_format = #tpu.pack_format<interleaved>} : vector<32xbf16> -> vector<16xf32>
          %add3A_254 = arith.addf %add3A_239, %unpack3A_252 : vector<16xf32>
          %add3A_255 = arith.addf %add3A_240, %unpack3A_253 : vector<16xf32>
          %get3A_256 = arith.index_cast %add3A_206 : i32 to index
          %get3A_257 = arith.constant 48 : index
          %get3A_258 = tpu.vector_load %arg7[%get3A_256, %get3A_257] {strides = array<i32>} : memref<128x128xi32, #tpu.memory_space<vmem>>, vector<16xi32>,
          %bitcast3A_259 = vector.bitcast %get3A_258 : vector<16xi32> to vector<32xbf16>
          %add3A_260 = arith.constant 64 : i32
          %add3A_261 = arith.addi %add3A_260, %add3A_206 : i32
          %get3A_262 = arith.index_cast %add3A_261 : i32 to index
          %get3A_263 = arith.constant 48 : index
          %get3A_264 = tpu.vector_load %arg7[%get3A_262, %get3A_263] {strides = array<i32>} : memref<128x128xi32, #tpu.memory_space<vmem>>, vector<16xi32>,
          %bitcast3A_265 = vector.bitcast %get3A_264 : vector<16xi32> to vector<32xbf16>
          %mul3A_266 = arith.mulf %bitcast3A_259, %bitcast3A_265 : vector<32xbf16>
          %unpack3A_267 = tpu.unpack_subelements %mul3A_266, 0 {pack_format = #tpu.pack_format<interleaved>} : vector<32xbf16> -> vector<16xf32>
          %unpack3A_268 = tpu.unpack_subelements %mul3A_266, 1 {pack_format = #tpu.pack_format<interleaved>} : vector<32xbf16> -> vector<16xf32>
          %add3A_269 = arith.addf %add3A_254, %unpack3A_267 : vector<16xf32>
          %add3A_270 = arith.addf %add3A_255, %unpack3A_268 : vector<16xf32>
          %add3A_271 = arith.addf %add3A_269, %add3A_270 : vector<16xf32>
          %swap3A_272 = arith.constant 1 : i32
          %swap3A_273 = arith.index_cast %swap3A_272 : i32 to index
          %swap3A_274 = arith.constant 0 : index
          %swap3A_275 = tpu.vector_load %arg11[%swap3A_273, %swap3A_274] {strides = array<i32>} : memref<16x24xf32, #tpu.memory_space<vmem>>, vector<16xf32>,
          tpu.vector_store %arg11[%swap3A_273, %swap3A_274], %add3A_271 {strides = array<i32>} : memref<16x24xf32, #tpu.memory_space<vmem>>, vector<16xf32>,
          %mul3A_276 = arith.constant 16 : i32
          %mul3A_277 = arith.muli %scan3A_133, %mul3A_276 : i32
          %add3A_278 = arith.constant 2 : i32
          %add3A_279 = arith.addi %mul3A_277, %add3A_278 : i32
          %broadcast_in_dim3A_280 = arith.constant 0.000000e+00 : f32
          %broadcast_in_dim3A_281 = vector.broadcast %broadcast_in_dim3A_280 : f32 to vector<16xf32>
          %broadcast_in_dim3A_282 = arith.constant 0.000000e+00 : f32
          %broadcast_in_dim3A_283 = vector.broadcast %broadcast_in_dim3A_282 : f32 to vector<16xf32>
          %get3A_284 = arith.index_cast %add3A_279 : i32 to index
          %get3A_285 = arith.constant 0 : index
          %get3A_286 = tpu.vector_load %arg7[%get3A_284, %get3A_285] {strides = array<i32>} : memref<128x128xi32, #tpu.memory_space<vmem>>, vector<16xi32>,
          %bitcast3A_287 = vector.bitcast %get3A_286 : vector<16xi32> to vector<32xbf16>
          %add3A_288 = arith.constant 64 : i32
          %add3A_289 = arith.addi %add3A_288, %add3A_279 : i32
          %get3A_290 = arith.index_cast %add3A_289 : i32 to index
          %get3A_291 = arith.constant 0 : index
          %get3A_292 = tpu.vector_load %arg7[%get3A_290, %get3A_291] {strides = array<i32>} : memref<128x128xi32, #tpu.memory_space<vmem>>, vector<16xi32>,
          %bitcast3A_293 = vector.bitcast %get3A_292 : vector<16xi32> to vector<32xbf16>
          %mul3A_294 = arith.mulf %bitcast3A_287, %bitcast3A_293 : vector<32xbf16>
          %unpack3A_295 = tpu.unpack_subelements %mul3A_294, 0 {pack_format = #tpu.pack_format<interleaved>} : vector<32xbf16> -> vector<16xf32>
          %unpack3A_296 = tpu.unpack_subelements %mul3A_294, 1 {pack_format = #tpu.pack_format<interleaved>} : vector<32xbf16> -> vector<16xf32>
          %add3A_297 = arith.addf %broadcast_in_dim3A_281, %unpack3A_295 : vector<16xf32>
          %add3A_298 = arith.addf %broadcast_in_dim3A_283, %unpack3A_296 : vector<16xf32>
          %get3A_299 = arith.index_cast %add3A_279 : i32 to index
          %get3A_300 = arith.constant 16 : index
          %get3A_301 = tpu.vector_load %arg7[%get3A_299, %get3A_300] {strides = array<i32>} : memref<128x128xi32, #tpu.memory_space<vmem>>, vector<16xi32>,
          %bitcast3A_302 = vector.bitcast %get3A_301 : vector<16xi32> to vector<32xbf16>
          %add3A_303 = arith.constant 64 : i32
          %add3A_304 = arith.addi %add3A_303, %add3A_279 : i32
          %get3A_305 = arith.index_cast %add3A_304 : i32 to index
          %get3A_306 = arith.constant 16 : index
          %get3A_307 = tpu.vector_load %arg7[%get3A_305, %get3A_306] {strides = array<i32>} : memref<128x128xi32, #tpu.memory_space<vmem>>, vector<16xi32>,
          %bitcast3A_308 = vector.bitcast %get3A_307 : vector<16xi32> to vector<32xbf16>
          %mul3A_309 = arith.mulf %bitcast3A_302, %bitcast3A_308 : vector<32xbf16>
          %unpack3A_310 = tpu.unpack_subelements %mul3A_309, 0 {pack_format = #tpu.pack_format<interleaved>} : vector<32xbf16> -> vector<16xf32>
          %unpack3A_311 = tpu.unpack_subelements %mul3A_309, 1 {pack_format = #tpu.pack_format<interleaved>} : vector<32xbf16> -> vector<16xf32>
          %add3A_312 = arith.addf %add3A_297, %unpack3A_310 : vector<16xf32>
          %add3A_313 = arith.addf %add3A_298, %unpack3A_311 : vector<16xf32>
          %get3A_314 = arith.index_cast %add3A_279 : i32 to index
          %get3A_315 = arith.constant 32 : index
          %get3A_316 = tpu.vector_load %arg7[%get3A_314, %get3A_315] {strides = array<i32>} : memref<128x128xi32, #tpu.memory_space<vmem>>, vector<16xi32>,
          %bitcast3A_317 = vector.bitcast %get3A_316 : vector<16xi32> to vector<32xbf16>
          %add3A_318 = arith.constant 64 : i32
          %add3A_319 = arith.addi %add3A_318, %add3A_279 : i32
          %get3A_320 = arith.index_cast %add3A_319 : i32 to index
          %get3A_321 = arith.constant 32 : index
          %get3A_322 = tpu.vector_load %arg7[%get3A_320, %get3A_321] {strides = array<i32>} : memref<128x128xi32, #tpu.memory_space<vmem>>, vector<16xi32>,
          %bitcast3A_323 = vector.bitcast %get3A_322 : vector<16xi32> to vector<32xbf16>
          %mul3A_324 = arith.mulf %bitcast3A_317, %bitcast3A_323 : vector<32xbf16>
          %unpack3A_325 = tpu.unpack_subelements %mul3A_324, 0 {pack_format = #tpu.pack_format<interleaved>} : vector<32xbf16> -> vector<16xf32>
          %unpack3A_326 = tpu.unpack_subelements %mul3A_324, 1 {pack_format = #tpu.pack_format<interleaved>} : vector<32xbf16> -> vector<16xf32>
          %add3A_327 = arith.addf %add3A_312, %unpack3A_325 : vector<16xf32>
          %add3A_328 = arith.addf %add3A_313, %unpack3A_326 : vector<16xf32>
          %get3A_329 = arith.index_cast %add3A_279 : i32 to index
          %get3A_330 = arith.constant 48 : index
          %get3A_331 = tpu.vector_load %arg7[%get3A_329, %get3A_330] {strides = array<i32>} : memref<128x128xi32, #tpu.memory_space<vmem>>, vector<16xi32>,
          %bitcast3A_332 = vector.bitcast %get3A_331 : vector<16xi32> to vector<32xbf16>
          %add3A_333 = arith.constant 64 : i32
          %add3A_334 = arith.addi %add3A_333, %add3A_279 : i32
          %get3A_335 = arith.index_cast %add3A_334 : i32 to index
          %get3A_336 = arith.constant 48 : index
          %get3A_337 = tpu.vector_load %arg7[%get3A_335, %get3A_336] {strides = array<i32>} : memref<128x128xi32, #tpu.memory_space<vmem>>, vector<16xi32>,
          %bitcast3A_338 = vector.bitcast %get3A_337 : vector<16xi32> to vector<32xbf16>
          %mul3A_339 = arith.mulf %bitcast3A_332, %bitcast3A_338 : vector<32xbf16>
          %unpack3A_340 = tpu.unpack_subelements %mul3A_339, 0 {pack_format = #tpu.pack_format<interleaved>} : vector<32xbf16> -> vector<16xf32>
          %unpack3A_341 = tpu.unpack_subelements %mul3A_339, 1 {pack_format = #tpu.pack_format<interleaved>} : vector<32xbf16> -> vector<16xf32>
          %add3A_342 = arith.addf %add3A_327, %unpack3A_340 : vector<16xf32>
          %add3A_343 = arith.addf %add3A_328, %unpack3A_341 : vector<16xf32>
          %add3A_344 = arith.addf %add3A_342, %add3A_343 : vector<16xf32>
          %swap3A_345 = arith.constant 2 : i32
          %swap3A_346 = arith.index_cast %swap3A_345 : i32 to index
          %swap3A_347 = arith.constant 0 : index
          %swap3A_348 = tpu.vector_load %arg11[%swap3A_346, %swap3A_347] {strides = array<i32>} : memref<16x24xf32, #tpu.memory_space<vmem>>, vector<16xf32>,
          tpu.vector_store %arg11[%swap3A_346, %swap3A_347], %add3A_344 {strides = array<i32>} : memref<16x24xf32, #tpu.memory_space<vmem>>, vector<16xf32>,
          %mul3A_349 = arith.constant 16 : i32
          %mul3A_350 = arith.muli %scan3A_133, %mul3A_349 : i32
          %add3A_351 = arith.constant 3 : i32
          %add3A_352 = arith.addi %mul3A_350, %add3A_351 : i32
          %broadcast_in_dim3A_353 = arith.constant 0.000000e+00 : f32
          %broadcast_in_dim3A_354 = vector.broadcast %broadcast_in_dim3A_353 : f32 to vector<16xf32>
          %broadcast_in_dim3A_355 = arith.constant 0.000000e+00 : f32
          %broadcast_in_dim3A_356 = vector.broadcast %broadcast_in_dim3A_355 : f32 to vector<16xf32>
          %get3A_357 = arith.index_cast %add3A_352 : i32 to index
          %get3A_358 = arith.constant 0 : index
          %get3A_359 = tpu.vector_load %arg7[%get3A_357, %get3A_358] {strides = array<i32>} : memref<128x128xi32, #tpu.memory_space<vmem>>, vector<16xi32>,
          %bitcast3A_360 = vector.bitcast %get3A_359 : vector<16xi32> to vector<32xbf16>
          %add3A_361 = arith.constant 64 : i32
          %add3A_362 = arith.addi %add3A_361, %add3A_352 : i32
          %get3A_363 = arith.index_cast %add3A_362 : i32 to index
          %get3A_364 = arith.constant 0 : index
          %get3A_365 = tpu.vector_load %arg7[%get3A_363, %get3A_364] {strides = array<i32>} : memref<128x128xi32, #tpu.memory_space<vmem>>, vector<16xi32>,
          %bitcast3A_366 = vector.bitcast %get3A_365 : vector<16xi32> to vector<32xbf16>
          %mul3A_367 = arith.mulf %bitcast3A_360, %bitcast3A_366 : vector<32xbf16>
          %unpack3A_368 = tpu.unpack_subelements %mul3A_367, 0 {pack_format = #tpu.pack_format<interleaved>} : vector<32xbf16> -> vector<16xf32>
          %unpack3A_369 = tpu.unpack_subelements %mul3A_367, 1 {pack_format = #tpu.pack_format<interleaved>} : vector<32xbf16> -> vector<16xf32>
          %add3A_370 = arith.addf %broadcast_in_dim3A_354, %unpack3A_368 : vector<16xf32>
          %add3A_371 = arith.addf %broadcast_in_dim3A_356, %unpack3A_369 : vector<16xf32>
          %get3A_372 = arith.index_cast %add3A_352 : i32 to index
          %get3A_373 = arith.constant 16 : index
          %get3A_374 = tpu.vector_load %arg7[%get3A_372, %get3A_373] {strides = array<i32>} : memref<128x128xi32, #tpu.memory_space<vmem>>, vector<16xi32>,
          %bitcast3A_375 = vector.bitcast %get3A_374 : vector<16xi32> to vector<32xbf16>
          %add3A_376 = arith.constant 64 : i32
          %add3A_377 = arith.addi %add3A_376, %add3A_352 : i32
          %get3A_378 = arith.index_cast %add3A_377 : i32 to index
          %get3A_379 = arith.constant 16 : index
          %get3A_380 = tpu.vector_load %arg7[%get3A_378, %get3A_379] {strides = array<i32>} : memref<128x128xi32, #tpu.memory_space<vmem>>, vector<16xi32>,
          %bitcast3A_381 = vector.bitcast %get3A_380 : vector<16xi32> to vector<32xbf16>
          %mul3A_382 = arith.mulf %bitcast3A_375, %bitcast3A_381 : vector<32xbf16>
          %unpack3A_383 = tpu.unpack_subelements %mul3A_382, 0 {pack_format = #tpu.pack_format<interleaved>} : vector<32xbf16> -> vector<16xf32>
          %unpack3A_384 = tpu.unpack_subelements %mul3A_382, 1 {pack_format = #tpu.pack_format<interleaved>} : vector<32xbf16> -> vector<16xf32>
          %add3A_385 = arith.addf %add3A_370, %unpack3A_383 : vector<16xf32>
          %add3A_386 = arith.addf %add3A_371, %unpack3A_384 : vector<16xf32>
          %get3A_387 = arith.index_cast %add3A_352 : i32 to index
          %get3A_388 = arith.constant 32 : index
          %get3A_389 = tpu.vector_load %arg7[%get3A_387, %get3A_388] {strides = array<i32>} : memref<128x128xi32, #tpu.memory_space<vmem>>, vector<16xi32>,
          %bitcast3A_390 = vector.bitcast %get3A_389 : vector<16xi32> to vector<32xbf16>
          %add3A_391 = arith.constant 64 : i32
          %add3A_392 = arith.addi %add3A_391, %add3A_352 : i32
          %get3A_393 = arith.index_cast %add3A_392 : i32 to index
          %get3A_394 = arith.constant 32 : index
          %get3A_395 = tpu.vector_load %arg7[%get3A_393, %get3A_394] {strides = array<i32>} : memref<128x128xi32, #tpu.memory_space<vmem>>, vector<16xi32>,
          %bitcast3A_396 = vector.bitcast %get3A_395 : vector<16xi32> to vector<32xbf16>
          %mul3A_397 = arith.mulf %bitcast3A_390, %bitcast3A_396 : vector<32xbf16>
          %unpack3A_398 = tpu.unpack_subelements %mul3A_397, 0 {pack_format = #tpu.pack_format<interleaved>} : vector<32xbf16> -> vector<16xf32>
          %unpack3A_399 = tpu.unpack_subelements %mul3A_397, 1 {pack_format = #tpu.pack_format<interleaved>} : vector<32xbf16> -> vector<16xf32>
          %add3A_400 = arith.addf %add3A_385, %unpack3A_398 : vector<16xf32>
          %add3A_401 = arith.addf %add3A_386, %unpack3A_399 : vector<16xf32>
          %get3A_402 = arith.index_cast %add3A_352 : i32 to index
          %get3A_403 = arith.constant 48 : index
          %get3A_404 = tpu.vector_load %arg7[%get3A_402, %get3A_403] {strides = array<i32>} : memref<128x128xi32, #tpu.memory_space<vmem>>, vector<16xi32>,
          %bitcast3A_405 = vector.bitcast %get3A_404 : vector<16xi32> to vector<32xbf16>
          %add3A_406 = arith.constant 64 : i32
          %add3A_407 = arith.addi %add3A_406, %add3A_352 : i32
          %get3A_408 = arith.index_cast %add3A_407 : i32 to index
          %get3A_409 = arith.constant 48 : index
          %get3A_410 = tpu.vector_load %arg7[%get3A_408, %get3A_409] {strides = array<i32>} : memref<128x128xi32, #tpu.memory_space<vmem>>, vector<16xi32>,
          %bitcast3A_411 = vector.bitcast %get3A_410 : vector<16xi32> to vector<32xbf16>
          %mul3A_412 = arith.mulf %bitcast3A_405, %bitcast3A_411 : vector<32xbf16>
          %unpack3A_413 = tpu.unpack_subelements %mul3A_412, 0 {pack_format = #tpu.pack_format<interleaved>} : vector<32xbf16> -> vector<16xf32>
          %unpack3A_414 = tpu.unpack_subelements %mul3A_412, 1 {pack_format = #tpu.pack_format<interleaved>} : vector<32xbf16> -> vector<16xf32>
          %add3A_415 = arith.addf %add3A_400, %unpack3A_413 : vector<16xf32>
          %add3A_416 = arith.addf %add3A_401, %unpack3A_414 : vector<16xf32>
          %add3A_417 = arith.addf %add3A_415, %add3A_416 : vector<16xf32>
          %swap3A_418 = arith.constant 3 : i32
          %swap3A_419 = arith.index_cast %swap3A_418 : i32 to index
          %swap3A_420 = arith.constant 0 : index
          %swap3A_421 = tpu.vector_load %arg11[%swap3A_419, %swap3A_420] {strides = array<i32>} : memref<16x24xf32, #tpu.memory_space<vmem>>, vector<16xf32>,
          tpu.vector_store %arg11[%swap3A_419, %swap3A_420], %add3A_417 {strides = array<i32>} : memref<16x24xf32, #tpu.memory_space<vmem>>, vector<16xf32>,
          %mul3A_422 = arith.constant 16 : i32
          %mul3A_423 = arith.muli %scan3A_133, %mul3A_422 : i32
          %add3A_424 = arith.constant 4 : i32
          %add3A_425 = arith.addi %mul3A_423, %add3A_424 : i32
          %broadcast_in_dim3A_426 = arith.constant 0.000000e+00 : f32
          %broadcast_in_dim3A_427 = vector.broadcast %broadcast_in_dim3A_426 : f32 to vector<16xf32>
          %broadcast_in_dim3A_428 = arith.constant 0.000000e+00 : f32
          %broadcast_in_dim3A_429 = vector.broadcast %broadcast_in_dim3A_428 : f32 to vector<16xf32>
          %get3A_430 = arith.index_cast %add3A_425 : i32 to index
          %get3A_431 = arith.constant 0 : index
          %get3A_432 = tpu.vector_load %arg7[%get3A_430, %get3A_431] {strides = array<i32>} : memref<128x128xi32, #tpu.memory_space<vmem>>, vector<16xi32>,
          %bitcast3A_433 = vector.bitcast %get3A_432 : vector<16xi32> to vector<32xbf16>
          %add3A_434 = arith.constant 64 : i32
          %add3A_435 = arith.addi %add3A_434, %add3A_425 : i32
          %get3A_436 = arith.index_cast %add3A_435 : i32 to index
          %get3A_437 = arith.constant 0 : index
          %get3A_438 = tpu.vector_load %arg7[%get3A_436, %get3A_437] {strides = array<i32>} : memref<128x128xi32, #tpu.memory_space<vmem>>, vector<16xi32>,
          %bitcast3A_439 = vector.bitcast %get3A_438 : vector<16xi32> to vector<32xbf16>
          %mul3A_440 = arith.mulf %bitcast3A_433, %bitcast3A_439 : vector<32xbf16>
          %unpack3A_441 = tpu.unpack_subelements %mul3A_440, 0 {pack_format = #tpu.pack_format<interleaved>} : vector<32xbf16> -> vector<16xf32>
          %unpack3A_442 = tpu.unpack_subelements %mul3A_440, 1 {pack_format = #tpu.pack_format<interleaved>} : vector<32xbf16> -> vector<16xf32>
          %add3A_443 = arith.addf %broadcast_in_dim3A_427, %unpack3A_441 : vector<16xf32>
          %add3A_444 = arith.addf %broadcast_in_dim3A_429, %unpack3A_442 : vector<16xf32>
          %get3A_445 = arith.index_cast %add3A_425 : i32 to index
          %get3A_446 = arith.constant 16 : index
          %get3A_447 = tpu.vector_load %arg7[%get3A_445, %get3A_446] {strides = array<i32>} : memref<128x128xi32, #tpu.memory_space<vmem>>, vector<16xi32>,
          %bitcast3A_448 = vector.bitcast %get3A_447 : vector<16xi32> to vector<32xbf16>
          %add3A_449 = arith.constant 64 : i32
          %add3A_450 = arith.addi %add3A_449, %add3A_425 : i32
          %get3A_451 = arith.index_cast %add3A_450 : i32 to index
          %get3A_452 = arith.constant 16 : index
          %get3A_453 = tpu.vector_load %arg7[%get3A_451, %get3A_452] {strides = array<i32>} : memref<128x128xi32, #tpu.memory_space<vmem>>, vector<16xi32>,
          %bitcast3A_454 = vector.bitcast %get3A_453 : vector<16xi32> to vector<32xbf16>
          %mul3A_455 = arith.mulf %bitcast3A_448, %bitcast3A_454 : vector<32xbf16>
          %unpack3A_456 = tpu.unpack_subelements %mul3A_455, 0 {pack_format = #tpu.pack_format<interleaved>} : vector<32xbf16> -> vector<16xf32>
          %unpack3A_457 = tpu.unpack_subelements %mul3A_455, 1 {pack_format = #tpu.pack_format<interleaved>} : vector<32xbf16> -> vector<16xf32>
          %add3A_458 = arith.addf %add3A_443, %unpack3A_456 : vector<16xf32>
          %add3A_459 = arith.addf %add3A_444, %unpack3A_457 : vector<16xf32>
          %get3A_460 = arith.index_cast %add3A_425 : i32 to index
          %get3A_461 = arith.constant 32 : index
          %get3A_462 = tpu.vector_load %arg7[%get3A_460, %get3A_461] {strides = array<i32>} : memref<128x128xi32, #tpu.memory_space<vmem>>, vector<16xi32>,
          %bitcast3A_463 = vector.bitcast %get3A_462 : vector<16xi32> to vector<32xbf16>
          %add3A_464 = arith.constant 64 : i32
          %add3A_465 = arith.addi %add3A_464, %add3A_425 : i32
          %get3A_466 = arith.index_cast %add3A_465 : i32 to index
          %get3A_467 = arith.constant 32 : index
          %get3A_468 = tpu.vector_load %arg7[%get3A_466, %get3A_467] {strides = array<i32>} : memref<128x128xi32, #tpu.memory_space<vmem>>, vector<16xi32>,
          %bitcast3A_469 = vector.bitcast %get3A_468 : vector<16xi32> to vector<32xbf16>
          %mul3A_470 = arith.mulf %bitcast3A_463, %bitcast3A_469 : vector<32xbf16>
          %unpack3A_471 = tpu.unpack_subelements %mul3A_470, 0 {pack_format = #tpu.pack_format<interleaved>} : vector<32xbf16> -> vector<16xf32>
          %unpack3A_472 = tpu.unpack_subelements %mul3A_470, 1 {pack_format = #tpu.pack_format<interleaved>} : vector<32xbf16> -> vector<16xf32>
          %add3A_473 = arith.addf %add3A_458, %unpack3A_471 : vector<16xf32>
          %add3A_474 = arith.addf %add3A_459, %unpack3A_472 : vector<16xf32>
          %get3A_475 = arith.index_cast %add3A_425 : i32 to index
          %get3A_476 = arith.constant 48 : index
          %get3A_477 = tpu.vector_load %arg7[%get3A_475, %get3A_476] {strides = array<i32>} : memref<128x128xi32, #tpu.memory_space<vmem>>, vector<16xi32>,
          %bitcast3A_478 = vector.bitcast %get3A_477 : vector<16xi32> to vector<32xbf16>
          %add3A_479 = arith.constant 64 : i32
          %add3A_480 = arith.addi %add3A_479, %add3A_425 : i32
          %get3A_481 = arith.index_cast %add3A_480 : i32 to index
          %get3A_482 = arith.constant 48 : index
          %get3A_483 = tpu.vector_load %arg7[%get3A_481, %get3A_482] {strides = array<i32>} : memref<128x128xi32, #tpu.memory_space<vmem>>, vector<16xi32>,
          %bitcast3A_484 = vector.bitcast %get3A_483 : vector<16xi32> to vector<32xbf16>
          %mul3A_485 = arith.mulf %bitcast3A_478, %bitcast3A_484 : vector<32xbf16>
          %unpack3A_486 = tpu.unpack_subelements %mul3A_485, 0 {pack_format = #tpu.pack_format<interleaved>} : vector<32xbf16> -> vector<16xf32>
          %unpack3A_487 = tpu.unpack_subelements %mul3A_485, 1 {pack_format = #tpu.pack_format<interleaved>} : vector<32xbf16> -> vector<16xf32>
          %add3A_488 = arith.addf %add3A_473, %unpack3A_486 : vector<16xf32>
          %add3A_489 = arith.addf %add3A_474, %unpack3A_487 : vector<16xf32>
          %add3A_490 = arith.addf %add3A_488, %add3A_489 : vector<16xf32>
          %swap3A_491 = arith.constant 4 : i32
          %swap3A_492 = arith.index_cast %swap3A_491 : i32 to index
          %swap3A_493 = arith.constant 0 : index
          %swap3A_494 = tpu.vector_load %arg11[%swap3A_492, %swap3A_493] {strides = array<i32>} : memref<16x24xf32, #tpu.memory_space<vmem>>, vector<16xf32>,
          tpu.vector_store %arg11[%swap3A_492, %swap3A_493], %add3A_490 {strides = array<i32>} : memref<16x24xf32, #tpu.memory_space<vmem>>, vector<16xf32>,
          %mul3A_495 = arith.constant 16 : i32
          %mul3A_496 = arith.muli %scan3A_133, %mul3A_495 : i32
          %add3A_497 = arith.constant 5 : i32
          %add3A_498 = arith.addi %mul3A_496, %add3A_497 : i32
          %broadcast_in_dim3A_499 = arith.constant 0.000000e+00 : f32
          %broadcast_in_dim3A_500 = vector.broadcast %broadcast_in_dim3A_499 : f32 to vector<16xf32>
          %broadcast_in_dim3A_501 = arith.constant 0.000000e+00 : f32
          %broadcast_in_dim3A_502 = vector.broadcast %broadcast_in_dim3A_501 : f32 to vector<16xf32>
          %get3A_503 = arith.index_cast %add3A_498 : i32 to index
          %get3A_504 = arith.constant 0 : index
          %get3A_505 = tpu.vector_load %arg7[%get3A_503, %get3A_504] {strides = array<i32>} : memref<128x128xi32, #tpu.memory_space<vmem>>, vector<16xi32>,
          %bitcast3A_506 = vector.bitcast %get3A_505 : vector<16xi32> to vector<32xbf16>
          %add3A_507 = arith.constant 64 : i32
          %add3A_508 = arith.addi %add3A_507, %add3A_498 : i32
          %get3A_509 = arith.index_cast %add3A_508 : i32 to index
          %get3A_510 = arith.constant 0 : index
          %get3A_511 = tpu.vector_load %arg7[%get3A_509, %get3A_510] {strides = array<i32>} : memref<128x128xi32, #tpu.memory_space<vmem>>, vector<16xi32>,
          %bitcast3A_512 = vector.bitcast %get3A_511 : vector<16xi32> to vector<32xbf16>
          %mul3A_513 = arith.mulf %bitcast3A_506, %bitcast3A_512 : vector<32xbf16>
          %unpack3A_514 = tpu.unpack_subelements %mul3A_513, 0 {pack_format = #tpu.pack_format<interleaved>} : vector<32xbf16> -> vector<16xf32>
          %unpack3A_515 = tpu.unpack_subelements %mul3A_513, 1 {pack_format = #tpu.pack_format<interleaved>} : vector<32xbf16> -> vector<16xf32>
          %add3A_516 = arith.addf %broadcast_in_dim3A_500, %unpack3A_514 : vector<16xf32>
          %add3A_517 = arith.addf %broadcast_in_dim3A_502, %unpack3A_515 : vector<16xf32>
          %get3A_518 = arith.index_cast %add3A_498 : i32 to index
          %get3A_519 = arith.constant 16 : index
          %get3A_520 = tpu.vector_load %arg7[%get3A_518, %get3A_519] {strides = array<i32>} : memref<128x128xi32, #tpu.memory_space<vmem>>, vector<16xi32>,
          %bitcast3A_521 = vector.bitcast %get3A_520 : vector<16xi32> to vector<32xbf16>
          %add3A_522 = arith.constant 64 : i32
          %add3A_523 = arith.addi %add3A_522, %add3A_498 : i32
          %get3A_524 = arith.index_cast %add3A_523 : i32 to index
          %get3A_525 = arith.constant 16 : index
          %get3A_526 = tpu.vector_load %arg7[%get3A_524, %get3A_525] {strides = array<i32>} : memref<128x128xi32, #tpu.memory_space<vmem>>, vector<16xi32>,
          %bitcast3A_527 = vector.bitcast %get3A_526 : vector<16xi32> to vector<32xbf16>
          %mul3A_528 = arith.mulf %bitcast3A_521, %bitcast3A_527 : vector<32xbf16>
          %unpack3A_529 = tpu.unpack_subelements %mul3A_528, 0 {pack_format = #tpu.pack_format<interleaved>} : vector<32xbf16> -> vector<16xf32>
          %unpack3A_530 = tpu.unpack_subelements %mul3A_528, 1 {pack_format = #tpu.pack_format<interleaved>} : vector<32xbf16> -> vector<16xf32>
          %add3A_531 = arith.addf %add3A_516, %unpack3A_529 : vector<16xf32>
          %add3A_532 = arith.addf %add3A_517, %unpack3A_530 : vector<16xf32>
          %get3A_533 = arith.index_cast %add3A_498 : i32 to index
          %get3A_534 = arith.constant 32 : index
          %get3A_535 = tpu.vector_load %arg7[%get3A_533, %get3A_534] {strides = array<i32>} : memref<128x128xi32, #tpu.memory_space<vmem>>, vector<16xi32>,
          %bitcast3A_536 = vector.bitcast %get3A_535 : vector<16xi32> to vector<32xbf16>
          %add3A_537 = arith.constant 64 : i32
          %add3A_538 = arith.addi %add3A_537, %add3A_498 : i32
          %get3A_539 = arith.index_cast %add3A_538 : i32 to index
          %get3A_540 = arith.constant 32 : index
          %get3A_541 = tpu.vector_load %arg7[%get3A_539, %get3A_540] {strides = array<i32>} : memref<128x128xi32, #tpu.memory_space<vmem>>, vector<16xi32>,
          %bitcast3A_542 = vector.bitcast %get3A_541 : vector<16xi32> to vector<32xbf16>
          %mul3A_543 = arith.mulf %bitcast3A_536, %bitcast3A_542 : vector<32xbf16>
          %unpack3A_544 = tpu.unpack_subelements %mul3A_543, 0 {pack_format = #tpu.pack_format<interleaved>} : vector<32xbf16> -> vector<16xf32>
          %unpack3A_545 = tpu.unpack_subelements %mul3A_543, 1 {pack_format = #tpu.pack_format<interleaved>} : vector<32xbf16> -> vector<16xf32>
          %add3A_546 = arith.addf %add3A_531, %unpack3A_544 : vector<16xf32>
          %add3A_547 = arith.addf %add3A_532, %unpack3A_545 : vector<16xf32>
          %get3A_548 = arith.index_cast %add3A_498 : i32 to index
          %get3A_549 = arith.constant 48 : index
          %get3A_550 = tpu.vector_load %arg7[%get3A_548, %get3A_549] {strides = array<i32>} : memref<128x128xi32, #tpu.memory_space<vmem>>, vector<16xi32>,
          %bitcast3A_551 = vector.bitcast %get3A_550 : vector<16xi32> to vector<32xbf16>
          %add3A_552 = arith.constant 64 : i32
          %add3A_553 = arith.addi %add3A_552, %add3A_498 : i32
          %get3A_554 = arith.index_cast %add3A_553 : i32 to index
          %get3A_555 = arith.constant 48 : index
          %get3A_556 = tpu.vector_load %arg7[%get3A_554, %get3A_555] {strides = array<i32>} : memref<128x128xi32, #tpu.memory_space<vmem>>, vector<16xi32>,
          %bitcast3A_557 = vector.bitcast %get3A_556 : vector<16xi32> to vector<32xbf16>
          %mul3A_558 = arith.mulf %bitcast3A_551, %bitcast3A_557 : vector<32xbf16>
          %unpack3A_559 = tpu.unpack_subelements %mul3A_558, 0 {pack_format = #tpu.pack_format<interleaved>} : vector<32xbf16> -> vector<16xf32>
          %unpack3A_560 = tpu.unpack_subelements %mul3A_558, 1 {pack_format = #tpu.pack_format<interleaved>} : vector<32xbf16> -> vector<16xf32>
          %add3A_561 = arith.addf %add3A_546, %unpack3A_559 : vector<16xf32>
          %add3A_562 = arith.addf %add3A_547, %unpack3A_560 : vector<16xf32>
          %add3A_563 = arith.addf %add3A_561, %add3A_562 : vector<16xf32>
          %swap3A_564 = arith.constant 5 : i32
          %swap3A_565 = arith.index_cast %swap3A_564 : i32 to index
          %swap3A_566 = arith.constant 0 : index
          %swap3A_567 = tpu.vector_load %arg11[%swap3A_565, %swap3A_566] {strides = array<i32>} : memref<16x24xf32, #tpu.memory_space<vmem>>, vector<16xf32>,
          tpu.vector_store %arg11[%swap3A_565, %swap3A_566], %add3A_563 {strides = array<i32>} : memref<16x24xf32, #tpu.memory_space<vmem>>, vector<16xf32>,
          %mul3A_568 = arith.constant 16 : i32
          %mul3A_569 = arith.muli %scan3A_133, %mul3A_568 : i32
          %add3A_570 = arith.constant 6 : i32
          %add3A_571 = arith.addi %mul3A_569, %add3A_570 : i32
          %broadcast_in_dim3A_572 = arith.constant 0.000000e+00 : f32
          %broadcast_in_dim3A_573 = vector.broadcast %broadcast_in_dim3A_572 : f32 to vector<16xf32>
          %broadcast_in_dim3A_574 = arith.constant 0.000000e+00 : f32
          %broadcast_in_dim3A_575 = vector.broadcast %broadcast_in_dim3A_574 : f32 to vector<16xf32>
          %get3A_576 = arith.index_cast %add3A_571 : i32 to index
          %get3A_577 = arith.constant 0 : index
          %get3A_578 = tpu.vector_load %arg7[%get3A_576, %get3A_577] {strides = array<i32>} : memref<128x128xi32, #tpu.memory_space<vmem>>, vector<16xi32>,
          %bitcast3A_579 = vector.bitcast %get3A_578 : vector<16xi32> to vector<32xbf16>
          %add3A_580 = arith.constant 64 : i32
          %add3A_581 = arith.addi %add3A_580, %add3A_571 : i32
          %get3A_582 = arith.index_cast %add3A_581 : i32 to index
          %get3A_583 = arith.constant 0 : index
          %get3A_584 = tpu.vector_load %arg7[%get3A_582, %get3A_583] {strides = array<i32>} : memref<128x128xi32, #tpu.memory_space<vmem>>, vector<16xi32>,
          %bitcast3A_585 = vector.bitcast %get3A_584 : vector<16xi32> to vector<32xbf16>
          %mul3A_586 = arith.mulf %bitcast3A_579, %bitcast3A_585 : vector<32xbf16>
          %unpack3A_587 = tpu.unpack_subelements %mul3A_586, 0 {pack_format = #tpu.pack_format<interleaved>} : vector<32xbf16> -> vector<16xf32>
          %unpack3A_588 = tpu.unpack_subelements %mul3A_586, 1 {pack_format = #tpu.pack_format<interleaved>} : vector<32xbf16> -> vector<16xf32>
          %add3A_589 = arith.addf %broadcast_in_dim3A_573, %unpack3A_587 : vector<16xf32>
          %add3A_590 = arith.addf %broadcast_in_dim3A_575, %unpack3A_588 : vector<16xf32>
          %get3A_591 = arith.index_cast %add3A_571 : i32 to index
          %get3A_592 = arith.constant 16 : index
          %get3A_593 = tpu.vector_load %arg7[%get3A_591, %get3A_592] {strides = array<i32>} : memref<128x128xi32, #tpu.memory_space<vmem>>, vector<16xi32>,
          %bitcast3A_594 = vector.bitcast %get3A_593 : vector<16xi32> to vector<32xbf16>
          %add3A_595 = arith.constant 64 : i32
          %add3A_596 = arith.addi %add3A_595, %add3A_571 : i32
          %get3A_597 = arith.index_cast %add3A_596 : i32 to index
          %get3A_598 = arith.constant 16 : index
          %get3A_599 = tpu.vector_load %arg7[%get3A_597, %get3A_598] {strides = array<i32>} : memref<128x128xi32, #tpu.memory_space<vmem>>, vector<16xi32>,
          %bitcast3A_600 = vector.bitcast %get3A_599 : vector<16xi32> to vector<32xbf16>
          %mul3A_601 = arith.mulf %bitcast3A_594, %bitcast3A_600 : vector<32xbf16>
          %unpack3A_602 = tpu.unpack_subelements %mul3A_601, 0 {pack_format = #tpu.pack_format<interleaved>} : vector<32xbf16> -> vector<16xf32>
          %unpack3A_603 = tpu.unpack_subelements %mul3A_601, 1 {pack_format = #tpu.pack_format<interleaved>} : vector<32xbf16> -> vector<16xf32>
          %add3A_604 = arith.addf %add3A_589, %unpack3A_602 : vector<16xf32>
          %add3A_605 = arith.addf %add3A_590, %unpack3A_603 : vector<16xf32>
          %get3A_606 = arith.index_cast %add3A_571 : i32 to index
          %get3A_607 = arith.constant 32 : index
          %get3A_608 = tpu.vector_load %arg7[%get3A_606, %get3A_607] {strides = array<i32>} : memref<128x128xi32, #tpu.memory_space<vmem>>, vector<16xi32>,
          %bitcast3A_609 = vector.bitcast %get3A_608 : vector<16xi32> to vector<32xbf16>
          %add3A_610 = arith.constant 64 : i32
          %add3A_611 = arith.addi %add3A_610, %add3A_571 : i32
          %get3A_612 = arith.index_cast %add3A_611 : i32 to index
          %get3A_613 = arith.constant 32 : index
          %get3A_614 = tpu.vector_load %arg7[%get3A_612, %get3A_613] {strides = array<i32>} : memref<128x128xi32, #tpu.memory_space<vmem>>, vector<16xi32>,
          %bitcast3A_615 = vector.bitcast %get3A_614 : vector<16xi32> to vector<32xbf16>
          %mul3A_616 = arith.mulf %bitcast3A_609, %bitcast3A_615 : vector<32xbf16>
          %unpack3A_617 = tpu.unpack_subelements %mul3A_616, 0 {pack_format = #tpu.pack_format<interleaved>} : vector<32xbf16> -> vector<16xf32>
          %unpack3A_618 = tpu.unpack_subelements %mul3A_616, 1 {pack_format = #tpu.pack_format<interleaved>} : vector<32xbf16> -> vector<16xf32>
          %add3A_619 = arith.addf %add3A_604, %unpack3A_617 : vector<16xf32>
          %add3A_620 = arith.addf %add3A_605, %unpack3A_618 : vector<16xf32>
          %get3A_621 = arith.index_cast %add3A_571 : i32 to index
          %get3A_622 = arith.constant 48 : index
          %get3A_623 = tpu.vector_load %arg7[%get3A_621, %get3A_622] {strides = array<i32>} : memref<128x128xi32, #tpu.memory_space<vmem>>, vector<16xi32>,
          %bitcast3A_624 = vector.bitcast %get3A_623 : vector<16xi32> to vector<32xbf16>
          %add3A_625 = arith.constant 64 : i32
          %add3A_626 = arith.addi %add3A_625, %add3A_571 : i32
          %get3A_627 = arith.index_cast %add3A_626 : i32 to index
          %get3A_628 = arith.constant 48 : index
          %get3A_629 = tpu.vector_load %arg7[%get3A_627, %get3A_628] {strides = array<i32>} : memref<128x128xi32, #tpu.memory_space<vmem>>, vector<16xi32>,
          %bitcast3A_630 = vector.bitcast %get3A_629 : vector<16xi32> to vector<32xbf16>
          %mul3A_631 = arith.mulf %bitcast3A_624, %bitcast3A_630 : vector<32xbf16>
          %unpack3A_632 = tpu.unpack_subelements %mul3A_631, 0 {pack_format = #tpu.pack_format<interleaved>} : vector<32xbf16> -> vector<16xf32>
          %unpack3A_633 = tpu.unpack_subelements %mul3A_631, 1 {pack_format = #tpu.pack_format<interleaved>} : vector<32xbf16> -> vector<16xf32>
          %add3A_634 = arith.addf %add3A_619, %unpack3A_632 : vector<16xf32>
          %add3A_635 = arith.addf %add3A_620, %unpack3A_633 : vector<16xf32>
          %add3A_636 = arith.addf %add3A_634, %add3A_635 : vector<16xf32>
          %swap3A_637 = arith.constant 6 : i32
          %swap3A_638 = arith.index_cast %swap3A_637 : i32 to index
          %swap3A_639 = arith.constant 0 : index
          %swap3A_640 = tpu.vector_load %arg11[%swap3A_638, %swap3A_639] {strides = array<i32>} : memref<16x24xf32, #tpu.memory_space<vmem>>, vector<16xf32>,
          tpu.vector_store %arg11[%swap3A_638, %swap3A_639], %add3A_636 {strides = array<i32>} : memref<16x24xf32, #tpu.memory_space<vmem>>, vector<16xf32>,
          %mul3A_641 = arith.constant 16 : i32
          %mul3A_642 = arith.muli %scan3A_133, %mul3A_641 : i32
          %add3A_643 = arith.constant 7 : i32
          %add3A_644 = arith.addi %mul3A_642, %add3A_643 : i32
          %broadcast_in_dim3A_645 = arith.constant 0.000000e+00 : f32
          %broadcast_in_dim3A_646 = vector.broadcast %broadcast_in_dim3A_645 : f32 to vector<16xf32>
          %broadcast_in_dim3A_647 = arith.constant 0.000000e+00 : f32
          %broadcast_in_dim3A_648 = vector.broadcast %broadcast_in_dim3A_647 : f32 to vector<16xf32>
          %get3A_649 = arith.index_cast %add3A_644 : i32 to index
          %get3A_650 = arith.constant 0 : index
          %get3A_651 = tpu.vector_load %arg7[%get3A_649, %get3A_650] {strides = array<i32>} : memref<128x128xi32, #tpu.memory_space<vmem>>, vector<16xi32>,
          %bitcast3A_652 = vector.bitcast %get3A_651 : vector<16xi32> to vector<32xbf16>
          %add3A_653 = arith.constant 64 : i32
          %add3A_654 = arith.addi %add3A_653, %add3A_644 : i32
          %get3A_655 = arith.index_cast %add3A_654 : i32 to index
          %get3A_656 = arith.constant 0 : index
          %get3A_657 = tpu.vector_load %arg7[%get3A_655, %get3A_656] {strides = array<i32>} : memref<128x128xi32, #tpu.memory_space<vmem>>, vector<16xi32>,
          %bitcast3A_658 = vector.bitcast %get3A_657 : vector<16xi32> to vector<32xbf16>
          %mul3A_659 = arith.mulf %bitcast3A_652, %bitcast3A_658 : vector<32xbf16>
          %unpack3A_660 = tpu.unpack_subelements %mul3A_659, 0 {pack_format = #tpu.pack_format<interleaved>} : vector<32xbf16> -> vector<16xf32>
          %unpack3A_661 = tpu.unpack_subelements %mul3A_659, 1 {pack_format = #tpu.pack_format<interleaved>} : vector<32xbf16> -> vector<16xf32>
          %add3A_662 = arith.addf %broadcast_in_dim3A_646, %unpack3A_660 : vector<16xf32>
          %add3A_663 = arith.addf %broadcast_in_dim3A_648, %unpack3A_661 : vector<16xf32>
          %get3A_664 = arith.index_cast %add3A_644 : i32 to index
          %get3A_665 = arith.constant 16 : index
          %get3A_666 = tpu.vector_load %arg7[%get3A_664, %get3A_665] {strides = array<i32>} : memref<128x128xi32, #tpu.memory_space<vmem>>, vector<16xi32>,
          %bitcast3A_667 = vector.bitcast %get3A_666 : vector<16xi32> to vector<32xbf16>
          %add3A_668 = arith.constant 64 : i32
          %add3A_669 = arith.addi %add3A_668, %add3A_644 : i32
          %get3A_670 = arith.index_cast %add3A_669 : i32 to index
          %get3A_671 = arith.constant 16 : index
          %get3A_672 = tpu.vector_load %arg7[%get3A_670, %get3A_671] {strides = array<i32>} : memref<128x128xi32, #tpu.memory_space<vmem>>, vector<16xi32>,
          %bitcast3A_673 = vector.bitcast %get3A_672 : vector<16xi32> to vector<32xbf16>
          %mul3A_674 = arith.mulf %bitcast3A_667, %bitcast3A_673 : vector<32xbf16>
          %unpack3A_675 = tpu.unpack_subelements %mul3A_674, 0 {pack_format = #tpu.pack_format<interleaved>} : vector<32xbf16> -> vector<16xf32>
          %unpack3A_676 = tpu.unpack_subelements %mul3A_674, 1 {pack_format = #tpu.pack_format<interleaved>} : vector<32xbf16> -> vector<16xf32>
          %add3A_677 = arith.addf %add3A_662, %unpack3A_675 : vector<16xf32>
          %add3A_678 = arith.addf %add3A_663, %unpack3A_676 : vector<16xf32>
          %get3A_679 = arith.index_cast %add3A_644 : i32 to index
          %get3A_680 = arith.constant 32 : index
          %get3A_681 = tpu.vector_load %arg7[%get3A_679, %get3A_680] {strides = array<i32>} : memref<128x128xi32, #tpu.memory_space<vmem>>, vector<16xi32>,
          %bitcast3A_682 = vector.bitcast %get3A_681 : vector<16xi32> to vector<32xbf16>
          %add3A_683 = arith.constant 64 : i32
          %add3A_684 = arith.addi %add3A_683, %add3A_644 : i32
          %get3A_685 = arith.index_cast %add3A_684 : i32 to index
          %get3A_686 = arith.constant 32 : index
          %get3A_687 = tpu.vector_load %arg7[%get3A_685, %get3A_686] {strides = array<i32>} : memref<128x128xi32, #tpu.memory_space<vmem>>, vector<16xi32>,
          %bitcast3A_688 = vector.bitcast %get3A_687 : vector<16xi32> to vector<32xbf16>
          %mul3A_689 = arith.mulf %bitcast3A_682, %bitcast3A_688 : vector<32xbf16>
          %unpack3A_690 = tpu.unpack_subelements %mul3A_689, 0 {pack_format = #tpu.pack_format<interleaved>} : vector<32xbf16> -> vector<16xf32>
          %unpack3A_691 = tpu.unpack_subelements %mul3A_689, 1 {pack_format = #tpu.pack_format<interleaved>} : vector<32xbf16> -> vector<16xf32>
          %add3A_692 = arith.addf %add3A_677, %unpack3A_690 : vector<16xf32>
          %add3A_693 = arith.addf %add3A_678, %unpack3A_691 : vector<16xf32>
          %get3A_694 = arith.index_cast %add3A_644 : i32 to index
          %get3A_695 = arith.constant 48 : index
          %get3A_696 = tpu.vector_load %arg7[%get3A_694, %get3A_695] {strides = array<i32>} : memref<128x128xi32, #tpu.memory_space<vmem>>, vector<16xi32>,
          %bitcast3A_697 = vector.bitcast %get3A_696 : vector<16xi32> to vector<32xbf16>
          %add3A_698 = arith.constant 64 : i32
          %add3A_699 = arith.addi %add3A_698, %add3A_644 : i32
          %get3A_700 = arith.index_cast %add3A_699 : i32 to index
          %get3A_701 = arith.constant 48 : index
          %get3A_702 = tpu.vector_load %arg7[%get3A_700, %get3A_701] {strides = array<i32>} : memref<128x128xi32, #tpu.memory_space<vmem>>, vector<16xi32>,
          %bitcast3A_703 = vector.bitcast %get3A_702 : vector<16xi32> to vector<32xbf16>
          %mul3A_704 = arith.mulf %bitcast3A_697, %bitcast3A_703 : vector<32xbf16>
          %unpack3A_705 = tpu.unpack_subelements %mul3A_704, 0 {pack_format = #tpu.pack_format<interleaved>} : vector<32xbf16> -> vector<16xf32>
          %unpack3A_706 = tpu.unpack_subelements %mul3A_704, 1 {pack_format = #tpu.pack_format<interleaved>} : vector<32xbf16> -> vector<16xf32>
          %add3A_707 = arith.addf %add3A_692, %unpack3A_705 : vector<16xf32>
          %add3A_708 = arith.addf %add3A_693, %unpack3A_706 : vector<16xf32>
          %add3A_709 = arith.addf %add3A_707, %add3A_708 : vector<16xf32>
          %swap3A_710 = arith.constant 7 : i32
          %swap3A_711 = arith.index_cast %swap3A_710 : i32 to index
          %swap3A_712 = arith.constant 0 : index
          %swap3A_713 = tpu.vector_load %arg11[%swap3A_711, %swap3A_712] {strides = array<i32>} : memref<16x24xf32, #tpu.memory_space<vmem>>, vector<16xf32>,
          tpu.vector_store %arg11[%swap3A_711, %swap3A_712], %add3A_709 {strides = array<i32>} : memref<16x24xf32, #tpu.memory_space<vmem>>, vector<16xf32>,
          %mul3A_714 = arith.constant 16 : i32
          %mul3A_715 = arith.muli %scan3A_133, %mul3A_714 : i32
          %add3A_716 = arith.constant 8 : i32
          %add3A_717 = arith.addi %mul3A_715, %add3A_716 : i32
          %broadcast_in_dim3A_718 = arith.constant 0.000000e+00 : f32
          %broadcast_in_dim3A_719 = vector.broadcast %broadcast_in_dim3A_718 : f32 to vector<16xf32>
          %broadcast_in_dim3A_720 = arith.constant 0.000000e+00 : f32
          %broadcast_in_dim3A_721 = vector.broadcast %broadcast_in_dim3A_720 : f32 to vector<16xf32>
          %get3A_722 = arith.index_cast %add3A_717 : i32 to index
          %get3A_723 = arith.constant 0 : index
          %get3A_724 = tpu.vector_load %arg7[%get3A_722, %get3A_723] {strides = array<i32>} : memref<128x128xi32, #tpu.memory_space<vmem>>, vector<16xi32>,
          %bitcast3A_725 = vector.bitcast %get3A_724 : vector<16xi32> to vector<32xbf16>
          %add3A_726 = arith.constant 64 : i32
          %add3A_727 = arith.addi %add3A_726, %add3A_717 : i32
          %get3A_728 = arith.index_cast %add3A_727 : i32 to index
          %get3A_729 = arith.constant 0 : index
          %get3A_730 = tpu.vector_load %arg7[%get3A_728, %get3A_729] {strides = array<i32>} : memref<128x128xi32, #tpu.memory_space<vmem>>, vector<16xi32>,
          %bitcast3A_731 = vector.bitcast %get3A_730 : vector<16xi32> to vector<32xbf16>
          %mul3A_732 = arith.mulf %bitcast3A_725, %bitcast3A_731 : vector<32xbf16>
          %unpack3A_733 = tpu.unpack_subelements %mul3A_732, 0 {pack_format = #tpu.pack_format<interleaved>} : vector<32xbf16> -> vector<16xf32>
          %unpack3A_734 = tpu.unpack_subelements %mul3A_732, 1 {pack_format = #tpu.pack_format<interleaved>} : vector<32xbf16> -> vector<16xf32>
          %add3A_735 = arith.addf %broadcast_in_dim3A_719, %unpack3A_733 : vector<16xf32>
          %add3A_736 = arith.addf %broadcast_in_dim3A_721, %unpack3A_734 : vector<16xf32>
          %get3A_737 = arith.index_cast %add3A_717 : i32 to index
          %get3A_738 = arith.constant 16 : index
          %get3A_739 = tpu.vector_load %arg7[%get3A_737, %get3A_738] {strides = array<i32>} : memref<128x128xi32, #tpu.memory_space<vmem>>, vector<16xi32>,
          %bitcast3A_740 = vector.bitcast %get3A_739 : vector<16xi32> to vector<32xbf16>
          %add3A_741 = arith.constant 64 : i32
          %add3A_742 = arith.addi %add3A_741, %add3A_717 : i32
          %get3A_743 = arith.index_cast %add3A_742 : i32 to index
          %get3A_744 = arith.constant 16 : index
          %get3A_745 = tpu.vector_load %arg7[%get3A_743, %get3A_744] {strides = array<i32>} : memref<128x128xi32, #tpu.memory_space<vmem>>, vector<16xi32>,
          %bitcast3A_746 = vector.bitcast %get3A_745 : vector<16xi32> to vector<32xbf16>
          %mul3A_747 = arith.mulf %bitcast3A_740, %bitcast3A_746 : vector<32xbf16>
          %unpack3A_748 = tpu.unpack_subelements %mul3A_747, 0 {pack_format = #tpu.pack_format<interleaved>} : vector<32xbf16> -> vector<16xf32>
          %unpack3A_749 = tpu.unpack_subelements %mul3A_747, 1 {pack_format = #tpu.pack_format<interleaved>} : vector<32xbf16> -> vector<16xf32>
          %add3A_750 = arith.addf %add3A_735, %unpack3A_748 : vector<16xf32>
          %add3A_751 = arith.addf %add3A_736, %unpack3A_749 : vector<16xf32>
          %get3A_752 = arith.index_cast %add3A_717 : i32 to index
          %get3A_753 = arith.constant 32 : index
          %get3A_754 = tpu.vector_load %arg7[%get3A_752, %get3A_753] {strides = array<i32>} : memref<128x128xi32, #tpu.memory_space<vmem>>, vector<16xi32>,
          %bitcast3A_755 = vector.bitcast %get3A_754 : vector<16xi32> to vector<32xbf16>
          %add3A_756 = arith.constant 64 : i32
          %add3A_757 = arith.addi %add3A_756, %add3A_717 : i32
          %get3A_758 = arith.index_cast %add3A_757 : i32 to index
          %get3A_759 = arith.constant 32 : index
          %get3A_760 = tpu.vector_load %arg7[%get3A_758, %get3A_759] {strides = array<i32>} : memref<128x128xi32, #tpu.memory_space<vmem>>, vector<16xi32>,
          %bitcast3A_761 = vector.bitcast %get3A_760 : vector<16xi32> to vector<32xbf16>
          %mul3A_762 = arith.mulf %bitcast3A_755, %bitcast3A_761 : vector<32xbf16>
          %unpack3A_763 = tpu.unpack_subelements %mul3A_762, 0 {pack_format = #tpu.pack_format<interleaved>} : vector<32xbf16> -> vector<16xf32>
          %unpack3A_764 = tpu.unpack_subelements %mul3A_762, 1 {pack_format = #tpu.pack_format<interleaved>} : vector<32xbf16> -> vector<16xf32>
          %add3A_765 = arith.addf %add3A_750, %unpack3A_763 : vector<16xf32>
          %add3A_766 = arith.addf %add3A_751, %unpack3A_764 : vector<16xf32>
          %get3A_767 = arith.index_cast %add3A_717 : i32 to index
          %get3A_768 = arith.constant 48 : index
          %get3A_769 = tpu.vector_load %arg7[%get3A_767, %get3A_768] {strides = array<i32>} : memref<128x128xi32, #tpu.memory_space<vmem>>, vector<16xi32>,
          %bitcast3A_770 = vector.bitcast %get3A_769 : vector<16xi32> to vector<32xbf16>
          %add3A_771 = arith.constant 64 : i32
          %add3A_772 = arith.addi %add3A_771, %add3A_717 : i32
          %get3A_773 = arith.index_cast %add3A_772 : i32 to index
          %get3A_774 = arith.constant 48 : index
          %get3A_775 = tpu.vector_load %arg7[%get3A_773, %get3A_774] {strides = array<i32>} : memref<128x128xi32, #tpu.memory_space<vmem>>, vector<16xi32>,
          %bitcast3A_776 = vector.bitcast %get3A_775 : vector<16xi32> to vector<32xbf16>
          %mul3A_777 = arith.mulf %bitcast3A_770, %bitcast3A_776 : vector<32xbf16>
          %unpack3A_778 = tpu.unpack_subelements %mul3A_777, 0 {pack_format = #tpu.pack_format<interleaved>} : vector<32xbf16> -> vector<16xf32>
          %unpack3A_779 = tpu.unpack_subelements %mul3A_777, 1 {pack_format = #tpu.pack_format<interleaved>} : vector<32xbf16> -> vector<16xf32>
          %add3A_780 = arith.addf %add3A_765, %unpack3A_778 : vector<16xf32>
          %add3A_781 = arith.addf %add3A_766, %unpack3A_779 : vector<16xf32>
          %add3A_782 = arith.addf %add3A_780, %add3A_781 : vector<16xf32>
          %swap3A_783 = arith.constant 8 : i32
          %swap3A_784 = arith.index_cast %swap3A_783 : i32 to index
          %swap3A_785 = arith.constant 0 : index
          %swap3A_786 = tpu.vector_load %arg11[%swap3A_784, %swap3A_785] {strides = array<i32>} : memref<16x24xf32, #tpu.memory_space<vmem>>, vector<16xf32>,
          tpu.vector_store %arg11[%swap3A_784, %swap3A_785], %add3A_782 {strides = array<i32>} : memref<16x24xf32, #tpu.memory_space<vmem>>, vector<16xf32>,
          %mul3A_787 = arith.constant 16 : i32
          %mul3A_788 = arith.muli %scan3A_133, %mul3A_787 : i32
          %add3A_789 = arith.constant 9 : i32
          %add3A_790 = arith.addi %mul3A_788, %add3A_789 : i32
          %broadcast_in_dim3A_791 = arith.constant 0.000000e+00 : f32
          %broadcast_in_dim3A_792 = vector.broadcast %broadcast_in_dim3A_791 : f32 to vector<16xf32>
          %broadcast_in_dim3A_793 = arith.constant 0.000000e+00 : f32
          %broadcast_in_dim3A_794 = vector.broadcast %broadcast_in_dim3A_793 : f32 to vector<16xf32>
          %get3A_795 = arith.index_cast %add3A_790 : i32 to index
          %get3A_796 = arith.constant 0 : index
          %get3A_797 = tpu.vector_load %arg7[%get3A_795, %get3A_796] {strides = array<i32>} : memref<128x128xi32, #tpu.memory_space<vmem>>, vector<16xi32>,
          %bitcast3A_798 = vector.bitcast %get3A_797 : vector<16xi32> to vector<32xbf16>
          %add3A_799 = arith.constant 64 : i32
          %add3A_800 = arith.addi %add3A_799, %add3A_790 : i32
          %get3A_801 = arith.index_cast %add3A_800 : i32 to index
          %get3A_802 = arith.constant 0 : index
          %get3A_803 = tpu.vector_load %arg7[%get3A_801, %get3A_802] {strides = array<i32>} : memref<128x128xi32, #tpu.memory_space<vmem>>, vector<16xi32>,
          %bitcast3A_804 = vector.bitcast %get3A_803 : vector<16xi32> to vector<32xbf16>
          %mul3A_805 = arith.mulf %bitcast3A_798, %bitcast3A_804 : vector<32xbf16>
          %unpack3A_806 = tpu.unpack_subelements %mul3A_805, 0 {pack_format = #tpu.pack_format<interleaved>} : vector<32xbf16> -> vector<16xf32>
          %unpack3A_807 = tpu.unpack_subelements %mul3A_805, 1 {pack_format = #tpu.pack_format<interleaved>} : vector<32xbf16> -> vector<16xf32>
          %add3A_808 = arith.addf %broadcast_in_dim3A_792, %unpack3A_806 : vector<16xf32>
          %add3A_809 = arith.addf %broadcast_in_dim3A_794, %unpack3A_807 : vector<16xf32>
          %get3A_810 = arith.index_cast %add3A_790 : i32 to index
          %get3A_811 = arith.constant 16 : index
          %get3A_812 = tpu.vector_load %arg7[%get3A_810, %get3A_811] {strides = array<i32>} : memref<128x128xi32, #tpu.memory_space<vmem>>, vector<16xi32>,
          %bitcast3A_813 = vector.bitcast %get3A_812 : vector<16xi32> to vector<32xbf16>
          %add3A_814 = arith.constant 64 : i32
          %add3A_815 = arith.addi %add3A_814, %add3A_790 : i32
          %get3A_816 = arith.index_cast %add3A_815 : i32 to index
          %get3A_817 = arith.constant 16 : index
          %get3A_818 = tpu.vector_load %arg7[%get3A_816, %get3A_817] {strides = array<i32>} : memref<128x128xi32, #tpu.memory_space<vmem>>, vector<16xi32>,
          %bitcast3A_819 = vector.bitcast %get3A_818 : vector<16xi32> to vector<32xbf16>
          %mul3A_820 = arith.mulf %bitcast3A_813, %bitcast3A_819 : vector<32xbf16>
          %unpack3A_821 = tpu.unpack_subelements %mul3A_820, 0 {pack_format = #tpu.pack_format<interleaved>} : vector<32xbf16> -> vector<16xf32>
          %unpack3A_822 = tpu.unpack_subelements %mul3A_820, 1 {pack_format = #tpu.pack_format<interleaved>} : vector<32xbf16> -> vector<16xf32>
          %add3A_823 = arith.addf %add3A_808, %unpack3A_821 : vector<16xf32>
          %add3A_824 = arith.addf %add3A_809, %unpack3A_822 : vector<16xf32>
          %get3A_825 = arith.index_cast %add3A_790 : i32 to index
          %get3A_826 = arith.constant 32 : index
          %get3A_827 = tpu.vector_load %arg7[%get3A_825, %get3A_826] {strides = array<i32>} : memref<128x128xi32, #tpu.memory_space<vmem>>, vector<16xi32>,
          %bitcast3A_828 = vector.bitcast %get3A_827 : vector<16xi32> to vector<32xbf16>
          %add3A_829 = arith.constant 64 : i32
          %add3A_830 = arith.addi %add3A_829, %add3A_790 : i32
          %get3A_831 = arith.index_cast %add3A_830 : i32 to index
          %get3A_832 = arith.constant 32 : index
          %get3A_833 = tpu.vector_load %arg7[%get3A_831, %get3A_832] {strides = array<i32>} : memref<128x128xi32, #tpu.memory_space<vmem>>, vector<16xi32>,
          %bitcast3A_834 = vector.bitcast %get3A_833 : vector<16xi32> to vector<32xbf16>
          %mul3A_835 = arith.mulf %bitcast3A_828, %bitcast3A_834 : vector<32xbf16>
          %unpack3A_836 = tpu.unpack_subelements %mul3A_835, 0 {pack_format = #tpu.pack_format<interleaved>} : vector<32xbf16> -> vector<16xf32>
          %unpack3A_837 = tpu.unpack_subelements %mul3A_835, 1 {pack_format = #tpu.pack_format<interleaved>} : vector<32xbf16> -> vector<16xf32>
          %add3A_838 = arith.addf %add3A_823, %unpack3A_836 : vector<16xf32>
          %add3A_839 = arith.addf %add3A_824, %unpack3A_837 : vector<16xf32>
          %get3A_840 = arith.index_cast %add3A_790 : i32 to index
          %get3A_841 = arith.constant 48 : index
          %get3A_842 = tpu.vector_load %arg7[%get3A_840, %get3A_841] {strides = array<i32>} : memref<128x128xi32, #tpu.memory_space<vmem>>, vector<16xi32>,
          %bitcast3A_843 = vector.bitcast %get3A_842 : vector<16xi32> to vector<32xbf16>
          %add3A_844 = arith.constant 64 : i32
          %add3A_845 = arith.addi %add3A_844, %add3A_790 : i32
          %get3A_846 = arith.index_cast %add3A_845 : i32 to index
          %get3A_847 = arith.constant 48 : index
          %get3A_848 = tpu.vector_load %arg7[%get3A_846, %get3A_847] {strides = array<i32>} : memref<128x128xi32, #tpu.memory_space<vmem>>, vector<16xi32>,
          %bitcast3A_849 = vector.bitcast %get3A_848 : vector<16xi32> to vector<32xbf16>
          %mul3A_850 = arith.mulf %bitcast3A_843, %bitcast3A_849 : vector<32xbf16>
          %unpack3A_851 = tpu.unpack_subelements %mul3A_850, 0 {pack_format = #tpu.pack_format<interleaved>} : vector<32xbf16> -> vector<16xf32>
          %unpack3A_852 = tpu.unpack_subelements %mul3A_850, 1 {pack_format = #tpu.pack_format<interleaved>} : vector<32xbf16> -> vector<16xf32>
          %add3A_853 = arith.addf %add3A_838, %unpack3A_851 : vector<16xf32>
          %add3A_854 = arith.addf %add3A_839, %unpack3A_852 : vector<16xf32>
          %add3A_855 = arith.addf %add3A_853, %add3A_854 : vector<16xf32>
          %swap3A_856 = arith.constant 9 : i32
          %swap3A_857 = arith.index_cast %swap3A_856 : i32 to index
          %swap3A_858 = arith.constant 0 : index
          %swap3A_859 = tpu.vector_load %arg11[%swap3A_857, %swap3A_858] {strides = array<i32>} : memref<16x24xf32, #tpu.memory_space<vmem>>, vector<16xf32>,
          tpu.vector_store %arg11[%swap3A_857, %swap3A_858], %add3A_855 {strides = array<i32>} : memref<16x24xf32, #tpu.memory_space<vmem>>, vector<16xf32>,
          %mul3A_860 = arith.constant 16 : i32
          %mul3A_861 = arith.muli %scan3A_133, %mul3A_860 : i32
          %add3A_862 = arith.constant 10 : i32
          %add3A_863 = arith.addi %mul3A_861, %add3A_862 : i32
          %broadcast_in_dim3A_864 = arith.constant 0.000000e+00 : f32
          %broadcast_in_dim3A_865 = vector.broadcast %broadcast_in_dim3A_864 : f32 to vector<16xf32>
          %broadcast_in_dim3A_866 = arith.constant 0.000000e+00 : f32
          %broadcast_in_dim3A_867 = vector.broadcast %broadcast_in_dim3A_866 : f32 to vector<16xf32>
          %get3A_868 = arith.index_cast %add3A_863 : i32 to index
          %get3A_869 = arith.constant 0 : index
          %get3A_870 = tpu.vector_load %arg7[%get3A_868, %get3A_869] {strides = array<i32>} : memref<128x128xi32, #tpu.memory_space<vmem>>, vector<16xi32>,
          %bitcast3A_871 = vector.bitcast %get3A_870 : vector<16xi32> to vector<32xbf16>
          %add3A_872 = arith.constant 64 : i32
          %add3A_873 = arith.addi %add3A_872, %add3A_863 : i32
          %get3A_874 = arith.index_cast %add3A_873 : i32 to index
          %get3A_875 = arith.constant 0 : index
          %get3A_876 = tpu.vector_load %arg7[%get3A_874, %get3A_875] {strides = array<i32>} : memref<128x128xi32, #tpu.memory_space<vmem>>, vector<16xi32>,
          %bitcast3A_877 = vector.bitcast %get3A_876 : vector<16xi32> to vector<32xbf16>
          %mul3A_878 = arith.mulf %bitcast3A_871, %bitcast3A_877 : vector<32xbf16>
          %unpack3A_879 = tpu.unpack_subelements %mul3A_878, 0 {pack_format = #tpu.pack_format<interleaved>} : vector<32xbf16> -> vector<16xf32>
          %unpack3A_880 = tpu.unpack_subelements %mul3A_878, 1 {pack_format = #tpu.pack_format<interleaved>} : vector<32xbf16> -> vector<16xf32>
          %add3A_881 = arith.addf %broadcast_in_dim3A_865, %unpack3A_879 : vector<16xf32>
          %add3A_882 = arith.addf %broadcast_in_dim3A_867, %unpack3A_880 : vector<16xf32>
          %get3A_883 = arith.index_cast %add3A_863 : i32 to index
          %get3A_884 = arith.constant 16 : index
          %get3A_885 = tpu.vector_load %arg7[%get3A_883, %get3A_884] {strides = array<i32>} : memref<128x128xi32, #tpu.memory_space<vmem>>, vector<16xi32>,
          %bitcast3A_886 = vector.bitcast %get3A_885 : vector<16xi32> to vector<32xbf16>
          %add3A_887 = arith.constant 64 : i32
          %add3A_888 = arith.addi %add3A_887, %add3A_863 : i32
          %get3A_889 = arith.index_cast %add3A_888 : i32 to index
          %get3A_890 = arith.constant 16 : index
          %get3A_891 = tpu.vector_load %arg7[%get3A_889, %get3A_890] {strides = array<i32>} : memref<128x128xi32, #tpu.memory_space<vmem>>, vector<16xi32>,
          %bitcast3A_892 = vector.bitcast %get3A_891 : vector<16xi32> to vector<32xbf16>
          %mul3A_893 = arith.mulf %bitcast3A_886, %bitcast3A_892 : vector<32xbf16>
          %unpack3A_894 = tpu.unpack_subelements %mul3A_893, 0 {pack_format = #tpu.pack_format<interleaved>} : vector<32xbf16> -> vector<16xf32>
          %unpack3A_895 = tpu.unpack_subelements %mul3A_893, 1 {pack_format = #tpu.pack_format<interleaved>} : vector<32xbf16> -> vector<16xf32>
          %add3A_896 = arith.addf %add3A_881, %unpack3A_894 : vector<16xf32>
          %add3A_897 = arith.addf %add3A_882, %unpack3A_895 : vector<16xf32>
          %get3A_898 = arith.index_cast %add3A_863 : i32 to index
          %get3A_899 = arith.constant 32 : index
          %get3A_900 = tpu.vector_load %arg7[%get3A_898, %get3A_899] {strides = array<i32>} : memref<128x128xi32, #tpu.memory_space<vmem>>, vector<16xi32>,
          %bitcast3A_901 = vector.bitcast %get3A_900 : vector<16xi32> to vector<32xbf16>
          %add3A_902 = arith.constant 64 : i32
          %add3A_903 = arith.addi %add3A_902, %add3A_863 : i32
          %get3A_904 = arith.index_cast %add3A_903 : i32 to index
          %get3A_905 = arith.constant 32 : index
          %get3A_906 = tpu.vector_load %arg7[%get3A_904, %get3A_905] {strides = array<i32>} : memref<128x128xi32, #tpu.memory_space<vmem>>, vector<16xi32>,
          %bitcast3A_907 = vector.bitcast %get3A_906 : vector<16xi32> to vector<32xbf16>
          %mul3A_908 = arith.mulf %bitcast3A_901, %bitcast3A_907 : vector<32xbf16>
          %unpack3A_909 = tpu.unpack_subelements %mul3A_908, 0 {pack_format = #tpu.pack_format<interleaved>} : vector<32xbf16> -> vector<16xf32>
          %unpack3A_910 = tpu.unpack_subelements %mul3A_908, 1 {pack_format = #tpu.pack_format<interleaved>} : vector<32xbf16> -> vector<16xf32>
          %add3A_911 = arith.addf %add3A_896, %unpack3A_909 : vector<16xf32>
          %add3A_912 = arith.addf %add3A_897, %unpack3A_910 : vector<16xf32>
          %get3A_913 = arith.index_cast %add3A_863 : i32 to index
          %get3A_914 = arith.constant 48 : index
          %get3A_915 = tpu.vector_load %arg7[%get3A_913, %get3A_914] {strides = array<i32>} : memref<128x128xi32, #tpu.memory_space<vmem>>, vector<16xi32>,
          %bitcast3A_916 = vector.bitcast %get3A_915 : vector<16xi32> to vector<32xbf16>
          %add3A_917 = arith.constant 64 : i32
          %add3A_918 = arith.addi %add3A_917, %add3A_863 : i32
          %get3A_919 = arith.index_cast %add3A_918 : i32 to index
          %get3A_920 = arith.constant 48 : index
          %get3A_921 = tpu.vector_load %arg7[%get3A_919, %get3A_920] {strides = array<i32>} : memref<128x128xi32, #tpu.memory_space<vmem>>, vector<16xi32>,
          %bitcast3A_922 = vector.bitcast %get3A_921 : vector<16xi32> to vector<32xbf16>
          %mul3A_923 = arith.mulf %bitcast3A_916, %bitcast3A_922 : vector<32xbf16>
          %unpack3A_924 = tpu.unpack_subelements %mul3A_923, 0 {pack_format = #tpu.pack_format<interleaved>} : vector<32xbf16> -> vector<16xf32>
          %unpack3A_925 = tpu.unpack_subelements %mul3A_923, 1 {pack_format = #tpu.pack_format<interleaved>} : vector<32xbf16> -> vector<16xf32>
          %add3A_926 = arith.addf %add3A_911, %unpack3A_924 : vector<16xf32>
          %add3A_927 = arith.addf %add3A_912, %unpack3A_925 : vector<16xf32>
          %add3A_928 = arith.addf %add3A_926, %add3A_927 : vector<16xf32>
          %swap3A_929 = arith.constant 10 : i32
          %swap3A_930 = arith.index_cast %swap3A_929 : i32 to index
          %swap3A_931 = arith.constant 0 : index
          %swap3A_932 = tpu.vector_load %arg11[%swap3A_930, %swap3A_931] {strides = array<i32>} : memref<16x24xf32, #tpu.memory_space<vmem>>, vector<16xf32>,
          tpu.vector_store %arg11[%swap3A_930, %swap3A_931], %add3A_928 {strides = array<i32>} : memref<16x24xf32, #tpu.memory_space<vmem>>, vector<16xf32>,
          %mul3A_933 = arith.constant 16 : i32
          %mul3A_934 = arith.muli %scan3A_133, %mul3A_933 : i32
          %add3A_935 = arith.constant 11 : i32
          %add3A_936 = arith.addi %mul3A_934, %add3A_935 : i32
          %broadcast_in_dim3A_937 = arith.constant 0.000000e+00 : f32
          %broadcast_in_dim3A_938 = vector.broadcast %broadcast_in_dim3A_937 : f32 to vector<16xf32>
          %broadcast_in_dim3A_939 = arith.constant 0.000000e+00 : f32
          %broadcast_in_dim3A_940 = vector.broadcast %broadcast_in_dim3A_939 : f32 to vector<16xf32>
          %get3A_941 = arith.index_cast %add3A_936 : i32 to index
          %get3A_942 = arith.constant 0 : index
          %get3A_943 = tpu.vector_load %arg7[%get3A_941, %get3A_942] {strides = array<i32>} : memref<128x128xi32, #tpu.memory_space<vmem>>, vector<16xi32>,
          %bitcast3A_944 = vector.bitcast %get3A_943 : vector<16xi32> to vector<32xbf16>
          %add3A_945 = arith.constant 64 : i32
          %add3A_946 = arith.addi %add3A_945, %add3A_936 : i32
          %get3A_947 = arith.index_cast %add3A_946 : i32 to index
          %get3A_948 = arith.constant 0 : index
          %get3A_949 = tpu.vector_load %arg7[%get3A_947, %get3A_948] {strides = array<i32>} : memref<128x128xi32, #tpu.memory_space<vmem>>, vector<16xi32>,
          %bitcast3A_950 = vector.bitcast %get3A_949 : vector<16xi32> to vector<32xbf16>
          %mul3A_951 = arith.mulf %bitcast3A_944, %bitcast3A_950 : vector<32xbf16>
          %unpack3A_952 = tpu.unpack_subelements %mul3A_951, 0 {pack_format = #tpu.pack_format<interleaved>} : vector<32xbf16> -> vector<16xf32>
          %unpack3A_953 = tpu.unpack_subelements %mul3A_951, 1 {pack_format = #tpu.pack_format<interleaved>} : vector<32xbf16> -> vector<16xf32>
          %add3A_954 = arith.addf %broadcast_in_dim3A_938, %unpack3A_952 : vector<16xf32>
          %add3A_955 = arith.addf %broadcast_in_dim3A_940, %unpack3A_953 : vector<16xf32>
          %get3A_956 = arith.index_cast %add3A_936 : i32 to index
          %get3A_957 = arith.constant 16 : index
          %get3A_958 = tpu.vector_load %arg7[%get3A_956, %get3A_957] {strides = array<i32>} : memref<128x128xi32, #tpu.memory_space<vmem>>, vector<16xi32>,
          %bitcast3A_959 = vector.bitcast %get3A_958 : vector<16xi32> to vector<32xbf16>
          %add3A_960 = arith.constant 64 : i32
          %add3A_961 = arith.addi %add3A_960, %add3A_936 : i32
          %get3A_962 = arith.index_cast %add3A_961 : i32 to index
          %get3A_963 = arith.constant 16 : index
          %get3A_964 = tpu.vector_load %arg7[%get3A_962, %get3A_963] {strides = array<i32>} : memref<128x128xi32, #tpu.memory_space<vmem>>, vector<16xi32>,
          %bitcast3A_965 = vector.bitcast %get3A_964 : vector<16xi32> to vector<32xbf16>
          %mul3A_966 = arith.mulf %bitcast3A_959, %bitcast3A_965 : vector<32xbf16>
          %unpack3A_967 = tpu.unpack_subelements %mul3A_966, 0 {pack_format = #tpu.pack_format<interleaved>} : vector<32xbf16> -> vector<16xf32>
          %unpack3A_968 = tpu.unpack_subelements %mul3A_966, 1 {pack_format = #tpu.pack_format<interleaved>} : vector<32xbf16> -> vector<16xf32>
          %add3A_969 = arith.addf %add3A_954, %unpack3A_967 : vector<16xf32>
          %add3A_970 = arith.addf %add3A_955, %unpack3A_968 : vector<16xf32>
          %get3A_971 = arith.index_cast %add3A_936 : i32 to index
          %get3A_972 = arith.constant 32 : index
          %get3A_973 = tpu.vector_load %arg7[%get3A_971, %get3A_972] {strides = array<i32>} : memref<128x128xi32, #tpu.memory_space<vmem>>, vector<16xi32>,
          %bitcast3A_974 = vector.bitcast %get3A_973 : vector<16xi32> to vector<32xbf16>
          %add3A_975 = arith.constant 64 : i32
          %add3A_976 = arith.addi %add3A_975, %add3A_936 : i32
          %get3A_977 = arith.index_cast %add3A_976 : i32 to index
          %get3A_978 = arith.constant 32 : index
          %get3A_979 = tpu.vector_load %arg7[%get3A_977, %get3A_978] {strides = array<i32>} : memref<128x128xi32, #tpu.memory_space<vmem>>, vector<16xi32>,
          %bitcast3A_980 = vector.bitcast %get3A_979 : vector<16xi32> to vector<32xbf16>
          %mul3A_981 = arith.mulf %bitcast3A_974, %bitcast3A_980 : vector<32xbf16>
          %unpack3A_982 = tpu.unpack_subelements %mul3A_981, 0 {pack_format = #tpu.pack_format<interleaved>} : vector<32xbf16> -> vector<16xf32>
          %unpack3A_983 = tpu.unpack_subelements %mul3A_981, 1 {pack_format = #tpu.pack_format<interleaved>} : vector<32xbf16> -> vector<16xf32>
          %add3A_984 = arith.addf %add3A_969, %unpack3A_982 : vector<16xf32>
          %add3A_985 = arith.addf %add3A_970, %unpack3A_983 : vector<16xf32>
          %get3A_986 = arith.index_cast %add3A_936 : i32 to index
          %get3A_987 = arith.constant 48 : index
          %get3A_988 = tpu.vector_load %arg7[%get3A_986, %get3A_987] {strides = array<i32>} : memref<128x128xi32, #tpu.memory_space<vmem>>, vector<16xi32>,
          %bitcast3A_989 = vector.bitcast %get3A_988 : vector<16xi32> to vector<32xbf16>
          %add3A_990 = arith.constant 64 : i32
          %add3A_991 = arith.addi %add3A_990, %add3A_936 : i32
          %get3A_992 = arith.index_cast %add3A_991 : i32 to index
          %get3A_993 = arith.constant 48 : index
          %get3A_994 = tpu.vector_load %arg7[%get3A_992, %get3A_993] {strides = array<i32>} : memref<128x128xi32, #tpu.memory_space<vmem>>, vector<16xi32>,
          %bitcast3A_995 = vector.bitcast %get3A_994 : vector<16xi32> to vector<32xbf16>
          %mul3A_996 = arith.mulf %bitcast3A_989, %bitcast3A_995 : vector<32xbf16>
          %unpack3A_997 = tpu.unpack_subelements %mul3A_996, 0 {pack_format = #tpu.pack_format<interleaved>} : vector<32xbf16> -> vector<16xf32>
          %unpack3A_998 = tpu.unpack_subelements %mul3A_996, 1 {pack_format = #tpu.pack_format<interleaved>} : vector<32xbf16> -> vector<16xf32>
          %add3A_999 = arith.addf %add3A_984, %unpack3A_997 : vector<16xf32>
          %add3A_1000 = arith.addf %add3A_985, %unpack3A_998 : vector<16xf32>
          %add3A_1001 = arith.addf %add3A_999, %add3A_1000 : vector<16xf32>
          %swap3A_1002 = arith.constant 11 : i32
          %swap3A_1003 = arith.index_cast %swap3A_1002 : i32 to index
          %swap3A_1004 = arith.constant 0 : index
          %swap3A_1005 = tpu.vector_load %arg11[%swap3A_1003, %swap3A_1004] {strides = array<i32>} : memref<16x24xf32, #tpu.memory_space<vmem>>, vector<16xf32>,
          tpu.vector_store %arg11[%swap3A_1003, %swap3A_1004], %add3A_1001 {strides = array<i32>} : memref<16x24xf32, #tpu.memory_space<vmem>>, vector<16xf32>,
          %mul3A_1006 = arith.constant 16 : i32
          %mul3A_1007 = arith.muli %scan3A_133, %mul3A_1006 : i32
          %add3A_1008 = arith.constant 12 : i32
          %add3A_1009 = arith.addi %mul3A_1007, %add3A_1008 : i32
          %broadcast_in_dim3A_1010 = arith.constant 0.000000e+00 : f32
          %broadcast_in_dim3A_1011 = vector.broadcast %broadcast_in_dim3A_1010 : f32 to vector<16xf32>
          %broadcast_in_dim3A_1012 = arith.constant 0.000000e+00 : f32
          %broadcast_in_dim3A_1013 = vector.broadcast %broadcast_in_dim3A_1012 : f32 to vector<16xf32>
          %get3A_1014 = arith.index_cast %add3A_1009 : i32 to index
          %get3A_1015 = arith.constant 0 : index
          %get3A_1016 = tpu.vector_load %arg7[%get3A_1014, %get3A_1015] {strides = array<i32>} : memref<128x128xi32, #tpu.memory_space<vmem>>, vector<16xi32>,
          %bitcast3A_1017 = vector.bitcast %get3A_1016 : vector<16xi32> to vector<32xbf16>
          %add3A_1018 = arith.constant 64 : i32
          %add3A_1019 = arith.addi %add3A_1018, %add3A_1009 : i32
          %get3A_1020 = arith.index_cast %add3A_1019 : i32 to index
          %get3A_1021 = arith.constant 0 : index
          %get3A_1022 = tpu.vector_load %arg7[%get3A_1020, %get3A_1021] {strides = array<i32>} : memref<128x128xi32, #tpu.memory_space<vmem>>, vector<16xi32>,
          %bitcast3A_1023 = vector.bitcast %get3A_1022 : vector<16xi32> to vector<32xbf16>
          %mul3A_1024 = arith.mulf %bitcast3A_1017, %bitcast3A_1023 : vector<32xbf16>
          %unpack3A_1025 = tpu.unpack_subelements %mul3A_1024, 0 {pack_format = #tpu.pack_format<interleaved>} : vector<32xbf16> -> vector<16xf32>
          %unpack3A_1026 = tpu.unpack_subelements %mul3A_1024, 1 {pack_format = #tpu.pack_format<interleaved>} : vector<32xbf16> -> vector<16xf32>
          %add3A_1027 = arith.addf %broadcast_in_dim3A_1011, %unpack3A_1025 : vector<16xf32>
          %add3A_1028 = arith.addf %broadcast_in_dim3A_1013, %unpack3A_1026 : vector<16xf32>
          %get3A_1029 = arith.index_cast %add3A_1009 : i32 to index
          %get3A_1030 = arith.constant 16 : index
          %get3A_1031 = tpu.vector_load %arg7[%get3A_1029, %get3A_1030] {strides = array<i32>} : memref<128x128xi32, #tpu.memory_space<vmem>>, vector<16xi32>,
          %bitcast3A_1032 = vector.bitcast %get3A_1031 : vector<16xi32> to vector<32xbf16>
          %add3A_1033 = arith.constant 64 : i32
          %add3A_1034 = arith.addi %add3A_1033, %add3A_1009 : i32
          %get3A_1035 = arith.index_cast %add3A_1034 : i32 to index
          %get3A_1036 = arith.constant 16 : index
          %get3A_1037 = tpu.vector_load %arg7[%get3A_1035, %get3A_1036] {strides = array<i32>} : memref<128x128xi32, #tpu.memory_space<vmem>>, vector<16xi32>,
          %bitcast3A_1038 = vector.bitcast %get3A_1037 : vector<16xi32> to vector<32xbf16>
          %mul3A_1039 = arith.mulf %bitcast3A_1032, %bitcast3A_1038 : vector<32xbf16>
          %unpack3A_1040 = tpu.unpack_subelements %mul3A_1039, 0 {pack_format = #tpu.pack_format<interleaved>} : vector<32xbf16> -> vector<16xf32>
          %unpack3A_1041 = tpu.unpack_subelements %mul3A_1039, 1 {pack_format = #tpu.pack_format<interleaved>} : vector<32xbf16> -> vector<16xf32>
          %add3A_1042 = arith.addf %add3A_1027, %unpack3A_1040 : vector<16xf32>
          %add3A_1043 = arith.addf %add3A_1028, %unpack3A_1041 : vector<16xf32>
          %get3A_1044 = arith.index_cast %add3A_1009 : i32 to index
          %get3A_1045 = arith.constant 32 : index
          %get3A_1046 = tpu.vector_load %arg7[%get3A_1044, %get3A_1045] {strides = array<i32>} : memref<128x128xi32, #tpu.memory_space<vmem>>, vector<16xi32>,
          %bitcast3A_1047 = vector.bitcast %get3A_1046 : vector<16xi32> to vector<32xbf16>
          %add3A_1048 = arith.constant 64 : i32
          %add3A_1049 = arith.addi %add3A_1048, %add3A_1009 : i32
          %get3A_1050 = arith.index_cast %add3A_1049 : i32 to index
          %get3A_1051 = arith.constant 32 : index
          %get3A_1052 = tpu.vector_load %arg7[%get3A_1050, %get3A_1051] {strides = array<i32>} : memref<128x128xi32, #tpu.memory_space<vmem>>, vector<16xi32>,
          %bitcast3A_1053 = vector.bitcast %get3A_1052 : vector<16xi32> to vector<32xbf16>
          %mul3A_1054 = arith.mulf %bitcast3A_1047, %bitcast3A_1053 : vector<32xbf16>
          %unpack3A_1055 = tpu.unpack_subelements %mul3A_1054, 0 {pack_format = #tpu.pack_format<interleaved>} : vector<32xbf16> -> vector<16xf32>
          %unpack3A_1056 = tpu.unpack_subelements %mul3A_1054, 1 {pack_format = #tpu.pack_format<interleaved>} : vector<32xbf16> -> vector<16xf32>
          %add3A_1057 = arith.addf %add3A_1042, %unpack3A_1055 : vector<16xf32>
          %add3A_1058 = arith.addf %add3A_1043, %unpack3A_1056 : vector<16xf32>
          %get3A_1059 = arith.index_cast %add3A_1009 : i32 to index
          %get3A_1060 = arith.constant 48 : index
          %get3A_1061 = tpu.vector_load %arg7[%get3A_1059, %get3A_1060] {strides = array<i32>} : memref<128x128xi32, #tpu.memory_space<vmem>>, vector<16xi32>,
          %bitcast3A_1062 = vector.bitcast %get3A_1061 : vector<16xi32> to vector<32xbf16>
          %add3A_1063 = arith.constant 64 : i32
          %add3A_1064 = arith.addi %add3A_1063, %add3A_1009 : i32
          %get3A_1065 = arith.index_cast %add3A_1064 : i32 to index
          %get3A_1066 = arith.constant 48 : index
          %get3A_1067 = tpu.vector_load %arg7[%get3A_1065, %get3A_1066] {strides = array<i32>} : memref<128x128xi32, #tpu.memory_space<vmem>>, vector<16xi32>,
          %bitcast3A_1068 = vector.bitcast %get3A_1067 : vector<16xi32> to vector<32xbf16>
          %mul3A_1069 = arith.mulf %bitcast3A_1062, %bitcast3A_1068 : vector<32xbf16>
          %unpack3A_1070 = tpu.unpack_subelements %mul3A_1069, 0 {pack_format = #tpu.pack_format<interleaved>} : vector<32xbf16> -> vector<16xf32>
          %unpack3A_1071 = tpu.unpack_subelements %mul3A_1069, 1 {pack_format = #tpu.pack_format<interleaved>} : vector<32xbf16> -> vector<16xf32>
          %add3A_1072 = arith.addf %add3A_1057, %unpack3A_1070 : vector<16xf32>
          %add3A_1073 = arith.addf %add3A_1058, %unpack3A_1071 : vector<16xf32>
          %add3A_1074 = arith.addf %add3A_1072, %add3A_1073 : vector<16xf32>
          %swap3A_1075 = arith.constant 12 : i32
          %swap3A_1076 = arith.index_cast %swap3A_1075 : i32 to index
          %swap3A_1077 = arith.constant 0 : index
          %swap3A_1078 = tpu.vector_load %arg11[%swap3A_1076, %swap3A_1077] {strides = array<i32>} : memref<16x24xf32, #tpu.memory_space<vmem>>, vector<16xf32>,
          tpu.vector_store %arg11[%swap3A_1076, %swap3A_1077], %add3A_1074 {strides = array<i32>} : memref<16x24xf32, #tpu.memory_space<vmem>>, vector<16xf32>,
          %mul3A_1079 = arith.constant 16 : i32
          %mul3A_1080 = arith.muli %scan3A_133, %mul3A_1079 : i32
          %add3A_1081 = arith.constant 13 : i32
          %add3A_1082 = arith.addi %mul3A_1080, %add3A_1081 : i32
          %broadcast_in_dim3A_1083 = arith.constant 0.000000e+00 : f32
          %broadcast_in_dim3A_1084 = vector.broadcast %broadcast_in_dim3A_1083 : f32 to vector<16xf32>
          %broadcast_in_dim3A_1085 = arith.constant 0.000000e+00 : f32
          %broadcast_in_dim3A_1086 = vector.broadcast %broadcast_in_dim3A_1085 : f32 to vector<16xf32>
          %get3A_1087 = arith.index_cast %add3A_1082 : i32 to index
          %get3A_1088 = arith.constant 0 : index
          %get3A_1089 = tpu.vector_load %arg7[%get3A_1087, %get3A_1088] {strides = array<i32>} : memref<128x128xi32, #tpu.memory_space<vmem>>, vector<16xi32>,
          %bitcast3A_1090 = vector.bitcast %get3A_1089 : vector<16xi32> to vector<32xbf16>
          %add3A_1091 = arith.constant 64 : i32
          %add3A_1092 = arith.addi %add3A_1091, %add3A_1082 : i32
          %get3A_1093 = arith.index_cast %add3A_1092 : i32 to index
          %get3A_1094 = arith.constant 0 : index
          %get3A_1095 = tpu.vector_load %arg7[%get3A_1093, %get3A_1094] {strides = array<i32>} : memref<128x128xi32, #tpu.memory_space<vmem>>, vector<16xi32>,
          %bitcast3A_1096 = vector.bitcast %get3A_1095 : vector<16xi32> to vector<32xbf16>
          %mul3A_1097 = arith.mulf %bitcast3A_1090, %bitcast3A_1096 : vector<32xbf16>
          %unpack3A_1098 = tpu.unpack_subelements %mul3A_1097, 0 {pack_format = #tpu.pack_format<interleaved>} : vector<32xbf16> -> vector<16xf32>
          %unpack3A_1099 = tpu.unpack_subelements %mul3A_1097, 1 {pack_format = #tpu.pack_format<interleaved>} : vector<32xbf16> -> vector<16xf32>
          %add3A_1100 = arith.addf %broadcast_in_dim3A_1084, %unpack3A_1098 : vector<16xf32>
          %add3A_1101 = arith.addf %broadcast_in_dim3A_1086, %unpack3A_1099 : vector<16xf32>
          %get3A_1102 = arith.index_cast %add3A_1082 : i32 to index
          %get3A_1103 = arith.constant 16 : index
          %get3A_1104 = tpu.vector_load %arg7[%get3A_1102, %get3A_1103] {strides = array<i32>} : memref<128x128xi32, #tpu.memory_space<vmem>>, vector<16xi32>,
          %bitcast3A_1105 = vector.bitcast %get3A_1104 : vector<16xi32> to vector<32xbf16>
          %add3A_1106 = arith.constant 64 : i32
          %add3A_1107 = arith.addi %add3A_1106, %add3A_1082 : i32
          %get3A_1108 = arith.index_cast %add3A_1107 : i32 to index
          %get3A_1109 = arith.constant 16 : index
          %get3A_1110 = tpu.vector_load %arg7[%get3A_1108, %get3A_1109] {strides = array<i32>} : memref<128x128xi32, #tpu.memory_space<vmem>>, vector<16xi32>,
          %bitcast3A_1111 = vector.bitcast %get3A_1110 : vector<16xi32> to vector<32xbf16>
          %mul3A_1112 = arith.mulf %bitcast3A_1105, %bitcast3A_1111 : vector<32xbf16>
          %unpack3A_1113 = tpu.unpack_subelements %mul3A_1112, 0 {pack_format = #tpu.pack_format<interleaved>} : vector<32xbf16> -> vector<16xf32>
          %unpack3A_1114 = tpu.unpack_subelements %mul3A_1112, 1 {pack_format = #tpu.pack_format<interleaved>} : vector<32xbf16> -> vector<16xf32>
          %add3A_1115 = arith.addf %add3A_1100, %unpack3A_1113 : vector<16xf32>
          %add3A_1116 = arith.addf %add3A_1101, %unpack3A_1114 : vector<16xf32>
          %get3A_1117 = arith.index_cast %add3A_1082 : i32 to index
          %get3A_1118 = arith.constant 32 : index
          %get3A_1119 = tpu.vector_load %arg7[%get3A_1117, %get3A_1118] {strides = array<i32>} : memref<128x128xi32, #tpu.memory_space<vmem>>, vector<16xi32>,
          %bitcast3A_1120 = vector.bitcast %get3A_1119 : vector<16xi32> to vector<32xbf16>
          %add3A_1121 = arith.constant 64 : i32
          %add3A_1122 = arith.addi %add3A_1121, %add3A_1082 : i32
          %get3A_1123 = arith.index_cast %add3A_1122 : i32 to index
          %get3A_1124 = arith.constant 32 : index
          %get3A_1125 = tpu.vector_load %arg7[%get3A_1123, %get3A_1124] {strides = array<i32>} : memref<128x128xi32, #tpu.memory_space<vmem>>, vector<16xi32>,
          %bitcast3A_1126 = vector.bitcast %get3A_1125 : vector<16xi32> to vector<32xbf16>
          %mul3A_1127 = arith.mulf %bitcast3A_1120, %bitcast3A_1126 : vector<32xbf16>
          %unpack3A_1128 = tpu.unpack_subelements %mul3A_1127, 0 {pack_format = #tpu.pack_format<interleaved>} : vector<32xbf16> -> vector<16xf32>
          %unpack3A_1129 = tpu.unpack_subelements %mul3A_1127, 1 {pack_format = #tpu.pack_format<interleaved>} : vector<32xbf16> -> vector<16xf32>
          %add3A_1130 = arith.addf %add3A_1115, %unpack3A_1128 : vector<16xf32>
          %add3A_1131 = arith.addf %add3A_1116, %unpack3A_1129 : vector<16xf32>
          %get3A_1132 = arith.index_cast %add3A_1082 : i32 to index
          %get3A_1133 = arith.constant 48 : index
          %get3A_1134 = tpu.vector_load %arg7[%get3A_1132, %get3A_1133] {strides = array<i32>} : memref<128x128xi32, #tpu.memory_space<vmem>>, vector<16xi32>,
          %bitcast3A_1135 = vector.bitcast %get3A_1134 : vector<16xi32> to vector<32xbf16>
          %add3A_1136 = arith.constant 64 : i32
          %add3A_1137 = arith.addi %add3A_1136, %add3A_1082 : i32
          %get3A_1138 = arith.index_cast %add3A_1137 : i32 to index
          %get3A_1139 = arith.constant 48 : index
          %get3A_1140 = tpu.vector_load %arg7[%get3A_1138, %get3A_1139] {strides = array<i32>} : memref<128x128xi32, #tpu.memory_space<vmem>>, vector<16xi32>,
          %bitcast3A_1141 = vector.bitcast %get3A_1140 : vector<16xi32> to vector<32xbf16>
          %mul3A_1142 = arith.mulf %bitcast3A_1135, %bitcast3A_1141 : vector<32xbf16>
          %unpack3A_1143 = tpu.unpack_subelements %mul3A_1142, 0 {pack_format = #tpu.pack_format<interleaved>} : vector<32xbf16> -> vector<16xf32>
          %unpack3A_1144 = tpu.unpack_subelements %mul3A_1142, 1 {pack_format = #tpu.pack_format<interleaved>} : vector<32xbf16> -> vector<16xf32>
          %add3A_1145 = arith.addf %add3A_1130, %unpack3A_1143 : vector<16xf32>
          %add3A_1146 = arith.addf %add3A_1131, %unpack3A_1144 : vector<16xf32>
          %add3A_1147 = arith.addf %add3A_1145, %add3A_1146 : vector<16xf32>
          %swap3A_1148 = arith.constant 13 : i32
          %swap3A_1149 = arith.index_cast %swap3A_1148 : i32 to index
          %swap3A_1150 = arith.constant 0 : index
          %swap3A_1151 = tpu.vector_load %arg11[%swap3A_1149, %swap3A_1150] {strides = array<i32>} : memref<16x24xf32, #tpu.memory_space<vmem>>, vector<16xf32>,
          tpu.vector_store %arg11[%swap3A_1149, %swap3A_1150], %add3A_1147 {strides = array<i32>} : memref<16x24xf32, #tpu.memory_space<vmem>>, vector<16xf32>,
          %mul3A_1152 = arith.constant 16 : i32
          %mul3A_1153 = arith.muli %scan3A_133, %mul3A_1152 : i32
          %add3A_1154 = arith.constant 14 : i32
          %add3A_1155 = arith.addi %mul3A_1153, %add3A_1154 : i32
          %broadcast_in_dim3A_1156 = arith.constant 0.000000e+00 : f32
          %broadcast_in_dim3A_1157 = vector.broadcast %broadcast_in_dim3A_1156 : f32 to vector<16xf32>
          %broadcast_in_dim3A_1158 = arith.constant 0.000000e+00 : f32
          %broadcast_in_dim3A_1159 = vector.broadcast %broadcast_in_dim3A_1158 : f32 to vector<16xf32>
          %get3A_1160 = arith.index_cast %add3A_1155 : i32 to index
          %get3A_1161 = arith.constant 0 : index
          %get3A_1162 = tpu.vector_load %arg7[%get3A_1160, %get3A_1161] {strides = array<i32>} : memref<128x128xi32, #tpu.memory_space<vmem>>, vector<16xi32>,
          %bitcast3A_1163 = vector.bitcast %get3A_1162 : vector<16xi32> to vector<32xbf16>
          %add3A_1164 = arith.constant 64 : i32
          %add3A_1165 = arith.addi %add3A_1164, %add3A_1155 : i32
          %get3A_1166 = arith.index_cast %add3A_1165 : i32 to index
          %get3A_1167 = arith.constant 0 : index
          %get3A_1168 = tpu.vector_load %arg7[%get3A_1166, %get3A_1167] {strides = array<i32>} : memref<128x128xi32, #tpu.memory_space<vmem>>, vector<16xi32>,
          %bitcast3A_1169 = vector.bitcast %get3A_1168 : vector<16xi32> to vector<32xbf16>
          %mul3A_1170 = arith.mulf %bitcast3A_1163, %bitcast3A_1169 : vector<32xbf16>
          %unpack3A_1171 = tpu.unpack_subelements %mul3A_1170, 0 {pack_format = #tpu.pack_format<interleaved>} : vector<32xbf16> -> vector<16xf32>
          %unpack3A_1172 = tpu.unpack_subelements %mul3A_1170, 1 {pack_format = #tpu.pack_format<interleaved>} : vector<32xbf16> -> vector<16xf32>
          %add3A_1173 = arith.addf %broadcast_in_dim3A_1157, %unpack3A_1171 : vector<16xf32>
          %add3A_1174 = arith.addf %broadcast_in_dim3A_1159, %unpack3A_1172 : vector<16xf32>
          %get3A_1175 = arith.index_cast %add3A_1155 : i32 to index
          %get3A_1176 = arith.constant 16 : index
          %get3A_1177 = tpu.vector_load %arg7[%get3A_1175, %get3A_1176] {strides = array<i32>} : memref<128x128xi32, #tpu.memory_space<vmem>>, vector<16xi32>,
          %bitcast3A_1178 = vector.bitcast %get3A_1177 : vector<16xi32> to vector<32xbf16>
          %add3A_1179 = arith.constant 64 : i32
          %add3A_1180 = arith.addi %add3A_1179, %add3A_1155 : i32
          %get3A_1181 = arith.index_cast %add3A_1180 : i32 to index
          %get3A_1182 = arith.constant 16 : index
          %get3A_1183 = tpu.vector_load %arg7[%get3A_1181, %get3A_1182] {strides = array<i32>} : memref<128x128xi32, #tpu.memory_space<vmem>>, vector<16xi32>,
          %bitcast3A_1184 = vector.bitcast %get3A_1183 : vector<16xi32> to vector<32xbf16>
          %mul3A_1185 = arith.mulf %bitcast3A_1178, %bitcast3A_1184 : vector<32xbf16>
          %unpack3A_1186 = tpu.unpack_subelements %mul3A_1185, 0 {pack_format = #tpu.pack_format<interleaved>} : vector<32xbf16> -> vector<16xf32>
          %unpack3A_1187 = tpu.unpack_subelements %mul3A_1185, 1 {pack_format = #tpu.pack_format<interleaved>} : vector<32xbf16> -> vector<16xf32>
          %add3A_1188 = arith.addf %add3A_1173, %unpack3A_1186 : vector<16xf32>
          %add3A_1189 = arith.addf %add3A_1174, %unpack3A_1187 : vector<16xf32>
          %get3A_1190 = arith.index_cast %add3A_1155 : i32 to index
          %get3A_1191 = arith.constant 32 : index
          %get3A_1192 = tpu.vector_load %arg7[%get3A_1190, %get3A_1191] {strides = array<i32>} : memref<128x128xi32, #tpu.memory_space<vmem>>, vector<16xi32>,
          %bitcast3A_1193 = vector.bitcast %get3A_1192 : vector<16xi32> to vector<32xbf16>
          %add3A_1194 = arith.constant 64 : i32
          %add3A_1195 = arith.addi %add3A_1194, %add3A_1155 : i32
          %get3A_1196 = arith.index_cast %add3A_1195 : i32 to index
          %get3A_1197 = arith.constant 32 : index
          %get3A_1198 = tpu.vector_load %arg7[%get3A_1196, %get3A_1197] {strides = array<i32>} : memref<128x128xi32, #tpu.memory_space<vmem>>, vector<16xi32>,
          %bitcast3A_1199 = vector.bitcast %get3A_1198 : vector<16xi32> to vector<32xbf16>
          %mul3A_1200 = arith.mulf %bitcast3A_1193, %bitcast3A_1199 : vector<32xbf16>
          %unpack3A_1201 = tpu.unpack_subelements %mul3A_1200, 0 {pack_format = #tpu.pack_format<interleaved>} : vector<32xbf16> -> vector<16xf32>
          %unpack3A_1202 = tpu.unpack_subelements %mul3A_1200, 1 {pack_format = #tpu.pack_format<interleaved>} : vector<32xbf16> -> vector<16xf32>
          %add3A_1203 = arith.addf %add3A_1188, %unpack3A_1201 : vector<16xf32>
          %add3A_1204 = arith.addf %add3A_1189, %unpack3A_1202 : vector<16xf32>
          %get3A_1205 = arith.index_cast %add3A_1155 : i32 to index
          %get3A_1206 = arith.constant 48 : index
          %get3A_1207 = tpu.vector_load %arg7[%get3A_1205, %get3A_1206] {strides = array<i32>} : memref<128x128xi32, #tpu.memory_space<vmem>>, vector<16xi32>,
          %bitcast3A_1208 = vector.bitcast %get3A_1207 : vector<16xi32> to vector<32xbf16>
          %add3A_1209 = arith.constant 64 : i32
          %add3A_1210 = arith.addi %add3A_1209, %add3A_1155 : i32
          %get3A_1211 = arith.index_cast %add3A_1210 : i32 to index
          %get3A_1212 = arith.constant 48 : index
          %get3A_1213 = tpu.vector_load %arg7[%get3A_1211, %get3A_1212] {strides = array<i32>} : memref<128x128xi32, #tpu.memory_space<vmem>>, vector<16xi32>,
          %bitcast3A_1214 = vector.bitcast %get3A_1213 : vector<16xi32> to vector<32xbf16>
          %mul3A_1215 = arith.mulf %bitcast3A_1208, %bitcast3A_1214 : vector<32xbf16>
          %unpack3A_1216 = tpu.unpack_subelements %mul3A_1215, 0 {pack_format = #tpu.pack_format<interleaved>} : vector<32xbf16> -> vector<16xf32>
          %unpack3A_1217 = tpu.unpack_subelements %mul3A_1215, 1 {pack_format = #tpu.pack_format<interleaved>} : vector<32xbf16> -> vector<16xf32>
          %add3A_1218 = arith.addf %add3A_1203, %unpack3A_1216 : vector<16xf32>
          %add3A_1219 = arith.addf %add3A_1204, %unpack3A_1217 : vector<16xf32>
          %add3A_1220 = arith.addf %add3A_1218, %add3A_1219 : vector<16xf32>
          %swap3A_1221 = arith.constant 14 : i32
          %swap3A_1222 = arith.index_cast %swap3A_1221 : i32 to index
          %swap3A_1223 = arith.constant 0 : index
          %swap3A_1224 = tpu.vector_load %arg11[%swap3A_1222, %swap3A_1223] {strides = array<i32>} : memref<16x24xf32, #tpu.memory_space<vmem>>, vector<16xf32>,
          tpu.vector_store %arg11[%swap3A_1222, %swap3A_1223], %add3A_1220 {strides = array<i32>} : memref<16x24xf32, #tpu.memory_space<vmem>>, vector<16xf32>,
          %mul3A_1225 = arith.constant 16 : i32
          %mul3A_1226 = arith.muli %scan3A_133, %mul3A_1225 : i32
          %add3A_1227 = arith.constant 15 : i32
          %add3A_1228 = arith.addi %mul3A_1226, %add3A_1227 : i32
          %broadcast_in_dim3A_1229 = arith.constant 0.000000e+00 : f32
          %broadcast_in_dim3A_1230 = vector.broadcast %broadcast_in_dim3A_1229 : f32 to vector<16xf32>
          %broadcast_in_dim3A_1231 = arith.constant 0.000000e+00 : f32
          %broadcast_in_dim3A_1232 = vector.broadcast %broadcast_in_dim3A_1231 : f32 to vector<16xf32>
          %get3A_1233 = arith.index_cast %add3A_1228 : i32 to index
          %get3A_1234 = arith.constant 0 : index
          %get3A_1235 = tpu.vector_load %arg7[%get3A_1233, %get3A_1234] {strides = array<i32>} : memref<128x128xi32, #tpu.memory_space<vmem>>, vector<16xi32>,
          %bitcast3A_1236 = vector.bitcast %get3A_1235 : vector<16xi32> to vector<32xbf16>
          %add3A_1237 = arith.constant 64 : i32
          %add3A_1238 = arith.addi %add3A_1237, %add3A_1228 : i32
          %get3A_1239 = arith.index_cast %add3A_1238 : i32 to index
          %get3A_1240 = arith.constant 0 : index
          %get3A_1241 = tpu.vector_load %arg7[%get3A_1239, %get3A_1240] {strides = array<i32>} : memref<128x128xi32, #tpu.memory_space<vmem>>, vector<16xi32>,
          %bitcast3A_1242 = vector.bitcast %get3A_1241 : vector<16xi32> to vector<32xbf16>
          %mul3A_1243 = arith.mulf %bitcast3A_1236, %bitcast3A_1242 : vector<32xbf16>
          %unpack3A_1244 = tpu.unpack_subelements %mul3A_1243, 0 {pack_format = #tpu.pack_format<interleaved>} : vector<32xbf16> -> vector<16xf32>
          %unpack3A_1245 = tpu.unpack_subelements %mul3A_1243, 1 {pack_format = #tpu.pack_format<interleaved>} : vector<32xbf16> -> vector<16xf32>
          %add3A_1246 = arith.addf %broadcast_in_dim3A_1230, %unpack3A_1244 : vector<16xf32>
          %add3A_1247 = arith.addf %broadcast_in_dim3A_1232, %unpack3A_1245 : vector<16xf32>
          %get3A_1248 = arith.index_cast %add3A_1228 : i32 to index
          %get3A_1249 = arith.constant 16 : index
          %get3A_1250 = tpu.vector_load %arg7[%get3A_1248, %get3A_1249] {strides = array<i32>} : memref<128x128xi32, #tpu.memory_space<vmem>>, vector<16xi32>,
          %bitcast3A_1251 = vector.bitcast %get3A_1250 : vector<16xi32> to vector<32xbf16>
          %add3A_1252 = arith.constant 64 : i32
          %add3A_1253 = arith.addi %add3A_1252, %add3A_1228 : i32
          %get3A_1254 = arith.index_cast %add3A_1253 : i32 to index
          %get3A_1255 = arith.constant 16 : index
          %get3A_1256 = tpu.vector_load %arg7[%get3A_1254, %get3A_1255] {strides = array<i32>} : memref<128x128xi32, #tpu.memory_space<vmem>>, vector<16xi32>,
          %bitcast3A_1257 = vector.bitcast %get3A_1256 : vector<16xi32> to vector<32xbf16>
          %mul3A_1258 = arith.mulf %bitcast3A_1251, %bitcast3A_1257 : vector<32xbf16>
          %unpack3A_1259 = tpu.unpack_subelements %mul3A_1258, 0 {pack_format = #tpu.pack_format<interleaved>} : vector<32xbf16> -> vector<16xf32>
          %unpack3A_1260 = tpu.unpack_subelements %mul3A_1258, 1 {pack_format = #tpu.pack_format<interleaved>} : vector<32xbf16> -> vector<16xf32>
          %add3A_1261 = arith.addf %add3A_1246, %unpack3A_1259 : vector<16xf32>
          %add3A_1262 = arith.addf %add3A_1247, %unpack3A_1260 : vector<16xf32>
          %get3A_1263 = arith.index_cast %add3A_1228 : i32 to index
          %get3A_1264 = arith.constant 32 : index
          %get3A_1265 = tpu.vector_load %arg7[%get3A_1263, %get3A_1264] {strides = array<i32>} : memref<128x128xi32, #tpu.memory_space<vmem>>, vector<16xi32>,
          %bitcast3A_1266 = vector.bitcast %get3A_1265 : vector<16xi32> to vector<32xbf16>
          %add3A_1267 = arith.constant 64 : i32
          %add3A_1268 = arith.addi %add3A_1267, %add3A_1228 : i32
          %get3A_1269 = arith.index_cast %add3A_1268 : i32 to index
          %get3A_1270 = arith.constant 32 : index
          %get3A_1271 = tpu.vector_load %arg7[%get3A_1269, %get3A_1270] {strides = array<i32>} : memref<128x128xi32, #tpu.memory_space<vmem>>, vector<16xi32>,
          %bitcast3A_1272 = vector.bitcast %get3A_1271 : vector<16xi32> to vector<32xbf16>
          %mul3A_1273 = arith.mulf %bitcast3A_1266, %bitcast3A_1272 : vector<32xbf16>
          %unpack3A_1274 = tpu.unpack_subelements %mul3A_1273, 0 {pack_format = #tpu.pack_format<interleaved>} : vector<32xbf16> -> vector<16xf32>
          %unpack3A_1275 = tpu.unpack_subelements %mul3A_1273, 1 {pack_format = #tpu.pack_format<interleaved>} : vector<32xbf16> -> vector<16xf32>
          %add3A_1276 = arith.addf %add3A_1261, %unpack3A_1274 : vector<16xf32>
          %add3A_1277 = arith.addf %add3A_1262, %unpack3A_1275 : vector<16xf32>
          %get3A_1278 = arith.index_cast %add3A_1228 : i32 to index
          %get3A_1279 = arith.constant 48 : index
          %get3A_1280 = tpu.vector_load %arg7[%get3A_1278, %get3A_1279] {strides = array<i32>} : memref<128x128xi32, #tpu.memory_space<vmem>>, vector<16xi32>,
          %bitcast3A_1281 = vector.bitcast %get3A_1280 : vector<16xi32> to vector<32xbf16>
          %add3A_1282 = arith.constant 64 : i32
          %add3A_1283 = arith.addi %add3A_1282, %add3A_1228 : i32
          %get3A_1284 = arith.index_cast %add3A_1283 : i32 to index
          %get3A_1285 = arith.constant 48 : index
          %get3A_1286 = tpu.vector_load %arg7[%get3A_1284, %get3A_1285] {strides = array<i32>} : memref<128x128xi32, #tpu.memory_space<vmem>>, vector<16xi32>,
          %bitcast3A_1287 = vector.bitcast %get3A_1286 : vector<16xi32> to vector<32xbf16>
          %mul3A_1288 = arith.mulf %bitcast3A_1281, %bitcast3A_1287 : vector<32xbf16>
          %unpack3A_1289 = tpu.unpack_subelements %mul3A_1288, 0 {pack_format = #tpu.pack_format<interleaved>} : vector<32xbf16> -> vector<16xf32>
          %unpack3A_1290 = tpu.unpack_subelements %mul3A_1288, 1 {pack_format = #tpu.pack_format<interleaved>} : vector<32xbf16> -> vector<16xf32>
          %add3A_1291 = arith.addf %add3A_1276, %unpack3A_1289 : vector<16xf32>
          %add3A_1292 = arith.addf %add3A_1277, %unpack3A_1290 : vector<16xf32>
          %add3A_1293 = arith.addf %add3A_1291, %add3A_1292 : vector<16xf32>
          %swap3A_1294 = arith.constant 15 : i32
          %swap3A_1295 = arith.index_cast %swap3A_1294 : i32 to index
          %swap3A_1296 = arith.constant 0 : index
          %swap3A_1297 = tpu.vector_load %arg11[%swap3A_1295, %swap3A_1296] {strides = array<i32>} : memref<16x24xf32, #tpu.memory_space<vmem>>, vector<16xf32>,
          tpu.vector_store %arg11[%swap3A_1295, %swap3A_1296], %add3A_1293 {strides = array<i32>} : memref<16x24xf32, #tpu.memory_space<vmem>>, vector<16xf32>,
          %broadcast_in_dim3A_1298 = arith.constant 0.000000e+00 : f32
          %broadcast_in_dim3A_1299 = vector.broadcast %broadcast_in_dim3A_1298 : f32 to vector<16xf32>
          %broadcast_in_dim3A_1300 = arith.constant 0.000000e+00 : f32
          %broadcast_in_dim3A_1301 = vector.broadcast %broadcast_in_dim3A_1300 : f32 to vector<16xf32>
          %broadcast_in_dim3A_1302 = arith.constant 0.000000e+00 : f32
          %broadcast_in_dim3A_1303 = vector.broadcast %broadcast_in_dim3A_1302 : f32 to vector<16xf32>
          %broadcast_in_dim3A_1304 = arith.constant 0.000000e+00 : f32
          %broadcast_in_dim3A_1305 = vector.broadcast %broadcast_in_dim3A_1304 : f32 to vector<16xf32>
          %broadcast_in_dim3A_1306 = arith.constant 0 : i32
          %broadcast_in_dim3A_1307 = vector.broadcast %broadcast_in_dim3A_1306 : i32 to vector<16xi32>
          %gather3A = tpu.vector_load_idx %arg11[%iota3A, %broadcast_in_dim3A_1307] : memref<16x24xf32, #tpu.memory_space<vmem>>[vector<16xi32>, vector<16xi32>], vector<16xf32>,
          %add3A_1308 = arith.addf %broadcast_in_dim3A_1299, %gather3A : vector<16xf32>
          %broadcast_in_dim3A_1309 = arith.constant 1 : i32
          %broadcast_in_dim3A_1310 = vector.broadcast %broadcast_in_dim3A_1309 : i32 to vector<16xi32>
          %gather3A_1311 = tpu.vector_load_idx %arg11[%iota3A, %broadcast_in_dim3A_1310] : memref<16x24xf32, #tpu.memory_space<vmem>>[vector<16xi32>, vector<16xi32>], vector<16xf32>,
          %add3A_1312 = arith.addf %broadcast_in_dim3A_1301, %gather3A_1311 : vector<16xf32>
          %broadcast_in_dim3A_1313 = arith.constant 2 : i32
          %broadcast_in_dim3A_1314 = vector.broadcast %broadcast_in_dim3A_1313 : i32 to vector<16xi32>
          %gather3A_1315 = tpu.vector_load_idx %arg11[%iota3A, %broadcast_in_dim3A_1314] : memref<16x24xf32, #tpu.memory_space<vmem>>[vector<16xi32>, vector<16xi32>], vector<16xf32>,
          %add3A_1316 = arith.addf %broadcast_in_dim3A_1303, %gather3A_1315 : vector<16xf32>
          %broadcast_in_dim3A_1317 = arith.constant 3 : i32
          %broadcast_in_dim3A_1318 = vector.broadcast %broadcast_in_dim3A_1317 : i32 to vector<16xi32>
          %gather3A_1319 = tpu.vector_load_idx %arg11[%iota3A, %broadcast_in_dim3A_1318] : memref<16x24xf32, #tpu.memory_space<vmem>>[vector<16xi32>, vector<16xi32>], vector<16xf32>,
          %add3A_1320 = arith.addf %broadcast_in_dim3A_1305, %gather3A_1319 : vector<16xf32>
          %broadcast_in_dim3A_1321 = arith.constant 4 : i32
          %broadcast_in_dim3A_1322 = vector.broadcast %broadcast_in_dim3A_1321 : i32 to vector<16xi32>
          %gather3A_1323 = tpu.vector_load_idx %arg11[%iota3A, %broadcast_in_dim3A_1322] : memref<16x24xf32, #tpu.memory_space<vmem>>[vector<16xi32>, vector<16xi32>], vector<16xf32>,
          %add3A_1324 = arith.addf %add3A_1308, %gather3A_1323 : vector<16xf32>
          %broadcast_in_dim3A_1325 = arith.constant 5 : i32
          %broadcast_in_dim3A_1326 = vector.broadcast %broadcast_in_dim3A_1325 : i32 to vector<16xi32>
          %gather3A_1327 = tpu.vector_load_idx %arg11[%iota3A, %broadcast_in_dim3A_1326] : memref<16x24xf32, #tpu.memory_space<vmem>>[vector<16xi32>, vector<16xi32>], vector<16xf32>,
          %add3A_1328 = arith.addf %add3A_1312, %gather3A_1327 : vector<16xf32>
          %broadcast_in_dim3A_1329 = arith.constant 6 : i32
          %broadcast_in_dim3A_1330 = vector.broadcast %broadcast_in_dim3A_1329 : i32 to vector<16xi32>
          %gather3A_1331 = tpu.vector_load_idx %arg11[%iota3A, %broadcast_in_dim3A_1330] : memref<16x24xf32, #tpu.memory_space<vmem>>[vector<16xi32>, vector<16xi32>], vector<16xf32>,
          %add3A_1332 = arith.addf %add3A_1316, %gather3A_1331 : vector<16xf32>
          %broadcast_in_dim3A_1333 = arith.constant 7 : i32
          %broadcast_in_dim3A_1334 = vector.broadcast %broadcast_in_dim3A_1333 : i32 to vector<16xi32>
          %gather3A_1335 = tpu.vector_load_idx %arg11[%iota3A, %broadcast_in_dim3A_1334] : memref<16x24xf32, #tpu.memory_space<vmem>>[vector<16xi32>, vector<16xi32>], vector<16xf32>,
          %add3A_1336 = arith.addf %add3A_1320, %gather3A_1335 : vector<16xf32>
          %broadcast_in_dim3A_1337 = arith.constant 8 : i32
          %broadcast_in_dim3A_1338 = vector.broadcast %broadcast_in_dim3A_1337 : i32 to vector<16xi32>
          %gather3A_1339 = tpu.vector_load_idx %arg11[%iota3A, %broadcast_in_dim3A_1338] : memref<16x24xf32, #tpu.memory_space<vmem>>[vector<16xi32>, vector<16xi32>], vector<16xf32>,
          %add3A_1340 = arith.addf %add3A_1324, %gather3A_1339 : vector<16xf32>
          %broadcast_in_dim3A_1341 = arith.constant 9 : i32
          %broadcast_in_dim3A_1342 = vector.broadcast %broadcast_in_dim3A_1341 : i32 to vector<16xi32>
          %gather3A_1343 = tpu.vector_load_idx %arg11[%iota3A, %broadcast_in_dim3A_1342] : memref<16x24xf32, #tpu.memory_space<vmem>>[vector<16xi32>, vector<16xi32>], vector<16xf32>,
          %add3A_1344 = arith.addf %add3A_1328, %gather3A_1343 : vector<16xf32>
          %broadcast_in_dim3A_1345 = arith.constant 10 : i32
          %broadcast_in_dim3A_1346 = vector.broadcast %broadcast_in_dim3A_1345 : i32 to vector<16xi32>
          %gather3A_1347 = tpu.vector_load_idx %arg11[%iota3A, %broadcast_in_dim3A_1346] : memref<16x24xf32, #tpu.memory_space<vmem>>[vector<16xi32>, vector<16xi32>], vector<16xf32>,
          %add3A_1348 = arith.addf %add3A_1332, %gather3A_1347 : vector<16xf32>
          %broadcast_in_dim3A_1349 = arith.constant 11 : i32
          %broadcast_in_dim3A_1350 = vector.broadcast %broadcast_in_dim3A_1349 : i32 to vector<16xi32>
          %gather3A_1351 = tpu.vector_load_idx %arg11[%iota3A, %broadcast_in_dim3A_1350] : memref<16x24xf32, #tpu.memory_space<vmem>>[vector<16xi32>, vector<16xi32>], vector<16xf32>,
          %add3A_1352 = arith.addf %add3A_1336, %gather3A_1351 : vector<16xf32>
          %broadcast_in_dim3A_1353 = arith.constant 12 : i32
          %broadcast_in_dim3A_1354 = vector.broadcast %broadcast_in_dim3A_1353 : i32 to vector<16xi32>
          %gather3A_1355 = tpu.vector_load_idx %arg11[%iota3A, %broadcast_in_dim3A_1354] : memref<16x24xf32, #tpu.memory_space<vmem>>[vector<16xi32>, vector<16xi32>], vector<16xf32>,
          %add3A_1356 = arith.addf %add3A_1340, %gather3A_1355 : vector<16xf32>
          %broadcast_in_dim3A_1357 = arith.constant 13 : i32
          %broadcast_in_dim3A_1358 = vector.broadcast %broadcast_in_dim3A_1357 : i32 to vector<16xi32>
          %gather3A_1359 = tpu.vector_load_idx %arg11[%iota3A, %broadcast_in_dim3A_1358] : memref<16x24xf32, #tpu.memory_space<vmem>>[vector<16xi32>, vector<16xi32>], vector<16xf32>,
          %add3A_1360 = arith.addf %add3A_1344, %gather3A_1359 : vector<16xf32>
          %broadcast_in_dim3A_1361 = arith.constant 14 : i32
          %broadcast_in_dim3A_1362 = vector.broadcast %broadcast_in_dim3A_1361 : i32 to vector<16xi32>
          %gather3A_1363 = tpu.vector_load_idx %arg11[%iota3A, %broadcast_in_dim3A_1362] : memref<16x24xf32, #tpu.memory_space<vmem>>[vector<16xi32>, vector<16xi32>], vector<16xf32>,
          %add3A_1364 = arith.addf %add3A_1348, %gather3A_1363 : vector<16xf32>
          %broadcast_in_dim3A_1365 = arith.constant 15 : i32
          %broadcast_in_dim3A_1366 = vector.broadcast %broadcast_in_dim3A_1365 : i32 to vector<16xi32>
          %gather3A_1367 = tpu.vector_load_idx %arg11[%iota3A, %broadcast_in_dim3A_1366] : memref<16x24xf32, #tpu.memory_space<vmem>>[vector<16xi32>, vector<16xi32>], vector<16xf32>,
          %add3A_1368 = arith.addf %add3A_1352, %gather3A_1367 : vector<16xf32>
          %add3A_1369 = arith.addf %add3A_1356, %add3A_1360 : vector<16xf32>
          %add3A_1370 = arith.addf %add3A_1364, %add3A_1368 : vector<16xf32>
          %add3A_1371 = arith.addf %add3A_1369, %add3A_1370 : vector<16xf32>
          %mul3A_1372 = arith.constant 16 : i32
          %mul3A_1373 = arith.muli %scan3A_133, %mul3A_1372 : i32
          %swap3A_1374 = arith.index_cast %mul3A_1373 : i32 to index
          %swap3A_1375 = tpu.vector_load %arg9[%swap3A_1374] {strides = array<i32>} : memref<64xf32, #tpu.memory_space<vmem>>, vector<16xf32>,
          tpu.vector_store %arg9[%swap3A_1374], %add3A_1371 {strides = array<i32>} : memref<64xf32, #tpu.memory_space<vmem>>, vector<16xf32>,
        }
        %scan3A_125 = arith.constant 4 : i32
        %mul3A_126 = arith.constant 32 : i32
        %mul3A_127 = arith.muli %add3A_87, %mul3A_126 : i32
        %add3A_128 = arith.addi %add3A, %mul3A_127 : i32
        %mul3A_129 = arith.constant 64 : i32
        %mul3A_130 = arith.muli %add3A_128, %mul3A_129 : i32
        %dma_start3A_131 = tpu.memref_slice %arg4[%mul3A_130] : memref<320000xf32, #tpu.memory_space<hbm>> -> memref<64xf32, #tpu.memory_space<hbm>>
        %dma_start3A_132 = tpu.memref_slice %arg4[%mul3A_130] : memref<320000xf32, #tpu.memory_space<hbm>> -> memref<64xf32, #tpu.memory_space<hbm>>
        tpu.enqueue_dma source(%arg9 : memref<64xf32, #tpu.memory_space<vmem>>) target(%dma_start3A_132 : memref<64xf32, #tpu.memory_space<hbm>>) target_semaphore(%arg17 : memref<!tpu.dma_semaphore, #tpu.memory_space<semaphore_mem>>)
      } else {
      }
      %mul3A_91 = arith.constant 2 : i32
      %mul3A_92 = arith.muli %mul3A_91, %while3A_83 : i32
      %add3A_93 = arith.constant 1 : i32
      %add3A_94 = arith.addi %mul3A_92, %add3A_93 : i32
      %lt3A_95 = arith.cmpi slt, %add3A_94, %select_n3A : i32
      %convert_element_type3A_96 = arith.extui %lt3A_95 : i1 to i32
      %cond3A_97 = arith.constant 0 : i32
      %cond3A_98 = arith.cmpi ne, %convert_element_type3A_96, %cond3A_97 : i32
      scf.if %cond3A_98 {
        %add3A_99 = arith.constant 1 : i32
        %add3A_100 = arith.addi %add3A_94, %add3A_99 : i32
        %lt3A_101 = arith.cmpi slt, %add3A_100, %select_n3A : i32
        %convert_element_type3A_102 = arith.extui %lt3A_101 : i1 to i32
        %cond3A_103 = arith.constant 0 : i32
        %cond3A_104 = arith.cmpi ne, %convert_element_type3A_102, %cond3A_103 : i32
        scf.if %cond3A_104 {
          %dma_wait3A_133 = arith.constant 0 : i32
          %dma_wait3A_134 = arith.constant 0 : i32
          %dma_wait3A_135 = tpu.memref_slice %arg3[%dma_wait3A_133, %dma_wait3A_134] : memref<5000x128xi32, #tpu.memory_space<hbm>> -> memref<1x128xi32, #tpu.memory_space<hbm>>
          %dma_wait3A_136 = arith.constant 0 : i32
          %dma_wait3A_137 = arith.constant 0 : i32
          %dma_wait3A_138 = tpu.memref_slice %arg3[%dma_wait3A_136, %dma_wait3A_137] : memref<5000x128xi32, #tpu.memory_space<hbm>> -> memref<1x128xi32, #tpu.memory_space<hbm>>
          tpu.wait_dma2 semaphore(%arg13 : memref<!tpu.dma_semaphore, #tpu.memory_space<semaphore_mem>>) src(%dma_wait3A_138 : memref<1x128xi32, #tpu.memory_space<hbm>>) dst(%arg5 : memref<1x128xi32, #tpu.memory_space<vmem>>)
          %dma_start3A_139 = arith.constant 0 : i32
          %dma_start3A_140 = arith.constant 0 : i32
          %dma_start3A_141 = tpu.memref_slice %arg5[%dma_start3A_139, %dma_start3A_140] : memref<1x128xi32, #tpu.memory_space<vmem>> -> memref<1x128xi32, #tpu.memory_space<vmem>>
          %dma_start3A_142 = tpu.memref_squeeze %dma_start3A_141 : memref<1x128xi32, #tpu.memory_space<vmem>> -> memref<128xi32, #tpu.memory_space<vmem>>
          %dma_start3A_143 = arith.constant 0 : i32
          %dma_start3A_144 = arith.constant 0 : i32
          %dma_start3A_145 = tpu.memref_slice %arg12[%dma_start3A_143, %dma_start3A_144] : memref<10000x128xi32, #tpu.memory_space<vmem_shared>> -> memref<10000x128xi32, #tpu.memory_space<vmem_shared>>
          tpu.enqueue_indirect_dma source(%dma_start3A_145 : memref<10000x128xi32, #tpu.memory_space<vmem_shared>>) target(%arg7 : memref<128x128xi32, #tpu.memory_space<vmem>>) offsets(%dma_start3A_142 : memref<128xi32, #tpu.memory_space<vmem>>) semaphore(%arg15 : memref<!tpu.dma_semaphore, #tpu.memory_space<semaphore_mem>>)
        } else {
        }
        %dma_wait3A_105 = arith.constant 0 : i32
        %dma_wait3A_106 = arith.constant 0 : i32
        %dma_wait3A_107 = tpu.memref_slice %arg6[%dma_wait3A_105, %dma_wait3A_106] : memref<1x128xi32, #tpu.memory_space<vmem>> -> memref<1x128xi32, #tpu.memory_space<vmem>>
        %dma_wait3A_108 = tpu.memref_squeeze %dma_wait3A_107 : memref<1x128xi32, #tpu.memory_space<vmem>> -> memref<128xi32, #tpu.memory_space<vmem>>
        %dma_wait3A_109 = arith.constant 0 : i32
        %dma_wait3A_110 = arith.constant 0 : i32
        %dma_wait3A_111 = tpu.memref_slice %arg2[%dma_wait3A_109, %dma_wait3A_110] : memref<10000x128xi32, #tpu.memory_space<hbm>> -> memref<10000x128xi32, #tpu.memory_space<hbm>>
        tpu.wait_indirect_dma semaphore(%arg16 : memref<!tpu.dma_semaphore, #tpu.memory_space<semaphore_mem>>) src(%dma_wait3A_111 : memref<10000x128xi32, #tpu.memory_space<hbm>>) dst(%arg8 : memref<128x128xi32, #tpu.memory_space<vmem>>)
        %add3A_112 = arith.constant 2 : i32
        %add3A_113 = arith.addi %add3A_94, %add3A_112 : i32
        %lt3A_114 = arith.cmpi slt, %add3A_113, %select_n3A : i32
        %convert_element_type3A_115 = arith.extui %lt3A_114 : i1 to i32
        %cond3A_116 = arith.constant 0 : i32
        %cond3A_117 = arith.cmpi ne, %convert_element_type3A_115, %cond3A_116 : i32
        scf.if %cond3A_117 {
          %add3A_133 = arith.constant 2 : i32
          %add3A_134 = arith.addi %add3A_94, %add3A_133 : i32
          %mul3A_135 = arith.constant 32 : i32
          %mul3A_136 = arith.muli %add3A_134, %mul3A_135 : i32
          %add3A_137 = arith.addi %add3A, %mul3A_136 : i32
          %dma_start3A_138 = arith.constant 0 : i32
          %dma_start3A_139 = tpu.memref_slice %arg3[%add3A_137, %dma_start3A_138] : memref<5000x128xi32, #tpu.memory_space<hbm>> -> memref<1x128xi32, #tpu.memory_space<hbm>>
          %dma_start3A_140 = arith.constant 0 : i32
          %dma_start3A_141 = tpu.memref_slice %arg3[%add3A_137, %dma_start3A_140] : memref<5000x128xi32, #tpu.memory_space<hbm>> -> memref<1x128xi32, #tpu.memory_space<hbm>>
          tpu.enqueue_dma source(%dma_start3A_141 : memref<1x128xi32, #tpu.memory_space<hbm>>) target(%arg6 : memref<1x128xi32, #tpu.memory_space<vmem>>) target_semaphore(%arg14 : memref<!tpu.dma_semaphore, #tpu.memory_space<semaphore_mem>>)
        } else {
        }
        %ge3A = arith.constant 2 : i32
        %ge3A_118 = arith.cmpi sge, %add3A_94, %ge3A : i32
        %convert_element_type3A_119 = arith.extui %ge3A_118 : i1 to i32
        %cond3A_120 = arith.constant 0 : i32
        %cond3A_121 = arith.cmpi ne, %convert_element_type3A_119, %cond3A_120 : i32
        scf.if %cond3A_121 {
          %dma_wait3A_133 = arith.constant 0 : i32
          %dma_wait3A_134 = tpu.memref_slice %arg4[%dma_wait3A_133] : memref<320000xf32, #tpu.memory_space<hbm>> -> memref<64xf32, #tpu.memory_space<hbm>>
          %dma_wait3A_135 = arith.constant 0 : i32
          %dma_wait3A_136 = tpu.memref_slice %arg4[%dma_wait3A_135] : memref<320000xf32, #tpu.memory_space<hbm>> -> memref<64xf32, #tpu.memory_space<hbm>>
          tpu.wait_dma2 semaphore(%arg18 : memref<!tpu.dma_semaphore, #tpu.memory_space<semaphore_mem>>) src(%arg10 : memref<64xf32, #tpu.memory_space<vmem>>) dst(%dma_wait3A_136 : memref<64xf32, #tpu.memory_space<hbm>>)
        } else {
        }
        %scan3A = arith.constant 0 : i32
        %scan3A_122 = arith.constant 4 : i32
        %scan3A_123 = arith.addi %scan3A, %scan3A_122 : i32
        %scan3A_124 = arith.constant 1 : i32
        scf.for %scan3A_133 = %scan3A to %scan3A_123 step %scan3A_124  : i32 {
          %mul3A_134 = arith.constant 16 : i32
          %mul3A_135 = arith.muli %scan3A_133, %mul3A_134 : i32
          %add3A_136 = arith.constant 0 : i32
          %add3A_137 = arith.addi %mul3A_135, %add3A_136 : i32
          %broadcast_in_dim3A_138 = arith.constant 0.000000e+00 : f32
          %broadcast_in_dim3A_139 = vector.broadcast %broadcast_in_dim3A_138 : f32 to vector<16xf32>
          %broadcast_in_dim3A_140 = arith.constant 0.000000e+00 : f32
          %broadcast_in_dim3A_141 = vector.broadcast %broadcast_in_dim3A_140 : f32 to vector<16xf32>
          %get3A = arith.index_cast %add3A_137 : i32 to index
          %get3A_142 = arith.constant 0 : index
          %get3A_143 = tpu.vector_load %arg8[%get3A, %get3A_142] {strides = array<i32>} : memref<128x128xi32, #tpu.memory_space<vmem>>, vector<16xi32>,
          %bitcast3A = vector.bitcast %get3A_143 : vector<16xi32> to vector<32xbf16>
          %add3A_144 = arith.constant 64 : i32
          %add3A_145 = arith.addi %add3A_144, %add3A_137 : i32
          %get3A_146 = arith.index_cast %add3A_145 : i32 to index
          %get3A_147 = arith.constant 0 : index
          %get3A_148 = tpu.vector_load %arg8[%get3A_146, %get3A_147] {strides = array<i32>} : memref<128x128xi32, #tpu.memory_space<vmem>>, vector<16xi32>,
          %bitcast3A_149 = vector.bitcast %get3A_148 : vector<16xi32> to vector<32xbf16>
          %mul3A_150 = arith.mulf %bitcast3A, %bitcast3A_149 : vector<32xbf16>
          %unpack3A = tpu.unpack_subelements %mul3A_150, 0 {pack_format = #tpu.pack_format<interleaved>} : vector<32xbf16> -> vector<16xf32>
          %unpack3A_151 = tpu.unpack_subelements %mul3A_150, 1 {pack_format = #tpu.pack_format<interleaved>} : vector<32xbf16> -> vector<16xf32>
          %add3A_152 = arith.addf %broadcast_in_dim3A_139, %unpack3A : vector<16xf32>
          %add3A_153 = arith.addf %broadcast_in_dim3A_141, %unpack3A_151 : vector<16xf32>
          %get3A_154 = arith.index_cast %add3A_137 : i32 to index
          %get3A_155 = arith.constant 16 : index
          %get3A_156 = tpu.vector_load %arg8[%get3A_154, %get3A_155] {strides = array<i32>} : memref<128x128xi32, #tpu.memory_space<vmem>>, vector<16xi32>,
          %bitcast3A_157 = vector.bitcast %get3A_156 : vector<16xi32> to vector<32xbf16>
          %add3A_158 = arith.constant 64 : i32
          %add3A_159 = arith.addi %add3A_158, %add3A_137 : i32
          %get3A_160 = arith.index_cast %add3A_159 : i32 to index
          %get3A_161 = arith.constant 16 : index
          %get3A_162 = tpu.vector_load %arg8[%get3A_160, %get3A_161] {strides = array<i32>} : memref<128x128xi32, #tpu.memory_space<vmem>>, vector<16xi32>,
          %bitcast3A_163 = vector.bitcast %get3A_162 : vector<16xi32> to vector<32xbf16>
          %mul3A_164 = arith.mulf %bitcast3A_157, %bitcast3A_163 : vector<32xbf16>
          %unpack3A_165 = tpu.unpack_subelements %mul3A_164, 0 {pack_format = #tpu.pack_format<interleaved>} : vector<32xbf16> -> vector<16xf32>
          %unpack3A_166 = tpu.unpack_subelements %mul3A_164, 1 {pack_format = #tpu.pack_format<interleaved>} : vector<32xbf16> -> vector<16xf32>
          %add3A_167 = arith.addf %add3A_152, %unpack3A_165 : vector<16xf32>
          %add3A_168 = arith.addf %add3A_153, %unpack3A_166 : vector<16xf32>
          %get3A_169 = arith.index_cast %add3A_137 : i32 to index
          %get3A_170 = arith.constant 32 : index
          %get3A_171 = tpu.vector_load %arg8[%get3A_169, %get3A_170] {strides = array<i32>} : memref<128x128xi32, #tpu.memory_space<vmem>>, vector<16xi32>,
          %bitcast3A_172 = vector.bitcast %get3A_171 : vector<16xi32> to vector<32xbf16>
          %add3A_173 = arith.constant 64 : i32
          %add3A_174 = arith.addi %add3A_173, %add3A_137 : i32
          %get3A_175 = arith.index_cast %add3A_174 : i32 to index
          %get3A_176 = arith.constant 32 : index
          %get3A_177 = tpu.vector_load %arg8[%get3A_175, %get3A_176] {strides = array<i32>} : memref<128x128xi32, #tpu.memory_space<vmem>>, vector<16xi32>,
          %bitcast3A_178 = vector.bitcast %get3A_177 : vector<16xi32> to vector<32xbf16>
          %mul3A_179 = arith.mulf %bitcast3A_172, %bitcast3A_178 : vector<32xbf16>
          %unpack3A_180 = tpu.unpack_subelements %mul3A_179, 0 {pack_format = #tpu.pack_format<interleaved>} : vector<32xbf16> -> vector<16xf32>
          %unpack3A_181 = tpu.unpack_subelements %mul3A_179, 1 {pack_format = #tpu.pack_format<interleaved>} : vector<32xbf16> -> vector<16xf32>
          %add3A_182 = arith.addf %add3A_167, %unpack3A_180 : vector<16xf32>
          %add3A_183 = arith.addf %add3A_168, %unpack3A_181 : vector<16xf32>
          %get3A_184 = arith.index_cast %add3A_137 : i32 to index
          %get3A_185 = arith.constant 48 : index
          %get3A_186 = tpu.vector_load %arg8[%get3A_184, %get3A_185] {strides = array<i32>} : memref<128x128xi32, #tpu.memory_space<vmem>>, vector<16xi32>,
          %bitcast3A_187 = vector.bitcast %get3A_186 : vector<16xi32> to vector<32xbf16>
          %add3A_188 = arith.constant 64 : i32
          %add3A_189 = arith.addi %add3A_188, %add3A_137 : i32
          %get3A_190 = arith.index_cast %add3A_189 : i32 to index
          %get3A_191 = arith.constant 48 : index
          %get3A_192 = tpu.vector_load %arg8[%get3A_190, %get3A_191] {strides = array<i32>} : memref<128x128xi32, #tpu.memory_space<vmem>>, vector<16xi32>,
          %bitcast3A_193 = vector.bitcast %get3A_192 : vector<16xi32> to vector<32xbf16>
          %mul3A_194 = arith.mulf %bitcast3A_187, %bitcast3A_193 : vector<32xbf16>
          %unpack3A_195 = tpu.unpack_subelements %mul3A_194, 0 {pack_format = #tpu.pack_format<interleaved>} : vector<32xbf16> -> vector<16xf32>
          %unpack3A_196 = tpu.unpack_subelements %mul3A_194, 1 {pack_format = #tpu.pack_format<interleaved>} : vector<32xbf16> -> vector<16xf32>
          %add3A_197 = arith.addf %add3A_182, %unpack3A_195 : vector<16xf32>
          %add3A_198 = arith.addf %add3A_183, %unpack3A_196 : vector<16xf32>
          %add3A_199 = arith.addf %add3A_197, %add3A_198 : vector<16xf32>
          %swap3A = arith.constant 0 : i32
          %swap3A_200 = arith.index_cast %swap3A : i32 to index
          %swap3A_201 = arith.constant 0 : index
          %swap3A_202 = tpu.vector_load %arg11[%swap3A_200, %swap3A_201] {strides = array<i32>} : memref<16x24xf32, #tpu.memory_space<vmem>>, vector<16xf32>,
          tpu.vector_store %arg11[%swap3A_200, %swap3A_201], %add3A_199 {strides = array<i32>} : memref<16x24xf32, #tpu.memory_space<vmem>>, vector<16xf32>,
          %mul3A_203 = arith.constant 16 : i32
          %mul3A_204 = arith.muli %scan3A_133, %mul3A_203 : i32
          %add3A_205 = arith.constant 1 : i32
          %add3A_206 = arith.addi %mul3A_204, %add3A_205 : i32
          %broadcast_in_dim3A_207 = arith.constant 0.000000e+00 : f32
          %broadcast_in_dim3A_208 = vector.broadcast %broadcast_in_dim3A_207 : f32 to vector<16xf32>
          %broadcast_in_dim3A_209 = arith.constant 0.000000e+00 : f32
          %broadcast_in_dim3A_210 = vector.broadcast %broadcast_in_dim3A_209 : f32 to vector<16xf32>
          %get3A_211 = arith.index_cast %add3A_206 : i32 to index
          %get3A_212 = arith.constant 0 : index
          %get3A_213 = tpu.vector_load %arg8[%get3A_211, %get3A_212] {strides = array<i32>} : memref<128x128xi32, #tpu.memory_space<vmem>>, vector<16xi32>,
          %bitcast3A_214 = vector.bitcast %get3A_213 : vector<16xi32> to vector<32xbf16>
          %add3A_215 = arith.constant 64 : i32
          %add3A_216 = arith.addi %add3A_215, %add3A_206 : i32
          %get3A_217 = arith.index_cast %add3A_216 : i32 to index
          %get3A_218 = arith.constant 0 : index
          %get3A_219 = tpu.vector_load %arg8[%get3A_217, %get3A_218] {strides = array<i32>} : memref<128x128xi32, #tpu.memory_space<vmem>>, vector<16xi32>,
          %bitcast3A_220 = vector.bitcast %get3A_219 : vector<16xi32> to vector<32xbf16>
          %mul3A_221 = arith.mulf %bitcast3A_214, %bitcast3A_220 : vector<32xbf16>
          %unpack3A_222 = tpu.unpack_subelements %mul3A_221, 0 {pack_format = #tpu.pack_format<interleaved>} : vector<32xbf16> -> vector<16xf32>
          %unpack3A_223 = tpu.unpack_subelements %mul3A_221, 1 {pack_format = #tpu.pack_format<interleaved>} : vector<32xbf16> -> vector<16xf32>
          %add3A_224 = arith.addf %broadcast_in_dim3A_208, %unpack3A_222 : vector<16xf32>
          %add3A_225 = arith.addf %broadcast_in_dim3A_210, %unpack3A_223 : vector<16xf32>
          %get3A_226 = arith.index_cast %add3A_206 : i32 to index
          %get3A_227 = arith.constant 16 : index
          %get3A_228 = tpu.vector_load %arg8[%get3A_226, %get3A_227] {strides = array<i32>} : memref<128x128xi32, #tpu.memory_space<vmem>>, vector<16xi32>,
          %bitcast3A_229 = vector.bitcast %get3A_228 : vector<16xi32> to vector<32xbf16>
          %add3A_230 = arith.constant 64 : i32
          %add3A_231 = arith.addi %add3A_230, %add3A_206 : i32
          %get3A_232 = arith.index_cast %add3A_231 : i32 to index
          %get3A_233 = arith.constant 16 : index
          %get3A_234 = tpu.vector_load %arg8[%get3A_232, %get3A_233] {strides = array<i32>} : memref<128x128xi32, #tpu.memory_space<vmem>>, vector<16xi32>,
          %bitcast3A_235 = vector.bitcast %get3A_234 : vector<16xi32> to vector<32xbf16>
          %mul3A_236 = arith.mulf %bitcast3A_229, %bitcast3A_235 : vector<32xbf16>
          %unpack3A_237 = tpu.unpack_subelements %mul3A_236, 0 {pack_format = #tpu.pack_format<interleaved>} : vector<32xbf16> -> vector<16xf32>
          %unpack3A_238 = tpu.unpack_subelements %mul3A_236, 1 {pack_format = #tpu.pack_format<interleaved>} : vector<32xbf16> -> vector<16xf32>
          %add3A_239 = arith.addf %add3A_224, %unpack3A_237 : vector<16xf32>
          %add3A_240 = arith.addf %add3A_225, %unpack3A_238 : vector<16xf32>
          %get3A_241 = arith.index_cast %add3A_206 : i32 to index
          %get3A_242 = arith.constant 32 : index
          %get3A_243 = tpu.vector_load %arg8[%get3A_241, %get3A_242] {strides = array<i32>} : memref<128x128xi32, #tpu.memory_space<vmem>>, vector<16xi32>,
          %bitcast3A_244 = vector.bitcast %get3A_243 : vector<16xi32> to vector<32xbf16>
          %add3A_245 = arith.constant 64 : i32
          %add3A_246 = arith.addi %add3A_245, %add3A_206 : i32
          %get3A_247 = arith.index_cast %add3A_246 : i32 to index
          %get3A_248 = arith.constant 32 : index
          %get3A_249 = tpu.vector_load %arg8[%get3A_247, %get3A_248] {strides = array<i32>} : memref<128x128xi32, #tpu.memory_space<vmem>>, vector<16xi32>,
          %bitcast3A_250 = vector.bitcast %get3A_249 : vector<16xi32> to vector<32xbf16>
          %mul3A_251 = arith.mulf %bitcast3A_244, %bitcast3A_250 : vector<32xbf16>
          %unpack3A_252 = tpu.unpack_subelements %mul3A_251, 0 {pack_format = #tpu.pack_format<interleaved>} : vector<32xbf16> -> vector<16xf32>
          %unpack3A_253 = tpu.unpack_subelements %mul3A_251, 1 {pack_format = #tpu.pack_format<interleaved>} : vector<32xbf16> -> vector<16xf32>
          %add3A_254 = arith.addf %add3A_239, %unpack3A_252 : vector<16xf32>
          %add3A_255 = arith.addf %add3A_240, %unpack3A_253 : vector<16xf32>
          %get3A_256 = arith.index_cast %add3A_206 : i32 to index
          %get3A_257 = arith.constant 48 : index
          %get3A_258 = tpu.vector_load %arg8[%get3A_256, %get3A_257] {strides = array<i32>} : memref<128x128xi32, #tpu.memory_space<vmem>>, vector<16xi32>,
          %bitcast3A_259 = vector.bitcast %get3A_258 : vector<16xi32> to vector<32xbf16>
          %add3A_260 = arith.constant 64 : i32
          %add3A_261 = arith.addi %add3A_260, %add3A_206 : i32
          %get3A_262 = arith.index_cast %add3A_261 : i32 to index
          %get3A_263 = arith.constant 48 : index
          %get3A_264 = tpu.vector_load %arg8[%get3A_262, %get3A_263] {strides = array<i32>} : memref<128x128xi32, #tpu.memory_space<vmem>>, vector<16xi32>,
          %bitcast3A_265 = vector.bitcast %get3A_264 : vector<16xi32> to vector<32xbf16>
          %mul3A_266 = arith.mulf %bitcast3A_259, %bitcast3A_265 : vector<32xbf16>
          %unpack3A_267 = tpu.unpack_subelements %mul3A_266, 0 {pack_format = #tpu.pack_format<interleaved>} : vector<32xbf16> -> vector<16xf32>
          %unpack3A_268 = tpu.unpack_subelements %mul3A_266, 1 {pack_format = #tpu.pack_format<interleaved>} : vector<32xbf16> -> vector<16xf32>
          %add3A_269 = arith.addf %add3A_254, %unpack3A_267 : vector<16xf32>
          %add3A_270 = arith.addf %add3A_255, %unpack3A_268 : vector<16xf32>
          %add3A_271 = arith.addf %add3A_269, %add3A_270 : vector<16xf32>
          %swap3A_272 = arith.constant 1 : i32
          %swap3A_273 = arith.index_cast %swap3A_272 : i32 to index
          %swap3A_274 = arith.constant 0 : index
          %swap3A_275 = tpu.vector_load %arg11[%swap3A_273, %swap3A_274] {strides = array<i32>} : memref<16x24xf32, #tpu.memory_space<vmem>>, vector<16xf32>,
          tpu.vector_store %arg11[%swap3A_273, %swap3A_274], %add3A_271 {strides = array<i32>} : memref<16x24xf32, #tpu.memory_space<vmem>>, vector<16xf32>,
          %mul3A_276 = arith.constant 16 : i32
          %mul3A_277 = arith.muli %scan3A_133, %mul3A_276 : i32
          %add3A_278 = arith.constant 2 : i32
          %add3A_279 = arith.addi %mul3A_277, %add3A_278 : i32
          %broadcast_in_dim3A_280 = arith.constant 0.000000e+00 : f32
          %broadcast_in_dim3A_281 = vector.broadcast %broadcast_in_dim3A_280 : f32 to vector<16xf32>
          %broadcast_in_dim3A_282 = arith.constant 0.000000e+00 : f32
          %broadcast_in_dim3A_283 = vector.broadcast %broadcast_in_dim3A_282 : f32 to vector<16xf32>
          %get3A_284 = arith.index_cast %add3A_279 : i32 to index
          %get3A_285 = arith.constant 0 : index
          %get3A_286 = tpu.vector_load %arg8[%get3A_284, %get3A_285] {strides = array<i32>} : memref<128x128xi32, #tpu.memory_space<vmem>>, vector<16xi32>,
          %bitcast3A_287 = vector.bitcast %get3A_286 : vector<16xi32> to vector<32xbf16>
          %add3A_288 = arith.constant 64 : i32
          %add3A_289 = arith.addi %add3A_288, %add3A_279 : i32
          %get3A_290 = arith.index_cast %add3A_289 : i32 to index
          %get3A_291 = arith.constant 0 : index
          %get3A_292 = tpu.vector_load %arg8[%get3A_290, %get3A_291] {strides = array<i32>} : memref<128x128xi32, #tpu.memory_space<vmem>>, vector<16xi32>,
          %bitcast3A_293 = vector.bitcast %get3A_292 : vector<16xi32> to vector<32xbf16>
          %mul3A_294 = arith.mulf %bitcast3A_287, %bitcast3A_293 : vector<32xbf16>
          %unpack3A_295 = tpu.unpack_subelements %mul3A_294, 0 {pack_format = #tpu.pack_format<interleaved>} : vector<32xbf16> -> vector<16xf32>
          %unpack3A_296 = tpu.unpack_subelements %mul3A_294, 1 {pack_format = #tpu.pack_format<interleaved>} : vector<32xbf16> -> vector<16xf32>
          %add3A_297 = arith.addf %broadcast_in_dim3A_281, %unpack3A_295 : vector<16xf32>
          %add3A_298 = arith.addf %broadcast_in_dim3A_283, %unpack3A_296 : vector<16xf32>
          %get3A_299 = arith.index_cast %add3A_279 : i32 to index
          %get3A_300 = arith.constant 16 : index
          %get3A_301 = tpu.vector_load %arg8[%get3A_299, %get3A_300] {strides = array<i32>} : memref<128x128xi32, #tpu.memory_space<vmem>>, vector<16xi32>,
          %bitcast3A_302 = vector.bitcast %get3A_301 : vector<16xi32> to vector<32xbf16>
          %add3A_303 = arith.constant 64 : i32
          %add3A_304 = arith.addi %add3A_303, %add3A_279 : i32
          %get3A_305 = arith.index_cast %add3A_304 : i32 to index
          %get3A_306 = arith.constant 16 : index
          %get3A_307 = tpu.vector_load %arg8[%get3A_305, %get3A_306] {strides = array<i32>} : memref<128x128xi32, #tpu.memory_space<vmem>>, vector<16xi32>,
          %bitcast3A_308 = vector.bitcast %get3A_307 : vector<16xi32> to vector<32xbf16>
          %mul3A_309 = arith.mulf %bitcast3A_302, %bitcast3A_308 : vector<32xbf16>
          %unpack3A_310 = tpu.unpack_subelements %mul3A_309, 0 {pack_format = #tpu.pack_format<interleaved>} : vector<32xbf16> -> vector<16xf32>
          %unpack3A_311 = tpu.unpack_subelements %mul3A_309, 1 {pack_format = #tpu.pack_format<interleaved>} : vector<32xbf16> -> vector<16xf32>
          %add3A_312 = arith.addf %add3A_297, %unpack3A_310 : vector<16xf32>
          %add3A_313 = arith.addf %add3A_298, %unpack3A_311 : vector<16xf32>
          %get3A_314 = arith.index_cast %add3A_279 : i32 to index
          %get3A_315 = arith.constant 32 : index
          %get3A_316 = tpu.vector_load %arg8[%get3A_314, %get3A_315] {strides = array<i32>} : memref<128x128xi32, #tpu.memory_space<vmem>>, vector<16xi32>,
          %bitcast3A_317 = vector.bitcast %get3A_316 : vector<16xi32> to vector<32xbf16>
          %add3A_318 = arith.constant 64 : i32
          %add3A_319 = arith.addi %add3A_318, %add3A_279 : i32
          %get3A_320 = arith.index_cast %add3A_319 : i32 to index
          %get3A_321 = arith.constant 32 : index
          %get3A_322 = tpu.vector_load %arg8[%get3A_320, %get3A_321] {strides = array<i32>} : memref<128x128xi32, #tpu.memory_space<vmem>>, vector<16xi32>,
          %bitcast3A_323 = vector.bitcast %get3A_322 : vector<16xi32> to vector<32xbf16>
          %mul3A_324 = arith.mulf %bitcast3A_317, %bitcast3A_323 : vector<32xbf16>
          %unpack3A_325 = tpu.unpack_subelements %mul3A_324, 0 {pack_format = #tpu.pack_format<interleaved>} : vector<32xbf16> -> vector<16xf32>
          %unpack3A_326 = tpu.unpack_subelements %mul3A_324, 1 {pack_format = #tpu.pack_format<interleaved>} : vector<32xbf16> -> vector<16xf32>
          %add3A_327 = arith.addf %add3A_312, %unpack3A_325 : vector<16xf32>
          %add3A_328 = arith.addf %add3A_313, %unpack3A_326 : vector<16xf32>
          %get3A_329 = arith.index_cast %add3A_279 : i32 to index
          %get3A_330 = arith.constant 48 : index
          %get3A_331 = tpu.vector_load %arg8[%get3A_329, %get3A_330] {strides = array<i32>} : memref<128x128xi32, #tpu.memory_space<vmem>>, vector<16xi32>,
          %bitcast3A_332 = vector.bitcast %get3A_331 : vector<16xi32> to vector<32xbf16>
          %add3A_333 = arith.constant 64 : i32
          %add3A_334 = arith.addi %add3A_333, %add3A_279 : i32
          %get3A_335 = arith.index_cast %add3A_334 : i32 to index
          %get3A_336 = arith.constant 48 : index
          %get3A_337 = tpu.vector_load %arg8[%get3A_335, %get3A_336] {strides = array<i32>} : memref<128x128xi32, #tpu.memory_space<vmem>>, vector<16xi32>,
          %bitcast3A_338 = vector.bitcast %get3A_337 : vector<16xi32> to vector<32xbf16>
          %mul3A_339 = arith.mulf %bitcast3A_332, %bitcast3A_338 : vector<32xbf16>
          %unpack3A_340 = tpu.unpack_subelements %mul3A_339, 0 {pack_format = #tpu.pack_format<interleaved>} : vector<32xbf16> -> vector<16xf32>
          %unpack3A_341 = tpu.unpack_subelements %mul3A_339, 1 {pack_format = #tpu.pack_format<interleaved>} : vector<32xbf16> -> vector<16xf32>
          %add3A_342 = arith.addf %add3A_327, %unpack3A_340 : vector<16xf32>
          %add3A_343 = arith.addf %add3A_328, %unpack3A_341 : vector<16xf32>
          %add3A_344 = arith.addf %add3A_342, %add3A_343 : vector<16xf32>
          %swap3A_345 = arith.constant 2 : i32
          %swap3A_346 = arith.index_cast %swap3A_345 : i32 to index
          %swap3A_347 = arith.constant 0 : index
          %swap3A_348 = tpu.vector_load %arg11[%swap3A_346, %swap3A_347] {strides = array<i32>} : memref<16x24xf32, #tpu.memory_space<vmem>>, vector<16xf32>,
          tpu.vector_store %arg11[%swap3A_346, %swap3A_347], %add3A_344 {strides = array<i32>} : memref<16x24xf32, #tpu.memory_space<vmem>>, vector<16xf32>,
          %mul3A_349 = arith.constant 16 : i32
          %mul3A_350 = arith.muli %scan3A_133, %mul3A_349 : i32
          %add3A_351 = arith.constant 3 : i32
          %add3A_352 = arith.addi %mul3A_350, %add3A_351 : i32
          %broadcast_in_dim3A_353 = arith.constant 0.000000e+00 : f32
          %broadcast_in_dim3A_354 = vector.broadcast %broadcast_in_dim3A_353 : f32 to vector<16xf32>
          %broadcast_in_dim3A_355 = arith.constant 0.000000e+00 : f32
          %broadcast_in_dim3A_356 = vector.broadcast %broadcast_in_dim3A_355 : f32 to vector<16xf32>
          %get3A_357 = arith.index_cast %add3A_352 : i32 to index
          %get3A_358 = arith.constant 0 : index
          %get3A_359 = tpu.vector_load %arg8[%get3A_357, %get3A_358] {strides = array<i32>} : memref<128x128xi32, #tpu.memory_space<vmem>>, vector<16xi32>,
          %bitcast3A_360 = vector.bitcast %get3A_359 : vector<16xi32> to vector<32xbf16>
          %add3A_361 = arith.constant 64 : i32
          %add3A_362 = arith.addi %add3A_361, %add3A_352 : i32
          %get3A_363 = arith.index_cast %add3A_362 : i32 to index
          %get3A_364 = arith.constant 0 : index
          %get3A_365 = tpu.vector_load %arg8[%get3A_363, %get3A_364] {strides = array<i32>} : memref<128x128xi32, #tpu.memory_space<vmem>>, vector<16xi32>,
          %bitcast3A_366 = vector.bitcast %get3A_365 : vector<16xi32> to vector<32xbf16>
          %mul3A_367 = arith.mulf %bitcast3A_360, %bitcast3A_366 : vector<32xbf16>
          %unpack3A_368 = tpu.unpack_subelements %mul3A_367, 0 {pack_format = #tpu.pack_format<interleaved>} : vector<32xbf16> -> vector<16xf32>
          %unpack3A_369 = tpu.unpack_subelements %mul3A_367, 1 {pack_format = #tpu.pack_format<interleaved>} : vector<32xbf16> -> vector<16xf32>
          %add3A_370 = arith.addf %broadcast_in_dim3A_354, %unpack3A_368 : vector<16xf32>
          %add3A_371 = arith.addf %broadcast_in_dim3A_356, %unpack3A_369 : vector<16xf32>
          %get3A_372 = arith.index_cast %add3A_352 : i32 to index
          %get3A_373 = arith.constant 16 : index
          %get3A_374 = tpu.vector_load %arg8[%get3A_372, %get3A_373] {strides = array<i32>} : memref<128x128xi32, #tpu.memory_space<vmem>>, vector<16xi32>,
          %bitcast3A_375 = vector.bitcast %get3A_374 : vector<16xi32> to vector<32xbf16>
          %add3A_376 = arith.constant 64 : i32
          %add3A_377 = arith.addi %add3A_376, %add3A_352 : i32
          %get3A_378 = arith.index_cast %add3A_377 : i32 to index
          %get3A_379 = arith.constant 16 : index
          %get3A_380 = tpu.vector_load %arg8[%get3A_378, %get3A_379] {strides = array<i32>} : memref<128x128xi32, #tpu.memory_space<vmem>>, vector<16xi32>,
          %bitcast3A_381 = vector.bitcast %get3A_380 : vector<16xi32> to vector<32xbf16>
          %mul3A_382 = arith.mulf %bitcast3A_375, %bitcast3A_381 : vector<32xbf16>
          %unpack3A_383 = tpu.unpack_subelements %mul3A_382, 0 {pack_format = #tpu.pack_format<interleaved>} : vector<32xbf16> -> vector<16xf32>
          %unpack3A_384 = tpu.unpack_subelements %mul3A_382, 1 {pack_format = #tpu.pack_format<interleaved>} : vector<32xbf16> -> vector<16xf32>
          %add3A_385 = arith.addf %add3A_370, %unpack3A_383 : vector<16xf32>
          %add3A_386 = arith.addf %add3A_371, %unpack3A_384 : vector<16xf32>
          %get3A_387 = arith.index_cast %add3A_352 : i32 to index
          %get3A_388 = arith.constant 32 : index
          %get3A_389 = tpu.vector_load %arg8[%get3A_387, %get3A_388] {strides = array<i32>} : memref<128x128xi32, #tpu.memory_space<vmem>>, vector<16xi32>,
          %bitcast3A_390 = vector.bitcast %get3A_389 : vector<16xi32> to vector<32xbf16>
          %add3A_391 = arith.constant 64 : i32
          %add3A_392 = arith.addi %add3A_391, %add3A_352 : i32
          %get3A_393 = arith.index_cast %add3A_392 : i32 to index
          %get3A_394 = arith.constant 32 : index
          %get3A_395 = tpu.vector_load %arg8[%get3A_393, %get3A_394] {strides = array<i32>} : memref<128x128xi32, #tpu.memory_space<vmem>>, vector<16xi32>,
          %bitcast3A_396 = vector.bitcast %get3A_395 : vector<16xi32> to vector<32xbf16>
          %mul3A_397 = arith.mulf %bitcast3A_390, %bitcast3A_396 : vector<32xbf16>
          %unpack3A_398 = tpu.unpack_subelements %mul3A_397, 0 {pack_format = #tpu.pack_format<interleaved>} : vector<32xbf16> -> vector<16xf32>
          %unpack3A_399 = tpu.unpack_subelements %mul3A_397, 1 {pack_format = #tpu.pack_format<interleaved>} : vector<32xbf16> -> vector<16xf32>
          %add3A_400 = arith.addf %add3A_385, %unpack3A_398 : vector<16xf32>
          %add3A_401 = arith.addf %add3A_386, %unpack3A_399 : vector<16xf32>
          %get3A_402 = arith.index_cast %add3A_352 : i32 to index
          %get3A_403 = arith.constant 48 : index
          %get3A_404 = tpu.vector_load %arg8[%get3A_402, %get3A_403] {strides = array<i32>} : memref<128x128xi32, #tpu.memory_space<vmem>>, vector<16xi32>,
          %bitcast3A_405 = vector.bitcast %get3A_404 : vector<16xi32> to vector<32xbf16>
          %add3A_406 = arith.constant 64 : i32
          %add3A_407 = arith.addi %add3A_406, %add3A_352 : i32
          %get3A_408 = arith.index_cast %add3A_407 : i32 to index
          %get3A_409 = arith.constant 48 : index
          %get3A_410 = tpu.vector_load %arg8[%get3A_408, %get3A_409] {strides = array<i32>} : memref<128x128xi32, #tpu.memory_space<vmem>>, vector<16xi32>,
          %bitcast3A_411 = vector.bitcast %get3A_410 : vector<16xi32> to vector<32xbf16>
          %mul3A_412 = arith.mulf %bitcast3A_405, %bitcast3A_411 : vector<32xbf16>
          %unpack3A_413 = tpu.unpack_subelements %mul3A_412, 0 {pack_format = #tpu.pack_format<interleaved>} : vector<32xbf16> -> vector<16xf32>
          %unpack3A_414 = tpu.unpack_subelements %mul3A_412, 1 {pack_format = #tpu.pack_format<interleaved>} : vector<32xbf16> -> vector<16xf32>
          %add3A_415 = arith.addf %add3A_400, %unpack3A_413 : vector<16xf32>
          %add3A_416 = arith.addf %add3A_401, %unpack3A_414 : vector<16xf32>
          %add3A_417 = arith.addf %add3A_415, %add3A_416 : vector<16xf32>
          %swap3A_418 = arith.constant 3 : i32
          %swap3A_419 = arith.index_cast %swap3A_418 : i32 to index
          %swap3A_420 = arith.constant 0 : index
          %swap3A_421 = tpu.vector_load %arg11[%swap3A_419, %swap3A_420] {strides = array<i32>} : memref<16x24xf32, #tpu.memory_space<vmem>>, vector<16xf32>,
          tpu.vector_store %arg11[%swap3A_419, %swap3A_420], %add3A_417 {strides = array<i32>} : memref<16x24xf32, #tpu.memory_space<vmem>>, vector<16xf32>,
          %mul3A_422 = arith.constant 16 : i32
          %mul3A_423 = arith.muli %scan3A_133, %mul3A_422 : i32
          %add3A_424 = arith.constant 4 : i32
          %add3A_425 = arith.addi %mul3A_423, %add3A_424 : i32
          %broadcast_in_dim3A_426 = arith.constant 0.000000e+00 : f32
          %broadcast_in_dim3A_427 = vector.broadcast %broadcast_in_dim3A_426 : f32 to vector<16xf32>
          %broadcast_in_dim3A_428 = arith.constant 0.000000e+00 : f32
          %broadcast_in_dim3A_429 = vector.broadcast %broadcast_in_dim3A_428 : f32 to vector<16xf32>
          %get3A_430 = arith.index_cast %add3A_425 : i32 to index
          %get3A_431 = arith.constant 0 : index
          %get3A_432 = tpu.vector_load %arg8[%get3A_430, %get3A_431] {strides = array<i32>} : memref<128x128xi32, #tpu.memory_space<vmem>>, vector<16xi32>,
          %bitcast3A_433 = vector.bitcast %get3A_432 : vector<16xi32> to vector<32xbf16>
          %add3A_434 = arith.constant 64 : i32
          %add3A_435 = arith.addi %add3A_434, %add3A_425 : i32
          %get3A_436 = arith.index_cast %add3A_435 : i32 to index
          %get3A_437 = arith.constant 0 : index
          %get3A_438 = tpu.vector_load %arg8[%get3A_436, %get3A_437] {strides = array<i32>} : memref<128x128xi32, #tpu.memory_space<vmem>>, vector<16xi32>,
          %bitcast3A_439 = vector.bitcast %get3A_438 : vector<16xi32> to vector<32xbf16>
          %mul3A_440 = arith.mulf %bitcast3A_433, %bitcast3A_439 : vector<32xbf16>
          %unpack3A_441 = tpu.unpack_subelements %mul3A_440, 0 {pack_format = #tpu.pack_format<interleaved>} : vector<32xbf16> -> vector<16xf32>
          %unpack3A_442 = tpu.unpack_subelements %mul3A_440, 1 {pack_format = #tpu.pack_format<interleaved>} : vector<32xbf16> -> vector<16xf32>
          %add3A_443 = arith.addf %broadcast_in_dim3A_427, %unpack3A_441 : vector<16xf32>
          %add3A_444 = arith.addf %broadcast_in_dim3A_429, %unpack3A_442 : vector<16xf32>
          %get3A_445 = arith.index_cast %add3A_425 : i32 to index
          %get3A_446 = arith.constant 16 : index
          %get3A_447 = tpu.vector_load %arg8[%get3A_445, %get3A_446] {strides = array<i32>} : memref<128x128xi32, #tpu.memory_space<vmem>>, vector<16xi32>,
          %bitcast3A_448 = vector.bitcast %get3A_447 : vector<16xi32> to vector<32xbf16>
          %add3A_449 = arith.constant 64 : i32
          %add3A_450 = arith.addi %add3A_449, %add3A_425 : i32
          %get3A_451 = arith.index_cast %add3A_450 : i32 to index
          %get3A_452 = arith.constant 16 : index
          %get3A_453 = tpu.vector_load %arg8[%get3A_451, %get3A_452] {strides = array<i32>} : memref<128x128xi32, #tpu.memory_space<vmem>>, vector<16xi32>,
          %bitcast3A_454 = vector.bitcast %get3A_453 : vector<16xi32> to vector<32xbf16>
          %mul3A_455 = arith.mulf %bitcast3A_448, %bitcast3A_454 : vector<32xbf16>
          %unpack3A_456 = tpu.unpack_subelements %mul3A_455, 0 {pack_format = #tpu.pack_format<interleaved>} : vector<32xbf16> -> vector<16xf32>
          %unpack3A_457 = tpu.unpack_subelements %mul3A_455, 1 {pack_format = #tpu.pack_format<interleaved>} : vector<32xbf16> -> vector<16xf32>
          %add3A_458 = arith.addf %add3A_443, %unpack3A_456 : vector<16xf32>
          %add3A_459 = arith.addf %add3A_444, %unpack3A_457 : vector<16xf32>
          %get3A_460 = arith.index_cast %add3A_425 : i32 to index
          %get3A_461 = arith.constant 32 : index
          %get3A_462 = tpu.vector_load %arg8[%get3A_460, %get3A_461] {strides = array<i32>} : memref<128x128xi32, #tpu.memory_space<vmem>>, vector<16xi32>,
          %bitcast3A_463 = vector.bitcast %get3A_462 : vector<16xi32> to vector<32xbf16>
          %add3A_464 = arith.constant 64 : i32
          %add3A_465 = arith.addi %add3A_464, %add3A_425 : i32
          %get3A_466 = arith.index_cast %add3A_465 : i32 to index
          %get3A_467 = arith.constant 32 : index
          %get3A_468 = tpu.vector_load %arg8[%get3A_466, %get3A_467] {strides = array<i32>} : memref<128x128xi32, #tpu.memory_space<vmem>>, vector<16xi32>,
          %bitcast3A_469 = vector.bitcast %get3A_468 : vector<16xi32> to vector<32xbf16>
          %mul3A_470 = arith.mulf %bitcast3A_463, %bitcast3A_469 : vector<32xbf16>
          %unpack3A_471 = tpu.unpack_subelements %mul3A_470, 0 {pack_format = #tpu.pack_format<interleaved>} : vector<32xbf16> -> vector<16xf32>
          %unpack3A_472 = tpu.unpack_subelements %mul3A_470, 1 {pack_format = #tpu.pack_format<interleaved>} : vector<32xbf16> -> vector<16xf32>
          %add3A_473 = arith.addf %add3A_458, %unpack3A_471 : vector<16xf32>
          %add3A_474 = arith.addf %add3A_459, %unpack3A_472 : vector<16xf32>
          %get3A_475 = arith.index_cast %add3A_425 : i32 to index
          %get3A_476 = arith.constant 48 : index
          %get3A_477 = tpu.vector_load %arg8[%get3A_475, %get3A_476] {strides = array<i32>} : memref<128x128xi32, #tpu.memory_space<vmem>>, vector<16xi32>,
          %bitcast3A_478 = vector.bitcast %get3A_477 : vector<16xi32> to vector<32xbf16>
          %add3A_479 = arith.constant 64 : i32
          %add3A_480 = arith.addi %add3A_479, %add3A_425 : i32
          %get3A_481 = arith.index_cast %add3A_480 : i32 to index
          %get3A_482 = arith.constant 48 : index
          %get3A_483 = tpu.vector_load %arg8[%get3A_481, %get3A_482] {strides = array<i32>} : memref<128x128xi32, #tpu.memory_space<vmem>>, vector<16xi32>,
          %bitcast3A_484 = vector.bitcast %get3A_483 : vector<16xi32> to vector<32xbf16>
          %mul3A_485 = arith.mulf %bitcast3A_478, %bitcast3A_484 : vector<32xbf16>
          %unpack3A_486 = tpu.unpack_subelements %mul3A_485, 0 {pack_format = #tpu.pack_format<interleaved>} : vector<32xbf16> -> vector<16xf32>
          %unpack3A_487 = tpu.unpack_subelements %mul3A_485, 1 {pack_format = #tpu.pack_format<interleaved>} : vector<32xbf16> -> vector<16xf32>
          %add3A_488 = arith.addf %add3A_473, %unpack3A_486 : vector<16xf32>
          %add3A_489 = arith.addf %add3A_474, %unpack3A_487 : vector<16xf32>
          %add3A_490 = arith.addf %add3A_488, %add3A_489 : vector<16xf32>
          %swap3A_491 = arith.constant 4 : i32
          %swap3A_492 = arith.index_cast %swap3A_491 : i32 to index
          %swap3A_493 = arith.constant 0 : index
          %swap3A_494 = tpu.vector_load %arg11[%swap3A_492, %swap3A_493] {strides = array<i32>} : memref<16x24xf32, #tpu.memory_space<vmem>>, vector<16xf32>,
          tpu.vector_store %arg11[%swap3A_492, %swap3A_493], %add3A_490 {strides = array<i32>} : memref<16x24xf32, #tpu.memory_space<vmem>>, vector<16xf32>,
          %mul3A_495 = arith.constant 16 : i32
          %mul3A_496 = arith.muli %scan3A_133, %mul3A_495 : i32
          %add3A_497 = arith.constant 5 : i32
          %add3A_498 = arith.addi %mul3A_496, %add3A_497 : i32
          %broadcast_in_dim3A_499 = arith.constant 0.000000e+00 : f32
          %broadcast_in_dim3A_500 = vector.broadcast %broadcast_in_dim3A_499 : f32 to vector<16xf32>
          %broadcast_in_dim3A_501 = arith.constant 0.000000e+00 : f32
          %broadcast_in_dim3A_502 = vector.broadcast %broadcast_in_dim3A_501 : f32 to vector<16xf32>
          %get3A_503 = arith.index_cast %add3A_498 : i32 to index
          %get3A_504 = arith.constant 0 : index
          %get3A_505 = tpu.vector_load %arg8[%get3A_503, %get3A_504] {strides = array<i32>} : memref<128x128xi32, #tpu.memory_space<vmem>>, vector<16xi32>,
          %bitcast3A_506 = vector.bitcast %get3A_505 : vector<16xi32> to vector<32xbf16>
          %add3A_507 = arith.constant 64 : i32
          %add3A_508 = arith.addi %add3A_507, %add3A_498 : i32
          %get3A_509 = arith.index_cast %add3A_508 : i32 to index
          %get3A_510 = arith.constant 0 : index
          %get3A_511 = tpu.vector_load %arg8[%get3A_509, %get3A_510] {strides = array<i32>} : memref<128x128xi32, #tpu.memory_space<vmem>>, vector<16xi32>,
          %bitcast3A_512 = vector.bitcast %get3A_511 : vector<16xi32> to vector<32xbf16>
          %mul3A_513 = arith.mulf %bitcast3A_506, %bitcast3A_512 : vector<32xbf16>
          %unpack3A_514 = tpu.unpack_subelements %mul3A_513, 0 {pack_format = #tpu.pack_format<interleaved>} : vector<32xbf16> -> vector<16xf32>
          %unpack3A_515 = tpu.unpack_subelements %mul3A_513, 1 {pack_format = #tpu.pack_format<interleaved>} : vector<32xbf16> -> vector<16xf32>
          %add3A_516 = arith.addf %broadcast_in_dim3A_500, %unpack3A_514 : vector<16xf32>
          %add3A_517 = arith.addf %broadcast_in_dim3A_502, %unpack3A_515 : vector<16xf32>
          %get3A_518 = arith.index_cast %add3A_498 : i32 to index
          %get3A_519 = arith.constant 16 : index
          %get3A_520 = tpu.vector_load %arg8[%get3A_518, %get3A_519] {strides = array<i32>} : memref<128x128xi32, #tpu.memory_space<vmem>>, vector<16xi32>,
          %bitcast3A_521 = vector.bitcast %get3A_520 : vector<16xi32> to vector<32xbf16>
          %add3A_522 = arith.constant 64 : i32
          %add3A_523 = arith.addi %add3A_522, %add3A_498 : i32
          %get3A_524 = arith.index_cast %add3A_523 : i32 to index
          %get3A_525 = arith.constant 16 : index
          %get3A_526 = tpu.vector_load %arg8[%get3A_524, %get3A_525] {strides = array<i32>} : memref<128x128xi32, #tpu.memory_space<vmem>>, vector<16xi32>,
          %bitcast3A_527 = vector.bitcast %get3A_526 : vector<16xi32> to vector<32xbf16>
          %mul3A_528 = arith.mulf %bitcast3A_521, %bitcast3A_527 : vector<32xbf16>
          %unpack3A_529 = tpu.unpack_subelements %mul3A_528, 0 {pack_format = #tpu.pack_format<interleaved>} : vector<32xbf16> -> vector<16xf32>
          %unpack3A_530 = tpu.unpack_subelements %mul3A_528, 1 {pack_format = #tpu.pack_format<interleaved>} : vector<32xbf16> -> vector<16xf32>
          %add3A_531 = arith.addf %add3A_516, %unpack3A_529 : vector<16xf32>
          %add3A_532 = arith.addf %add3A_517, %unpack3A_530 : vector<16xf32>
          %get3A_533 = arith.index_cast %add3A_498 : i32 to index
          %get3A_534 = arith.constant 32 : index
          %get3A_535 = tpu.vector_load %arg8[%get3A_533, %get3A_534] {strides = array<i32>} : memref<128x128xi32, #tpu.memory_space<vmem>>, vector<16xi32>,
          %bitcast3A_536 = vector.bitcast %get3A_535 : vector<16xi32> to vector<32xbf16>
          %add3A_537 = arith.constant 64 : i32
          %add3A_538 = arith.addi %add3A_537, %add3A_498 : i32
          %get3A_539 = arith.index_cast %add3A_538 : i32 to index
          %get3A_540 = arith.constant 32 : index
          %get3A_541 = tpu.vector_load %arg8[%get3A_539, %get3A_540] {strides = array<i32>} : memref<128x128xi32, #tpu.memory_space<vmem>>, vector<16xi32>,
          %bitcast3A_542 = vector.bitcast %get3A_541 : vector<16xi32> to vector<32xbf16>
          %mul3A_543 = arith.mulf %bitcast3A_536, %bitcast3A_542 : vector<32xbf16>
          %unpack3A_544 = tpu.unpack_subelements %mul3A_543, 0 {pack_format = #tpu.pack_format<interleaved>} : vector<32xbf16> -> vector<16xf32>
          %unpack3A_545 = tpu.unpack_subelements %mul3A_543, 1 {pack_format = #tpu.pack_format<interleaved>} : vector<32xbf16> -> vector<16xf32>
          %add3A_546 = arith.addf %add3A_531, %unpack3A_544 : vector<16xf32>
          %add3A_547 = arith.addf %add3A_532, %unpack3A_545 : vector<16xf32>
          %get3A_548 = arith.index_cast %add3A_498 : i32 to index
          %get3A_549 = arith.constant 48 : index
          %get3A_550 = tpu.vector_load %arg8[%get3A_548, %get3A_549] {strides = array<i32>} : memref<128x128xi32, #tpu.memory_space<vmem>>, vector<16xi32>,
          %bitcast3A_551 = vector.bitcast %get3A_550 : vector<16xi32> to vector<32xbf16>
          %add3A_552 = arith.constant 64 : i32
          %add3A_553 = arith.addi %add3A_552, %add3A_498 : i32
          %get3A_554 = arith.index_cast %add3A_553 : i32 to index
          %get3A_555 = arith.constant 48 : index
          %get3A_556 = tpu.vector_load %arg8[%get3A_554, %get3A_555] {strides = array<i32>} : memref<128x128xi32, #tpu.memory_space<vmem>>, vector<16xi32>,
          %bitcast3A_557 = vector.bitcast %get3A_556 : vector<16xi32> to vector<32xbf16>
          %mul3A_558 = arith.mulf %bitcast3A_551, %bitcast3A_557 : vector<32xbf16>
          %unpack3A_559 = tpu.unpack_subelements %mul3A_558, 0 {pack_format = #tpu.pack_format<interleaved>} : vector<32xbf16> -> vector<16xf32>
          %unpack3A_560 = tpu.unpack_subelements %mul3A_558, 1 {pack_format = #tpu.pack_format<interleaved>} : vector<32xbf16> -> vector<16xf32>
          %add3A_561 = arith.addf %add3A_546, %unpack3A_559 : vector<16xf32>
          %add3A_562 = arith.addf %add3A_547, %unpack3A_560 : vector<16xf32>
          %add3A_563 = arith.addf %add3A_561, %add3A_562 : vector<16xf32>
          %swap3A_564 = arith.constant 5 : i32
          %swap3A_565 = arith.index_cast %swap3A_564 : i32 to index
          %swap3A_566 = arith.constant 0 : index
          %swap3A_567 = tpu.vector_load %arg11[%swap3A_565, %swap3A_566] {strides = array<i32>} : memref<16x24xf32, #tpu.memory_space<vmem>>, vector<16xf32>,
          tpu.vector_store %arg11[%swap3A_565, %swap3A_566], %add3A_563 {strides = array<i32>} : memref<16x24xf32, #tpu.memory_space<vmem>>, vector<16xf32>,
          %mul3A_568 = arith.constant 16 : i32
          %mul3A_569 = arith.muli %scan3A_133, %mul3A_568 : i32
          %add3A_570 = arith.constant 6 : i32
          %add3A_571 = arith.addi %mul3A_569, %add3A_570 : i32
          %broadcast_in_dim3A_572 = arith.constant 0.000000e+00 : f32
          %broadcast_in_dim3A_573 = vector.broadcast %broadcast_in_dim3A_572 : f32 to vector<16xf32>
          %broadcast_in_dim3A_574 = arith.constant 0.000000e+00 : f32
          %broadcast_in_dim3A_575 = vector.broadcast %broadcast_in_dim3A_574 : f32 to vector<16xf32>
          %get3A_576 = arith.index_cast %add3A_571 : i32 to index
          %get3A_577 = arith.constant 0 : index
          %get3A_578 = tpu.vector_load %arg8[%get3A_576, %get3A_577] {strides = array<i32>} : memref<128x128xi32, #tpu.memory_space<vmem>>, vector<16xi32>,
          %bitcast3A_579 = vector.bitcast %get3A_578 : vector<16xi32> to vector<32xbf16>
          %add3A_580 = arith.constant 64 : i32
          %add3A_581 = arith.addi %add3A_580, %add3A_571 : i32
          %get3A_582 = arith.index_cast %add3A_581 : i32 to index
          %get3A_583 = arith.constant 0 : index
          %get3A_584 = tpu.vector_load %arg8[%get3A_582, %get3A_583] {strides = array<i32>} : memref<128x128xi32, #tpu.memory_space<vmem>>, vector<16xi32>,
          %bitcast3A_585 = vector.bitcast %get3A_584 : vector<16xi32> to vector<32xbf16>
          %mul3A_586 = arith.mulf %bitcast3A_579, %bitcast3A_585 : vector<32xbf16>
          %unpack3A_587 = tpu.unpack_subelements %mul3A_586, 0 {pack_format = #tpu.pack_format<interleaved>} : vector<32xbf16> -> vector<16xf32>
          %unpack3A_588 = tpu.unpack_subelements %mul3A_586, 1 {pack_format = #tpu.pack_format<interleaved>} : vector<32xbf16> -> vector<16xf32>
          %add3A_589 = arith.addf %broadcast_in_dim3A_573, %unpack3A_587 : vector<16xf32>
          %add3A_590 = arith.addf %broadcast_in_dim3A_575, %unpack3A_588 : vector<16xf32>
          %get3A_591 = arith.index_cast %add3A_571 : i32 to index
          %get3A_592 = arith.constant 16 : index
          %get3A_593 = tpu.vector_load %arg8[%get3A_591, %get3A_592] {strides = array<i32>} : memref<128x128xi32, #tpu.memory_space<vmem>>, vector<16xi32>,
          %bitcast3A_594 = vector.bitcast %get3A_593 : vector<16xi32> to vector<32xbf16>
          %add3A_595 = arith.constant 64 : i32
          %add3A_596 = arith.addi %add3A_595, %add3A_571 : i32
          %get3A_597 = arith.index_cast %add3A_596 : i32 to index
          %get3A_598 = arith.constant 16 : index
          %get3A_599 = tpu.vector_load %arg8[%get3A_597, %get3A_598] {strides = array<i32>} : memref<128x128xi32, #tpu.memory_space<vmem>>, vector<16xi32>,
          %bitcast3A_600 = vector.bitcast %get3A_599 : vector<16xi32> to vector<32xbf16>
          %mul3A_601 = arith.mulf %bitcast3A_594, %bitcast3A_600 : vector<32xbf16>
          %unpack3A_602 = tpu.unpack_subelements %mul3A_601, 0 {pack_format = #tpu.pack_format<interleaved>} : vector<32xbf16> -> vector<16xf32>
          %unpack3A_603 = tpu.unpack_subelements %mul3A_601, 1 {pack_format = #tpu.pack_format<interleaved>} : vector<32xbf16> -> vector<16xf32>
          %add3A_604 = arith.addf %add3A_589, %unpack3A_602 : vector<16xf32>
          %add3A_605 = arith.addf %add3A_590, %unpack3A_603 : vector<16xf32>
          %get3A_606 = arith.index_cast %add3A_571 : i32 to index
          %get3A_607 = arith.constant 32 : index
          %get3A_608 = tpu.vector_load %arg8[%get3A_606, %get3A_607] {strides = array<i32>} : memref<128x128xi32, #tpu.memory_space<vmem>>, vector<16xi32>,
          %bitcast3A_609 = vector.bitcast %get3A_608 : vector<16xi32> to vector<32xbf16>
          %add3A_610 = arith.constant 64 : i32
          %add3A_611 = arith.addi %add3A_610, %add3A_571 : i32
          %get3A_612 = arith.index_cast %add3A_611 : i32 to index
          %get3A_613 = arith.constant 32 : index
          %get3A_614 = tpu.vector_load %arg8[%get3A_612, %get3A_613] {strides = array<i32>} : memref<128x128xi32, #tpu.memory_space<vmem>>, vector<16xi32>,
          %bitcast3A_615 = vector.bitcast %get3A_614 : vector<16xi32> to vector<32xbf16>
          %mul3A_616 = arith.mulf %bitcast3A_609, %bitcast3A_615 : vector<32xbf16>
          %unpack3A_617 = tpu.unpack_subelements %mul3A_616, 0 {pack_format = #tpu.pack_format<interleaved>} : vector<32xbf16> -> vector<16xf32>
          %unpack3A_618 = tpu.unpack_subelements %mul3A_616, 1 {pack_format = #tpu.pack_format<interleaved>} : vector<32xbf16> -> vector<16xf32>
          %add3A_619 = arith.addf %add3A_604, %unpack3A_617 : vector<16xf32>
          %add3A_620 = arith.addf %add3A_605, %unpack3A_618 : vector<16xf32>
          %get3A_621 = arith.index_cast %add3A_571 : i32 to index
          %get3A_622 = arith.constant 48 : index
          %get3A_623 = tpu.vector_load %arg8[%get3A_621, %get3A_622] {strides = array<i32>} : memref<128x128xi32, #tpu.memory_space<vmem>>, vector<16xi32>,
          %bitcast3A_624 = vector.bitcast %get3A_623 : vector<16xi32> to vector<32xbf16>
          %add3A_625 = arith.constant 64 : i32
          %add3A_626 = arith.addi %add3A_625, %add3A_571 : i32
          %get3A_627 = arith.index_cast %add3A_626 : i32 to index
          %get3A_628 = arith.constant 48 : index
          %get3A_629 = tpu.vector_load %arg8[%get3A_627, %get3A_628] {strides = array<i32>} : memref<128x128xi32, #tpu.memory_space<vmem>>, vector<16xi32>,
          %bitcast3A_630 = vector.bitcast %get3A_629 : vector<16xi32> to vector<32xbf16>
          %mul3A_631 = arith.mulf %bitcast3A_624, %bitcast3A_630 : vector<32xbf16>
          %unpack3A_632 = tpu.unpack_subelements %mul3A_631, 0 {pack_format = #tpu.pack_format<interleaved>} : vector<32xbf16> -> vector<16xf32>
          %unpack3A_633 = tpu.unpack_subelements %mul3A_631, 1 {pack_format = #tpu.pack_format<interleaved>} : vector<32xbf16> -> vector<16xf32>
          %add3A_634 = arith.addf %add3A_619, %unpack3A_632 : vector<16xf32>
          %add3A_635 = arith.addf %add3A_620, %unpack3A_633 : vector<16xf32>
          %add3A_636 = arith.addf %add3A_634, %add3A_635 : vector<16xf32>
          %swap3A_637 = arith.constant 6 : i32
          %swap3A_638 = arith.index_cast %swap3A_637 : i32 to index
          %swap3A_639 = arith.constant 0 : index
          %swap3A_640 = tpu.vector_load %arg11[%swap3A_638, %swap3A_639] {strides = array<i32>} : memref<16x24xf32, #tpu.memory_space<vmem>>, vector<16xf32>,
          tpu.vector_store %arg11[%swap3A_638, %swap3A_639], %add3A_636 {strides = array<i32>} : memref<16x24xf32, #tpu.memory_space<vmem>>, vector<16xf32>,
          %mul3A_641 = arith.constant 16 : i32
          %mul3A_642 = arith.muli %scan3A_133, %mul3A_641 : i32
          %add3A_643 = arith.constant 7 : i32
          %add3A_644 = arith.addi %mul3A_642, %add3A_643 : i32
          %broadcast_in_dim3A_645 = arith.constant 0.000000e+00 : f32
          %broadcast_in_dim3A_646 = vector.broadcast %broadcast_in_dim3A_645 : f32 to vector<16xf32>
          %broadcast_in_dim3A_647 = arith.constant 0.000000e+00 : f32
          %broadcast_in_dim3A_648 = vector.broadcast %broadcast_in_dim3A_647 : f32 to vector<16xf32>
          %get3A_649 = arith.index_cast %add3A_644 : i32 to index
          %get3A_650 = arith.constant 0 : index
          %get3A_651 = tpu.vector_load %arg8[%get3A_649, %get3A_650] {strides = array<i32>} : memref<128x128xi32, #tpu.memory_space<vmem>>, vector<16xi32>,
          %bitcast3A_652 = vector.bitcast %get3A_651 : vector<16xi32> to vector<32xbf16>
          %add3A_653 = arith.constant 64 : i32
          %add3A_654 = arith.addi %add3A_653, %add3A_644 : i32
          %get3A_655 = arith.index_cast %add3A_654 : i32 to index
          %get3A_656 = arith.constant 0 : index
          %get3A_657 = tpu.vector_load %arg8[%get3A_655, %get3A_656] {strides = array<i32>} : memref<128x128xi32, #tpu.memory_space<vmem>>, vector<16xi32>,
          %bitcast3A_658 = vector.bitcast %get3A_657 : vector<16xi32> to vector<32xbf16>
          %mul3A_659 = arith.mulf %bitcast3A_652, %bitcast3A_658 : vector<32xbf16>
          %unpack3A_660 = tpu.unpack_subelements %mul3A_659, 0 {pack_format = #tpu.pack_format<interleaved>} : vector<32xbf16> -> vector<16xf32>
          %unpack3A_661 = tpu.unpack_subelements %mul3A_659, 1 {pack_format = #tpu.pack_format<interleaved>} : vector<32xbf16> -> vector<16xf32>
          %add3A_662 = arith.addf %broadcast_in_dim3A_646, %unpack3A_660 : vector<16xf32>
          %add3A_663 = arith.addf %broadcast_in_dim3A_648, %unpack3A_661 : vector<16xf32>
          %get3A_664 = arith.index_cast %add3A_644 : i32 to index
          %get3A_665 = arith.constant 16 : index
          %get3A_666 = tpu.vector_load %arg8[%get3A_664, %get3A_665] {strides = array<i32>} : memref<128x128xi32, #tpu.memory_space<vmem>>, vector<16xi32>,
          %bitcast3A_667 = vector.bitcast %get3A_666 : vector<16xi32> to vector<32xbf16>
          %add3A_668 = arith.constant 64 : i32
          %add3A_669 = arith.addi %add3A_668, %add3A_644 : i32
          %get3A_670 = arith.index_cast %add3A_669 : i32 to index
          %get3A_671 = arith.constant 16 : index
          %get3A_672 = tpu.vector_load %arg8[%get3A_670, %get3A_671] {strides = array<i32>} : memref<128x128xi32, #tpu.memory_space<vmem>>, vector<16xi32>,
          %bitcast3A_673 = vector.bitcast %get3A_672 : vector<16xi32> to vector<32xbf16>
          %mul3A_674 = arith.mulf %bitcast3A_667, %bitcast3A_673 : vector<32xbf16>
          %unpack3A_675 = tpu.unpack_subelements %mul3A_674, 0 {pack_format = #tpu.pack_format<interleaved>} : vector<32xbf16> -> vector<16xf32>
          %unpack3A_676 = tpu.unpack_subelements %mul3A_674, 1 {pack_format = #tpu.pack_format<interleaved>} : vector<32xbf16> -> vector<16xf32>
          %add3A_677 = arith.addf %add3A_662, %unpack3A_675 : vector<16xf32>
          %add3A_678 = arith.addf %add3A_663, %unpack3A_676 : vector<16xf32>
          %get3A_679 = arith.index_cast %add3A_644 : i32 to index
          %get3A_680 = arith.constant 32 : index
          %get3A_681 = tpu.vector_load %arg8[%get3A_679, %get3A_680] {strides = array<i32>} : memref<128x128xi32, #tpu.memory_space<vmem>>, vector<16xi32>,
          %bitcast3A_682 = vector.bitcast %get3A_681 : vector<16xi32> to vector<32xbf16>
          %add3A_683 = arith.constant 64 : i32
          %add3A_684 = arith.addi %add3A_683, %add3A_644 : i32
          %get3A_685 = arith.index_cast %add3A_684 : i32 to index
          %get3A_686 = arith.constant 32 : index
          %get3A_687 = tpu.vector_load %arg8[%get3A_685, %get3A_686] {strides = array<i32>} : memref<128x128xi32, #tpu.memory_space<vmem>>, vector<16xi32>,
          %bitcast3A_688 = vector.bitcast %get3A_687 : vector<16xi32> to vector<32xbf16>
          %mul3A_689 = arith.mulf %bitcast3A_682, %bitcast3A_688 : vector<32xbf16>
          %unpack3A_690 = tpu.unpack_subelements %mul3A_689, 0 {pack_format = #tpu.pack_format<interleaved>} : vector<32xbf16> -> vector<16xf32>
          %unpack3A_691 = tpu.unpack_subelements %mul3A_689, 1 {pack_format = #tpu.pack_format<interleaved>} : vector<32xbf16> -> vector<16xf32>
          %add3A_692 = arith.addf %add3A_677, %unpack3A_690 : vector<16xf32>
          %add3A_693 = arith.addf %add3A_678, %unpack3A_691 : vector<16xf32>
          %get3A_694 = arith.index_cast %add3A_644 : i32 to index
          %get3A_695 = arith.constant 48 : index
          %get3A_696 = tpu.vector_load %arg8[%get3A_694, %get3A_695] {strides = array<i32>} : memref<128x128xi32, #tpu.memory_space<vmem>>, vector<16xi32>,
          %bitcast3A_697 = vector.bitcast %get3A_696 : vector<16xi32> to vector<32xbf16>
          %add3A_698 = arith.constant 64 : i32
          %add3A_699 = arith.addi %add3A_698, %add3A_644 : i32
          %get3A_700 = arith.index_cast %add3A_699 : i32 to index
          %get3A_701 = arith.constant 48 : index
          %get3A_702 = tpu.vector_load %arg8[%get3A_700, %get3A_701] {strides = array<i32>} : memref<128x128xi32, #tpu.memory_space<vmem>>, vector<16xi32>,
          %bitcast3A_703 = vector.bitcast %get3A_702 : vector<16xi32> to vector<32xbf16>
          %mul3A_704 = arith.mulf %bitcast3A_697, %bitcast3A_703 : vector<32xbf16>
          %unpack3A_705 = tpu.unpack_subelements %mul3A_704, 0 {pack_format = #tpu.pack_format<interleaved>} : vector<32xbf16> -> vector<16xf32>
          %unpack3A_706 = tpu.unpack_subelements %mul3A_704, 1 {pack_format = #tpu.pack_format<interleaved>} : vector<32xbf16> -> vector<16xf32>
          %add3A_707 = arith.addf %add3A_692, %unpack3A_705 : vector<16xf32>
          %add3A_708 = arith.addf %add3A_693, %unpack3A_706 : vector<16xf32>
          %add3A_709 = arith.addf %add3A_707, %add3A_708 : vector<16xf32>
          %swap3A_710 = arith.constant 7 : i32
          %swap3A_711 = arith.index_cast %swap3A_710 : i32 to index
          %swap3A_712 = arith.constant 0 : index
          %swap3A_713 = tpu.vector_load %arg11[%swap3A_711, %swap3A_712] {strides = array<i32>} : memref<16x24xf32, #tpu.memory_space<vmem>>, vector<16xf32>,
          tpu.vector_store %arg11[%swap3A_711, %swap3A_712], %add3A_709 {strides = array<i32>} : memref<16x24xf32, #tpu.memory_space<vmem>>, vector<16xf32>,
          %mul3A_714 = arith.constant 16 : i32
          %mul3A_715 = arith.muli %scan3A_133, %mul3A_714 : i32
          %add3A_716 = arith.constant 8 : i32
          %add3A_717 = arith.addi %mul3A_715, %add3A_716 : i32
          %broadcast_in_dim3A_718 = arith.constant 0.000000e+00 : f32
          %broadcast_in_dim3A_719 = vector.broadcast %broadcast_in_dim3A_718 : f32 to vector<16xf32>
          %broadcast_in_dim3A_720 = arith.constant 0.000000e+00 : f32
          %broadcast_in_dim3A_721 = vector.broadcast %broadcast_in_dim3A_720 : f32 to vector<16xf32>
          %get3A_722 = arith.index_cast %add3A_717 : i32 to index
          %get3A_723 = arith.constant 0 : index
          %get3A_724 = tpu.vector_load %arg8[%get3A_722, %get3A_723] {strides = array<i32>} : memref<128x128xi32, #tpu.memory_space<vmem>>, vector<16xi32>,
          %bitcast3A_725 = vector.bitcast %get3A_724 : vector<16xi32> to vector<32xbf16>
          %add3A_726 = arith.constant 64 : i32
          %add3A_727 = arith.addi %add3A_726, %add3A_717 : i32
          %get3A_728 = arith.index_cast %add3A_727 : i32 to index
          %get3A_729 = arith.constant 0 : index
          %get3A_730 = tpu.vector_load %arg8[%get3A_728, %get3A_729] {strides = array<i32>} : memref<128x128xi32, #tpu.memory_space<vmem>>, vector<16xi32>,
          %bitcast3A_731 = vector.bitcast %get3A_730 : vector<16xi32> to vector<32xbf16>
          %mul3A_732 = arith.mulf %bitcast3A_725, %bitcast3A_731 : vector<32xbf16>
          %unpack3A_733 = tpu.unpack_subelements %mul3A_732, 0 {pack_format = #tpu.pack_format<interleaved>} : vector<32xbf16> -> vector<16xf32>
          %unpack3A_734 = tpu.unpack_subelements %mul3A_732, 1 {pack_format = #tpu.pack_format<interleaved>} : vector<32xbf16> -> vector<16xf32>
          %add3A_735 = arith.addf %broadcast_in_dim3A_719, %unpack3A_733 : vector<16xf32>
          %add3A_736 = arith.addf %broadcast_in_dim3A_721, %unpack3A_734 : vector<16xf32>
          %get3A_737 = arith.index_cast %add3A_717 : i32 to index
          %get3A_738 = arith.constant 16 : index
          %get3A_739 = tpu.vector_load %arg8[%get3A_737, %get3A_738] {strides = array<i32>} : memref<128x128xi32, #tpu.memory_space<vmem>>, vector<16xi32>,
          %bitcast3A_740 = vector.bitcast %get3A_739 : vector<16xi32> to vector<32xbf16>
          %add3A_741 = arith.constant 64 : i32
          %add3A_742 = arith.addi %add3A_741, %add3A_717 : i32
          %get3A_743 = arith.index_cast %add3A_742 : i32 to index
          %get3A_744 = arith.constant 16 : index
          %get3A_745 = tpu.vector_load %arg8[%get3A_743, %get3A_744] {strides = array<i32>} : memref<128x128xi32, #tpu.memory_space<vmem>>, vector<16xi32>,
          %bitcast3A_746 = vector.bitcast %get3A_745 : vector<16xi32> to vector<32xbf16>
          %mul3A_747 = arith.mulf %bitcast3A_740, %bitcast3A_746 : vector<32xbf16>
          %unpack3A_748 = tpu.unpack_subelements %mul3A_747, 0 {pack_format = #tpu.pack_format<interleaved>} : vector<32xbf16> -> vector<16xf32>
          %unpack3A_749 = tpu.unpack_subelements %mul3A_747, 1 {pack_format = #tpu.pack_format<interleaved>} : vector<32xbf16> -> vector<16xf32>
          %add3A_750 = arith.addf %add3A_735, %unpack3A_748 : vector<16xf32>
          %add3A_751 = arith.addf %add3A_736, %unpack3A_749 : vector<16xf32>
          %get3A_752 = arith.index_cast %add3A_717 : i32 to index
          %get3A_753 = arith.constant 32 : index
          %get3A_754 = tpu.vector_load %arg8[%get3A_752, %get3A_753] {strides = array<i32>} : memref<128x128xi32, #tpu.memory_space<vmem>>, vector<16xi32>,
          %bitcast3A_755 = vector.bitcast %get3A_754 : vector<16xi32> to vector<32xbf16>
          %add3A_756 = arith.constant 64 : i32
          %add3A_757 = arith.addi %add3A_756, %add3A_717 : i32
          %get3A_758 = arith.index_cast %add3A_757 : i32 to index
          %get3A_759 = arith.constant 32 : index
          %get3A_760 = tpu.vector_load %arg8[%get3A_758, %get3A_759] {strides = array<i32>} : memref<128x128xi32, #tpu.memory_space<vmem>>, vector<16xi32>,
          %bitcast3A_761 = vector.bitcast %get3A_760 : vector<16xi32> to vector<32xbf16>
          %mul3A_762 = arith.mulf %bitcast3A_755, %bitcast3A_761 : vector<32xbf16>
          %unpack3A_763 = tpu.unpack_subelements %mul3A_762, 0 {pack_format = #tpu.pack_format<interleaved>} : vector<32xbf16> -> vector<16xf32>
          %unpack3A_764 = tpu.unpack_subelements %mul3A_762, 1 {pack_format = #tpu.pack_format<interleaved>} : vector<32xbf16> -> vector<16xf32>
          %add3A_765 = arith.addf %add3A_750, %unpack3A_763 : vector<16xf32>
          %add3A_766 = arith.addf %add3A_751, %unpack3A_764 : vector<16xf32>
          %get3A_767 = arith.index_cast %add3A_717 : i32 to index
          %get3A_768 = arith.constant 48 : index
          %get3A_769 = tpu.vector_load %arg8[%get3A_767, %get3A_768] {strides = array<i32>} : memref<128x128xi32, #tpu.memory_space<vmem>>, vector<16xi32>,
          %bitcast3A_770 = vector.bitcast %get3A_769 : vector<16xi32> to vector<32xbf16>
          %add3A_771 = arith.constant 64 : i32
          %add3A_772 = arith.addi %add3A_771, %add3A_717 : i32
          %get3A_773 = arith.index_cast %add3A_772 : i32 to index
          %get3A_774 = arith.constant 48 : index
          %get3A_775 = tpu.vector_load %arg8[%get3A_773, %get3A_774] {strides = array<i32>} : memref<128x128xi32, #tpu.memory_space<vmem>>, vector<16xi32>,
          %bitcast3A_776 = vector.bitcast %get3A_775 : vector<16xi32> to vector<32xbf16>
          %mul3A_777 = arith.mulf %bitcast3A_770, %bitcast3A_776 : vector<32xbf16>
          %unpack3A_778 = tpu.unpack_subelements %mul3A_777, 0 {pack_format = #tpu.pack_format<interleaved>} : vector<32xbf16> -> vector<16xf32>
          %unpack3A_779 = tpu.unpack_subelements %mul3A_777, 1 {pack_format = #tpu.pack_format<interleaved>} : vector<32xbf16> -> vector<16xf32>
          %add3A_780 = arith.addf %add3A_765, %unpack3A_778 : vector<16xf32>
          %add3A_781 = arith.addf %add3A_766, %unpack3A_779 : vector<16xf32>
          %add3A_782 = arith.addf %add3A_780, %add3A_781 : vector<16xf32>
          %swap3A_783 = arith.constant 8 : i32
          %swap3A_784 = arith.index_cast %swap3A_783 : i32 to index
          %swap3A_785 = arith.constant 0 : index
          %swap3A_786 = tpu.vector_load %arg11[%swap3A_784, %swap3A_785] {strides = array<i32>} : memref<16x24xf32, #tpu.memory_space<vmem>>, vector<16xf32>,
          tpu.vector_store %arg11[%swap3A_784, %swap3A_785], %add3A_782 {strides = array<i32>} : memref<16x24xf32, #tpu.memory_space<vmem>>, vector<16xf32>,
          %mul3A_787 = arith.constant 16 : i32
          %mul3A_788 = arith.muli %scan3A_133, %mul3A_787 : i32
          %add3A_789 = arith.constant 9 : i32
          %add3A_790 = arith.addi %mul3A_788, %add3A_789 : i32
          %broadcast_in_dim3A_791 = arith.constant 0.000000e+00 : f32
          %broadcast_in_dim3A_792 = vector.broadcast %broadcast_in_dim3A_791 : f32 to vector<16xf32>
          %broadcast_in_dim3A_793 = arith.constant 0.000000e+00 : f32
          %broadcast_in_dim3A_794 = vector.broadcast %broadcast_in_dim3A_793 : f32 to vector<16xf32>
          %get3A_795 = arith.index_cast %add3A_790 : i32 to index
          %get3A_796 = arith.constant 0 : index
          %get3A_797 = tpu.vector_load %arg8[%get3A_795, %get3A_796] {strides = array<i32>} : memref<128x128xi32, #tpu.memory_space<vmem>>, vector<16xi32>,
          %bitcast3A_798 = vector.bitcast %get3A_797 : vector<16xi32> to vector<32xbf16>
          %add3A_799 = arith.constant 64 : i32
          %add3A_800 = arith.addi %add3A_799, %add3A_790 : i32
          %get3A_801 = arith.index_cast %add3A_800 : i32 to index
          %get3A_802 = arith.constant 0 : index
          %get3A_803 = tpu.vector_load %arg8[%get3A_801, %get3A_802] {strides = array<i32>} : memref<128x128xi32, #tpu.memory_space<vmem>>, vector<16xi32>,
          %bitcast3A_804 = vector.bitcast %get3A_803 : vector<16xi32> to vector<32xbf16>
          %mul3A_805 = arith.mulf %bitcast3A_798, %bitcast3A_804 : vector<32xbf16>
          %unpack3A_806 = tpu.unpack_subelements %mul3A_805, 0 {pack_format = #tpu.pack_format<interleaved>} : vector<32xbf16> -> vector<16xf32>
          %unpack3A_807 = tpu.unpack_subelements %mul3A_805, 1 {pack_format = #tpu.pack_format<interleaved>} : vector<32xbf16> -> vector<16xf32>
          %add3A_808 = arith.addf %broadcast_in_dim3A_792, %unpack3A_806 : vector<16xf32>
          %add3A_809 = arith.addf %broadcast_in_dim3A_794, %unpack3A_807 : vector<16xf32>
          %get3A_810 = arith.index_cast %add3A_790 : i32 to index
          %get3A_811 = arith.constant 16 : index
          %get3A_812 = tpu.vector_load %arg8[%get3A_810, %get3A_811] {strides = array<i32>} : memref<128x128xi32, #tpu.memory_space<vmem>>, vector<16xi32>,
          %bitcast3A_813 = vector.bitcast %get3A_812 : vector<16xi32> to vector<32xbf16>
          %add3A_814 = arith.constant 64 : i32
          %add3A_815 = arith.addi %add3A_814, %add3A_790 : i32
          %get3A_816 = arith.index_cast %add3A_815 : i32 to index
          %get3A_817 = arith.constant 16 : index
          %get3A_818 = tpu.vector_load %arg8[%get3A_816, %get3A_817] {strides = array<i32>} : memref<128x128xi32, #tpu.memory_space<vmem>>, vector<16xi32>,
          %bitcast3A_819 = vector.bitcast %get3A_818 : vector<16xi32> to vector<32xbf16>
          %mul3A_820 = arith.mulf %bitcast3A_813, %bitcast3A_819 : vector<32xbf16>
          %unpack3A_821 = tpu.unpack_subelements %mul3A_820, 0 {pack_format = #tpu.pack_format<interleaved>} : vector<32xbf16> -> vector<16xf32>
          %unpack3A_822 = tpu.unpack_subelements %mul3A_820, 1 {pack_format = #tpu.pack_format<interleaved>} : vector<32xbf16> -> vector<16xf32>
          %add3A_823 = arith.addf %add3A_808, %unpack3A_821 : vector<16xf32>
          %add3A_824 = arith.addf %add3A_809, %unpack3A_822 : vector<16xf32>
          %get3A_825 = arith.index_cast %add3A_790 : i32 to index
          %get3A_826 = arith.constant 32 : index
          %get3A_827 = tpu.vector_load %arg8[%get3A_825, %get3A_826] {strides = array<i32>} : memref<128x128xi32, #tpu.memory_space<vmem>>, vector<16xi32>,
          %bitcast3A_828 = vector.bitcast %get3A_827 : vector<16xi32> to vector<32xbf16>
          %add3A_829 = arith.constant 64 : i32
          %add3A_830 = arith.addi %add3A_829, %add3A_790 : i32
          %get3A_831 = arith.index_cast %add3A_830 : i32 to index
          %get3A_832 = arith.constant 32 : index
          %get3A_833 = tpu.vector_load %arg8[%get3A_831, %get3A_832] {strides = array<i32>} : memref<128x128xi32, #tpu.memory_space<vmem>>, vector<16xi32>,
          %bitcast3A_834 = vector.bitcast %get3A_833 : vector<16xi32> to vector<32xbf16>
          %mul3A_835 = arith.mulf %bitcast3A_828, %bitcast3A_834 : vector<32xbf16>
          %unpack3A_836 = tpu.unpack_subelements %mul3A_835, 0 {pack_format = #tpu.pack_format<interleaved>} : vector<32xbf16> -> vector<16xf32>
          %unpack3A_837 = tpu.unpack_subelements %mul3A_835, 1 {pack_format = #tpu.pack_format<interleaved>} : vector<32xbf16> -> vector<16xf32>
          %add3A_838 = arith.addf %add3A_823, %unpack3A_836 : vector<16xf32>
          %add3A_839 = arith.addf %add3A_824, %unpack3A_837 : vector<16xf32>
          %get3A_840 = arith.index_cast %add3A_790 : i32 to index
          %get3A_841 = arith.constant 48 : index
          %get3A_842 = tpu.vector_load %arg8[%get3A_840, %get3A_841] {strides = array<i32>} : memref<128x128xi32, #tpu.memory_space<vmem>>, vector<16xi32>,
          %bitcast3A_843 = vector.bitcast %get3A_842 : vector<16xi32> to vector<32xbf16>
          %add3A_844 = arith.constant 64 : i32
          %add3A_845 = arith.addi %add3A_844, %add3A_790 : i32
          %get3A_846 = arith.index_cast %add3A_845 : i32 to index
          %get3A_847 = arith.constant 48 : index
          %get3A_848 = tpu.vector_load %arg8[%get3A_846, %get3A_847] {strides = array<i32>} : memref<128x128xi32, #tpu.memory_space<vmem>>, vector<16xi32>,
          %bitcast3A_849 = vector.bitcast %get3A_848 : vector<16xi32> to vector<32xbf16>
          %mul3A_850 = arith.mulf %bitcast3A_843, %bitcast3A_849 : vector<32xbf16>
          %unpack3A_851 = tpu.unpack_subelements %mul3A_850, 0 {pack_format = #tpu.pack_format<interleaved>} : vector<32xbf16> -> vector<16xf32>
          %unpack3A_852 = tpu.unpack_subelements %mul3A_850, 1 {pack_format = #tpu.pack_format<interleaved>} : vector<32xbf16> -> vector<16xf32>
          %add3A_853 = arith.addf %add3A_838, %unpack3A_851 : vector<16xf32>
          %add3A_854 = arith.addf %add3A_839, %unpack3A_852 : vector<16xf32>
          %add3A_855 = arith.addf %add3A_853, %add3A_854 : vector<16xf32>
          %swap3A_856 = arith.constant 9 : i32
          %swap3A_857 = arith.index_cast %swap3A_856 : i32 to index
          %swap3A_858 = arith.constant 0 : index
          %swap3A_859 = tpu.vector_load %arg11[%swap3A_857, %swap3A_858] {strides = array<i32>} : memref<16x24xf32, #tpu.memory_space<vmem>>, vector<16xf32>,
          tpu.vector_store %arg11[%swap3A_857, %swap3A_858], %add3A_855 {strides = array<i32>} : memref<16x24xf32, #tpu.memory_space<vmem>>, vector<16xf32>,
          %mul3A_860 = arith.constant 16 : i32
          %mul3A_861 = arith.muli %scan3A_133, %mul3A_860 : i32
          %add3A_862 = arith.constant 10 : i32
          %add3A_863 = arith.addi %mul3A_861, %add3A_862 : i32
          %broadcast_in_dim3A_864 = arith.constant 0.000000e+00 : f32
          %broadcast_in_dim3A_865 = vector.broadcast %broadcast_in_dim3A_864 : f32 to vector<16xf32>
          %broadcast_in_dim3A_866 = arith.constant 0.000000e+00 : f32
          %broadcast_in_dim3A_867 = vector.broadcast %broadcast_in_dim3A_866 : f32 to vector<16xf32>
          %get3A_868 = arith.index_cast %add3A_863 : i32 to index
          %get3A_869 = arith.constant 0 : index
          %get3A_870 = tpu.vector_load %arg8[%get3A_868, %get3A_869] {strides = array<i32>} : memref<128x128xi32, #tpu.memory_space<vmem>>, vector<16xi32>,
          %bitcast3A_871 = vector.bitcast %get3A_870 : vector<16xi32> to vector<32xbf16>
          %add3A_872 = arith.constant 64 : i32
          %add3A_873 = arith.addi %add3A_872, %add3A_863 : i32
          %get3A_874 = arith.index_cast %add3A_873 : i32 to index
          %get3A_875 = arith.constant 0 : index
          %get3A_876 = tpu.vector_load %arg8[%get3A_874, %get3A_875] {strides = array<i32>} : memref<128x128xi32, #tpu.memory_space<vmem>>, vector<16xi32>,
          %bitcast3A_877 = vector.bitcast %get3A_876 : vector<16xi32> to vector<32xbf16>
          %mul3A_878 = arith.mulf %bitcast3A_871, %bitcast3A_877 : vector<32xbf16>
          %unpack3A_879 = tpu.unpack_subelements %mul3A_878, 0 {pack_format = #tpu.pack_format<interleaved>} : vector<32xbf16> -> vector<16xf32>
          %unpack3A_880 = tpu.unpack_subelements %mul3A_878, 1 {pack_format = #tpu.pack_format<interleaved>} : vector<32xbf16> -> vector<16xf32>
          %add3A_881 = arith.addf %broadcast_in_dim3A_865, %unpack3A_879 : vector<16xf32>
          %add3A_882 = arith.addf %broadcast_in_dim3A_867, %unpack3A_880 : vector<16xf32>
          %get3A_883 = arith.index_cast %add3A_863 : i32 to index
          %get3A_884 = arith.constant 16 : index
          %get3A_885 = tpu.vector_load %arg8[%get3A_883, %get3A_884] {strides = array<i32>} : memref<128x128xi32, #tpu.memory_space<vmem>>, vector<16xi32>,
          %bitcast3A_886 = vector.bitcast %get3A_885 : vector<16xi32> to vector<32xbf16>
          %add3A_887 = arith.constant 64 : i32
          %add3A_888 = arith.addi %add3A_887, %add3A_863 : i32
          %get3A_889 = arith.index_cast %add3A_888 : i32 to index
          %get3A_890 = arith.constant 16 : index
          %get3A_891 = tpu.vector_load %arg8[%get3A_889, %get3A_890] {strides = array<i32>} : memref<128x128xi32, #tpu.memory_space<vmem>>, vector<16xi32>,
          %bitcast3A_892 = vector.bitcast %get3A_891 : vector<16xi32> to vector<32xbf16>
          %mul3A_893 = arith.mulf %bitcast3A_886, %bitcast3A_892 : vector<32xbf16>
          %unpack3A_894 = tpu.unpack_subelements %mul3A_893, 0 {pack_format = #tpu.pack_format<interleaved>} : vector<32xbf16> -> vector<16xf32>
          %unpack3A_895 = tpu.unpack_subelements %mul3A_893, 1 {pack_format = #tpu.pack_format<interleaved>} : vector<32xbf16> -> vector<16xf32>
          %add3A_896 = arith.addf %add3A_881, %unpack3A_894 : vector<16xf32>
          %add3A_897 = arith.addf %add3A_882, %unpack3A_895 : vector<16xf32>
          %get3A_898 = arith.index_cast %add3A_863 : i32 to index
          %get3A_899 = arith.constant 32 : index
          %get3A_900 = tpu.vector_load %arg8[%get3A_898, %get3A_899] {strides = array<i32>} : memref<128x128xi32, #tpu.memory_space<vmem>>, vector<16xi32>,
          %bitcast3A_901 = vector.bitcast %get3A_900 : vector<16xi32> to vector<32xbf16>
          %add3A_902 = arith.constant 64 : i32
          %add3A_903 = arith.addi %add3A_902, %add3A_863 : i32
          %get3A_904 = arith.index_cast %add3A_903 : i32 to index
          %get3A_905 = arith.constant 32 : index
          %get3A_906 = tpu.vector_load %arg8[%get3A_904, %get3A_905] {strides = array<i32>} : memref<128x128xi32, #tpu.memory_space<vmem>>, vector<16xi32>,
          %bitcast3A_907 = vector.bitcast %get3A_906 : vector<16xi32> to vector<32xbf16>
          %mul3A_908 = arith.mulf %bitcast3A_901, %bitcast3A_907 : vector<32xbf16>
          %unpack3A_909 = tpu.unpack_subelements %mul3A_908, 0 {pack_format = #tpu.pack_format<interleaved>} : vector<32xbf16> -> vector<16xf32>
          %unpack3A_910 = tpu.unpack_subelements %mul3A_908, 1 {pack_format = #tpu.pack_format<interleaved>} : vector<32xbf16> -> vector<16xf32>
          %add3A_911 = arith.addf %add3A_896, %unpack3A_909 : vector<16xf32>
          %add3A_912 = arith.addf %add3A_897, %unpack3A_910 : vector<16xf32>
          %get3A_913 = arith.index_cast %add3A_863 : i32 to index
          %get3A_914 = arith.constant 48 : index
          %get3A_915 = tpu.vector_load %arg8[%get3A_913, %get3A_914] {strides = array<i32>} : memref<128x128xi32, #tpu.memory_space<vmem>>, vector<16xi32>,
          %bitcast3A_916 = vector.bitcast %get3A_915 : vector<16xi32> to vector<32xbf16>
          %add3A_917 = arith.constant 64 : i32
          %add3A_918 = arith.addi %add3A_917, %add3A_863 : i32
          %get3A_919 = arith.index_cast %add3A_918 : i32 to index
          %get3A_920 = arith.constant 48 : index
          %get3A_921 = tpu.vector_load %arg8[%get3A_919, %get3A_920] {strides = array<i32>} : memref<128x128xi32, #tpu.memory_space<vmem>>, vector<16xi32>,
          %bitcast3A_922 = vector.bitcast %get3A_921 : vector<16xi32> to vector<32xbf16>
          %mul3A_923 = arith.mulf %bitcast3A_916, %bitcast3A_922 : vector<32xbf16>
          %unpack3A_924 = tpu.unpack_subelements %mul3A_923, 0 {pack_format = #tpu.pack_format<interleaved>} : vector<32xbf16> -> vector<16xf32>
          %unpack3A_925 = tpu.unpack_subelements %mul3A_923, 1 {pack_format = #tpu.pack_format<interleaved>} : vector<32xbf16> -> vector<16xf32>
          %add3A_926 = arith.addf %add3A_911, %unpack3A_924 : vector<16xf32>
          %add3A_927 = arith.addf %add3A_912, %unpack3A_925 : vector<16xf32>
          %add3A_928 = arith.addf %add3A_926, %add3A_927 : vector<16xf32>
          %swap3A_929 = arith.constant 10 : i32
          %swap3A_930 = arith.index_cast %swap3A_929 : i32 to index
          %swap3A_931 = arith.constant 0 : index
          %swap3A_932 = tpu.vector_load %arg11[%swap3A_930, %swap3A_931] {strides = array<i32>} : memref<16x24xf32, #tpu.memory_space<vmem>>, vector<16xf32>,
          tpu.vector_store %arg11[%swap3A_930, %swap3A_931], %add3A_928 {strides = array<i32>} : memref<16x24xf32, #tpu.memory_space<vmem>>, vector<16xf32>,
          %mul3A_933 = arith.constant 16 : i32
          %mul3A_934 = arith.muli %scan3A_133, %mul3A_933 : i32
          %add3A_935 = arith.constant 11 : i32
          %add3A_936 = arith.addi %mul3A_934, %add3A_935 : i32
          %broadcast_in_dim3A_937 = arith.constant 0.000000e+00 : f32
          %broadcast_in_dim3A_938 = vector.broadcast %broadcast_in_dim3A_937 : f32 to vector<16xf32>
          %broadcast_in_dim3A_939 = arith.constant 0.000000e+00 : f32
          %broadcast_in_dim3A_940 = vector.broadcast %broadcast_in_dim3A_939 : f32 to vector<16xf32>
          %get3A_941 = arith.index_cast %add3A_936 : i32 to index
          %get3A_942 = arith.constant 0 : index
          %get3A_943 = tpu.vector_load %arg8[%get3A_941, %get3A_942] {strides = array<i32>} : memref<128x128xi32, #tpu.memory_space<vmem>>, vector<16xi32>,
          %bitcast3A_944 = vector.bitcast %get3A_943 : vector<16xi32> to vector<32xbf16>
          %add3A_945 = arith.constant 64 : i32
          %add3A_946 = arith.addi %add3A_945, %add3A_936 : i32
          %get3A_947 = arith.index_cast %add3A_946 : i32 to index
          %get3A_948 = arith.constant 0 : index
          %get3A_949 = tpu.vector_load %arg8[%get3A_947, %get3A_948] {strides = array<i32>} : memref<128x128xi32, #tpu.memory_space<vmem>>, vector<16xi32>,
          %bitcast3A_950 = vector.bitcast %get3A_949 : vector<16xi32> to vector<32xbf16>
          %mul3A_951 = arith.mulf %bitcast3A_944, %bitcast3A_950 : vector<32xbf16>
          %unpack3A_952 = tpu.unpack_subelements %mul3A_951, 0 {pack_format = #tpu.pack_format<interleaved>} : vector<32xbf16> -> vector<16xf32>
          %unpack3A_953 = tpu.unpack_subelements %mul3A_951, 1 {pack_format = #tpu.pack_format<interleaved>} : vector<32xbf16> -> vector<16xf32>
          %add3A_954 = arith.addf %broadcast_in_dim3A_938, %unpack3A_952 : vector<16xf32>
          %add3A_955 = arith.addf %broadcast_in_dim3A_940, %unpack3A_953 : vector<16xf32>
          %get3A_956 = arith.index_cast %add3A_936 : i32 to index
          %get3A_957 = arith.constant 16 : index
          %get3A_958 = tpu.vector_load %arg8[%get3A_956, %get3A_957] {strides = array<i32>} : memref<128x128xi32, #tpu.memory_space<vmem>>, vector<16xi32>,
          %bitcast3A_959 = vector.bitcast %get3A_958 : vector<16xi32> to vector<32xbf16>
          %add3A_960 = arith.constant 64 : i32
          %add3A_961 = arith.addi %add3A_960, %add3A_936 : i32
          %get3A_962 = arith.index_cast %add3A_961 : i32 to index
          %get3A_963 = arith.constant 16 : index
          %get3A_964 = tpu.vector_load %arg8[%get3A_962, %get3A_963] {strides = array<i32>} : memref<128x128xi32, #tpu.memory_space<vmem>>, vector<16xi32>,
          %bitcast3A_965 = vector.bitcast %get3A_964 : vector<16xi32> to vector<32xbf16>
          %mul3A_966 = arith.mulf %bitcast3A_959, %bitcast3A_965 : vector<32xbf16>
          %unpack3A_967 = tpu.unpack_subelements %mul3A_966, 0 {pack_format = #tpu.pack_format<interleaved>} : vector<32xbf16> -> vector<16xf32>
          %unpack3A_968 = tpu.unpack_subelements %mul3A_966, 1 {pack_format = #tpu.pack_format<interleaved>} : vector<32xbf16> -> vector<16xf32>
          %add3A_969 = arith.addf %add3A_954, %unpack3A_967 : vector<16xf32>
          %add3A_970 = arith.addf %add3A_955, %unpack3A_968 : vector<16xf32>
          %get3A_971 = arith.index_cast %add3A_936 : i32 to index
          %get3A_972 = arith.constant 32 : index
          %get3A_973 = tpu.vector_load %arg8[%get3A_971, %get3A_972] {strides = array<i32>} : memref<128x128xi32, #tpu.memory_space<vmem>>, vector<16xi32>,
          %bitcast3A_974 = vector.bitcast %get3A_973 : vector<16xi32> to vector<32xbf16>
          %add3A_975 = arith.constant 64 : i32
          %add3A_976 = arith.addi %add3A_975, %add3A_936 : i32
          %get3A_977 = arith.index_cast %add3A_976 : i32 to index
          %get3A_978 = arith.constant 32 : index
          %get3A_979 = tpu.vector_load %arg8[%get3A_977, %get3A_978] {strides = array<i32>} : memref<128x128xi32, #tpu.memory_space<vmem>>, vector<16xi32>,
          %bitcast3A_980 = vector.bitcast %get3A_979 : vector<16xi32> to vector<32xbf16>
          %mul3A_981 = arith.mulf %bitcast3A_974, %bitcast3A_980 : vector<32xbf16>
          %unpack3A_982 = tpu.unpack_subelements %mul3A_981, 0 {pack_format = #tpu.pack_format<interleaved>} : vector<32xbf16> -> vector<16xf32>
          %unpack3A_983 = tpu.unpack_subelements %mul3A_981, 1 {pack_format = #tpu.pack_format<interleaved>} : vector<32xbf16> -> vector<16xf32>
          %add3A_984 = arith.addf %add3A_969, %unpack3A_982 : vector<16xf32>
          %add3A_985 = arith.addf %add3A_970, %unpack3A_983 : vector<16xf32>
          %get3A_986 = arith.index_cast %add3A_936 : i32 to index
          %get3A_987 = arith.constant 48 : index
          %get3A_988 = tpu.vector_load %arg8[%get3A_986, %get3A_987] {strides = array<i32>} : memref<128x128xi32, #tpu.memory_space<vmem>>, vector<16xi32>,
          %bitcast3A_989 = vector.bitcast %get3A_988 : vector<16xi32> to vector<32xbf16>
          %add3A_990 = arith.constant 64 : i32
          %add3A_991 = arith.addi %add3A_990, %add3A_936 : i32
          %get3A_992 = arith.index_cast %add3A_991 : i32 to index
          %get3A_993 = arith.constant 48 : index
          %get3A_994 = tpu.vector_load %arg8[%get3A_992, %get3A_993] {strides = array<i32>} : memref<128x128xi32, #tpu.memory_space<vmem>>, vector<16xi32>,
          %bitcast3A_995 = vector.bitcast %get3A_994 : vector<16xi32> to vector<32xbf16>
          %mul3A_996 = arith.mulf %bitcast3A_989, %bitcast3A_995 : vector<32xbf16>
          %unpack3A_997 = tpu.unpack_subelements %mul3A_996, 0 {pack_format = #tpu.pack_format<interleaved>} : vector<32xbf16> -> vector<16xf32>
          %unpack3A_998 = tpu.unpack_subelements %mul3A_996, 1 {pack_format = #tpu.pack_format<interleaved>} : vector<32xbf16> -> vector<16xf32>
          %add3A_999 = arith.addf %add3A_984, %unpack3A_997 : vector<16xf32>
          %add3A_1000 = arith.addf %add3A_985, %unpack3A_998 : vector<16xf32>
          %add3A_1001 = arith.addf %add3A_999, %add3A_1000 : vector<16xf32>
          %swap3A_1002 = arith.constant 11 : i32
          %swap3A_1003 = arith.index_cast %swap3A_1002 : i32 to index
          %swap3A_1004 = arith.constant 0 : index
          %swap3A_1005 = tpu.vector_load %arg11[%swap3A_1003, %swap3A_1004] {strides = array<i32>} : memref<16x24xf32, #tpu.memory_space<vmem>>, vector<16xf32>,
          tpu.vector_store %arg11[%swap3A_1003, %swap3A_1004], %add3A_1001 {strides = array<i32>} : memref<16x24xf32, #tpu.memory_space<vmem>>, vector<16xf32>,
          %mul3A_1006 = arith.constant 16 : i32
          %mul3A_1007 = arith.muli %scan3A_133, %mul3A_1006 : i32
          %add3A_1008 = arith.constant 12 : i32
          %add3A_1009 = arith.addi %mul3A_1007, %add3A_1008 : i32
          %broadcast_in_dim3A_1010 = arith.constant 0.000000e+00 : f32
          %broadcast_in_dim3A_1011 = vector.broadcast %broadcast_in_dim3A_1010 : f32 to vector<16xf32>
          %broadcast_in_dim3A_1012 = arith.constant 0.000000e+00 : f32
          %broadcast_in_dim3A_1013 = vector.broadcast %broadcast_in_dim3A_1012 : f32 to vector<16xf32>
          %get3A_1014 = arith.index_cast %add3A_1009 : i32 to index
          %get3A_1015 = arith.constant 0 : index
          %get3A_1016 = tpu.vector_load %arg8[%get3A_1014, %get3A_1015] {strides = array<i32>} : memref<128x128xi32, #tpu.memory_space<vmem>>, vector<16xi32>,
          %bitcast3A_1017 = vector.bitcast %get3A_1016 : vector<16xi32> to vector<32xbf16>
          %add3A_1018 = arith.constant 64 : i32
          %add3A_1019 = arith.addi %add3A_1018, %add3A_1009 : i32
          %get3A_1020 = arith.index_cast %add3A_1019 : i32 to index
          %get3A_1021 = arith.constant 0 : index
          %get3A_1022 = tpu.vector_load %arg8[%get3A_1020, %get3A_1021] {strides = array<i32>} : memref<128x128xi32, #tpu.memory_space<vmem>>, vector<16xi32>,
          %bitcast3A_1023 = vector.bitcast %get3A_1022 : vector<16xi32> to vector<32xbf16>
          %mul3A_1024 = arith.mulf %bitcast3A_1017, %bitcast3A_1023 : vector<32xbf16>
          %unpack3A_1025 = tpu.unpack_subelements %mul3A_1024, 0 {pack_format = #tpu.pack_format<interleaved>} : vector<32xbf16> -> vector<16xf32>
          %unpack3A_1026 = tpu.unpack_subelements %mul3A_1024, 1 {pack_format = #tpu.pack_format<interleaved>} : vector<32xbf16> -> vector<16xf32>
          %add3A_1027 = arith.addf %broadcast_in_dim3A_1011, %unpack3A_1025 : vector<16xf32>
          %add3A_1028 = arith.addf %broadcast_in_dim3A_1013, %unpack3A_1026 : vector<16xf32>
          %get3A_1029 = arith.index_cast %add3A_1009 : i32 to index
          %get3A_1030 = arith.constant 16 : index
          %get3A_1031 = tpu.vector_load %arg8[%get3A_1029, %get3A_1030] {strides = array<i32>} : memref<128x128xi32, #tpu.memory_space<vmem>>, vector<16xi32>,
          %bitcast3A_1032 = vector.bitcast %get3A_1031 : vector<16xi32> to vector<32xbf16>
          %add3A_1033 = arith.constant 64 : i32
          %add3A_1034 = arith.addi %add3A_1033, %add3A_1009 : i32
          %get3A_1035 = arith.index_cast %add3A_1034 : i32 to index
          %get3A_1036 = arith.constant 16 : index
          %get3A_1037 = tpu.vector_load %arg8[%get3A_1035, %get3A_1036] {strides = array<i32>} : memref<128x128xi32, #tpu.memory_space<vmem>>, vector<16xi32>,
          %bitcast3A_1038 = vector.bitcast %get3A_1037 : vector<16xi32> to vector<32xbf16>
          %mul3A_1039 = arith.mulf %bitcast3A_1032, %bitcast3A_1038 : vector<32xbf16>
          %unpack3A_1040 = tpu.unpack_subelements %mul3A_1039, 0 {pack_format = #tpu.pack_format<interleaved>} : vector<32xbf16> -> vector<16xf32>
          %unpack3A_1041 = tpu.unpack_subelements %mul3A_1039, 1 {pack_format = #tpu.pack_format<interleaved>} : vector<32xbf16> -> vector<16xf32>
          %add3A_1042 = arith.addf %add3A_1027, %unpack3A_1040 : vector<16xf32>
          %add3A_1043 = arith.addf %add3A_1028, %unpack3A_1041 : vector<16xf32>
          %get3A_1044 = arith.index_cast %add3A_1009 : i32 to index
          %get3A_1045 = arith.constant 32 : index
          %get3A_1046 = tpu.vector_load %arg8[%get3A_1044, %get3A_1045] {strides = array<i32>} : memref<128x128xi32, #tpu.memory_space<vmem>>, vector<16xi32>,
          %bitcast3A_1047 = vector.bitcast %get3A_1046 : vector<16xi32> to vector<32xbf16>
          %add3A_1048 = arith.constant 64 : i32
          %add3A_1049 = arith.addi %add3A_1048, %add3A_1009 : i32
          %get3A_1050 = arith.index_cast %add3A_1049 : i32 to index
          %get3A_1051 = arith.constant 32 : index
          %get3A_1052 = tpu.vector_load %arg8[%get3A_1050, %get3A_1051] {strides = array<i32>} : memref<128x128xi32, #tpu.memory_space<vmem>>, vector<16xi32>,
          %bitcast3A_1053 = vector.bitcast %get3A_1052 : vector<16xi32> to vector<32xbf16>
          %mul3A_1054 = arith.mulf %bitcast3A_1047, %bitcast3A_1053 : vector<32xbf16>
          %unpack3A_1055 = tpu.unpack_subelements %mul3A_1054, 0 {pack_format = #tpu.pack_format<interleaved>} : vector<32xbf16> -> vector<16xf32>
          %unpack3A_1056 = tpu.unpack_subelements %mul3A_1054, 1 {pack_format = #tpu.pack_format<interleaved>} : vector<32xbf16> -> vector<16xf32>
          %add3A_1057 = arith.addf %add3A_1042, %unpack3A_1055 : vector<16xf32>
          %add3A_1058 = arith.addf %add3A_1043, %unpack3A_1056 : vector<16xf32>
          %get3A_1059 = arith.index_cast %add3A_1009 : i32 to index
          %get3A_1060 = arith.constant 48 : index
          %get3A_1061 = tpu.vector_load %arg8[%get3A_1059, %get3A_1060] {strides = array<i32>} : memref<128x128xi32, #tpu.memory_space<vmem>>, vector<16xi32>,
          %bitcast3A_1062 = vector.bitcast %get3A_1061 : vector<16xi32> to vector<32xbf16>
          %add3A_1063 = arith.constant 64 : i32
          %add3A_1064 = arith.addi %add3A_1063, %add3A_1009 : i32
          %get3A_1065 = arith.index_cast %add3A_1064 : i32 to index
          %get3A_1066 = arith.constant 48 : index
          %get3A_1067 = tpu.vector_load %arg8[%get3A_1065, %get3A_1066] {strides = array<i32>} : memref<128x128xi32, #tpu.memory_space<vmem>>, vector<16xi32>,
          %bitcast3A_1068 = vector.bitcast %get3A_1067 : vector<16xi32> to vector<32xbf16>
          %mul3A_1069 = arith.mulf %bitcast3A_1062, %bitcast3A_1068 : vector<32xbf16>
          %unpack3A_1070 = tpu.unpack_subelements %mul3A_1069, 0 {pack_format = #tpu.pack_format<interleaved>} : vector<32xbf16> -> vector<16xf32>
          %unpack3A_1071 = tpu.unpack_subelements %mul3A_1069, 1 {pack_format = #tpu.pack_format<interleaved>} : vector<32xbf16> -> vector<16xf32>
          %add3A_1072 = arith.addf %add3A_1057, %unpack3A_1070 : vector<16xf32>
          %add3A_1073 = arith.addf %add3A_1058, %unpack3A_1071 : vector<16xf32>
          %add3A_1074 = arith.addf %add3A_1072, %add3A_1073 : vector<16xf32>
          %swap3A_1075 = arith.constant 12 : i32
          %swap3A_1076 = arith.index_cast %swap3A_1075 : i32 to index
          %swap3A_1077 = arith.constant 0 : index
          %swap3A_1078 = tpu.vector_load %arg11[%swap3A_1076, %swap3A_1077] {strides = array<i32>} : memref<16x24xf32, #tpu.memory_space<vmem>>, vector<16xf32>,
          tpu.vector_store %arg11[%swap3A_1076, %swap3A_1077], %add3A_1074 {strides = array<i32>} : memref<16x24xf32, #tpu.memory_space<vmem>>, vector<16xf32>,
          %mul3A_1079 = arith.constant 16 : i32
          %mul3A_1080 = arith.muli %scan3A_133, %mul3A_1079 : i32
          %add3A_1081 = arith.constant 13 : i32
          %add3A_1082 = arith.addi %mul3A_1080, %add3A_1081 : i32
          %broadcast_in_dim3A_1083 = arith.constant 0.000000e+00 : f32
          %broadcast_in_dim3A_1084 = vector.broadcast %broadcast_in_dim3A_1083 : f32 to vector<16xf32>
          %broadcast_in_dim3A_1085 = arith.constant 0.000000e+00 : f32
          %broadcast_in_dim3A_1086 = vector.broadcast %broadcast_in_dim3A_1085 : f32 to vector<16xf32>
          %get3A_1087 = arith.index_cast %add3A_1082 : i32 to index
          %get3A_1088 = arith.constant 0 : index
          %get3A_1089 = tpu.vector_load %arg8[%get3A_1087, %get3A_1088] {strides = array<i32>} : memref<128x128xi32, #tpu.memory_space<vmem>>, vector<16xi32>,
          %bitcast3A_1090 = vector.bitcast %get3A_1089 : vector<16xi32> to vector<32xbf16>
          %add3A_1091 = arith.constant 64 : i32
          %add3A_1092 = arith.addi %add3A_1091, %add3A_1082 : i32
          %get3A_1093 = arith.index_cast %add3A_1092 : i32 to index
          %get3A_1094 = arith.constant 0 : index
          %get3A_1095 = tpu.vector_load %arg8[%get3A_1093, %get3A_1094] {strides = array<i32>} : memref<128x128xi32, #tpu.memory_space<vmem>>, vector<16xi32>,
          %bitcast3A_1096 = vector.bitcast %get3A_1095 : vector<16xi32> to vector<32xbf16>
          %mul3A_1097 = arith.mulf %bitcast3A_1090, %bitcast3A_1096 : vector<32xbf16>
          %unpack3A_1098 = tpu.unpack_subelements %mul3A_1097, 0 {pack_format = #tpu.pack_format<interleaved>} : vector<32xbf16> -> vector<16xf32>
          %unpack3A_1099 = tpu.unpack_subelements %mul3A_1097, 1 {pack_format = #tpu.pack_format<interleaved>} : vector<32xbf16> -> vector<16xf32>
          %add3A_1100 = arith.addf %broadcast_in_dim3A_1084, %unpack3A_1098 : vector<16xf32>
          %add3A_1101 = arith.addf %broadcast_in_dim3A_1086, %unpack3A_1099 : vector<16xf32>
          %get3A_1102 = arith.index_cast %add3A_1082 : i32 to index
          %get3A_1103 = arith.constant 16 : index
          %get3A_1104 = tpu.vector_load %arg8[%get3A_1102, %get3A_1103] {strides = array<i32>} : memref<128x128xi32, #tpu.memory_space<vmem>>, vector<16xi32>,
          %bitcast3A_1105 = vector.bitcast %get3A_1104 : vector<16xi32> to vector<32xbf16>
          %add3A_1106 = arith.constant 64 : i32
          %add3A_1107 = arith.addi %add3A_1106, %add3A_1082 : i32
          %get3A_1108 = arith.index_cast %add3A_1107 : i32 to index
          %get3A_1109 = arith.constant 16 : index
          %get3A_1110 = tpu.vector_load %arg8[%get3A_1108, %get3A_1109] {strides = array<i32>} : memref<128x128xi32, #tpu.memory_space<vmem>>, vector<16xi32>,
          %bitcast3A_1111 = vector.bitcast %get3A_1110 : vector<16xi32> to vector<32xbf16>
          %mul3A_1112 = arith.mulf %bitcast3A_1105, %bitcast3A_1111 : vector<32xbf16>
          %unpack3A_1113 = tpu.unpack_subelements %mul3A_1112, 0 {pack_format = #tpu.pack_format<interleaved>} : vector<32xbf16> -> vector<16xf32>
          %unpack3A_1114 = tpu.unpack_subelements %mul3A_1112, 1 {pack_format = #tpu.pack_format<interleaved>} : vector<32xbf16> -> vector<16xf32>
          %add3A_1115 = arith.addf %add3A_1100, %unpack3A_1113 : vector<16xf32>
          %add3A_1116 = arith.addf %add3A_1101, %unpack3A_1114 : vector<16xf32>
          %get3A_1117 = arith.index_cast %add3A_1082 : i32 to index
          %get3A_1118 = arith.constant 32 : index
          %get3A_1119 = tpu.vector_load %arg8[%get3A_1117, %get3A_1118] {strides = array<i32>} : memref<128x128xi32, #tpu.memory_space<vmem>>, vector<16xi32>,
          %bitcast3A_1120 = vector.bitcast %get3A_1119 : vector<16xi32> to vector<32xbf16>
          %add3A_1121 = arith.constant 64 : i32
          %add3A_1122 = arith.addi %add3A_1121, %add3A_1082 : i32
          %get3A_1123 = arith.index_cast %add3A_1122 : i32 to index
          %get3A_1124 = arith.constant 32 : index
          %get3A_1125 = tpu.vector_load %arg8[%get3A_1123, %get3A_1124] {strides = array<i32>} : memref<128x128xi32, #tpu.memory_space<vmem>>, vector<16xi32>,
          %bitcast3A_1126 = vector.bitcast %get3A_1125 : vector<16xi32> to vector<32xbf16>
          %mul3A_1127 = arith.mulf %bitcast3A_1120, %bitcast3A_1126 : vector<32xbf16>
          %unpack3A_1128 = tpu.unpack_subelements %mul3A_1127, 0 {pack_format = #tpu.pack_format<interleaved>} : vector<32xbf16> -> vector<16xf32>
          %unpack3A_1129 = tpu.unpack_subelements %mul3A_1127, 1 {pack_format = #tpu.pack_format<interleaved>} : vector<32xbf16> -> vector<16xf32>
          %add3A_1130 = arith.addf %add3A_1115, %unpack3A_1128 : vector<16xf32>
          %add3A_1131 = arith.addf %add3A_1116, %unpack3A_1129 : vector<16xf32>
          %get3A_1132 = arith.index_cast %add3A_1082 : i32 to index
          %get3A_1133 = arith.constant 48 : index
          %get3A_1134 = tpu.vector_load %arg8[%get3A_1132, %get3A_1133] {strides = array<i32>} : memref<128x128xi32, #tpu.memory_space<vmem>>, vector<16xi32>,
          %bitcast3A_1135 = vector.bitcast %get3A_1134 : vector<16xi32> to vector<32xbf16>
          %add3A_1136 = arith.constant 64 : i32
          %add3A_1137 = arith.addi %add3A_1136, %add3A_1082 : i32
          %get3A_1138 = arith.index_cast %add3A_1137 : i32 to index
          %get3A_1139 = arith.constant 48 : index
          %get3A_1140 = tpu.vector_load %arg8[%get3A_1138, %get3A_1139] {strides = array<i32>} : memref<128x128xi32, #tpu.memory_space<vmem>>, vector<16xi32>,
          %bitcast3A_1141 = vector.bitcast %get3A_1140 : vector<16xi32> to vector<32xbf16>
          %mul3A_1142 = arith.mulf %bitcast3A_1135, %bitcast3A_1141 : vector<32xbf16>
          %unpack3A_1143 = tpu.unpack_subelements %mul3A_1142, 0 {pack_format = #tpu.pack_format<interleaved>} : vector<32xbf16> -> vector<16xf32>
          %unpack3A_1144 = tpu.unpack_subelements %mul3A_1142, 1 {pack_format = #tpu.pack_format<interleaved>} : vector<32xbf16> -> vector<16xf32>
          %add3A_1145 = arith.addf %add3A_1130, %unpack3A_1143 : vector<16xf32>
          %add3A_1146 = arith.addf %add3A_1131, %unpack3A_1144 : vector<16xf32>
          %add3A_1147 = arith.addf %add3A_1145, %add3A_1146 : vector<16xf32>
          %swap3A_1148 = arith.constant 13 : i32
          %swap3A_1149 = arith.index_cast %swap3A_1148 : i32 to index
          %swap3A_1150 = arith.constant 0 : index
          %swap3A_1151 = tpu.vector_load %arg11[%swap3A_1149, %swap3A_1150] {strides = array<i32>} : memref<16x24xf32, #tpu.memory_space<vmem>>, vector<16xf32>,
          tpu.vector_store %arg11[%swap3A_1149, %swap3A_1150], %add3A_1147 {strides = array<i32>} : memref<16x24xf32, #tpu.memory_space<vmem>>, vector<16xf32>,
          %mul3A_1152 = arith.constant 16 : i32
          %mul3A_1153 = arith.muli %scan3A_133, %mul3A_1152 : i32
          %add3A_1154 = arith.constant 14 : i32
          %add3A_1155 = arith.addi %mul3A_1153, %add3A_1154 : i32
          %broadcast_in_dim3A_1156 = arith.constant 0.000000e+00 : f32
          %broadcast_in_dim3A_1157 = vector.broadcast %broadcast_in_dim3A_1156 : f32 to vector<16xf32>
          %broadcast_in_dim3A_1158 = arith.constant 0.000000e+00 : f32
          %broadcast_in_dim3A_1159 = vector.broadcast %broadcast_in_dim3A_1158 : f32 to vector<16xf32>
          %get3A_1160 = arith.index_cast %add3A_1155 : i32 to index
          %get3A_1161 = arith.constant 0 : index
          %get3A_1162 = tpu.vector_load %arg8[%get3A_1160, %get3A_1161] {strides = array<i32>} : memref<128x128xi32, #tpu.memory_space<vmem>>, vector<16xi32>,
          %bitcast3A_1163 = vector.bitcast %get3A_1162 : vector<16xi32> to vector<32xbf16>
          %add3A_1164 = arith.constant 64 : i32
          %add3A_1165 = arith.addi %add3A_1164, %add3A_1155 : i32
          %get3A_1166 = arith.index_cast %add3A_1165 : i32 to index
          %get3A_1167 = arith.constant 0 : index
          %get3A_1168 = tpu.vector_load %arg8[%get3A_1166, %get3A_1167] {strides = array<i32>} : memref<128x128xi32, #tpu.memory_space<vmem>>, vector<16xi32>,
          %bitcast3A_1169 = vector.bitcast %get3A_1168 : vector<16xi32> to vector<32xbf16>
          %mul3A_1170 = arith.mulf %bitcast3A_1163, %bitcast3A_1169 : vector<32xbf16>
          %unpack3A_1171 = tpu.unpack_subelements %mul3A_1170, 0 {pack_format = #tpu.pack_format<interleaved>} : vector<32xbf16> -> vector<16xf32>
          %unpack3A_1172 = tpu.unpack_subelements %mul3A_1170, 1 {pack_format = #tpu.pack_format<interleaved>} : vector<32xbf16> -> vector<16xf32>
          %add3A_1173 = arith.addf %broadcast_in_dim3A_1157, %unpack3A_1171 : vector<16xf32>
          %add3A_1174 = arith.addf %broadcast_in_dim3A_1159, %unpack3A_1172 : vector<16xf32>
          %get3A_1175 = arith.index_cast %add3A_1155 : i32 to index
          %get3A_1176 = arith.constant 16 : index
          %get3A_1177 = tpu.vector_load %arg8[%get3A_1175, %get3A_1176] {strides = array<i32>} : memref<128x128xi32, #tpu.memory_space<vmem>>, vector<16xi32>,
          %bitcast3A_1178 = vector.bitcast %get3A_1177 : vector<16xi32> to vector<32xbf16>
          %add3A_1179 = arith.constant 64 : i32
          %add3A_1180 = arith.addi %add3A_1179, %add3A_1155 : i32
          %get3A_1181 = arith.index_cast %add3A_1180 : i32 to index
          %get3A_1182 = arith.constant 16 : index
          %get3A_1183 = tpu.vector_load %arg8[%get3A_1181, %get3A_1182] {strides = array<i32>} : memref<128x128xi32, #tpu.memory_space<vmem>>, vector<16xi32>,
          %bitcast3A_1184 = vector.bitcast %get3A_1183 : vector<16xi32> to vector<32xbf16>
          %mul3A_1185 = arith.mulf %bitcast3A_1178, %bitcast3A_1184 : vector<32xbf16>
          %unpack3A_1186 = tpu.unpack_subelements %mul3A_1185, 0 {pack_format = #tpu.pack_format<interleaved>} : vector<32xbf16> -> vector<16xf32>
          %unpack3A_1187 = tpu.unpack_subelements %mul3A_1185, 1 {pack_format = #tpu.pack_format<interleaved>} : vector<32xbf16> -> vector<16xf32>
          %add3A_1188 = arith.addf %add3A_1173, %unpack3A_1186 : vector<16xf32>
          %add3A_1189 = arith.addf %add3A_1174, %unpack3A_1187 : vector<16xf32>
          %get3A_1190 = arith.index_cast %add3A_1155 : i32 to index
          %get3A_1191 = arith.constant 32 : index
          %get3A_1192 = tpu.vector_load %arg8[%get3A_1190, %get3A_1191] {strides = array<i32>} : memref<128x128xi32, #tpu.memory_space<vmem>>, vector<16xi32>,
          %bitcast3A_1193 = vector.bitcast %get3A_1192 : vector<16xi32> to vector<32xbf16>
          %add3A_1194 = arith.constant 64 : i32
          %add3A_1195 = arith.addi %add3A_1194, %add3A_1155 : i32
          %get3A_1196 = arith.index_cast %add3A_1195 : i32 to index
          %get3A_1197 = arith.constant 32 : index
          %get3A_1198 = tpu.vector_load %arg8[%get3A_1196, %get3A_1197] {strides = array<i32>} : memref<128x128xi32, #tpu.memory_space<vmem>>, vector<16xi32>,
          %bitcast3A_1199 = vector.bitcast %get3A_1198 : vector<16xi32> to vector<32xbf16>
          %mul3A_1200 = arith.mulf %bitcast3A_1193, %bitcast3A_1199 : vector<32xbf16>
          %unpack3A_1201 = tpu.unpack_subelements %mul3A_1200, 0 {pack_format = #tpu.pack_format<interleaved>} : vector<32xbf16> -> vector<16xf32>
          %unpack3A_1202 = tpu.unpack_subelements %mul3A_1200, 1 {pack_format = #tpu.pack_format<interleaved>} : vector<32xbf16> -> vector<16xf32>
          %add3A_1203 = arith.addf %add3A_1188, %unpack3A_1201 : vector<16xf32>
          %add3A_1204 = arith.addf %add3A_1189, %unpack3A_1202 : vector<16xf32>
          %get3A_1205 = arith.index_cast %add3A_1155 : i32 to index
          %get3A_1206 = arith.constant 48 : index
          %get3A_1207 = tpu.vector_load %arg8[%get3A_1205, %get3A_1206] {strides = array<i32>} : memref<128x128xi32, #tpu.memory_space<vmem>>, vector<16xi32>,
          %bitcast3A_1208 = vector.bitcast %get3A_1207 : vector<16xi32> to vector<32xbf16>
          %add3A_1209 = arith.constant 64 : i32
          %add3A_1210 = arith.addi %add3A_1209, %add3A_1155 : i32
          %get3A_1211 = arith.index_cast %add3A_1210 : i32 to index
          %get3A_1212 = arith.constant 48 : index
          %get3A_1213 = tpu.vector_load %arg8[%get3A_1211, %get3A_1212] {strides = array<i32>} : memref<128x128xi32, #tpu.memory_space<vmem>>, vector<16xi32>,
          %bitcast3A_1214 = vector.bitcast %get3A_1213 : vector<16xi32> to vector<32xbf16>
          %mul3A_1215 = arith.mulf %bitcast3A_1208, %bitcast3A_1214 : vector<32xbf16>
          %unpack3A_1216 = tpu.unpack_subelements %mul3A_1215, 0 {pack_format = #tpu.pack_format<interleaved>} : vector<32xbf16> -> vector<16xf32>
          %unpack3A_1217 = tpu.unpack_subelements %mul3A_1215, 1 {pack_format = #tpu.pack_format<interleaved>} : vector<32xbf16> -> vector<16xf32>
          %add3A_1218 = arith.addf %add3A_1203, %unpack3A_1216 : vector<16xf32>
          %add3A_1219 = arith.addf %add3A_1204, %unpack3A_1217 : vector<16xf32>
          %add3A_1220 = arith.addf %add3A_1218, %add3A_1219 : vector<16xf32>
          %swap3A_1221 = arith.constant 14 : i32
          %swap3A_1222 = arith.index_cast %swap3A_1221 : i32 to index
          %swap3A_1223 = arith.constant 0 : index
          %swap3A_1224 = tpu.vector_load %arg11[%swap3A_1222, %swap3A_1223] {strides = array<i32>} : memref<16x24xf32, #tpu.memory_space<vmem>>, vector<16xf32>,
          tpu.vector_store %arg11[%swap3A_1222, %swap3A_1223], %add3A_1220 {strides = array<i32>} : memref<16x24xf32, #tpu.memory_space<vmem>>, vector<16xf32>,
          %mul3A_1225 = arith.constant 16 : i32
          %mul3A_1226 = arith.muli %scan3A_133, %mul3A_1225 : i32
          %add3A_1227 = arith.constant 15 : i32
          %add3A_1228 = arith.addi %mul3A_1226, %add3A_1227 : i32
          %broadcast_in_dim3A_1229 = arith.constant 0.000000e+00 : f32
          %broadcast_in_dim3A_1230 = vector.broadcast %broadcast_in_dim3A_1229 : f32 to vector<16xf32>
          %broadcast_in_dim3A_1231 = arith.constant 0.000000e+00 : f32
          %broadcast_in_dim3A_1232 = vector.broadcast %broadcast_in_dim3A_1231 : f32 to vector<16xf32>
          %get3A_1233 = arith.index_cast %add3A_1228 : i32 to index
          %get3A_1234 = arith.constant 0 : index
          %get3A_1235 = tpu.vector_load %arg8[%get3A_1233, %get3A_1234] {strides = array<i32>} : memref<128x128xi32, #tpu.memory_space<vmem>>, vector<16xi32>,
          %bitcast3A_1236 = vector.bitcast %get3A_1235 : vector<16xi32> to vector<32xbf16>
          %add3A_1237 = arith.constant 64 : i32
          %add3A_1238 = arith.addi %add3A_1237, %add3A_1228 : i32
          %get3A_1239 = arith.index_cast %add3A_1238 : i32 to index
          %get3A_1240 = arith.constant 0 : index
          %get3A_1241 = tpu.vector_load %arg8[%get3A_1239, %get3A_1240] {strides = array<i32>} : memref<128x128xi32, #tpu.memory_space<vmem>>, vector<16xi32>,
          %bitcast3A_1242 = vector.bitcast %get3A_1241 : vector<16xi32> to vector<32xbf16>
          %mul3A_1243 = arith.mulf %bitcast3A_1236, %bitcast3A_1242 : vector<32xbf16>
          %unpack3A_1244 = tpu.unpack_subelements %mul3A_1243, 0 {pack_format = #tpu.pack_format<interleaved>} : vector<32xbf16> -> vector<16xf32>
          %unpack3A_1245 = tpu.unpack_subelements %mul3A_1243, 1 {pack_format = #tpu.pack_format<interleaved>} : vector<32xbf16> -> vector<16xf32>
          %add3A_1246 = arith.addf %broadcast_in_dim3A_1230, %unpack3A_1244 : vector<16xf32>
          %add3A_1247 = arith.addf %broadcast_in_dim3A_1232, %unpack3A_1245 : vector<16xf32>
          %get3A_1248 = arith.index_cast %add3A_1228 : i32 to index
          %get3A_1249 = arith.constant 16 : index
          %get3A_1250 = tpu.vector_load %arg8[%get3A_1248, %get3A_1249] {strides = array<i32>} : memref<128x128xi32, #tpu.memory_space<vmem>>, vector<16xi32>,
          %bitcast3A_1251 = vector.bitcast %get3A_1250 : vector<16xi32> to vector<32xbf16>
          %add3A_1252 = arith.constant 64 : i32
          %add3A_1253 = arith.addi %add3A_1252, %add3A_1228 : i32
          %get3A_1254 = arith.index_cast %add3A_1253 : i32 to index
          %get3A_1255 = arith.constant 16 : index
          %get3A_1256 = tpu.vector_load %arg8[%get3A_1254, %get3A_1255] {strides = array<i32>} : memref<128x128xi32, #tpu.memory_space<vmem>>, vector<16xi32>,
          %bitcast3A_1257 = vector.bitcast %get3A_1256 : vector<16xi32> to vector<32xbf16>
          %mul3A_1258 = arith.mulf %bitcast3A_1251, %bitcast3A_1257 : vector<32xbf16>
          %unpack3A_1259 = tpu.unpack_subelements %mul3A_1258, 0 {pack_format = #tpu.pack_format<interleaved>} : vector<32xbf16> -> vector<16xf32>
          %unpack3A_1260 = tpu.unpack_subelements %mul3A_1258, 1 {pack_format = #tpu.pack_format<interleaved>} : vector<32xbf16> -> vector<16xf32>
          %add3A_1261 = arith.addf %add3A_1246, %unpack3A_1259 : vector<16xf32>
          %add3A_1262 = arith.addf %add3A_1247, %unpack3A_1260 : vector<16xf32>
          %get3A_1263 = arith.index_cast %add3A_1228 : i32 to index
          %get3A_1264 = arith.constant 32 : index
          %get3A_1265 = tpu.vector_load %arg8[%get3A_1263, %get3A_1264] {strides = array<i32>} : memref<128x128xi32, #tpu.memory_space<vmem>>, vector<16xi32>,
          %bitcast3A_1266 = vector.bitcast %get3A_1265 : vector<16xi32> to vector<32xbf16>
          %add3A_1267 = arith.constant 64 : i32
          %add3A_1268 = arith.addi %add3A_1267, %add3A_1228 : i32
          %get3A_1269 = arith.index_cast %add3A_1268 : i32 to index
          %get3A_1270 = arith.constant 32 : index
          %get3A_1271 = tpu.vector_load %arg8[%get3A_1269, %get3A_1270] {strides = array<i32>} : memref<128x128xi32, #tpu.memory_space<vmem>>, vector<16xi32>,
          %bitcast3A_1272 = vector.bitcast %get3A_1271 : vector<16xi32> to vector<32xbf16>
          %mul3A_1273 = arith.mulf %bitcast3A_1266, %bitcast3A_1272 : vector<32xbf16>
          %unpack3A_1274 = tpu.unpack_subelements %mul3A_1273, 0 {pack_format = #tpu.pack_format<interleaved>} : vector<32xbf16> -> vector<16xf32>
          %unpack3A_1275 = tpu.unpack_subelements %mul3A_1273, 1 {pack_format = #tpu.pack_format<interleaved>} : vector<32xbf16> -> vector<16xf32>
          %add3A_1276 = arith.addf %add3A_1261, %unpack3A_1274 : vector<16xf32>
          %add3A_1277 = arith.addf %add3A_1262, %unpack3A_1275 : vector<16xf32>
          %get3A_1278 = arith.index_cast %add3A_1228 : i32 to index
          %get3A_1279 = arith.constant 48 : index
          %get3A_1280 = tpu.vector_load %arg8[%get3A_1278, %get3A_1279] {strides = array<i32>} : memref<128x128xi32, #tpu.memory_space<vmem>>, vector<16xi32>,
          %bitcast3A_1281 = vector.bitcast %get3A_1280 : vector<16xi32> to vector<32xbf16>
          %add3A_1282 = arith.constant 64 : i32
          %add3A_1283 = arith.addi %add3A_1282, %add3A_1228 : i32
          %get3A_1284 = arith.index_cast %add3A_1283 : i32 to index
          %get3A_1285 = arith.constant 48 : index
          %get3A_1286 = tpu.vector_load %arg8[%get3A_1284, %get3A_1285] {strides = array<i32>} : memref<128x128xi32, #tpu.memory_space<vmem>>, vector<16xi32>,
          %bitcast3A_1287 = vector.bitcast %get3A_1286 : vector<16xi32> to vector<32xbf16>
          %mul3A_1288 = arith.mulf %bitcast3A_1281, %bitcast3A_1287 : vector<32xbf16>
          %unpack3A_1289 = tpu.unpack_subelements %mul3A_1288, 0 {pack_format = #tpu.pack_format<interleaved>} : vector<32xbf16> -> vector<16xf32>
          %unpack3A_1290 = tpu.unpack_subelements %mul3A_1288, 1 {pack_format = #tpu.pack_format<interleaved>} : vector<32xbf16> -> vector<16xf32>
          %add3A_1291 = arith.addf %add3A_1276, %unpack3A_1289 : vector<16xf32>
          %add3A_1292 = arith.addf %add3A_1277, %unpack3A_1290 : vector<16xf32>
          %add3A_1293 = arith.addf %add3A_1291, %add3A_1292 : vector<16xf32>
          %swap3A_1294 = arith.constant 15 : i32
          %swap3A_1295 = arith.index_cast %swap3A_1294 : i32 to index
          %swap3A_1296 = arith.constant 0 : index
          %swap3A_1297 = tpu.vector_load %arg11[%swap3A_1295, %swap3A_1296] {strides = array<i32>} : memref<16x24xf32, #tpu.memory_space<vmem>>, vector<16xf32>,
          tpu.vector_store %arg11[%swap3A_1295, %swap3A_1296], %add3A_1293 {strides = array<i32>} : memref<16x24xf32, #tpu.memory_space<vmem>>, vector<16xf32>,
          %broadcast_in_dim3A_1298 = arith.constant 0.000000e+00 : f32
          %broadcast_in_dim3A_1299 = vector.broadcast %broadcast_in_dim3A_1298 : f32 to vector<16xf32>
          %broadcast_in_dim3A_1300 = arith.constant 0.000000e+00 : f32
          %broadcast_in_dim3A_1301 = vector.broadcast %broadcast_in_dim3A_1300 : f32 to vector<16xf32>
          %broadcast_in_dim3A_1302 = arith.constant 0.000000e+00 : f32
          %broadcast_in_dim3A_1303 = vector.broadcast %broadcast_in_dim3A_1302 : f32 to vector<16xf32>
          %broadcast_in_dim3A_1304 = arith.constant 0.000000e+00 : f32
          %broadcast_in_dim3A_1305 = vector.broadcast %broadcast_in_dim3A_1304 : f32 to vector<16xf32>
          %broadcast_in_dim3A_1306 = arith.constant 0 : i32
          %broadcast_in_dim3A_1307 = vector.broadcast %broadcast_in_dim3A_1306 : i32 to vector<16xi32>
          %gather3A = tpu.vector_load_idx %arg11[%iota3A, %broadcast_in_dim3A_1307] : memref<16x24xf32, #tpu.memory_space<vmem>>[vector<16xi32>, vector<16xi32>], vector<16xf32>,
          %add3A_1308 = arith.addf %broadcast_in_dim3A_1299, %gather3A : vector<16xf32>
          %broadcast_in_dim3A_1309 = arith.constant 1 : i32
          %broadcast_in_dim3A_1310 = vector.broadcast %broadcast_in_dim3A_1309 : i32 to vector<16xi32>
          %gather3A_1311 = tpu.vector_load_idx %arg11[%iota3A, %broadcast_in_dim3A_1310] : memref<16x24xf32, #tpu.memory_space<vmem>>[vector<16xi32>, vector<16xi32>], vector<16xf32>,
          %add3A_1312 = arith.addf %broadcast_in_dim3A_1301, %gather3A_1311 : vector<16xf32>
          %broadcast_in_dim3A_1313 = arith.constant 2 : i32
          %broadcast_in_dim3A_1314 = vector.broadcast %broadcast_in_dim3A_1313 : i32 to vector<16xi32>
          %gather3A_1315 = tpu.vector_load_idx %arg11[%iota3A, %broadcast_in_dim3A_1314] : memref<16x24xf32, #tpu.memory_space<vmem>>[vector<16xi32>, vector<16xi32>], vector<16xf32>,
          %add3A_1316 = arith.addf %broadcast_in_dim3A_1303, %gather3A_1315 : vector<16xf32>
          %broadcast_in_dim3A_1317 = arith.constant 3 : i32
          %broadcast_in_dim3A_1318 = vector.broadcast %broadcast_in_dim3A_1317 : i32 to vector<16xi32>
          %gather3A_1319 = tpu.vector_load_idx %arg11[%iota3A, %broadcast_in_dim3A_1318] : memref<16x24xf32, #tpu.memory_space<vmem>>[vector<16xi32>, vector<16xi32>], vector<16xf32>,
          %add3A_1320 = arith.addf %broadcast_in_dim3A_1305, %gather3A_1319 : vector<16xf32>
          %broadcast_in_dim3A_1321 = arith.constant 4 : i32
          %broadcast_in_dim3A_1322 = vector.broadcast %broadcast_in_dim3A_1321 : i32 to vector<16xi32>
          %gather3A_1323 = tpu.vector_load_idx %arg11[%iota3A, %broadcast_in_dim3A_1322] : memref<16x24xf32, #tpu.memory_space<vmem>>[vector<16xi32>, vector<16xi32>], vector<16xf32>,
          %add3A_1324 = arith.addf %add3A_1308, %gather3A_1323 : vector<16xf32>
          %broadcast_in_dim3A_1325 = arith.constant 5 : i32
          %broadcast_in_dim3A_1326 = vector.broadcast %broadcast_in_dim3A_1325 : i32 to vector<16xi32>
          %gather3A_1327 = tpu.vector_load_idx %arg11[%iota3A, %broadcast_in_dim3A_1326] : memref<16x24xf32, #tpu.memory_space<vmem>>[vector<16xi32>, vector<16xi32>], vector<16xf32>,
          %add3A_1328 = arith.addf %add3A_1312, %gather3A_1327 : vector<16xf32>
          %broadcast_in_dim3A_1329 = arith.constant 6 : i32
          %broadcast_in_dim3A_1330 = vector.broadcast %broadcast_in_dim3A_1329 : i32 to vector<16xi32>
          %gather3A_1331 = tpu.vector_load_idx %arg11[%iota3A, %broadcast_in_dim3A_1330] : memref<16x24xf32, #tpu.memory_space<vmem>>[vector<16xi32>, vector<16xi32>], vector<16xf32>,
          %add3A_1332 = arith.addf %add3A_1316, %gather3A_1331 : vector<16xf32>
          %broadcast_in_dim3A_1333 = arith.constant 7 : i32
          %broadcast_in_dim3A_1334 = vector.broadcast %broadcast_in_dim3A_1333 : i32 to vector<16xi32>
          %gather3A_1335 = tpu.vector_load_idx %arg11[%iota3A, %broadcast_in_dim3A_1334] : memref<16x24xf32, #tpu.memory_space<vmem>>[vector<16xi32>, vector<16xi32>], vector<16xf32>,
          %add3A_1336 = arith.addf %add3A_1320, %gather3A_1335 : vector<16xf32>
          %broadcast_in_dim3A_1337 = arith.constant 8 : i32
          %broadcast_in_dim3A_1338 = vector.broadcast %broadcast_in_dim3A_1337 : i32 to vector<16xi32>
          %gather3A_1339 = tpu.vector_load_idx %arg11[%iota3A, %broadcast_in_dim3A_1338] : memref<16x24xf32, #tpu.memory_space<vmem>>[vector<16xi32>, vector<16xi32>], vector<16xf32>,
          %add3A_1340 = arith.addf %add3A_1324, %gather3A_1339 : vector<16xf32>
          %broadcast_in_dim3A_1341 = arith.constant 9 : i32
          %broadcast_in_dim3A_1342 = vector.broadcast %broadcast_in_dim3A_1341 : i32 to vector<16xi32>
          %gather3A_1343 = tpu.vector_load_idx %arg11[%iota3A, %broadcast_in_dim3A_1342] : memref<16x24xf32, #tpu.memory_space<vmem>>[vector<16xi32>, vector<16xi32>], vector<16xf32>,
          %add3A_1344 = arith.addf %add3A_1328, %gather3A_1343 : vector<16xf32>
          %broadcast_in_dim3A_1345 = arith.constant 10 : i32
          %broadcast_in_dim3A_1346 = vector.broadcast %broadcast_in_dim3A_1345 : i32 to vector<16xi32>
          %gather3A_1347 = tpu.vector_load_idx %arg11[%iota3A, %broadcast_in_dim3A_1346] : memref<16x24xf32, #tpu.memory_space<vmem>>[vector<16xi32>, vector<16xi32>], vector<16xf32>,
          %add3A_1348 = arith.addf %add3A_1332, %gather3A_1347 : vector<16xf32>
          %broadcast_in_dim3A_1349 = arith.constant 11 : i32
          %broadcast_in_dim3A_1350 = vector.broadcast %broadcast_in_dim3A_1349 : i32 to vector<16xi32>
          %gather3A_1351 = tpu.vector_load_idx %arg11[%iota3A, %broadcast_in_dim3A_1350] : memref<16x24xf32, #tpu.memory_space<vmem>>[vector<16xi32>, vector<16xi32>], vector<16xf32>,
          %add3A_1352 = arith.addf %add3A_1336, %gather3A_1351 : vector<16xf32>
          %broadcast_in_dim3A_1353 = arith.constant 12 : i32
          %broadcast_in_dim3A_1354 = vector.broadcast %broadcast_in_dim3A_1353 : i32 to vector<16xi32>
          %gather3A_1355 = tpu.vector_load_idx %arg11[%iota3A, %broadcast_in_dim3A_1354] : memref<16x24xf32, #tpu.memory_space<vmem>>[vector<16xi32>, vector<16xi32>], vector<16xf32>,
          %add3A_1356 = arith.addf %add3A_1340, %gather3A_1355 : vector<16xf32>
          %broadcast_in_dim3A_1357 = arith.constant 13 : i32
          %broadcast_in_dim3A_1358 = vector.broadcast %broadcast_in_dim3A_1357 : i32 to vector<16xi32>
          %gather3A_1359 = tpu.vector_load_idx %arg11[%iota3A, %broadcast_in_dim3A_1358] : memref<16x24xf32, #tpu.memory_space<vmem>>[vector<16xi32>, vector<16xi32>], vector<16xf32>,
          %add3A_1360 = arith.addf %add3A_1344, %gather3A_1359 : vector<16xf32>
          %broadcast_in_dim3A_1361 = arith.constant 14 : i32
          %broadcast_in_dim3A_1362 = vector.broadcast %broadcast_in_dim3A_1361 : i32 to vector<16xi32>
          %gather3A_1363 = tpu.vector_load_idx %arg11[%iota3A, %broadcast_in_dim3A_1362] : memref<16x24xf32, #tpu.memory_space<vmem>>[vector<16xi32>, vector<16xi32>], vector<16xf32>,
          %add3A_1364 = arith.addf %add3A_1348, %gather3A_1363 : vector<16xf32>
          %broadcast_in_dim3A_1365 = arith.constant 15 : i32
          %broadcast_in_dim3A_1366 = vector.broadcast %broadcast_in_dim3A_1365 : i32 to vector<16xi32>
          %gather3A_1367 = tpu.vector_load_idx %arg11[%iota3A, %broadcast_in_dim3A_1366] : memref<16x24xf32, #tpu.memory_space<vmem>>[vector<16xi32>, vector<16xi32>], vector<16xf32>,
          %add3A_1368 = arith.addf %add3A_1352, %gather3A_1367 : vector<16xf32>
          %add3A_1369 = arith.addf %add3A_1356, %add3A_1360 : vector<16xf32>
          %add3A_1370 = arith.addf %add3A_1364, %add3A_1368 : vector<16xf32>
          %add3A_1371 = arith.addf %add3A_1369, %add3A_1370 : vector<16xf32>
          %mul3A_1372 = arith.constant 16 : i32
          %mul3A_1373 = arith.muli %scan3A_133, %mul3A_1372 : i32
          %swap3A_1374 = arith.index_cast %mul3A_1373 : i32 to index
          %swap3A_1375 = tpu.vector_load %arg10[%swap3A_1374] {strides = array<i32>} : memref<64xf32, #tpu.memory_space<vmem>>, vector<16xf32>,
          tpu.vector_store %arg10[%swap3A_1374], %add3A_1371 {strides = array<i32>} : memref<64xf32, #tpu.memory_space<vmem>>, vector<16xf32>,
        }
        %scan3A_125 = arith.constant 4 : i32
        %mul3A_126 = arith.constant 32 : i32
        %mul3A_127 = arith.muli %add3A_94, %mul3A_126 : i32
        %add3A_128 = arith.addi %add3A, %mul3A_127 : i32
        %mul3A_129 = arith.constant 64 : i32
        %mul3A_130 = arith.muli %add3A_128, %mul3A_129 : i32
        %dma_start3A_131 = tpu.memref_slice %arg4[%mul3A_130] : memref<320000xf32, #tpu.memory_space<hbm>> -> memref<64xf32, #tpu.memory_space<hbm>>
        %dma_start3A_132 = tpu.memref_slice %arg4[%mul3A_130] : memref<320000xf32, #tpu.memory_space<hbm>> -> memref<64xf32, #tpu.memory_space<hbm>>
        tpu.enqueue_dma source(%arg10 : memref<64xf32, #tpu.memory_space<vmem>>) target(%dma_start3A_132 : memref<64xf32, #tpu.memory_space<hbm>>) target_semaphore(%arg18 : memref<!tpu.dma_semaphore, #tpu.memory_space<semaphore_mem>>)
      } else {
      }
    }
    %while3A_75 = arith.constant 1 : i32
    scf.for %while3A_83 = %while3A_73 to %while3A_69 step %while3A_75  : i32 {
      %mul3A_84 = arith.constant 2 : i32
      %mul3A_85 = arith.muli %mul3A_84, %while3A_83 : i32
      %add3A_86 = arith.constant 0 : i32
      %add3A_87 = arith.addi %mul3A_85, %add3A_86 : i32
      %lt3A = arith.cmpi slt, %add3A_87, %select_n3A : i32
      %convert_element_type3A_88 = arith.extui %lt3A : i1 to i32
      %cond3A_89 = arith.constant 0 : i32
      %cond3A_90 = arith.cmpi ne, %convert_element_type3A_88, %cond3A_89 : i32
      scf.if %cond3A_90 {
        %add3A_99 = arith.constant 1 : i32
        %add3A_100 = arith.addi %add3A_87, %add3A_99 : i32
        %lt3A_101 = arith.cmpi slt, %add3A_100, %select_n3A : i32
        %convert_element_type3A_102 = arith.extui %lt3A_101 : i1 to i32
        %cond3A_103 = arith.constant 0 : i32
        %cond3A_104 = arith.cmpi ne, %convert_element_type3A_102, %cond3A_103 : i32
        scf.if %cond3A_104 {
          %dma_wait3A_133 = arith.constant 0 : i32
          %dma_wait3A_134 = arith.constant 0 : i32
          %dma_wait3A_135 = tpu.memref_slice %arg3[%dma_wait3A_133, %dma_wait3A_134] : memref<5000x128xi32, #tpu.memory_space<hbm>> -> memref<1x128xi32, #tpu.memory_space<hbm>>
          %dma_wait3A_136 = arith.constant 0 : i32
          %dma_wait3A_137 = arith.constant 0 : i32
          %dma_wait3A_138 = tpu.memref_slice %arg3[%dma_wait3A_136, %dma_wait3A_137] : memref<5000x128xi32, #tpu.memory_space<hbm>> -> memref<1x128xi32, #tpu.memory_space<hbm>>
          tpu.wait_dma2 semaphore(%arg14 : memref<!tpu.dma_semaphore, #tpu.memory_space<semaphore_mem>>) src(%dma_wait3A_138 : memref<1x128xi32, #tpu.memory_space<hbm>>) dst(%arg6 : memref<1x128xi32, #tpu.memory_space<vmem>>)
          %dma_start3A_139 = arith.constant 0 : i32
          %dma_start3A_140 = arith.constant 0 : i32
          %dma_start3A_141 = tpu.memref_slice %arg6[%dma_start3A_139, %dma_start3A_140] : memref<1x128xi32, #tpu.memory_space<vmem>> -> memref<1x128xi32, #tpu.memory_space<vmem>>
          %dma_start3A_142 = tpu.memref_squeeze %dma_start3A_141 : memref<1x128xi32, #tpu.memory_space<vmem>> -> memref<128xi32, #tpu.memory_space<vmem>>
          %dma_start3A_143 = arith.constant 0 : i32
          %dma_start3A_144 = arith.constant 0 : i32
          %dma_start3A_145 = tpu.memref_slice %arg2[%dma_start3A_143, %dma_start3A_144] : memref<10000x128xi32, #tpu.memory_space<hbm>> -> memref<10000x128xi32, #tpu.memory_space<hbm>>
          tpu.enqueue_indirect_dma source(%dma_start3A_145 : memref<10000x128xi32, #tpu.memory_space<hbm>>) target(%arg8 : memref<128x128xi32, #tpu.memory_space<vmem>>) offsets(%dma_start3A_142 : memref<128xi32, #tpu.memory_space<vmem>>) semaphore(%arg16 : memref<!tpu.dma_semaphore, #tpu.memory_space<semaphore_mem>>)
        } else {
        }
        %dma_wait3A_105 = arith.constant 0 : i32
        %dma_wait3A_106 = arith.constant 0 : i32
        %dma_wait3A_107 = tpu.memref_slice %arg5[%dma_wait3A_105, %dma_wait3A_106] : memref<1x128xi32, #tpu.memory_space<vmem>> -> memref<1x128xi32, #tpu.memory_space<vmem>>
        %dma_wait3A_108 = tpu.memref_squeeze %dma_wait3A_107 : memref<1x128xi32, #tpu.memory_space<vmem>> -> memref<128xi32, #tpu.memory_space<vmem>>
        %dma_wait3A_109 = arith.constant 0 : i32
        %dma_wait3A_110 = arith.constant 0 : i32
        %dma_wait3A_111 = tpu.memref_slice %arg12[%dma_wait3A_109, %dma_wait3A_110] : memref<10000x128xi32, #tpu.memory_space<vmem_shared>> -> memref<10000x128xi32, #tpu.memory_space<vmem_shared>>
        tpu.wait_indirect_dma semaphore(%arg15 : memref<!tpu.dma_semaphore, #tpu.memory_space<semaphore_mem>>) src(%dma_wait3A_111 : memref<10000x128xi32, #tpu.memory_space<vmem_shared>>) dst(%arg7 : memref<128x128xi32, #tpu.memory_space<vmem>>)
        %add3A_112 = arith.constant 2 : i32
        %add3A_113 = arith.addi %add3A_87, %add3A_112 : i32
        %lt3A_114 = arith.cmpi slt, %add3A_113, %select_n3A : i32
        %convert_element_type3A_115 = arith.extui %lt3A_114 : i1 to i32
        %cond3A_116 = arith.constant 0 : i32
        %cond3A_117 = arith.cmpi ne, %convert_element_type3A_115, %cond3A_116 : i32
        scf.if %cond3A_117 {
          %add3A_133 = arith.constant 2 : i32
          %add3A_134 = arith.addi %add3A_87, %add3A_133 : i32
          %mul3A_135 = arith.constant 32 : i32
          %mul3A_136 = arith.muli %add3A_134, %mul3A_135 : i32
          %add3A_137 = arith.addi %add3A, %mul3A_136 : i32
          %dma_start3A_138 = arith.constant 0 : i32
          %dma_start3A_139 = tpu.memref_slice %arg3[%add3A_137, %dma_start3A_138] : memref<5000x128xi32, #tpu.memory_space<hbm>> -> memref<1x128xi32, #tpu.memory_space<hbm>>
          %dma_start3A_140 = arith.constant 0 : i32
          %dma_start3A_141 = tpu.memref_slice %arg3[%add3A_137, %dma_start3A_140] : memref<5000x128xi32, #tpu.memory_space<hbm>> -> memref<1x128xi32, #tpu.memory_space<hbm>>
          tpu.enqueue_dma source(%dma_start3A_141 : memref<1x128xi32, #tpu.memory_space<hbm>>) target(%arg5 : memref<1x128xi32, #tpu.memory_space<vmem>>) target_semaphore(%arg13 : memref<!tpu.dma_semaphore, #tpu.memory_space<semaphore_mem>>)
        } else {
        }
        %ge3A = arith.constant 2 : i32
        %ge3A_118 = arith.cmpi sge, %add3A_87, %ge3A : i32
        %convert_element_type3A_119 = arith.extui %ge3A_118 : i1 to i32
        %cond3A_120 = arith.constant 0 : i32
        %cond3A_121 = arith.cmpi ne, %convert_element_type3A_119, %cond3A_120 : i32
        scf.if %cond3A_121 {
          %dma_wait3A_133 = arith.constant 0 : i32
          %dma_wait3A_134 = tpu.memref_slice %arg4[%dma_wait3A_133] : memref<320000xf32, #tpu.memory_space<hbm>> -> memref<64xf32, #tpu.memory_space<hbm>>
          %dma_wait3A_135 = arith.constant 0 : i32
          %dma_wait3A_136 = tpu.memref_slice %arg4[%dma_wait3A_135] : memref<320000xf32, #tpu.memory_space<hbm>> -> memref<64xf32, #tpu.memory_space<hbm>>
          tpu.wait_dma2 semaphore(%arg17 : memref<!tpu.dma_semaphore, #tpu.memory_space<semaphore_mem>>) src(%arg9 : memref<64xf32, #tpu.memory_space<vmem>>) dst(%dma_wait3A_136 : memref<64xf32, #tpu.memory_space<hbm>>)
        } else {
        }
        %scan3A = arith.constant 0 : i32
        %scan3A_122 = arith.constant 4 : i32
        %scan3A_123 = arith.addi %scan3A, %scan3A_122 : i32
        %scan3A_124 = arith.constant 1 : i32
        scf.for %scan3A_133 = %scan3A to %scan3A_123 step %scan3A_124  : i32 {
          %mul3A_134 = arith.constant 16 : i32
          %mul3A_135 = arith.muli %scan3A_133, %mul3A_134 : i32
          %add3A_136 = arith.constant 0 : i32
          %add3A_137 = arith.addi %mul3A_135, %add3A_136 : i32
          %broadcast_in_dim3A_138 = arith.constant 0.000000e+00 : f32
          %broadcast_in_dim3A_139 = vector.broadcast %broadcast_in_dim3A_138 : f32 to vector<16xf32>
          %broadcast_in_dim3A_140 = arith.constant 0.000000e+00 : f32
          %broadcast_in_dim3A_141 = vector.broadcast %broadcast_in_dim3A_140 : f32 to vector<16xf32>
          %get3A = arith.index_cast %add3A_137 : i32 to index
          %get3A_142 = arith.constant 0 : index
          %get3A_143 = tpu.vector_load %arg7[%get3A, %get3A_142] {strides = array<i32>} : memref<128x128xi32, #tpu.memory_space<vmem>>, vector<16xi32>,
          %bitcast3A = vector.bitcast %get3A_143 : vector<16xi32> to vector<32xbf16>
          %add3A_144 = arith.constant 64 : i32
          %add3A_145 = arith.addi %add3A_144, %add3A_137 : i32
          %get3A_146 = arith.index_cast %add3A_145 : i32 to index
          %get3A_147 = arith.constant 0 : index
          %get3A_148 = tpu.vector_load %arg7[%get3A_146, %get3A_147] {strides = array<i32>} : memref<128x128xi32, #tpu.memory_space<vmem>>, vector<16xi32>,
          %bitcast3A_149 = vector.bitcast %get3A_148 : vector<16xi32> to vector<32xbf16>
          %mul3A_150 = arith.mulf %bitcast3A, %bitcast3A_149 : vector<32xbf16>
          %unpack3A = tpu.unpack_subelements %mul3A_150, 0 {pack_format = #tpu.pack_format<interleaved>} : vector<32xbf16> -> vector<16xf32>
          %unpack3A_151 = tpu.unpack_subelements %mul3A_150, 1 {pack_format = #tpu.pack_format<interleaved>} : vector<32xbf16> -> vector<16xf32>
          %add3A_152 = arith.addf %broadcast_in_dim3A_139, %unpack3A : vector<16xf32>
          %add3A_153 = arith.addf %broadcast_in_dim3A_141, %unpack3A_151 : vector<16xf32>
          %get3A_154 = arith.index_cast %add3A_137 : i32 to index
          %get3A_155 = arith.constant 16 : index
          %get3A_156 = tpu.vector_load %arg7[%get3A_154, %get3A_155] {strides = array<i32>} : memref<128x128xi32, #tpu.memory_space<vmem>>, vector<16xi32>,
          %bitcast3A_157 = vector.bitcast %get3A_156 : vector<16xi32> to vector<32xbf16>
          %add3A_158 = arith.constant 64 : i32
          %add3A_159 = arith.addi %add3A_158, %add3A_137 : i32
          %get3A_160 = arith.index_cast %add3A_159 : i32 to index
          %get3A_161 = arith.constant 16 : index
          %get3A_162 = tpu.vector_load %arg7[%get3A_160, %get3A_161] {strides = array<i32>} : memref<128x128xi32, #tpu.memory_space<vmem>>, vector<16xi32>,
          %bitcast3A_163 = vector.bitcast %get3A_162 : vector<16xi32> to vector<32xbf16>
          %mul3A_164 = arith.mulf %bitcast3A_157, %bitcast3A_163 : vector<32xbf16>
          %unpack3A_165 = tpu.unpack_subelements %mul3A_164, 0 {pack_format = #tpu.pack_format<interleaved>} : vector<32xbf16> -> vector<16xf32>
          %unpack3A_166 = tpu.unpack_subelements %mul3A_164, 1 {pack_format = #tpu.pack_format<interleaved>} : vector<32xbf16> -> vector<16xf32>
          %add3A_167 = arith.addf %add3A_152, %unpack3A_165 : vector<16xf32>
          %add3A_168 = arith.addf %add3A_153, %unpack3A_166 : vector<16xf32>
          %get3A_169 = arith.index_cast %add3A_137 : i32 to index
          %get3A_170 = arith.constant 32 : index
          %get3A_171 = tpu.vector_load %arg7[%get3A_169, %get3A_170] {strides = array<i32>} : memref<128x128xi32, #tpu.memory_space<vmem>>, vector<16xi32>,
          %bitcast3A_172 = vector.bitcast %get3A_171 : vector<16xi32> to vector<32xbf16>
          %add3A_173 = arith.constant 64 : i32
          %add3A_174 = arith.addi %add3A_173, %add3A_137 : i32
          %get3A_175 = arith.index_cast %add3A_174 : i32 to index
          %get3A_176 = arith.constant 32 : index
          %get3A_177 = tpu.vector_load %arg7[%get3A_175, %get3A_176] {strides = array<i32>} : memref<128x128xi32, #tpu.memory_space<vmem>>, vector<16xi32>,
          %bitcast3A_178 = vector.bitcast %get3A_177 : vector<16xi32> to vector<32xbf16>
          %mul3A_179 = arith.mulf %bitcast3A_172, %bitcast3A_178 : vector<32xbf16>
          %unpack3A_180 = tpu.unpack_subelements %mul3A_179, 0 {pack_format = #tpu.pack_format<interleaved>} : vector<32xbf16> -> vector<16xf32>
          %unpack3A_181 = tpu.unpack_subelements %mul3A_179, 1 {pack_format = #tpu.pack_format<interleaved>} : vector<32xbf16> -> vector<16xf32>
          %add3A_182 = arith.addf %add3A_167, %unpack3A_180 : vector<16xf32>
          %add3A_183 = arith.addf %add3A_168, %unpack3A_181 : vector<16xf32>
          %get3A_184 = arith.index_cast %add3A_137 : i32 to index
          %get3A_185 = arith.constant 48 : index
          %get3A_186 = tpu.vector_load %arg7[%get3A_184, %get3A_185] {strides = array<i32>} : memref<128x128xi32, #tpu.memory_space<vmem>>, vector<16xi32>,
          %bitcast3A_187 = vector.bitcast %get3A_186 : vector<16xi32> to vector<32xbf16>
          %add3A_188 = arith.constant 64 : i32
          %add3A_189 = arith.addi %add3A_188, %add3A_137 : i32
          %get3A_190 = arith.index_cast %add3A_189 : i32 to index
          %get3A_191 = arith.constant 48 : index
          %get3A_192 = tpu.vector_load %arg7[%get3A_190, %get3A_191] {strides = array<i32>} : memref<128x128xi32, #tpu.memory_space<vmem>>, vector<16xi32>,
          %bitcast3A_193 = vector.bitcast %get3A_192 : vector<16xi32> to vector<32xbf16>
          %mul3A_194 = arith.mulf %bitcast3A_187, %bitcast3A_193 : vector<32xbf16>
          %unpack3A_195 = tpu.unpack_subelements %mul3A_194, 0 {pack_format = #tpu.pack_format<interleaved>} : vector<32xbf16> -> vector<16xf32>
          %unpack3A_196 = tpu.unpack_subelements %mul3A_194, 1 {pack_format = #tpu.pack_format<interleaved>} : vector<32xbf16> -> vector<16xf32>
          %add3A_197 = arith.addf %add3A_182, %unpack3A_195 : vector<16xf32>
          %add3A_198 = arith.addf %add3A_183, %unpack3A_196 : vector<16xf32>
          %add3A_199 = arith.addf %add3A_197, %add3A_198 : vector<16xf32>
          %swap3A = arith.constant 0 : i32
          %swap3A_200 = arith.index_cast %swap3A : i32 to index
          %swap3A_201 = arith.constant 0 : index
          %swap3A_202 = tpu.vector_load %arg11[%swap3A_200, %swap3A_201] {strides = array<i32>} : memref<16x24xf32, #tpu.memory_space<vmem>>, vector<16xf32>,
          tpu.vector_store %arg11[%swap3A_200, %swap3A_201], %add3A_199 {strides = array<i32>} : memref<16x24xf32, #tpu.memory_space<vmem>>, vector<16xf32>,
          %mul3A_203 = arith.constant 16 : i32
          %mul3A_204 = arith.muli %scan3A_133, %mul3A_203 : i32
          %add3A_205 = arith.constant 1 : i32
          %add3A_206 = arith.addi %mul3A_204, %add3A_205 : i32
          %broadcast_in_dim3A_207 = arith.constant 0.000000e+00 : f32
          %broadcast_in_dim3A_208 = vector.broadcast %broadcast_in_dim3A_207 : f32 to vector<16xf32>
          %broadcast_in_dim3A_209 = arith.constant 0.000000e+00 : f32
          %broadcast_in_dim3A_210 = vector.broadcast %broadcast_in_dim3A_209 : f32 to vector<16xf32>
          %get3A_211 = arith.index_cast %add3A_206 : i32 to index
          %get3A_212 = arith.constant 0 : index
          %get3A_213 = tpu.vector_load %arg7[%get3A_211, %get3A_212] {strides = array<i32>} : memref<128x128xi32, #tpu.memory_space<vmem>>, vector<16xi32>,
          %bitcast3A_214 = vector.bitcast %get3A_213 : vector<16xi32> to vector<32xbf16>
          %add3A_215 = arith.constant 64 : i32
          %add3A_216 = arith.addi %add3A_215, %add3A_206 : i32
          %get3A_217 = arith.index_cast %add3A_216 : i32 to index
          %get3A_218 = arith.constant 0 : index
          %get3A_219 = tpu.vector_load %arg7[%get3A_217, %get3A_218] {strides = array<i32>} : memref<128x128xi32, #tpu.memory_space<vmem>>, vector<16xi32>,
          %bitcast3A_220 = vector.bitcast %get3A_219 : vector<16xi32> to vector<32xbf16>
          %mul3A_221 = arith.mulf %bitcast3A_214, %bitcast3A_220 : vector<32xbf16>
          %unpack3A_222 = tpu.unpack_subelements %mul3A_221, 0 {pack_format = #tpu.pack_format<interleaved>} : vector<32xbf16> -> vector<16xf32>
          %unpack3A_223 = tpu.unpack_subelements %mul3A_221, 1 {pack_format = #tpu.pack_format<interleaved>} : vector<32xbf16> -> vector<16xf32>
          %add3A_224 = arith.addf %broadcast_in_dim3A_208, %unpack3A_222 : vector<16xf32>
          %add3A_225 = arith.addf %broadcast_in_dim3A_210, %unpack3A_223 : vector<16xf32>
          %get3A_226 = arith.index_cast %add3A_206 : i32 to index
          %get3A_227 = arith.constant 16 : index
          %get3A_228 = tpu.vector_load %arg7[%get3A_226, %get3A_227] {strides = array<i32>} : memref<128x128xi32, #tpu.memory_space<vmem>>, vector<16xi32>,
          %bitcast3A_229 = vector.bitcast %get3A_228 : vector<16xi32> to vector<32xbf16>
          %add3A_230 = arith.constant 64 : i32
          %add3A_231 = arith.addi %add3A_230, %add3A_206 : i32
          %get3A_232 = arith.index_cast %add3A_231 : i32 to index
          %get3A_233 = arith.constant 16 : index
          %get3A_234 = tpu.vector_load %arg7[%get3A_232, %get3A_233] {strides = array<i32>} : memref<128x128xi32, #tpu.memory_space<vmem>>, vector<16xi32>,
          %bitcast3A_235 = vector.bitcast %get3A_234 : vector<16xi32> to vector<32xbf16>
          %mul3A_236 = arith.mulf %bitcast3A_229, %bitcast3A_235 : vector<32xbf16>
          %unpack3A_237 = tpu.unpack_subelements %mul3A_236, 0 {pack_format = #tpu.pack_format<interleaved>} : vector<32xbf16> -> vector<16xf32>
          %unpack3A_238 = tpu.unpack_subelements %mul3A_236, 1 {pack_format = #tpu.pack_format<interleaved>} : vector<32xbf16> -> vector<16xf32>
          %add3A_239 = arith.addf %add3A_224, %unpack3A_237 : vector<16xf32>
          %add3A_240 = arith.addf %add3A_225, %unpack3A_238 : vector<16xf32>
          %get3A_241 = arith.index_cast %add3A_206 : i32 to index
          %get3A_242 = arith.constant 32 : index
          %get3A_243 = tpu.vector_load %arg7[%get3A_241, %get3A_242] {strides = array<i32>} : memref<128x128xi32, #tpu.memory_space<vmem>>, vector<16xi32>,
          %bitcast3A_244 = vector.bitcast %get3A_243 : vector<16xi32> to vector<32xbf16>
          %add3A_245 = arith.constant 64 : i32
          %add3A_246 = arith.addi %add3A_245, %add3A_206 : i32
          %get3A_247 = arith.index_cast %add3A_246 : i32 to index
          %get3A_248 = arith.constant 32 : index
          %get3A_249 = tpu.vector_load %arg7[%get3A_247, %get3A_248] {strides = array<i32>} : memref<128x128xi32, #tpu.memory_space<vmem>>, vector<16xi32>,
          %bitcast3A_250 = vector.bitcast %get3A_249 : vector<16xi32> to vector<32xbf16>
          %mul3A_251 = arith.mulf %bitcast3A_244, %bitcast3A_250 : vector<32xbf16>
          %unpack3A_252 = tpu.unpack_subelements %mul3A_251, 0 {pack_format = #tpu.pack_format<interleaved>} : vector<32xbf16> -> vector<16xf32>
          %unpack3A_253 = tpu.unpack_subelements %mul3A_251, 1 {pack_format = #tpu.pack_format<interleaved>} : vector<32xbf16> -> vector<16xf32>
          %add3A_254 = arith.addf %add3A_239, %unpack3A_252 : vector<16xf32>
          %add3A_255 = arith.addf %add3A_240, %unpack3A_253 : vector<16xf32>
          %get3A_256 = arith.index_cast %add3A_206 : i32 to index
          %get3A_257 = arith.constant 48 : index
          %get3A_258 = tpu.vector_load %arg7[%get3A_256, %get3A_257] {strides = array<i32>} : memref<128x128xi32, #tpu.memory_space<vmem>>, vector<16xi32>,
          %bitcast3A_259 = vector.bitcast %get3A_258 : vector<16xi32> to vector<32xbf16>
          %add3A_260 = arith.constant 64 : i32
          %add3A_261 = arith.addi %add3A_260, %add3A_206 : i32
          %get3A_262 = arith.index_cast %add3A_261 : i32 to index
          %get3A_263 = arith.constant 48 : index
          %get3A_264 = tpu.vector_load %arg7[%get3A_262, %get3A_263] {strides = array<i32>} : memref<128x128xi32, #tpu.memory_space<vmem>>, vector<16xi32>,
          %bitcast3A_265 = vector.bitcast %get3A_264 : vector<16xi32> to vector<32xbf16>
          %mul3A_266 = arith.mulf %bitcast3A_259, %bitcast3A_265 : vector<32xbf16>
          %unpack3A_267 = tpu.unpack_subelements %mul3A_266, 0 {pack_format = #tpu.pack_format<interleaved>} : vector<32xbf16> -> vector<16xf32>
          %unpack3A_268 = tpu.unpack_subelements %mul3A_266, 1 {pack_format = #tpu.pack_format<interleaved>} : vector<32xbf16> -> vector<16xf32>
          %add3A_269 = arith.addf %add3A_254, %unpack3A_267 : vector<16xf32>
          %add3A_270 = arith.addf %add3A_255, %unpack3A_268 : vector<16xf32>
          %add3A_271 = arith.addf %add3A_269, %add3A_270 : vector<16xf32>
          %swap3A_272 = arith.constant 1 : i32
          %swap3A_273 = arith.index_cast %swap3A_272 : i32 to index
          %swap3A_274 = arith.constant 0 : index
          %swap3A_275 = tpu.vector_load %arg11[%swap3A_273, %swap3A_274] {strides = array<i32>} : memref<16x24xf32, #tpu.memory_space<vmem>>, vector<16xf32>,
          tpu.vector_store %arg11[%swap3A_273, %swap3A_274], %add3A_271 {strides = array<i32>} : memref<16x24xf32, #tpu.memory_space<vmem>>, vector<16xf32>,
          %mul3A_276 = arith.constant 16 : i32
          %mul3A_277 = arith.muli %scan3A_133, %mul3A_276 : i32
          %add3A_278 = arith.constant 2 : i32
          %add3A_279 = arith.addi %mul3A_277, %add3A_278 : i32
          %broadcast_in_dim3A_280 = arith.constant 0.000000e+00 : f32
          %broadcast_in_dim3A_281 = vector.broadcast %broadcast_in_dim3A_280 : f32 to vector<16xf32>
          %broadcast_in_dim3A_282 = arith.constant 0.000000e+00 : f32
          %broadcast_in_dim3A_283 = vector.broadcast %broadcast_in_dim3A_282 : f32 to vector<16xf32>
          %get3A_284 = arith.index_cast %add3A_279 : i32 to index
          %get3A_285 = arith.constant 0 : index
          %get3A_286 = tpu.vector_load %arg7[%get3A_284, %get3A_285] {strides = array<i32>} : memref<128x128xi32, #tpu.memory_space<vmem>>, vector<16xi32>,
          %bitcast3A_287 = vector.bitcast %get3A_286 : vector<16xi32> to vector<32xbf16>
          %add3A_288 = arith.constant 64 : i32
          %add3A_289 = arith.addi %add3A_288, %add3A_279 : i32
          %get3A_290 = arith.index_cast %add3A_289 : i32 to index
          %get3A_291 = arith.constant 0 : index
          %get3A_292 = tpu.vector_load %arg7[%get3A_290, %get3A_291] {strides = array<i32>} : memref<128x128xi32, #tpu.memory_space<vmem>>, vector<16xi32>,
          %bitcast3A_293 = vector.bitcast %get3A_292 : vector<16xi32> to vector<32xbf16>
          %mul3A_294 = arith.mulf %bitcast3A_287, %bitcast3A_293 : vector<32xbf16>
          %unpack3A_295 = tpu.unpack_subelements %mul3A_294, 0 {pack_format = #tpu.pack_format<interleaved>} : vector<32xbf16> -> vector<16xf32>
          %unpack3A_296 = tpu.unpack_subelements %mul3A_294, 1 {pack_format = #tpu.pack_format<interleaved>} : vector<32xbf16> -> vector<16xf32>
          %add3A_297 = arith.addf %broadcast_in_dim3A_281, %unpack3A_295 : vector<16xf32>
          %add3A_298 = arith.addf %broadcast_in_dim3A_283, %unpack3A_296 : vector<16xf32>
          %get3A_299 = arith.index_cast %add3A_279 : i32 to index
          %get3A_300 = arith.constant 16 : index
          %get3A_301 = tpu.vector_load %arg7[%get3A_299, %get3A_300] {strides = array<i32>} : memref<128x128xi32, #tpu.memory_space<vmem>>, vector<16xi32>,
          %bitcast3A_302 = vector.bitcast %get3A_301 : vector<16xi32> to vector<32xbf16>
          %add3A_303 = arith.constant 64 : i32
          %add3A_304 = arith.addi %add3A_303, %add3A_279 : i32
          %get3A_305 = arith.index_cast %add3A_304 : i32 to index
          %get3A_306 = arith.constant 16 : index
          %get3A_307 = tpu.vector_load %arg7[%get3A_305, %get3A_306] {strides = array<i32>} : memref<128x128xi32, #tpu.memory_space<vmem>>, vector<16xi32>,
          %bitcast3A_308 = vector.bitcast %get3A_307 : vector<16xi32> to vector<32xbf16>
          %mul3A_309 = arith.mulf %bitcast3A_302, %bitcast3A_308 : vector<32xbf16>
          %unpack3A_310 = tpu.unpack_subelements %mul3A_309, 0 {pack_format = #tpu.pack_format<interleaved>} : vector<32xbf16> -> vector<16xf32>
          %unpack3A_311 = tpu.unpack_subelements %mul3A_309, 1 {pack_format = #tpu.pack_format<interleaved>} : vector<32xbf16> -> vector<16xf32>
          %add3A_312 = arith.addf %add3A_297, %unpack3A_310 : vector<16xf32>
          %add3A_313 = arith.addf %add3A_298, %unpack3A_311 : vector<16xf32>
          %get3A_314 = arith.index_cast %add3A_279 : i32 to index
          %get3A_315 = arith.constant 32 : index
          %get3A_316 = tpu.vector_load %arg7[%get3A_314, %get3A_315] {strides = array<i32>} : memref<128x128xi32, #tpu.memory_space<vmem>>, vector<16xi32>,
          %bitcast3A_317 = vector.bitcast %get3A_316 : vector<16xi32> to vector<32xbf16>
          %add3A_318 = arith.constant 64 : i32
          %add3A_319 = arith.addi %add3A_318, %add3A_279 : i32
          %get3A_320 = arith.index_cast %add3A_319 : i32 to index
          %get3A_321 = arith.constant 32 : index
          %get3A_322 = tpu.vector_load %arg7[%get3A_320, %get3A_321] {strides = array<i32>} : memref<128x128xi32, #tpu.memory_space<vmem>>, vector<16xi32>,
          %bitcast3A_323 = vector.bitcast %get3A_322 : vector<16xi32> to vector<32xbf16>
          %mul3A_324 = arith.mulf %bitcast3A_317, %bitcast3A_323 : vector<32xbf16>
          %unpack3A_325 = tpu.unpack_subelements %mul3A_324, 0 {pack_format = #tpu.pack_format<interleaved>} : vector<32xbf16> -> vector<16xf32>
          %unpack3A_326 = tpu.unpack_subelements %mul3A_324, 1 {pack_format = #tpu.pack_format<interleaved>} : vector<32xbf16> -> vector<16xf32>
          %add3A_327 = arith.addf %add3A_312, %unpack3A_325 : vector<16xf32>
          %add3A_328 = arith.addf %add3A_313, %unpack3A_326 : vector<16xf32>
          %get3A_329 = arith.index_cast %add3A_279 : i32 to index
          %get3A_330 = arith.constant 48 : index
          %get3A_331 = tpu.vector_load %arg7[%get3A_329, %get3A_330] {strides = array<i32>} : memref<128x128xi32, #tpu.memory_space<vmem>>, vector<16xi32>,
          %bitcast3A_332 = vector.bitcast %get3A_331 : vector<16xi32> to vector<32xbf16>
          %add3A_333 = arith.constant 64 : i32
          %add3A_334 = arith.addi %add3A_333, %add3A_279 : i32
          %get3A_335 = arith.index_cast %add3A_334 : i32 to index
          %get3A_336 = arith.constant 48 : index
          %get3A_337 = tpu.vector_load %arg7[%get3A_335, %get3A_336] {strides = array<i32>} : memref<128x128xi32, #tpu.memory_space<vmem>>, vector<16xi32>,
          %bitcast3A_338 = vector.bitcast %get3A_337 : vector<16xi32> to vector<32xbf16>
          %mul3A_339 = arith.mulf %bitcast3A_332, %bitcast3A_338 : vector<32xbf16>
          %unpack3A_340 = tpu.unpack_subelements %mul3A_339, 0 {pack_format = #tpu.pack_format<interleaved>} : vector<32xbf16> -> vector<16xf32>
          %unpack3A_341 = tpu.unpack_subelements %mul3A_339, 1 {pack_format = #tpu.pack_format<interleaved>} : vector<32xbf16> -> vector<16xf32>
          %add3A_342 = arith.addf %add3A_327, %unpack3A_340 : vector<16xf32>
          %add3A_343 = arith.addf %add3A_328, %unpack3A_341 : vector<16xf32>
          %add3A_344 = arith.addf %add3A_342, %add3A_343 : vector<16xf32>
          %swap3A_345 = arith.constant 2 : i32
          %swap3A_346 = arith.index_cast %swap3A_345 : i32 to index
          %swap3A_347 = arith.constant 0 : index
          %swap3A_348 = tpu.vector_load %arg11[%swap3A_346, %swap3A_347] {strides = array<i32>} : memref<16x24xf32, #tpu.memory_space<vmem>>, vector<16xf32>,
          tpu.vector_store %arg11[%swap3A_346, %swap3A_347], %add3A_344 {strides = array<i32>} : memref<16x24xf32, #tpu.memory_space<vmem>>, vector<16xf32>,
          %mul3A_349 = arith.constant 16 : i32
          %mul3A_350 = arith.muli %scan3A_133, %mul3A_349 : i32
          %add3A_351 = arith.constant 3 : i32
          %add3A_352 = arith.addi %mul3A_350, %add3A_351 : i32
          %broadcast_in_dim3A_353 = arith.constant 0.000000e+00 : f32
          %broadcast_in_dim3A_354 = vector.broadcast %broadcast_in_dim3A_353 : f32 to vector<16xf32>
          %broadcast_in_dim3A_355 = arith.constant 0.000000e+00 : f32
          %broadcast_in_dim3A_356 = vector.broadcast %broadcast_in_dim3A_355 : f32 to vector<16xf32>
          %get3A_357 = arith.index_cast %add3A_352 : i32 to index
          %get3A_358 = arith.constant 0 : index
          %get3A_359 = tpu.vector_load %arg7[%get3A_357, %get3A_358] {strides = array<i32>} : memref<128x128xi32, #tpu.memory_space<vmem>>, vector<16xi32>,
          %bitcast3A_360 = vector.bitcast %get3A_359 : vector<16xi32> to vector<32xbf16>
          %add3A_361 = arith.constant 64 : i32
          %add3A_362 = arith.addi %add3A_361, %add3A_352 : i32
          %get3A_363 = arith.index_cast %add3A_362 : i32 to index
          %get3A_364 = arith.constant 0 : index
          %get3A_365 = tpu.vector_load %arg7[%get3A_363, %get3A_364] {strides = array<i32>} : memref<128x128xi32, #tpu.memory_space<vmem>>, vector<16xi32>,
          %bitcast3A_366 = vector.bitcast %get3A_365 : vector<16xi32> to vector<32xbf16>
          %mul3A_367 = arith.mulf %bitcast3A_360, %bitcast3A_366 : vector<32xbf16>
          %unpack3A_368 = tpu.unpack_subelements %mul3A_367, 0 {pack_format = #tpu.pack_format<interleaved>} : vector<32xbf16> -> vector<16xf32>
          %unpack3A_369 = tpu.unpack_subelements %mul3A_367, 1 {pack_format = #tpu.pack_format<interleaved>} : vector<32xbf16> -> vector<16xf32>
          %add3A_370 = arith.addf %broadcast_in_dim3A_354, %unpack3A_368 : vector<16xf32>
          %add3A_371 = arith.addf %broadcast_in_dim3A_356, %unpack3A_369 : vector<16xf32>
          %get3A_372 = arith.index_cast %add3A_352 : i32 to index
          %get3A_373 = arith.constant 16 : index
          %get3A_374 = tpu.vector_load %arg7[%get3A_372, %get3A_373] {strides = array<i32>} : memref<128x128xi32, #tpu.memory_space<vmem>>, vector<16xi32>,
          %bitcast3A_375 = vector.bitcast %get3A_374 : vector<16xi32> to vector<32xbf16>
          %add3A_376 = arith.constant 64 : i32
          %add3A_377 = arith.addi %add3A_376, %add3A_352 : i32
          %get3A_378 = arith.index_cast %add3A_377 : i32 to index
          %get3A_379 = arith.constant 16 : index
          %get3A_380 = tpu.vector_load %arg7[%get3A_378, %get3A_379] {strides = array<i32>} : memref<128x128xi32, #tpu.memory_space<vmem>>, vector<16xi32>,
          %bitcast3A_381 = vector.bitcast %get3A_380 : vector<16xi32> to vector<32xbf16>
          %mul3A_382 = arith.mulf %bitcast3A_375, %bitcast3A_381 : vector<32xbf16>
          %unpack3A_383 = tpu.unpack_subelements %mul3A_382, 0 {pack_format = #tpu.pack_format<interleaved>} : vector<32xbf16> -> vector<16xf32>
          %unpack3A_384 = tpu.unpack_subelements %mul3A_382, 1 {pack_format = #tpu.pack_format<interleaved>} : vector<32xbf16> -> vector<16xf32>
          %add3A_385 = arith.addf %add3A_370, %unpack3A_383 : vector<16xf32>
          %add3A_386 = arith.addf %add3A_371, %unpack3A_384 : vector<16xf32>
          %get3A_387 = arith.index_cast %add3A_352 : i32 to index
          %get3A_388 = arith.constant 32 : index
          %get3A_389 = tpu.vector_load %arg7[%get3A_387, %get3A_388] {strides = array<i32>} : memref<128x128xi32, #tpu.memory_space<vmem>>, vector<16xi32>,
          %bitcast3A_390 = vector.bitcast %get3A_389 : vector<16xi32> to vector<32xbf16>
          %add3A_391 = arith.constant 64 : i32
          %add3A_392 = arith.addi %add3A_391, %add3A_352 : i32
          %get3A_393 = arith.index_cast %add3A_392 : i32 to index
          %get3A_394 = arith.constant 32 : index
          %get3A_395 = tpu.vector_load %arg7[%get3A_393, %get3A_394] {strides = array<i32>} : memref<128x128xi32, #tpu.memory_space<vmem>>, vector<16xi32>,
          %bitcast3A_396 = vector.bitcast %get3A_395 : vector<16xi32> to vector<32xbf16>
          %mul3A_397 = arith.mulf %bitcast3A_390, %bitcast3A_396 : vector<32xbf16>
          %unpack3A_398 = tpu.unpack_subelements %mul3A_397, 0 {pack_format = #tpu.pack_format<interleaved>} : vector<32xbf16> -> vector<16xf32>
          %unpack3A_399 = tpu.unpack_subelements %mul3A_397, 1 {pack_format = #tpu.pack_format<interleaved>} : vector<32xbf16> -> vector<16xf32>
          %add3A_400 = arith.addf %add3A_385, %unpack3A_398 : vector<16xf32>
          %add3A_401 = arith.addf %add3A_386, %unpack3A_399 : vector<16xf32>
          %get3A_402 = arith.index_cast %add3A_352 : i32 to index
          %get3A_403 = arith.constant 48 : index
          %get3A_404 = tpu.vector_load %arg7[%get3A_402, %get3A_403] {strides = array<i32>} : memref<128x128xi32, #tpu.memory_space<vmem>>, vector<16xi32>,
          %bitcast3A_405 = vector.bitcast %get3A_404 : vector<16xi32> to vector<32xbf16>
          %add3A_406 = arith.constant 64 : i32
          %add3A_407 = arith.addi %add3A_406, %add3A_352 : i32
          %get3A_408 = arith.index_cast %add3A_407 : i32 to index
          %get3A_409 = arith.constant 48 : index
          %get3A_410 = tpu.vector_load %arg7[%get3A_408, %get3A_409] {strides = array<i32>} : memref<128x128xi32, #tpu.memory_space<vmem>>, vector<16xi32>,
          %bitcast3A_411 = vector.bitcast %get3A_410 : vector<16xi32> to vector<32xbf16>
          %mul3A_412 = arith.mulf %bitcast3A_405, %bitcast3A_411 : vector<32xbf16>
          %unpack3A_413 = tpu.unpack_subelements %mul3A_412, 0 {pack_format = #tpu.pack_format<interleaved>} : vector<32xbf16> -> vector<16xf32>
          %unpack3A_414 = tpu.unpack_subelements %mul3A_412, 1 {pack_format = #tpu.pack_format<interleaved>} : vector<32xbf16> -> vector<16xf32>
          %add3A_415 = arith.addf %add3A_400, %unpack3A_413 : vector<16xf32>
          %add3A_416 = arith.addf %add3A_401, %unpack3A_414 : vector<16xf32>
          %add3A_417 = arith.addf %add3A_415, %add3A_416 : vector<16xf32>
          %swap3A_418 = arith.constant 3 : i32
          %swap3A_419 = arith.index_cast %swap3A_418 : i32 to index
          %swap3A_420 = arith.constant 0 : index
          %swap3A_421 = tpu.vector_load %arg11[%swap3A_419, %swap3A_420] {strides = array<i32>} : memref<16x24xf32, #tpu.memory_space<vmem>>, vector<16xf32>,
          tpu.vector_store %arg11[%swap3A_419, %swap3A_420], %add3A_417 {strides = array<i32>} : memref<16x24xf32, #tpu.memory_space<vmem>>, vector<16xf32>,
          %mul3A_422 = arith.constant 16 : i32
          %mul3A_423 = arith.muli %scan3A_133, %mul3A_422 : i32
          %add3A_424 = arith.constant 4 : i32
          %add3A_425 = arith.addi %mul3A_423, %add3A_424 : i32
          %broadcast_in_dim3A_426 = arith.constant 0.000000e+00 : f32
          %broadcast_in_dim3A_427 = vector.broadcast %broadcast_in_dim3A_426 : f32 to vector<16xf32>
          %broadcast_in_dim3A_428 = arith.constant 0.000000e+00 : f32
          %broadcast_in_dim3A_429 = vector.broadcast %broadcast_in_dim3A_428 : f32 to vector<16xf32>
          %get3A_430 = arith.index_cast %add3A_425 : i32 to index
          %get3A_431 = arith.constant 0 : index
          %get3A_432 = tpu.vector_load %arg7[%get3A_430, %get3A_431] {strides = array<i32>} : memref<128x128xi32, #tpu.memory_space<vmem>>, vector<16xi32>,
          %bitcast3A_433 = vector.bitcast %get3A_432 : vector<16xi32> to vector<32xbf16>
          %add3A_434 = arith.constant 64 : i32
          %add3A_435 = arith.addi %add3A_434, %add3A_425 : i32
          %get3A_436 = arith.index_cast %add3A_435 : i32 to index
          %get3A_437 = arith.constant 0 : index
          %get3A_438 = tpu.vector_load %arg7[%get3A_436, %get3A_437] {strides = array<i32>} : memref<128x128xi32, #tpu.memory_space<vmem>>, vector<16xi32>,
          %bitcast3A_439 = vector.bitcast %get3A_438 : vector<16xi32> to vector<32xbf16>
          %mul3A_440 = arith.mulf %bitcast3A_433, %bitcast3A_439 : vector<32xbf16>
          %unpack3A_441 = tpu.unpack_subelements %mul3A_440, 0 {pack_format = #tpu.pack_format<interleaved>} : vector<32xbf16> -> vector<16xf32>
          %unpack3A_442 = tpu.unpack_subelements %mul3A_440, 1 {pack_format = #tpu.pack_format<interleaved>} : vector<32xbf16> -> vector<16xf32>
          %add3A_443 = arith.addf %broadcast_in_dim3A_427, %unpack3A_441 : vector<16xf32>
          %add3A_444 = arith.addf %broadcast_in_dim3A_429, %unpack3A_442 : vector<16xf32>
          %get3A_445 = arith.index_cast %add3A_425 : i32 to index
          %get3A_446 = arith.constant 16 : index
          %get3A_447 = tpu.vector_load %arg7[%get3A_445, %get3A_446] {strides = array<i32>} : memref<128x128xi32, #tpu.memory_space<vmem>>, vector<16xi32>,
          %bitcast3A_448 = vector.bitcast %get3A_447 : vector<16xi32> to vector<32xbf16>
          %add3A_449 = arith.constant 64 : i32
          %add3A_450 = arith.addi %add3A_449, %add3A_425 : i32
          %get3A_451 = arith.index_cast %add3A_450 : i32 to index
          %get3A_452 = arith.constant 16 : index
          %get3A_453 = tpu.vector_load %arg7[%get3A_451, %get3A_452] {strides = array<i32>} : memref<128x128xi32, #tpu.memory_space<vmem>>, vector<16xi32>,
          %bitcast3A_454 = vector.bitcast %get3A_453 : vector<16xi32> to vector<32xbf16>
          %mul3A_455 = arith.mulf %bitcast3A_448, %bitcast3A_454 : vector<32xbf16>
          %unpack3A_456 = tpu.unpack_subelements %mul3A_455, 0 {pack_format = #tpu.pack_format<interleaved>} : vector<32xbf16> -> vector<16xf32>
          %unpack3A_457 = tpu.unpack_subelements %mul3A_455, 1 {pack_format = #tpu.pack_format<interleaved>} : vector<32xbf16> -> vector<16xf32>
          %add3A_458 = arith.addf %add3A_443, %unpack3A_456 : vector<16xf32>
          %add3A_459 = arith.addf %add3A_444, %unpack3A_457 : vector<16xf32>
          %get3A_460 = arith.index_cast %add3A_425 : i32 to index
          %get3A_461 = arith.constant 32 : index
          %get3A_462 = tpu.vector_load %arg7[%get3A_460, %get3A_461] {strides = array<i32>} : memref<128x128xi32, #tpu.memory_space<vmem>>, vector<16xi32>,
          %bitcast3A_463 = vector.bitcast %get3A_462 : vector<16xi32> to vector<32xbf16>
          %add3A_464 = arith.constant 64 : i32
          %add3A_465 = arith.addi %add3A_464, %add3A_425 : i32
          %get3A_466 = arith.index_cast %add3A_465 : i32 to index
          %get3A_467 = arith.constant 32 : index
          %get3A_468 = tpu.vector_load %arg7[%get3A_466, %get3A_467] {strides = array<i32>} : memref<128x128xi32, #tpu.memory_space<vmem>>, vector<16xi32>,
          %bitcast3A_469 = vector.bitcast %get3A_468 : vector<16xi32> to vector<32xbf16>
          %mul3A_470 = arith.mulf %bitcast3A_463, %bitcast3A_469 : vector<32xbf16>
          %unpack3A_471 = tpu.unpack_subelements %mul3A_470, 0 {pack_format = #tpu.pack_format<interleaved>} : vector<32xbf16> -> vector<16xf32>
          %unpack3A_472 = tpu.unpack_subelements %mul3A_470, 1 {pack_format = #tpu.pack_format<interleaved>} : vector<32xbf16> -> vector<16xf32>
          %add3A_473 = arith.addf %add3A_458, %unpack3A_471 : vector<16xf32>
          %add3A_474 = arith.addf %add3A_459, %unpack3A_472 : vector<16xf32>
          %get3A_475 = arith.index_cast %add3A_425 : i32 to index
          %get3A_476 = arith.constant 48 : index
          %get3A_477 = tpu.vector_load %arg7[%get3A_475, %get3A_476] {strides = array<i32>} : memref<128x128xi32, #tpu.memory_space<vmem>>, vector<16xi32>,
          %bitcast3A_478 = vector.bitcast %get3A_477 : vector<16xi32> to vector<32xbf16>
          %add3A_479 = arith.constant 64 : i32
          %add3A_480 = arith.addi %add3A_479, %add3A_425 : i32
          %get3A_481 = arith.index_cast %add3A_480 : i32 to index
          %get3A_482 = arith.constant 48 : index
          %get3A_483 = tpu.vector_load %arg7[%get3A_481, %get3A_482] {strides = array<i32>} : memref<128x128xi32, #tpu.memory_space<vmem>>, vector<16xi32>,
          %bitcast3A_484 = vector.bitcast %get3A_483 : vector<16xi32> to vector<32xbf16>
          %mul3A_485 = arith.mulf %bitcast3A_478, %bitcast3A_484 : vector<32xbf16>
          %unpack3A_486 = tpu.unpack_subelements %mul3A_485, 0 {pack_format = #tpu.pack_format<interleaved>} : vector<32xbf16> -> vector<16xf32>
          %unpack3A_487 = tpu.unpack_subelements %mul3A_485, 1 {pack_format = #tpu.pack_format<interleaved>} : vector<32xbf16> -> vector<16xf32>
          %add3A_488 = arith.addf %add3A_473, %unpack3A_486 : vector<16xf32>
          %add3A_489 = arith.addf %add3A_474, %unpack3A_487 : vector<16xf32>
          %add3A_490 = arith.addf %add3A_488, %add3A_489 : vector<16xf32>
          %swap3A_491 = arith.constant 4 : i32
          %swap3A_492 = arith.index_cast %swap3A_491 : i32 to index
          %swap3A_493 = arith.constant 0 : index
          %swap3A_494 = tpu.vector_load %arg11[%swap3A_492, %swap3A_493] {strides = array<i32>} : memref<16x24xf32, #tpu.memory_space<vmem>>, vector<16xf32>,
          tpu.vector_store %arg11[%swap3A_492, %swap3A_493], %add3A_490 {strides = array<i32>} : memref<16x24xf32, #tpu.memory_space<vmem>>, vector<16xf32>,
          %mul3A_495 = arith.constant 16 : i32
          %mul3A_496 = arith.muli %scan3A_133, %mul3A_495 : i32
          %add3A_497 = arith.constant 5 : i32
          %add3A_498 = arith.addi %mul3A_496, %add3A_497 : i32
          %broadcast_in_dim3A_499 = arith.constant 0.000000e+00 : f32
          %broadcast_in_dim3A_500 = vector.broadcast %broadcast_in_dim3A_499 : f32 to vector<16xf32>
          %broadcast_in_dim3A_501 = arith.constant 0.000000e+00 : f32
          %broadcast_in_dim3A_502 = vector.broadcast %broadcast_in_dim3A_501 : f32 to vector<16xf32>
          %get3A_503 = arith.index_cast %add3A_498 : i32 to index
          %get3A_504 = arith.constant 0 : index
          %get3A_505 = tpu.vector_load %arg7[%get3A_503, %get3A_504] {strides = array<i32>} : memref<128x128xi32, #tpu.memory_space<vmem>>, vector<16xi32>,
          %bitcast3A_506 = vector.bitcast %get3A_505 : vector<16xi32> to vector<32xbf16>
          %add3A_507 = arith.constant 64 : i32
          %add3A_508 = arith.addi %add3A_507, %add3A_498 : i32
          %get3A_509 = arith.index_cast %add3A_508 : i32 to index
          %get3A_510 = arith.constant 0 : index
          %get3A_511 = tpu.vector_load %arg7[%get3A_509, %get3A_510] {strides = array<i32>} : memref<128x128xi32, #tpu.memory_space<vmem>>, vector<16xi32>,
          %bitcast3A_512 = vector.bitcast %get3A_511 : vector<16xi32> to vector<32xbf16>
          %mul3A_513 = arith.mulf %bitcast3A_506, %bitcast3A_512 : vector<32xbf16>
          %unpack3A_514 = tpu.unpack_subelements %mul3A_513, 0 {pack_format = #tpu.pack_format<interleaved>} : vector<32xbf16> -> vector<16xf32>
          %unpack3A_515 = tpu.unpack_subelements %mul3A_513, 1 {pack_format = #tpu.pack_format<interleaved>} : vector<32xbf16> -> vector<16xf32>
          %add3A_516 = arith.addf %broadcast_in_dim3A_500, %unpack3A_514 : vector<16xf32>
          %add3A_517 = arith.addf %broadcast_in_dim3A_502, %unpack3A_515 : vector<16xf32>
          %get3A_518 = arith.index_cast %add3A_498 : i32 to index
          %get3A_519 = arith.constant 16 : index
          %get3A_520 = tpu.vector_load %arg7[%get3A_518, %get3A_519] {strides = array<i32>} : memref<128x128xi32, #tpu.memory_space<vmem>>, vector<16xi32>,
          %bitcast3A_521 = vector.bitcast %get3A_520 : vector<16xi32> to vector<32xbf16>
          %add3A_522 = arith.constant 64 : i32
          %add3A_523 = arith.addi %add3A_522, %add3A_498 : i32
          %get3A_524 = arith.index_cast %add3A_523 : i32 to index
          %get3A_525 = arith.constant 16 : index
          %get3A_526 = tpu.vector_load %arg7[%get3A_524, %get3A_525] {strides = array<i32>} : memref<128x128xi32, #tpu.memory_space<vmem>>, vector<16xi32>,
          %bitcast3A_527 = vector.bitcast %get3A_526 : vector<16xi32> to vector<32xbf16>
          %mul3A_528 = arith.mulf %bitcast3A_521, %bitcast3A_527 : vector<32xbf16>
          %unpack3A_529 = tpu.unpack_subelements %mul3A_528, 0 {pack_format = #tpu.pack_format<interleaved>} : vector<32xbf16> -> vector<16xf32>
          %unpack3A_530 = tpu.unpack_subelements %mul3A_528, 1 {pack_format = #tpu.pack_format<interleaved>} : vector<32xbf16> -> vector<16xf32>
          %add3A_531 = arith.addf %add3A_516, %unpack3A_529 : vector<16xf32>
          %add3A_532 = arith.addf %add3A_517, %unpack3A_530 : vector<16xf32>
          %get3A_533 = arith.index_cast %add3A_498 : i32 to index
          %get3A_534 = arith.constant 32 : index
          %get3A_535 = tpu.vector_load %arg7[%get3A_533, %get3A_534] {strides = array<i32>} : memref<128x128xi32, #tpu.memory_space<vmem>>, vector<16xi32>,
          %bitcast3A_536 = vector.bitcast %get3A_535 : vector<16xi32> to vector<32xbf16>
          %add3A_537 = arith.constant 64 : i32
          %add3A_538 = arith.addi %add3A_537, %add3A_498 : i32
          %get3A_539 = arith.index_cast %add3A_538 : i32 to index
          %get3A_540 = arith.constant 32 : index
          %get3A_541 = tpu.vector_load %arg7[%get3A_539, %get3A_540] {strides = array<i32>} : memref<128x128xi32, #tpu.memory_space<vmem>>, vector<16xi32>,
          %bitcast3A_542 = vector.bitcast %get3A_541 : vector<16xi32> to vector<32xbf16>
          %mul3A_543 = arith.mulf %bitcast3A_536, %bitcast3A_542 : vector<32xbf16>
          %unpack3A_544 = tpu.unpack_subelements %mul3A_543, 0 {pack_format = #tpu.pack_format<interleaved>} : vector<32xbf16> -> vector<16xf32>
          %unpack3A_545 = tpu.unpack_subelements %mul3A_543, 1 {pack_format = #tpu.pack_format<interleaved>} : vector<32xbf16> -> vector<16xf32>
          %add3A_546 = arith.addf %add3A_531, %unpack3A_544 : vector<16xf32>
          %add3A_547 = arith.addf %add3A_532, %unpack3A_545 : vector<16xf32>
          %get3A_548 = arith.index_cast %add3A_498 : i32 to index
          %get3A_549 = arith.constant 48 : index
          %get3A_550 = tpu.vector_load %arg7[%get3A_548, %get3A_549] {strides = array<i32>} : memref<128x128xi32, #tpu.memory_space<vmem>>, vector<16xi32>,
          %bitcast3A_551 = vector.bitcast %get3A_550 : vector<16xi32> to vector<32xbf16>
          %add3A_552 = arith.constant 64 : i32
          %add3A_553 = arith.addi %add3A_552, %add3A_498 : i32
          %get3A_554 = arith.index_cast %add3A_553 : i32 to index
          %get3A_555 = arith.constant 48 : index
          %get3A_556 = tpu.vector_load %arg7[%get3A_554, %get3A_555] {strides = array<i32>} : memref<128x128xi32, #tpu.memory_space<vmem>>, vector<16xi32>,
          %bitcast3A_557 = vector.bitcast %get3A_556 : vector<16xi32> to vector<32xbf16>
          %mul3A_558 = arith.mulf %bitcast3A_551, %bitcast3A_557 : vector<32xbf16>
          %unpack3A_559 = tpu.unpack_subelements %mul3A_558, 0 {pack_format = #tpu.pack_format<interleaved>} : vector<32xbf16> -> vector<16xf32>
          %unpack3A_560 = tpu.unpack_subelements %mul3A_558, 1 {pack_format = #tpu.pack_format<interleaved>} : vector<32xbf16> -> vector<16xf32>
          %add3A_561 = arith.addf %add3A_546, %unpack3A_559 : vector<16xf32>
          %add3A_562 = arith.addf %add3A_547, %unpack3A_560 : vector<16xf32>
          %add3A_563 = arith.addf %add3A_561, %add3A_562 : vector<16xf32>
          %swap3A_564 = arith.constant 5 : i32
          %swap3A_565 = arith.index_cast %swap3A_564 : i32 to index
          %swap3A_566 = arith.constant 0 : index
          %swap3A_567 = tpu.vector_load %arg11[%swap3A_565, %swap3A_566] {strides = array<i32>} : memref<16x24xf32, #tpu.memory_space<vmem>>, vector<16xf32>,
          tpu.vector_store %arg11[%swap3A_565, %swap3A_566], %add3A_563 {strides = array<i32>} : memref<16x24xf32, #tpu.memory_space<vmem>>, vector<16xf32>,
          %mul3A_568 = arith.constant 16 : i32
          %mul3A_569 = arith.muli %scan3A_133, %mul3A_568 : i32
          %add3A_570 = arith.constant 6 : i32
          %add3A_571 = arith.addi %mul3A_569, %add3A_570 : i32
          %broadcast_in_dim3A_572 = arith.constant 0.000000e+00 : f32
          %broadcast_in_dim3A_573 = vector.broadcast %broadcast_in_dim3A_572 : f32 to vector<16xf32>
          %broadcast_in_dim3A_574 = arith.constant 0.000000e+00 : f32
          %broadcast_in_dim3A_575 = vector.broadcast %broadcast_in_dim3A_574 : f32 to vector<16xf32>
          %get3A_576 = arith.index_cast %add3A_571 : i32 to index
          %get3A_577 = arith.constant 0 : index
          %get3A_578 = tpu.vector_load %arg7[%get3A_576, %get3A_577] {strides = array<i32>} : memref<128x128xi32, #tpu.memory_space<vmem>>, vector<16xi32>,
          %bitcast3A_579 = vector.bitcast %get3A_578 : vector<16xi32> to vector<32xbf16>
          %add3A_580 = arith.constant 64 : i32
          %add3A_581 = arith.addi %add3A_580, %add3A_571 : i32
          %get3A_582 = arith.index_cast %add3A_581 : i32 to index
          %get3A_583 = arith.constant 0 : index
          %get3A_584 = tpu.vector_load %arg7[%get3A_582, %get3A_583] {strides = array<i32>} : memref<128x128xi32, #tpu.memory_space<vmem>>, vector<16xi32>,
          %bitcast3A_585 = vector.bitcast %get3A_584 : vector<16xi32> to vector<32xbf16>
          %mul3A_586 = arith.mulf %bitcast3A_579, %bitcast3A_585 : vector<32xbf16>
          %unpack3A_587 = tpu.unpack_subelements %mul3A_586, 0 {pack_format = #tpu.pack_format<interleaved>} : vector<32xbf16> -> vector<16xf32>
          %unpack3A_588 = tpu.unpack_subelements %mul3A_586, 1 {pack_format = #tpu.pack_format<interleaved>} : vector<32xbf16> -> vector<16xf32>
          %add3A_589 = arith.addf %broadcast_in_dim3A_573, %unpack3A_587 : vector<16xf32>
          %add3A_590 = arith.addf %broadcast_in_dim3A_575, %unpack3A_588 : vector<16xf32>
          %get3A_591 = arith.index_cast %add3A_571 : i32 to index
          %get3A_592 = arith.constant 16 : index
          %get3A_593 = tpu.vector_load %arg7[%get3A_591, %get3A_592] {strides = array<i32>} : memref<128x128xi32, #tpu.memory_space<vmem>>, vector<16xi32>,
          %bitcast3A_594 = vector.bitcast %get3A_593 : vector<16xi32> to vector<32xbf16>
          %add3A_595 = arith.constant 64 : i32
          %add3A_596 = arith.addi %add3A_595, %add3A_571 : i32
          %get3A_597 = arith.index_cast %add3A_596 : i32 to index
          %get3A_598 = arith.constant 16 : index
          %get3A_599 = tpu.vector_load %arg7[%get3A_597, %get3A_598] {strides = array<i32>} : memref<128x128xi32, #tpu.memory_space<vmem>>, vector<16xi32>,
          %bitcast3A_600 = vector.bitcast %get3A_599 : vector<16xi32> to vector<32xbf16>
          %mul3A_601 = arith.mulf %bitcast3A_594, %bitcast3A_600 : vector<32xbf16>
          %unpack3A_602 = tpu.unpack_subelements %mul3A_601, 0 {pack_format = #tpu.pack_format<interleaved>} : vector<32xbf16> -> vector<16xf32>
          %unpack3A_603 = tpu.unpack_subelements %mul3A_601, 1 {pack_format = #tpu.pack_format<interleaved>} : vector<32xbf16> -> vector<16xf32>
          %add3A_604 = arith.addf %add3A_589, %unpack3A_602 : vector<16xf32>
          %add3A_605 = arith.addf %add3A_590, %unpack3A_603 : vector<16xf32>
          %get3A_606 = arith.index_cast %add3A_571 : i32 to index
          %get3A_607 = arith.constant 32 : index
          %get3A_608 = tpu.vector_load %arg7[%get3A_606, %get3A_607] {strides = array<i32>} : memref<128x128xi32, #tpu.memory_space<vmem>>, vector<16xi32>,
          %bitcast3A_609 = vector.bitcast %get3A_608 : vector<16xi32> to vector<32xbf16>
          %add3A_610 = arith.constant 64 : i32
          %add3A_611 = arith.addi %add3A_610, %add3A_571 : i32
          %get3A_612 = arith.index_cast %add3A_611 : i32 to index
          %get3A_613 = arith.constant 32 : index
          %get3A_614 = tpu.vector_load %arg7[%get3A_612, %get3A_613] {strides = array<i32>} : memref<128x128xi32, #tpu.memory_space<vmem>>, vector<16xi32>,
          %bitcast3A_615 = vector.bitcast %get3A_614 : vector<16xi32> to vector<32xbf16>
          %mul3A_616 = arith.mulf %bitcast3A_609, %bitcast3A_615 : vector<32xbf16>
          %unpack3A_617 = tpu.unpack_subelements %mul3A_616, 0 {pack_format = #tpu.pack_format<interleaved>} : vector<32xbf16> -> vector<16xf32>
          %unpack3A_618 = tpu.unpack_subelements %mul3A_616, 1 {pack_format = #tpu.pack_format<interleaved>} : vector<32xbf16> -> vector<16xf32>
          %add3A_619 = arith.addf %add3A_604, %unpack3A_617 : vector<16xf32>
          %add3A_620 = arith.addf %add3A_605, %unpack3A_618 : vector<16xf32>
          %get3A_621 = arith.index_cast %add3A_571 : i32 to index
          %get3A_622 = arith.constant 48 : index
          %get3A_623 = tpu.vector_load %arg7[%get3A_621, %get3A_622] {strides = array<i32>} : memref<128x128xi32, #tpu.memory_space<vmem>>, vector<16xi32>,
          %bitcast3A_624 = vector.bitcast %get3A_623 : vector<16xi32> to vector<32xbf16>
          %add3A_625 = arith.constant 64 : i32
          %add3A_626 = arith.addi %add3A_625, %add3A_571 : i32
          %get3A_627 = arith.index_cast %add3A_626 : i32 to index
          %get3A_628 = arith.constant 48 : index
          %get3A_629 = tpu.vector_load %arg7[%get3A_627, %get3A_628] {strides = array<i32>} : memref<128x128xi32, #tpu.memory_space<vmem>>, vector<16xi32>,
          %bitcast3A_630 = vector.bitcast %get3A_629 : vector<16xi32> to vector<32xbf16>
          %mul3A_631 = arith.mulf %bitcast3A_624, %bitcast3A_630 : vector<32xbf16>
          %unpack3A_632 = tpu.unpack_subelements %mul3A_631, 0 {pack_format = #tpu.pack_format<interleaved>} : vector<32xbf16> -> vector<16xf32>
          %unpack3A_633 = tpu.unpack_subelements %mul3A_631, 1 {pack_format = #tpu.pack_format<interleaved>} : vector<32xbf16> -> vector<16xf32>
          %add3A_634 = arith.addf %add3A_619, %unpack3A_632 : vector<16xf32>
          %add3A_635 = arith.addf %add3A_620, %unpack3A_633 : vector<16xf32>
          %add3A_636 = arith.addf %add3A_634, %add3A_635 : vector<16xf32>
          %swap3A_637 = arith.constant 6 : i32
          %swap3A_638 = arith.index_cast %swap3A_637 : i32 to index
          %swap3A_639 = arith.constant 0 : index
          %swap3A_640 = tpu.vector_load %arg11[%swap3A_638, %swap3A_639] {strides = array<i32>} : memref<16x24xf32, #tpu.memory_space<vmem>>, vector<16xf32>,
          tpu.vector_store %arg11[%swap3A_638, %swap3A_639], %add3A_636 {strides = array<i32>} : memref<16x24xf32, #tpu.memory_space<vmem>>, vector<16xf32>,
          %mul3A_641 = arith.constant 16 : i32
          %mul3A_642 = arith.muli %scan3A_133, %mul3A_641 : i32
          %add3A_643 = arith.constant 7 : i32
          %add3A_644 = arith.addi %mul3A_642, %add3A_643 : i32
          %broadcast_in_dim3A_645 = arith.constant 0.000000e+00 : f32
          %broadcast_in_dim3A_646 = vector.broadcast %broadcast_in_dim3A_645 : f32 to vector<16xf32>
          %broadcast_in_dim3A_647 = arith.constant 0.000000e+00 : f32
          %broadcast_in_dim3A_648 = vector.broadcast %broadcast_in_dim3A_647 : f32 to vector<16xf32>
          %get3A_649 = arith.index_cast %add3A_644 : i32 to index
          %get3A_650 = arith.constant 0 : index
          %get3A_651 = tpu.vector_load %arg7[%get3A_649, %get3A_650] {strides = array<i32>} : memref<128x128xi32, #tpu.memory_space<vmem>>, vector<16xi32>,
          %bitcast3A_652 = vector.bitcast %get3A_651 : vector<16xi32> to vector<32xbf16>
          %add3A_653 = arith.constant 64 : i32
          %add3A_654 = arith.addi %add3A_653, %add3A_644 : i32
          %get3A_655 = arith.index_cast %add3A_654 : i32 to index
          %get3A_656 = arith.constant 0 : index
          %get3A_657 = tpu.vector_load %arg7[%get3A_655, %get3A_656] {strides = array<i32>} : memref<128x128xi32, #tpu.memory_space<vmem>>, vector<16xi32>,
          %bitcast3A_658 = vector.bitcast %get3A_657 : vector<16xi32> to vector<32xbf16>
          %mul3A_659 = arith.mulf %bitcast3A_652, %bitcast3A_658 : vector<32xbf16>
          %unpack3A_660 = tpu.unpack_subelements %mul3A_659, 0 {pack_format = #tpu.pack_format<interleaved>} : vector<32xbf16> -> vector<16xf32>
          %unpack3A_661 = tpu.unpack_subelements %mul3A_659, 1 {pack_format = #tpu.pack_format<interleaved>} : vector<32xbf16> -> vector<16xf32>
          %add3A_662 = arith.addf %broadcast_in_dim3A_646, %unpack3A_660 : vector<16xf32>
          %add3A_663 = arith.addf %broadcast_in_dim3A_648, %unpack3A_661 : vector<16xf32>
          %get3A_664 = arith.index_cast %add3A_644 : i32 to index
          %get3A_665 = arith.constant 16 : index
          %get3A_666 = tpu.vector_load %arg7[%get3A_664, %get3A_665] {strides = array<i32>} : memref<128x128xi32, #tpu.memory_space<vmem>>, vector<16xi32>,
          %bitcast3A_667 = vector.bitcast %get3A_666 : vector<16xi32> to vector<32xbf16>
          %add3A_668 = arith.constant 64 : i32
          %add3A_669 = arith.addi %add3A_668, %add3A_644 : i32
          %get3A_670 = arith.index_cast %add3A_669 : i32 to index
          %get3A_671 = arith.constant 16 : index
          %get3A_672 = tpu.vector_load %arg7[%get3A_670, %get3A_671] {strides = array<i32>} : memref<128x128xi32, #tpu.memory_space<vmem>>, vector<16xi32>,
          %bitcast3A_673 = vector.bitcast %get3A_672 : vector<16xi32> to vector<32xbf16>
          %mul3A_674 = arith.mulf %bitcast3A_667, %bitcast3A_673 : vector<32xbf16>
          %unpack3A_675 = tpu.unpack_subelements %mul3A_674, 0 {pack_format = #tpu.pack_format<interleaved>} : vector<32xbf16> -> vector<16xf32>
          %unpack3A_676 = tpu.unpack_subelements %mul3A_674, 1 {pack_format = #tpu.pack_format<interleaved>} : vector<32xbf16> -> vector<16xf32>
          %add3A_677 = arith.addf %add3A_662, %unpack3A_675 : vector<16xf32>
          %add3A_678 = arith.addf %add3A_663, %unpack3A_676 : vector<16xf32>
          %get3A_679 = arith.index_cast %add3A_644 : i32 to index
          %get3A_680 = arith.constant 32 : index
          %get3A_681 = tpu.vector_load %arg7[%get3A_679, %get3A_680] {strides = array<i32>} : memref<128x128xi32, #tpu.memory_space<vmem>>, vector<16xi32>,
          %bitcast3A_682 = vector.bitcast %get3A_681 : vector<16xi32> to vector<32xbf16>
          %add3A_683 = arith.constant 64 : i32
          %add3A_684 = arith.addi %add3A_683, %add3A_644 : i32
          %get3A_685 = arith.index_cast %add3A_684 : i32 to index
          %get3A_686 = arith.constant 32 : index
          %get3A_687 = tpu.vector_load %arg7[%get3A_685, %get3A_686] {strides = array<i32>} : memref<128x128xi32, #tpu.memory_space<vmem>>, vector<16xi32>,
          %bitcast3A_688 = vector.bitcast %get3A_687 : vector<16xi32> to vector<32xbf16>
          %mul3A_689 = arith.mulf %bitcast3A_682, %bitcast3A_688 : vector<32xbf16>
          %unpack3A_690 = tpu.unpack_subelements %mul3A_689, 0 {pack_format = #tpu.pack_format<interleaved>} : vector<32xbf16> -> vector<16xf32>
          %unpack3A_691 = tpu.unpack_subelements %mul3A_689, 1 {pack_format = #tpu.pack_format<interleaved>} : vector<32xbf16> -> vector<16xf32>
          %add3A_692 = arith.addf %add3A_677, %unpack3A_690 : vector<16xf32>
          %add3A_693 = arith.addf %add3A_678, %unpack3A_691 : vector<16xf32>
          %get3A_694 = arith.index_cast %add3A_644 : i32 to index
          %get3A_695 = arith.constant 48 : index
          %get3A_696 = tpu.vector_load %arg7[%get3A_694, %get3A_695] {strides = array<i32>} : memref<128x128xi32, #tpu.memory_space<vmem>>, vector<16xi32>,
          %bitcast3A_697 = vector.bitcast %get3A_696 : vector<16xi32> to vector<32xbf16>
          %add3A_698 = arith.constant 64 : i32
          %add3A_699 = arith.addi %add3A_698, %add3A_644 : i32
          %get3A_700 = arith.index_cast %add3A_699 : i32 to index
          %get3A_701 = arith.constant 48 : index
          %get3A_702 = tpu.vector_load %arg7[%get3A_700, %get3A_701] {strides = array<i32>} : memref<128x128xi32, #tpu.memory_space<vmem>>, vector<16xi32>,
          %bitcast3A_703 = vector.bitcast %get3A_702 : vector<16xi32> to vector<32xbf16>
          %mul3A_704 = arith.mulf %bitcast3A_697, %bitcast3A_703 : vector<32xbf16>
          %unpack3A_705 = tpu.unpack_subelements %mul3A_704, 0 {pack_format = #tpu.pack_format<interleaved>} : vector<32xbf16> -> vector<16xf32>
          %unpack3A_706 = tpu.unpack_subelements %mul3A_704, 1 {pack_format = #tpu.pack_format<interleaved>} : vector<32xbf16> -> vector<16xf32>
          %add3A_707 = arith.addf %add3A_692, %unpack3A_705 : vector<16xf32>
          %add3A_708 = arith.addf %add3A_693, %unpack3A_706 : vector<16xf32>
          %add3A_709 = arith.addf %add3A_707, %add3A_708 : vector<16xf32>
          %swap3A_710 = arith.constant 7 : i32
          %swap3A_711 = arith.index_cast %swap3A_710 : i32 to index
          %swap3A_712 = arith.constant 0 : index
          %swap3A_713 = tpu.vector_load %arg11[%swap3A_711, %swap3A_712] {strides = array<i32>} : memref<16x24xf32, #tpu.memory_space<vmem>>, vector<16xf32>,
          tpu.vector_store %arg11[%swap3A_711, %swap3A_712], %add3A_709 {strides = array<i32>} : memref<16x24xf32, #tpu.memory_space<vmem>>, vector<16xf32>,
          %mul3A_714 = arith.constant 16 : i32
          %mul3A_715 = arith.muli %scan3A_133, %mul3A_714 : i32
          %add3A_716 = arith.constant 8 : i32
          %add3A_717 = arith.addi %mul3A_715, %add3A_716 : i32
          %broadcast_in_dim3A_718 = arith.constant 0.000000e+00 : f32
          %broadcast_in_dim3A_719 = vector.broadcast %broadcast_in_dim3A_718 : f32 to vector<16xf32>
          %broadcast_in_dim3A_720 = arith.constant 0.000000e+00 : f32
          %broadcast_in_dim3A_721 = vector.broadcast %broadcast_in_dim3A_720 : f32 to vector<16xf32>
          %get3A_722 = arith.index_cast %add3A_717 : i32 to index
          %get3A_723 = arith.constant 0 : index
          %get3A_724 = tpu.vector_load %arg7[%get3A_722, %get3A_723] {strides = array<i32>} : memref<128x128xi32, #tpu.memory_space<vmem>>, vector<16xi32>,
          %bitcast3A_725 = vector.bitcast %get3A_724 : vector<16xi32> to vector<32xbf16>
          %add3A_726 = arith.constant 64 : i32
          %add3A_727 = arith.addi %add3A_726, %add3A_717 : i32
          %get3A_728 = arith.index_cast %add3A_727 : i32 to index
          %get3A_729 = arith.constant 0 : index
          %get3A_730 = tpu.vector_load %arg7[%get3A_728, %get3A_729] {strides = array<i32>} : memref<128x128xi32, #tpu.memory_space<vmem>>, vector<16xi32>,
          %bitcast3A_731 = vector.bitcast %get3A_730 : vector<16xi32> to vector<32xbf16>
          %mul3A_732 = arith.mulf %bitcast3A_725, %bitcast3A_731 : vector<32xbf16>
          %unpack3A_733 = tpu.unpack_subelements %mul3A_732, 0 {pack_format = #tpu.pack_format<interleaved>} : vector<32xbf16> -> vector<16xf32>
          %unpack3A_734 = tpu.unpack_subelements %mul3A_732, 1 {pack_format = #tpu.pack_format<interleaved>} : vector<32xbf16> -> vector<16xf32>
          %add3A_735 = arith.addf %broadcast_in_dim3A_719, %unpack3A_733 : vector<16xf32>
          %add3A_736 = arith.addf %broadcast_in_dim3A_721, %unpack3A_734 : vector<16xf32>
          %get3A_737 = arith.index_cast %add3A_717 : i32 to index
          %get3A_738 = arith.constant 16 : index
          %get3A_739 = tpu.vector_load %arg7[%get3A_737, %get3A_738] {strides = array<i32>} : memref<128x128xi32, #tpu.memory_space<vmem>>, vector<16xi32>,
          %bitcast3A_740 = vector.bitcast %get3A_739 : vector<16xi32> to vector<32xbf16>
          %add3A_741 = arith.constant 64 : i32
          %add3A_742 = arith.addi %add3A_741, %add3A_717 : i32
          %get3A_743 = arith.index_cast %add3A_742 : i32 to index
          %get3A_744 = arith.constant 16 : index
          %get3A_745 = tpu.vector_load %arg7[%get3A_743, %get3A_744] {strides = array<i32>} : memref<128x128xi32, #tpu.memory_space<vmem>>, vector<16xi32>,
          %bitcast3A_746 = vector.bitcast %get3A_745 : vector<16xi32> to vector<32xbf16>
          %mul3A_747 = arith.mulf %bitcast3A_740, %bitcast3A_746 : vector<32xbf16>
          %unpack3A_748 = tpu.unpack_subelements %mul3A_747, 0 {pack_format = #tpu.pack_format<interleaved>} : vector<32xbf16> -> vector<16xf32>
          %unpack3A_749 = tpu.unpack_subelements %mul3A_747, 1 {pack_format = #tpu.pack_format<interleaved>} : vector<32xbf16> -> vector<16xf32>
          %add3A_750 = arith.addf %add3A_735, %unpack3A_748 : vector<16xf32>
          %add3A_751 = arith.addf %add3A_736, %unpack3A_749 : vector<16xf32>
          %get3A_752 = arith.index_cast %add3A_717 : i32 to index
          %get3A_753 = arith.constant 32 : index
          %get3A_754 = tpu.vector_load %arg7[%get3A_752, %get3A_753] {strides = array<i32>} : memref<128x128xi32, #tpu.memory_space<vmem>>, vector<16xi32>,
          %bitcast3A_755 = vector.bitcast %get3A_754 : vector<16xi32> to vector<32xbf16>
          %add3A_756 = arith.constant 64 : i32
          %add3A_757 = arith.addi %add3A_756, %add3A_717 : i32
          %get3A_758 = arith.index_cast %add3A_757 : i32 to index
          %get3A_759 = arith.constant 32 : index
          %get3A_760 = tpu.vector_load %arg7[%get3A_758, %get3A_759] {strides = array<i32>} : memref<128x128xi32, #tpu.memory_space<vmem>>, vector<16xi32>,
          %bitcast3A_761 = vector.bitcast %get3A_760 : vector<16xi32> to vector<32xbf16>
          %mul3A_762 = arith.mulf %bitcast3A_755, %bitcast3A_761 : vector<32xbf16>
          %unpack3A_763 = tpu.unpack_subelements %mul3A_762, 0 {pack_format = #tpu.pack_format<interleaved>} : vector<32xbf16> -> vector<16xf32>
          %unpack3A_764 = tpu.unpack_subelements %mul3A_762, 1 {pack_format = #tpu.pack_format<interleaved>} : vector<32xbf16> -> vector<16xf32>
          %add3A_765 = arith.addf %add3A_750, %unpack3A_763 : vector<16xf32>
          %add3A_766 = arith.addf %add3A_751, %unpack3A_764 : vector<16xf32>
          %get3A_767 = arith.index_cast %add3A_717 : i32 to index
          %get3A_768 = arith.constant 48 : index
          %get3A_769 = tpu.vector_load %arg7[%get3A_767, %get3A_768] {strides = array<i32>} : memref<128x128xi32, #tpu.memory_space<vmem>>, vector<16xi32>,
          %bitcast3A_770 = vector.bitcast %get3A_769 : vector<16xi32> to vector<32xbf16>
          %add3A_771 = arith.constant 64 : i32
          %add3A_772 = arith.addi %add3A_771, %add3A_717 : i32
          %get3A_773 = arith.index_cast %add3A_772 : i32 to index
          %get3A_774 = arith.constant 48 : index
          %get3A_775 = tpu.vector_load %arg7[%get3A_773, %get3A_774] {strides = array<i32>} : memref<128x128xi32, #tpu.memory_space<vmem>>, vector<16xi32>,
          %bitcast3A_776 = vector.bitcast %get3A_775 : vector<16xi32> to vector<32xbf16>
          %mul3A_777 = arith.mulf %bitcast3A_770, %bitcast3A_776 : vector<32xbf16>
          %unpack3A_778 = tpu.unpack_subelements %mul3A_777, 0 {pack_format = #tpu.pack_format<interleaved>} : vector<32xbf16> -> vector<16xf32>
          %unpack3A_779 = tpu.unpack_subelements %mul3A_777, 1 {pack_format = #tpu.pack_format<interleaved>} : vector<32xbf16> -> vector<16xf32>
          %add3A_780 = arith.addf %add3A_765, %unpack3A_778 : vector<16xf32>
          %add3A_781 = arith.addf %add3A_766, %unpack3A_779 : vector<16xf32>
          %add3A_782 = arith.addf %add3A_780, %add3A_781 : vector<16xf32>
          %swap3A_783 = arith.constant 8 : i32
          %swap3A_784 = arith.index_cast %swap3A_783 : i32 to index
          %swap3A_785 = arith.constant 0 : index
          %swap3A_786 = tpu.vector_load %arg11[%swap3A_784, %swap3A_785] {strides = array<i32>} : memref<16x24xf32, #tpu.memory_space<vmem>>, vector<16xf32>,
          tpu.vector_store %arg11[%swap3A_784, %swap3A_785], %add3A_782 {strides = array<i32>} : memref<16x24xf32, #tpu.memory_space<vmem>>, vector<16xf32>,
          %mul3A_787 = arith.constant 16 : i32
          %mul3A_788 = arith.muli %scan3A_133, %mul3A_787 : i32
          %add3A_789 = arith.constant 9 : i32
          %add3A_790 = arith.addi %mul3A_788, %add3A_789 : i32
          %broadcast_in_dim3A_791 = arith.constant 0.000000e+00 : f32
          %broadcast_in_dim3A_792 = vector.broadcast %broadcast_in_dim3A_791 : f32 to vector<16xf32>
          %broadcast_in_dim3A_793 = arith.constant 0.000000e+00 : f32
          %broadcast_in_dim3A_794 = vector.broadcast %broadcast_in_dim3A_793 : f32 to vector<16xf32>
          %get3A_795 = arith.index_cast %add3A_790 : i32 to index
          %get3A_796 = arith.constant 0 : index
          %get3A_797 = tpu.vector_load %arg7[%get3A_795, %get3A_796] {strides = array<i32>} : memref<128x128xi32, #tpu.memory_space<vmem>>, vector<16xi32>,
          %bitcast3A_798 = vector.bitcast %get3A_797 : vector<16xi32> to vector<32xbf16>
          %add3A_799 = arith.constant 64 : i32
          %add3A_800 = arith.addi %add3A_799, %add3A_790 : i32
          %get3A_801 = arith.index_cast %add3A_800 : i32 to index
          %get3A_802 = arith.constant 0 : index
          %get3A_803 = tpu.vector_load %arg7[%get3A_801, %get3A_802] {strides = array<i32>} : memref<128x128xi32, #tpu.memory_space<vmem>>, vector<16xi32>,
          %bitcast3A_804 = vector.bitcast %get3A_803 : vector<16xi32> to vector<32xbf16>
          %mul3A_805 = arith.mulf %bitcast3A_798, %bitcast3A_804 : vector<32xbf16>
          %unpack3A_806 = tpu.unpack_subelements %mul3A_805, 0 {pack_format = #tpu.pack_format<interleaved>} : vector<32xbf16> -> vector<16xf32>
          %unpack3A_807 = tpu.unpack_subelements %mul3A_805, 1 {pack_format = #tpu.pack_format<interleaved>} : vector<32xbf16> -> vector<16xf32>
          %add3A_808 = arith.addf %broadcast_in_dim3A_792, %unpack3A_806 : vector<16xf32>
          %add3A_809 = arith.addf %broadcast_in_dim3A_794, %unpack3A_807 : vector<16xf32>
          %get3A_810 = arith.index_cast %add3A_790 : i32 to index
          %get3A_811 = arith.constant 16 : index
          %get3A_812 = tpu.vector_load %arg7[%get3A_810, %get3A_811] {strides = array<i32>} : memref<128x128xi32, #tpu.memory_space<vmem>>, vector<16xi32>,
          %bitcast3A_813 = vector.bitcast %get3A_812 : vector<16xi32> to vector<32xbf16>
          %add3A_814 = arith.constant 64 : i32
          %add3A_815 = arith.addi %add3A_814, %add3A_790 : i32
          %get3A_816 = arith.index_cast %add3A_815 : i32 to index
          %get3A_817 = arith.constant 16 : index
          %get3A_818 = tpu.vector_load %arg7[%get3A_816, %get3A_817] {strides = array<i32>} : memref<128x128xi32, #tpu.memory_space<vmem>>, vector<16xi32>,
          %bitcast3A_819 = vector.bitcast %get3A_818 : vector<16xi32> to vector<32xbf16>
          %mul3A_820 = arith.mulf %bitcast3A_813, %bitcast3A_819 : vector<32xbf16>
          %unpack3A_821 = tpu.unpack_subelements %mul3A_820, 0 {pack_format = #tpu.pack_format<interleaved>} : vector<32xbf16> -> vector<16xf32>
          %unpack3A_822 = tpu.unpack_subelements %mul3A_820, 1 {pack_format = #tpu.pack_format<interleaved>} : vector<32xbf16> -> vector<16xf32>
          %add3A_823 = arith.addf %add3A_808, %unpack3A_821 : vector<16xf32>
          %add3A_824 = arith.addf %add3A_809, %unpack3A_822 : vector<16xf32>
          %get3A_825 = arith.index_cast %add3A_790 : i32 to index
          %get3A_826 = arith.constant 32 : index
          %get3A_827 = tpu.vector_load %arg7[%get3A_825, %get3A_826] {strides = array<i32>} : memref<128x128xi32, #tpu.memory_space<vmem>>, vector<16xi32>,
          %bitcast3A_828 = vector.bitcast %get3A_827 : vector<16xi32> to vector<32xbf16>
          %add3A_829 = arith.constant 64 : i32
          %add3A_830 = arith.addi %add3A_829, %add3A_790 : i32
          %get3A_831 = arith.index_cast %add3A_830 : i32 to index
          %get3A_832 = arith.constant 32 : index
          %get3A_833 = tpu.vector_load %arg7[%get3A_831, %get3A_832] {strides = array<i32>} : memref<128x128xi32, #tpu.memory_space<vmem>>, vector<16xi32>,
          %bitcast3A_834 = vector.bitcast %get3A_833 : vector<16xi32> to vector<32xbf16>
          %mul3A_835 = arith.mulf %bitcast3A_828, %bitcast3A_834 : vector<32xbf16>
          %unpack3A_836 = tpu.unpack_subelements %mul3A_835, 0 {pack_format = #tpu.pack_format<interleaved>} : vector<32xbf16> -> vector<16xf32>
          %unpack3A_837 = tpu.unpack_subelements %mul3A_835, 1 {pack_format = #tpu.pack_format<interleaved>} : vector<32xbf16> -> vector<16xf32>
          %add3A_838 = arith.addf %add3A_823, %unpack3A_836 : vector<16xf32>
          %add3A_839 = arith.addf %add3A_824, %unpack3A_837 : vector<16xf32>
          %get3A_840 = arith.index_cast %add3A_790 : i32 to index
          %get3A_841 = arith.constant 48 : index
          %get3A_842 = tpu.vector_load %arg7[%get3A_840, %get3A_841] {strides = array<i32>} : memref<128x128xi32, #tpu.memory_space<vmem>>, vector<16xi32>,
          %bitcast3A_843 = vector.bitcast %get3A_842 : vector<16xi32> to vector<32xbf16>
          %add3A_844 = arith.constant 64 : i32
          %add3A_845 = arith.addi %add3A_844, %add3A_790 : i32
          %get3A_846 = arith.index_cast %add3A_845 : i32 to index
          %get3A_847 = arith.constant 48 : index
          %get3A_848 = tpu.vector_load %arg7[%get3A_846, %get3A_847] {strides = array<i32>} : memref<128x128xi32, #tpu.memory_space<vmem>>, vector<16xi32>,
          %bitcast3A_849 = vector.bitcast %get3A_848 : vector<16xi32> to vector<32xbf16>
          %mul3A_850 = arith.mulf %bitcast3A_843, %bitcast3A_849 : vector<32xbf16>
          %unpack3A_851 = tpu.unpack_subelements %mul3A_850, 0 {pack_format = #tpu.pack_format<interleaved>} : vector<32xbf16> -> vector<16xf32>
          %unpack3A_852 = tpu.unpack_subelements %mul3A_850, 1 {pack_format = #tpu.pack_format<interleaved>} : vector<32xbf16> -> vector<16xf32>
          %add3A_853 = arith.addf %add3A_838, %unpack3A_851 : vector<16xf32>
          %add3A_854 = arith.addf %add3A_839, %unpack3A_852 : vector<16xf32>
          %add3A_855 = arith.addf %add3A_853, %add3A_854 : vector<16xf32>
          %swap3A_856 = arith.constant 9 : i32
          %swap3A_857 = arith.index_cast %swap3A_856 : i32 to index
          %swap3A_858 = arith.constant 0 : index
          %swap3A_859 = tpu.vector_load %arg11[%swap3A_857, %swap3A_858] {strides = array<i32>} : memref<16x24xf32, #tpu.memory_space<vmem>>, vector<16xf32>,
          tpu.vector_store %arg11[%swap3A_857, %swap3A_858], %add3A_855 {strides = array<i32>} : memref<16x24xf32, #tpu.memory_space<vmem>>, vector<16xf32>,
          %mul3A_860 = arith.constant 16 : i32
          %mul3A_861 = arith.muli %scan3A_133, %mul3A_860 : i32
          %add3A_862 = arith.constant 10 : i32
          %add3A_863 = arith.addi %mul3A_861, %add3A_862 : i32
          %broadcast_in_dim3A_864 = arith.constant 0.000000e+00 : f32
          %broadcast_in_dim3A_865 = vector.broadcast %broadcast_in_dim3A_864 : f32 to vector<16xf32>
          %broadcast_in_dim3A_866 = arith.constant 0.000000e+00 : f32
          %broadcast_in_dim3A_867 = vector.broadcast %broadcast_in_dim3A_866 : f32 to vector<16xf32>
          %get3A_868 = arith.index_cast %add3A_863 : i32 to index
          %get3A_869 = arith.constant 0 : index
          %get3A_870 = tpu.vector_load %arg7[%get3A_868, %get3A_869] {strides = array<i32>} : memref<128x128xi32, #tpu.memory_space<vmem>>, vector<16xi32>,
          %bitcast3A_871 = vector.bitcast %get3A_870 : vector<16xi32> to vector<32xbf16>
          %add3A_872 = arith.constant 64 : i32
          %add3A_873 = arith.addi %add3A_872, %add3A_863 : i32
          %get3A_874 = arith.index_cast %add3A_873 : i32 to index
          %get3A_875 = arith.constant 0 : index
          %get3A_876 = tpu.vector_load %arg7[%get3A_874, %get3A_875] {strides = array<i32>} : memref<128x128xi32, #tpu.memory_space<vmem>>, vector<16xi32>,
          %bitcast3A_877 = vector.bitcast %get3A_876 : vector<16xi32> to vector<32xbf16>
          %mul3A_878 = arith.mulf %bitcast3A_871, %bitcast3A_877 : vector<32xbf16>
          %unpack3A_879 = tpu.unpack_subelements %mul3A_878, 0 {pack_format = #tpu.pack_format<interleaved>} : vector<32xbf16> -> vector<16xf32>
          %unpack3A_880 = tpu.unpack_subelements %mul3A_878, 1 {pack_format = #tpu.pack_format<interleaved>} : vector<32xbf16> -> vector<16xf32>
          %add3A_881 = arith.addf %broadcast_in_dim3A_865, %unpack3A_879 : vector<16xf32>
          %add3A_882 = arith.addf %broadcast_in_dim3A_867, %unpack3A_880 : vector<16xf32>
          %get3A_883 = arith.index_cast %add3A_863 : i32 to index
          %get3A_884 = arith.constant 16 : index
          %get3A_885 = tpu.vector_load %arg7[%get3A_883, %get3A_884] {strides = array<i32>} : memref<128x128xi32, #tpu.memory_space<vmem>>, vector<16xi32>,
          %bitcast3A_886 = vector.bitcast %get3A_885 : vector<16xi32> to vector<32xbf16>
          %add3A_887 = arith.constant 64 : i32
          %add3A_888 = arith.addi %add3A_887, %add3A_863 : i32
          %get3A_889 = arith.index_cast %add3A_888 : i32 to index
          %get3A_890 = arith.constant 16 : index
          %get3A_891 = tpu.vector_load %arg7[%get3A_889, %get3A_890] {strides = array<i32>} : memref<128x128xi32, #tpu.memory_space<vmem>>, vector<16xi32>,
          %bitcast3A_892 = vector.bitcast %get3A_891 : vector<16xi32> to vector<32xbf16>
          %mul3A_893 = arith.mulf %bitcast3A_886, %bitcast3A_892 : vector<32xbf16>
          %unpack3A_894 = tpu.unpack_subelements %mul3A_893, 0 {pack_format = #tpu.pack_format<interleaved>} : vector<32xbf16> -> vector<16xf32>
          %unpack3A_895 = tpu.unpack_subelements %mul3A_893, 1 {pack_format = #tpu.pack_format<interleaved>} : vector<32xbf16> -> vector<16xf32>
          %add3A_896 = arith.addf %add3A_881, %unpack3A_894 : vector<16xf32>
          %add3A_897 = arith.addf %add3A_882, %unpack3A_895 : vector<16xf32>
          %get3A_898 = arith.index_cast %add3A_863 : i32 to index
          %get3A_899 = arith.constant 32 : index
          %get3A_900 = tpu.vector_load %arg7[%get3A_898, %get3A_899] {strides = array<i32>} : memref<128x128xi32, #tpu.memory_space<vmem>>, vector<16xi32>,
          %bitcast3A_901 = vector.bitcast %get3A_900 : vector<16xi32> to vector<32xbf16>
          %add3A_902 = arith.constant 64 : i32
          %add3A_903 = arith.addi %add3A_902, %add3A_863 : i32
          %get3A_904 = arith.index_cast %add3A_903 : i32 to index
          %get3A_905 = arith.constant 32 : index
          %get3A_906 = tpu.vector_load %arg7[%get3A_904, %get3A_905] {strides = array<i32>} : memref<128x128xi32, #tpu.memory_space<vmem>>, vector<16xi32>,
          %bitcast3A_907 = vector.bitcast %get3A_906 : vector<16xi32> to vector<32xbf16>
          %mul3A_908 = arith.mulf %bitcast3A_901, %bitcast3A_907 : vector<32xbf16>
          %unpack3A_909 = tpu.unpack_subelements %mul3A_908, 0 {pack_format = #tpu.pack_format<interleaved>} : vector<32xbf16> -> vector<16xf32>
          %unpack3A_910 = tpu.unpack_subelements %mul3A_908, 1 {pack_format = #tpu.pack_format<interleaved>} : vector<32xbf16> -> vector<16xf32>
          %add3A_911 = arith.addf %add3A_896, %unpack3A_909 : vector<16xf32>
          %add3A_912 = arith.addf %add3A_897, %unpack3A_910 : vector<16xf32>
          %get3A_913 = arith.index_cast %add3A_863 : i32 to index
          %get3A_914 = arith.constant 48 : index
          %get3A_915 = tpu.vector_load %arg7[%get3A_913, %get3A_914] {strides = array<i32>} : memref<128x128xi32, #tpu.memory_space<vmem>>, vector<16xi32>,
          %bitcast3A_916 = vector.bitcast %get3A_915 : vector<16xi32> to vector<32xbf16>
          %add3A_917 = arith.constant 64 : i32
          %add3A_918 = arith.addi %add3A_917, %add3A_863 : i32
          %get3A_919 = arith.index_cast %add3A_918 : i32 to index
          %get3A_920 = arith.constant 48 : index
          %get3A_921 = tpu.vector_load %arg7[%get3A_919, %get3A_920] {strides = array<i32>} : memref<128x128xi32, #tpu.memory_space<vmem>>, vector<16xi32>,
          %bitcast3A_922 = vector.bitcast %get3A_921 : vector<16xi32> to vector<32xbf16>
          %mul3A_923 = arith.mulf %bitcast3A_916, %bitcast3A_922 : vector<32xbf16>
          %unpack3A_924 = tpu.unpack_subelements %mul3A_923, 0 {pack_format = #tpu.pack_format<interleaved>} : vector<32xbf16> -> vector<16xf32>
          %unpack3A_925 = tpu.unpack_subelements %mul3A_923, 1 {pack_format = #tpu.pack_format<interleaved>} : vector<32xbf16> -> vector<16xf32>
          %add3A_926 = arith.addf %add3A_911, %unpack3A_924 : vector<16xf32>
          %add3A_927 = arith.addf %add3A_912, %unpack3A_925 : vector<16xf32>
          %add3A_928 = arith.addf %add3A_926, %add3A_927 : vector<16xf32>
          %swap3A_929 = arith.constant 10 : i32
          %swap3A_930 = arith.index_cast %swap3A_929 : i32 to index
          %swap3A_931 = arith.constant 0 : index
          %swap3A_932 = tpu.vector_load %arg11[%swap3A_930, %swap3A_931] {strides = array<i32>} : memref<16x24xf32, #tpu.memory_space<vmem>>, vector<16xf32>,
          tpu.vector_store %arg11[%swap3A_930, %swap3A_931], %add3A_928 {strides = array<i32>} : memref<16x24xf32, #tpu.memory_space<vmem>>, vector<16xf32>,
          %mul3A_933 = arith.constant 16 : i32
          %mul3A_934 = arith.muli %scan3A_133, %mul3A_933 : i32
          %add3A_935 = arith.constant 11 : i32
          %add3A_936 = arith.addi %mul3A_934, %add3A_935 : i32
          %broadcast_in_dim3A_937 = arith.constant 0.000000e+00 : f32
          %broadcast_in_dim3A_938 = vector.broadcast %broadcast_in_dim3A_937 : f32 to vector<16xf32>
          %broadcast_in_dim3A_939 = arith.constant 0.000000e+00 : f32
          %broadcast_in_dim3A_940 = vector.broadcast %broadcast_in_dim3A_939 : f32 to vector<16xf32>
          %get3A_941 = arith.index_cast %add3A_936 : i32 to index
          %get3A_942 = arith.constant 0 : index
          %get3A_943 = tpu.vector_load %arg7[%get3A_941, %get3A_942] {strides = array<i32>} : memref<128x128xi32, #tpu.memory_space<vmem>>, vector<16xi32>,
          %bitcast3A_944 = vector.bitcast %get3A_943 : vector<16xi32> to vector<32xbf16>
          %add3A_945 = arith.constant 64 : i32
          %add3A_946 = arith.addi %add3A_945, %add3A_936 : i32
          %get3A_947 = arith.index_cast %add3A_946 : i32 to index
          %get3A_948 = arith.constant 0 : index
          %get3A_949 = tpu.vector_load %arg7[%get3A_947, %get3A_948] {strides = array<i32>} : memref<128x128xi32, #tpu.memory_space<vmem>>, vector<16xi32>,
          %bitcast3A_950 = vector.bitcast %get3A_949 : vector<16xi32> to vector<32xbf16>
          %mul3A_951 = arith.mulf %bitcast3A_944, %bitcast3A_950 : vector<32xbf16>
          %unpack3A_952 = tpu.unpack_subelements %mul3A_951, 0 {pack_format = #tpu.pack_format<interleaved>} : vector<32xbf16> -> vector<16xf32>
          %unpack3A_953 = tpu.unpack_subelements %mul3A_951, 1 {pack_format = #tpu.pack_format<interleaved>} : vector<32xbf16> -> vector<16xf32>
          %add3A_954 = arith.addf %broadcast_in_dim3A_938, %unpack3A_952 : vector<16xf32>
          %add3A_955 = arith.addf %broadcast_in_dim3A_940, %unpack3A_953 : vector<16xf32>
          %get3A_956 = arith.index_cast %add3A_936 : i32 to index
          %get3A_957 = arith.constant 16 : index
          %get3A_958 = tpu.vector_load %arg7[%get3A_956, %get3A_957] {strides = array<i32>} : memref<128x128xi32, #tpu.memory_space<vmem>>, vector<16xi32>,
          %bitcast3A_959 = vector.bitcast %get3A_958 : vector<16xi32> to vector<32xbf16>
          %add3A_960 = arith.constant 64 : i32
          %add3A_961 = arith.addi %add3A_960, %add3A_936 : i32
          %get3A_962 = arith.index_cast %add3A_961 : i32 to index
          %get3A_963 = arith.constant 16 : index
          %get3A_964 = tpu.vector_load %arg7[%get3A_962, %get3A_963] {strides = array<i32>} : memref<128x128xi32, #tpu.memory_space<vmem>>, vector<16xi32>,
          %bitcast3A_965 = vector.bitcast %get3A_964 : vector<16xi32> to vector<32xbf16>
          %mul3A_966 = arith.mulf %bitcast3A_959, %bitcast3A_965 : vector<32xbf16>
          %unpack3A_967 = tpu.unpack_subelements %mul3A_966, 0 {pack_format = #tpu.pack_format<interleaved>} : vector<32xbf16> -> vector<16xf32>
          %unpack3A_968 = tpu.unpack_subelements %mul3A_966, 1 {pack_format = #tpu.pack_format<interleaved>} : vector<32xbf16> -> vector<16xf32>
          %add3A_969 = arith.addf %add3A_954, %unpack3A_967 : vector<16xf32>
          %add3A_970 = arith.addf %add3A_955, %unpack3A_968 : vector<16xf32>
          %get3A_971 = arith.index_cast %add3A_936 : i32 to index
          %get3A_972 = arith.constant 32 : index
          %get3A_973 = tpu.vector_load %arg7[%get3A_971, %get3A_972] {strides = array<i32>} : memref<128x128xi32, #tpu.memory_space<vmem>>, vector<16xi32>,
          %bitcast3A_974 = vector.bitcast %get3A_973 : vector<16xi32> to vector<32xbf16>
          %add3A_975 = arith.constant 64 : i32
          %add3A_976 = arith.addi %add3A_975, %add3A_936 : i32
          %get3A_977 = arith.index_cast %add3A_976 : i32 to index
          %get3A_978 = arith.constant 32 : index
          %get3A_979 = tpu.vector_load %arg7[%get3A_977, %get3A_978] {strides = array<i32>} : memref<128x128xi32, #tpu.memory_space<vmem>>, vector<16xi32>,
          %bitcast3A_980 = vector.bitcast %get3A_979 : vector<16xi32> to vector<32xbf16>
          %mul3A_981 = arith.mulf %bitcast3A_974, %bitcast3A_980 : vector<32xbf16>
          %unpack3A_982 = tpu.unpack_subelements %mul3A_981, 0 {pack_format = #tpu.pack_format<interleaved>} : vector<32xbf16> -> vector<16xf32>
          %unpack3A_983 = tpu.unpack_subelements %mul3A_981, 1 {pack_format = #tpu.pack_format<interleaved>} : vector<32xbf16> -> vector<16xf32>
          %add3A_984 = arith.addf %add3A_969, %unpack3A_982 : vector<16xf32>
          %add3A_985 = arith.addf %add3A_970, %unpack3A_983 : vector<16xf32>
          %get3A_986 = arith.index_cast %add3A_936 : i32 to index
          %get3A_987 = arith.constant 48 : index
          %get3A_988 = tpu.vector_load %arg7[%get3A_986, %get3A_987] {strides = array<i32>} : memref<128x128xi32, #tpu.memory_space<vmem>>, vector<16xi32>,
          %bitcast3A_989 = vector.bitcast %get3A_988 : vector<16xi32> to vector<32xbf16>
          %add3A_990 = arith.constant 64 : i32
          %add3A_991 = arith.addi %add3A_990, %add3A_936 : i32
          %get3A_992 = arith.index_cast %add3A_991 : i32 to index
          %get3A_993 = arith.constant 48 : index
          %get3A_994 = tpu.vector_load %arg7[%get3A_992, %get3A_993] {strides = array<i32>} : memref<128x128xi32, #tpu.memory_space<vmem>>, vector<16xi32>,
          %bitcast3A_995 = vector.bitcast %get3A_994 : vector<16xi32> to vector<32xbf16>
          %mul3A_996 = arith.mulf %bitcast3A_989, %bitcast3A_995 : vector<32xbf16>
          %unpack3A_997 = tpu.unpack_subelements %mul3A_996, 0 {pack_format = #tpu.pack_format<interleaved>} : vector<32xbf16> -> vector<16xf32>
          %unpack3A_998 = tpu.unpack_subelements %mul3A_996, 1 {pack_format = #tpu.pack_format<interleaved>} : vector<32xbf16> -> vector<16xf32>
          %add3A_999 = arith.addf %add3A_984, %unpack3A_997 : vector<16xf32>
          %add3A_1000 = arith.addf %add3A_985, %unpack3A_998 : vector<16xf32>
          %add3A_1001 = arith.addf %add3A_999, %add3A_1000 : vector<16xf32>
          %swap3A_1002 = arith.constant 11 : i32
          %swap3A_1003 = arith.index_cast %swap3A_1002 : i32 to index
          %swap3A_1004 = arith.constant 0 : index
          %swap3A_1005 = tpu.vector_load %arg11[%swap3A_1003, %swap3A_1004] {strides = array<i32>} : memref<16x24xf32, #tpu.memory_space<vmem>>, vector<16xf32>,
          tpu.vector_store %arg11[%swap3A_1003, %swap3A_1004], %add3A_1001 {strides = array<i32>} : memref<16x24xf32, #tpu.memory_space<vmem>>, vector<16xf32>,
          %mul3A_1006 = arith.constant 16 : i32
          %mul3A_1007 = arith.muli %scan3A_133, %mul3A_1006 : i32
          %add3A_1008 = arith.constant 12 : i32
          %add3A_1009 = arith.addi %mul3A_1007, %add3A_1008 : i32
          %broadcast_in_dim3A_1010 = arith.constant 0.000000e+00 : f32
          %broadcast_in_dim3A_1011 = vector.broadcast %broadcast_in_dim3A_1010 : f32 to vector<16xf32>
          %broadcast_in_dim3A_1012 = arith.constant 0.000000e+00 : f32
          %broadcast_in_dim3A_1013 = vector.broadcast %broadcast_in_dim3A_1012 : f32 to vector<16xf32>
          %get3A_1014 = arith.index_cast %add3A_1009 : i32 to index
          %get3A_1015 = arith.constant 0 : index
          %get3A_1016 = tpu.vector_load %arg7[%get3A_1014, %get3A_1015] {strides = array<i32>} : memref<128x128xi32, #tpu.memory_space<vmem>>, vector<16xi32>,
          %bitcast3A_1017 = vector.bitcast %get3A_1016 : vector<16xi32> to vector<32xbf16>
          %add3A_1018 = arith.constant 64 : i32
          %add3A_1019 = arith.addi %add3A_1018, %add3A_1009 : i32
          %get3A_1020 = arith.index_cast %add3A_1019 : i32 to index
          %get3A_1021 = arith.constant 0 : index
          %get3A_1022 = tpu.vector_load %arg7[%get3A_1020, %get3A_1021] {strides = array<i32>} : memref<128x128xi32, #tpu.memory_space<vmem>>, vector<16xi32>,
          %bitcast3A_1023 = vector.bitcast %get3A_1022 : vector<16xi32> to vector<32xbf16>
          %mul3A_1024 = arith.mulf %bitcast3A_1017, %bitcast3A_1023 : vector<32xbf16>
          %unpack3A_1025 = tpu.unpack_subelements %mul3A_1024, 0 {pack_format = #tpu.pack_format<interleaved>} : vector<32xbf16> -> vector<16xf32>
          %unpack3A_1026 = tpu.unpack_subelements %mul3A_1024, 1 {pack_format = #tpu.pack_format<interleaved>} : vector<32xbf16> -> vector<16xf32>
          %add3A_1027 = arith.addf %broadcast_in_dim3A_1011, %unpack3A_1025 : vector<16xf32>
          %add3A_1028 = arith.addf %broadcast_in_dim3A_1013, %unpack3A_1026 : vector<16xf32>
          %get3A_1029 = arith.index_cast %add3A_1009 : i32 to index
          %get3A_1030 = arith.constant 16 : index
          %get3A_1031 = tpu.vector_load %arg7[%get3A_1029, %get3A_1030] {strides = array<i32>} : memref<128x128xi32, #tpu.memory_space<vmem>>, vector<16xi32>,
          %bitcast3A_1032 = vector.bitcast %get3A_1031 : vector<16xi32> to vector<32xbf16>
          %add3A_1033 = arith.constant 64 : i32
          %add3A_1034 = arith.addi %add3A_1033, %add3A_1009 : i32
          %get3A_1035 = arith.index_cast %add3A_1034 : i32 to index
          %get3A_1036 = arith.constant 16 : index
          %get3A_1037 = tpu.vector_load %arg7[%get3A_1035, %get3A_1036] {strides = array<i32>} : memref<128x128xi32, #tpu.memory_space<vmem>>, vector<16xi32>,
          %bitcast3A_1038 = vector.bitcast %get3A_1037 : vector<16xi32> to vector<32xbf16>
          %mul3A_1039 = arith.mulf %bitcast3A_1032, %bitcast3A_1038 : vector<32xbf16>
          %unpack3A_1040 = tpu.unpack_subelements %mul3A_1039, 0 {pack_format = #tpu.pack_format<interleaved>} : vector<32xbf16> -> vector<16xf32>
          %unpack3A_1041 = tpu.unpack_subelements %mul3A_1039, 1 {pack_format = #tpu.pack_format<interleaved>} : vector<32xbf16> -> vector<16xf32>
          %add3A_1042 = arith.addf %add3A_1027, %unpack3A_1040 : vector<16xf32>
          %add3A_1043 = arith.addf %add3A_1028, %unpack3A_1041 : vector<16xf32>
          %get3A_1044 = arith.index_cast %add3A_1009 : i32 to index
          %get3A_1045 = arith.constant 32 : index
          %get3A_1046 = tpu.vector_load %arg7[%get3A_1044, %get3A_1045] {strides = array<i32>} : memref<128x128xi32, #tpu.memory_space<vmem>>, vector<16xi32>,
          %bitcast3A_1047 = vector.bitcast %get3A_1046 : vector<16xi32> to vector<32xbf16>
          %add3A_1048 = arith.constant 64 : i32
          %add3A_1049 = arith.addi %add3A_1048, %add3A_1009 : i32
          %get3A_1050 = arith.index_cast %add3A_1049 : i32 to index
          %get3A_1051 = arith.constant 32 : index
          %get3A_1052 = tpu.vector_load %arg7[%get3A_1050, %get3A_1051] {strides = array<i32>} : memref<128x128xi32, #tpu.memory_space<vmem>>, vector<16xi32>,
          %bitcast3A_1053 = vector.bitcast %get3A_1052 : vector<16xi32> to vector<32xbf16>
          %mul3A_1054 = arith.mulf %bitcast3A_1047, %bitcast3A_1053 : vector<32xbf16>
          %unpack3A_1055 = tpu.unpack_subelements %mul3A_1054, 0 {pack_format = #tpu.pack_format<interleaved>} : vector<32xbf16> -> vector<16xf32>
          %unpack3A_1056 = tpu.unpack_subelements %mul3A_1054, 1 {pack_format = #tpu.pack_format<interleaved>} : vector<32xbf16> -> vector<16xf32>
          %add3A_1057 = arith.addf %add3A_1042, %unpack3A_1055 : vector<16xf32>
          %add3A_1058 = arith.addf %add3A_1043, %unpack3A_1056 : vector<16xf32>
          %get3A_1059 = arith.index_cast %add3A_1009 : i32 to index
          %get3A_1060 = arith.constant 48 : index
          %get3A_1061 = tpu.vector_load %arg7[%get3A_1059, %get3A_1060] {strides = array<i32>} : memref<128x128xi32, #tpu.memory_space<vmem>>, vector<16xi32>,
          %bitcast3A_1062 = vector.bitcast %get3A_1061 : vector<16xi32> to vector<32xbf16>
          %add3A_1063 = arith.constant 64 : i32
          %add3A_1064 = arith.addi %add3A_1063, %add3A_1009 : i32
          %get3A_1065 = arith.index_cast %add3A_1064 : i32 to index
          %get3A_1066 = arith.constant 48 : index
          %get3A_1067 = tpu.vector_load %arg7[%get3A_1065, %get3A_1066] {strides = array<i32>} : memref<128x128xi32, #tpu.memory_space<vmem>>, vector<16xi32>,
          %bitcast3A_1068 = vector.bitcast %get3A_1067 : vector<16xi32> to vector<32xbf16>
          %mul3A_1069 = arith.mulf %bitcast3A_1062, %bitcast3A_1068 : vector<32xbf16>
          %unpack3A_1070 = tpu.unpack_subelements %mul3A_1069, 0 {pack_format = #tpu.pack_format<interleaved>} : vector<32xbf16> -> vector<16xf32>
          %unpack3A_1071 = tpu.unpack_subelements %mul3A_1069, 1 {pack_format = #tpu.pack_format<interleaved>} : vector<32xbf16> -> vector<16xf32>
          %add3A_1072 = arith.addf %add3A_1057, %unpack3A_1070 : vector<16xf32>
          %add3A_1073 = arith.addf %add3A_1058, %unpack3A_1071 : vector<16xf32>
          %add3A_1074 = arith.addf %add3A_1072, %add3A_1073 : vector<16xf32>
          %swap3A_1075 = arith.constant 12 : i32
          %swap3A_1076 = arith.index_cast %swap3A_1075 : i32 to index
          %swap3A_1077 = arith.constant 0 : index
          %swap3A_1078 = tpu.vector_load %arg11[%swap3A_1076, %swap3A_1077] {strides = array<i32>} : memref<16x24xf32, #tpu.memory_space<vmem>>, vector<16xf32>,
          tpu.vector_store %arg11[%swap3A_1076, %swap3A_1077], %add3A_1074 {strides = array<i32>} : memref<16x24xf32, #tpu.memory_space<vmem>>, vector<16xf32>,
          %mul3A_1079 = arith.constant 16 : i32
          %mul3A_1080 = arith.muli %scan3A_133, %mul3A_1079 : i32
          %add3A_1081 = arith.constant 13 : i32
          %add3A_1082 = arith.addi %mul3A_1080, %add3A_1081 : i32
          %broadcast_in_dim3A_1083 = arith.constant 0.000000e+00 : f32
          %broadcast_in_dim3A_1084 = vector.broadcast %broadcast_in_dim3A_1083 : f32 to vector<16xf32>
          %broadcast_in_dim3A_1085 = arith.constant 0.000000e+00 : f32
          %broadcast_in_dim3A_1086 = vector.broadcast %broadcast_in_dim3A_1085 : f32 to vector<16xf32>
          %get3A_1087 = arith.index_cast %add3A_1082 : i32 to index
          %get3A_1088 = arith.constant 0 : index
          %get3A_1089 = tpu.vector_load %arg7[%get3A_1087, %get3A_1088] {strides = array<i32>} : memref<128x128xi32, #tpu.memory_space<vmem>>, vector<16xi32>,
          %bitcast3A_1090 = vector.bitcast %get3A_1089 : vector<16xi32> to vector<32xbf16>
          %add3A_1091 = arith.constant 64 : i32
          %add3A_1092 = arith.addi %add3A_1091, %add3A_1082 : i32
          %get3A_1093 = arith.index_cast %add3A_1092 : i32 to index
          %get3A_1094 = arith.constant 0 : index
          %get3A_1095 = tpu.vector_load %arg7[%get3A_1093, %get3A_1094] {strides = array<i32>} : memref<128x128xi32, #tpu.memory_space<vmem>>, vector<16xi32>,
          %bitcast3A_1096 = vector.bitcast %get3A_1095 : vector<16xi32> to vector<32xbf16>
          %mul3A_1097 = arith.mulf %bitcast3A_1090, %bitcast3A_1096 : vector<32xbf16>
          %unpack3A_1098 = tpu.unpack_subelements %mul3A_1097, 0 {pack_format = #tpu.pack_format<interleaved>} : vector<32xbf16> -> vector<16xf32>
          %unpack3A_1099 = tpu.unpack_subelements %mul3A_1097, 1 {pack_format = #tpu.pack_format<interleaved>} : vector<32xbf16> -> vector<16xf32>
          %add3A_1100 = arith.addf %broadcast_in_dim3A_1084, %unpack3A_1098 : vector<16xf32>
          %add3A_1101 = arith.addf %broadcast_in_dim3A_1086, %unpack3A_1099 : vector<16xf32>
          %get3A_1102 = arith.index_cast %add3A_1082 : i32 to index
          %get3A_1103 = arith.constant 16 : index
          %get3A_1104 = tpu.vector_load %arg7[%get3A_1102, %get3A_1103] {strides = array<i32>} : memref<128x128xi32, #tpu.memory_space<vmem>>, vector<16xi32>,
          %bitcast3A_1105 = vector.bitcast %get3A_1104 : vector<16xi32> to vector<32xbf16>
          %add3A_1106 = arith.constant 64 : i32
          %add3A_1107 = arith.addi %add3A_1106, %add3A_1082 : i32
          %get3A_1108 = arith.index_cast %add3A_1107 : i32 to index
          %get3A_1109 = arith.constant 16 : index
          %get3A_1110 = tpu.vector_load %arg7[%get3A_1108, %get3A_1109] {strides = array<i32>} : memref<128x128xi32, #tpu.memory_space<vmem>>, vector<16xi32>,
          %bitcast3A_1111 = vector.bitcast %get3A_1110 : vector<16xi32> to vector<32xbf16>
          %mul3A_1112 = arith.mulf %bitcast3A_1105, %bitcast3A_1111 : vector<32xbf16>
          %unpack3A_1113 = tpu.unpack_subelements %mul3A_1112, 0 {pack_format = #tpu.pack_format<interleaved>} : vector<32xbf16> -> vector<16xf32>
          %unpack3A_1114 = tpu.unpack_subelements %mul3A_1112, 1 {pack_format = #tpu.pack_format<interleaved>} : vector<32xbf16> -> vector<16xf32>
          %add3A_1115 = arith.addf %add3A_1100, %unpack3A_1113 : vector<16xf32>
          %add3A_1116 = arith.addf %add3A_1101, %unpack3A_1114 : vector<16xf32>
          %get3A_1117 = arith.index_cast %add3A_1082 : i32 to index
          %get3A_1118 = arith.constant 32 : index
          %get3A_1119 = tpu.vector_load %arg7[%get3A_1117, %get3A_1118] {strides = array<i32>} : memref<128x128xi32, #tpu.memory_space<vmem>>, vector<16xi32>,
          %bitcast3A_1120 = vector.bitcast %get3A_1119 : vector<16xi32> to vector<32xbf16>
          %add3A_1121 = arith.constant 64 : i32
          %add3A_1122 = arith.addi %add3A_1121, %add3A_1082 : i32
          %get3A_1123 = arith.index_cast %add3A_1122 : i32 to index
          %get3A_1124 = arith.constant 32 : index
          %get3A_1125 = tpu.vector_load %arg7[%get3A_1123, %get3A_1124] {strides = array<i32>} : memref<128x128xi32, #tpu.memory_space<vmem>>, vector<16xi32>,
          %bitcast3A_1126 = vector.bitcast %get3A_1125 : vector<16xi32> to vector<32xbf16>
          %mul3A_1127 = arith.mulf %bitcast3A_1120, %bitcast3A_1126 : vector<32xbf16>
          %unpack3A_1128 = tpu.unpack_subelements %mul3A_1127, 0 {pack_format = #tpu.pack_format<interleaved>} : vector<32xbf16> -> vector<16xf32>
          %unpack3A_1129 = tpu.unpack_subelements %mul3A_1127, 1 {pack_format = #tpu.pack_format<interleaved>} : vector<32xbf16> -> vector<16xf32>
          %add3A_1130 = arith.addf %add3A_1115, %unpack3A_1128 : vector<16xf32>
          %add3A_1131 = arith.addf %add3A_1116, %unpack3A_1129 : vector<16xf32>
          %get3A_1132 = arith.index_cast %add3A_1082 : i32 to index
          %get3A_1133 = arith.constant 48 : index
          %get3A_1134 = tpu.vector_load %arg7[%get3A_1132, %get3A_1133] {strides = array<i32>} : memref<128x128xi32, #tpu.memory_space<vmem>>, vector<16xi32>,
          %bitcast3A_1135 = vector.bitcast %get3A_1134 : vector<16xi32> to vector<32xbf16>
          %add3A_1136 = arith.constant 64 : i32
          %add3A_1137 = arith.addi %add3A_1136, %add3A_1082 : i32
          %get3A_1138 = arith.index_cast %add3A_1137 : i32 to index
          %get3A_1139 = arith.constant 48 : index
          %get3A_1140 = tpu.vector_load %arg7[%get3A_1138, %get3A_1139] {strides = array<i32>} : memref<128x128xi32, #tpu.memory_space<vmem>>, vector<16xi32>,
          %bitcast3A_1141 = vector.bitcast %get3A_1140 : vector<16xi32> to vector<32xbf16>
          %mul3A_1142 = arith.mulf %bitcast3A_1135, %bitcast3A_1141 : vector<32xbf16>
          %unpack3A_1143 = tpu.unpack_subelements %mul3A_1142, 0 {pack_format = #tpu.pack_format<interleaved>} : vector<32xbf16> -> vector<16xf32>
          %unpack3A_1144 = tpu.unpack_subelements %mul3A_1142, 1 {pack_format = #tpu.pack_format<interleaved>} : vector<32xbf16> -> vector<16xf32>
          %add3A_1145 = arith.addf %add3A_1130, %unpack3A_1143 : vector<16xf32>
          %add3A_1146 = arith.addf %add3A_1131, %unpack3A_1144 : vector<16xf32>
          %add3A_1147 = arith.addf %add3A_1145, %add3A_1146 : vector<16xf32>
          %swap3A_1148 = arith.constant 13 : i32
          %swap3A_1149 = arith.index_cast %swap3A_1148 : i32 to index
          %swap3A_1150 = arith.constant 0 : index
          %swap3A_1151 = tpu.vector_load %arg11[%swap3A_1149, %swap3A_1150] {strides = array<i32>} : memref<16x24xf32, #tpu.memory_space<vmem>>, vector<16xf32>,
          tpu.vector_store %arg11[%swap3A_1149, %swap3A_1150], %add3A_1147 {strides = array<i32>} : memref<16x24xf32, #tpu.memory_space<vmem>>, vector<16xf32>,
          %mul3A_1152 = arith.constant 16 : i32
          %mul3A_1153 = arith.muli %scan3A_133, %mul3A_1152 : i32
          %add3A_1154 = arith.constant 14 : i32
          %add3A_1155 = arith.addi %mul3A_1153, %add3A_1154 : i32
          %broadcast_in_dim3A_1156 = arith.constant 0.000000e+00 : f32
          %broadcast_in_dim3A_1157 = vector.broadcast %broadcast_in_dim3A_1156 : f32 to vector<16xf32>
          %broadcast_in_dim3A_1158 = arith.constant 0.000000e+00 : f32
          %broadcast_in_dim3A_1159 = vector.broadcast %broadcast_in_dim3A_1158 : f32 to vector<16xf32>
          %get3A_1160 = arith.index_cast %add3A_1155 : i32 to index
          %get3A_1161 = arith.constant 0 : index
          %get3A_1162 = tpu.vector_load %arg7[%get3A_1160, %get3A_1161] {strides = array<i32>} : memref<128x128xi32, #tpu.memory_space<vmem>>, vector<16xi32>,
          %bitcast3A_1163 = vector.bitcast %get3A_1162 : vector<16xi32> to vector<32xbf16>
          %add3A_1164 = arith.constant 64 : i32
          %add3A_1165 = arith.addi %add3A_1164, %add3A_1155 : i32
          %get3A_1166 = arith.index_cast %add3A_1165 : i32 to index
          %get3A_1167 = arith.constant 0 : index
          %get3A_1168 = tpu.vector_load %arg7[%get3A_1166, %get3A_1167] {strides = array<i32>} : memref<128x128xi32, #tpu.memory_space<vmem>>, vector<16xi32>,
          %bitcast3A_1169 = vector.bitcast %get3A_1168 : vector<16xi32> to vector<32xbf16>
          %mul3A_1170 = arith.mulf %bitcast3A_1163, %bitcast3A_1169 : vector<32xbf16>
          %unpack3A_1171 = tpu.unpack_subelements %mul3A_1170, 0 {pack_format = #tpu.pack_format<interleaved>} : vector<32xbf16> -> vector<16xf32>
          %unpack3A_1172 = tpu.unpack_subelements %mul3A_1170, 1 {pack_format = #tpu.pack_format<interleaved>} : vector<32xbf16> -> vector<16xf32>
          %add3A_1173 = arith.addf %broadcast_in_dim3A_1157, %unpack3A_1171 : vector<16xf32>
          %add3A_1174 = arith.addf %broadcast_in_dim3A_1159, %unpack3A_1172 : vector<16xf32>
          %get3A_1175 = arith.index_cast %add3A_1155 : i32 to index
          %get3A_1176 = arith.constant 16 : index
          %get3A_1177 = tpu.vector_load %arg7[%get3A_1175, %get3A_1176] {strides = array<i32>} : memref<128x128xi32, #tpu.memory_space<vmem>>, vector<16xi32>,
          %bitcast3A_1178 = vector.bitcast %get3A_1177 : vector<16xi32> to vector<32xbf16>
          %add3A_1179 = arith.constant 64 : i32
          %add3A_1180 = arith.addi %add3A_1179, %add3A_1155 : i32
          %get3A_1181 = arith.index_cast %add3A_1180 : i32 to index
          %get3A_1182 = arith.constant 16 : index
          %get3A_1183 = tpu.vector_load %arg7[%get3A_1181, %get3A_1182] {strides = array<i32>} : memref<128x128xi32, #tpu.memory_space<vmem>>, vector<16xi32>,
          %bitcast3A_1184 = vector.bitcast %get3A_1183 : vector<16xi32> to vector<32xbf16>
          %mul3A_1185 = arith.mulf %bitcast3A_1178, %bitcast3A_1184 : vector<32xbf16>
          %unpack3A_1186 = tpu.unpack_subelements %mul3A_1185, 0 {pack_format = #tpu.pack_format<interleaved>} : vector<32xbf16> -> vector<16xf32>
          %unpack3A_1187 = tpu.unpack_subelements %mul3A_1185, 1 {pack_format = #tpu.pack_format<interleaved>} : vector<32xbf16> -> vector<16xf32>
          %add3A_1188 = arith.addf %add3A_1173, %unpack3A_1186 : vector<16xf32>
          %add3A_1189 = arith.addf %add3A_1174, %unpack3A_1187 : vector<16xf32>
          %get3A_1190 = arith.index_cast %add3A_1155 : i32 to index
          %get3A_1191 = arith.constant 32 : index
          %get3A_1192 = tpu.vector_load %arg7[%get3A_1190, %get3A_1191] {strides = array<i32>} : memref<128x128xi32, #tpu.memory_space<vmem>>, vector<16xi32>,
          %bitcast3A_1193 = vector.bitcast %get3A_1192 : vector<16xi32> to vector<32xbf16>
          %add3A_1194 = arith.constant 64 : i32
          %add3A_1195 = arith.addi %add3A_1194, %add3A_1155 : i32
          %get3A_1196 = arith.index_cast %add3A_1195 : i32 to index
          %get3A_1197 = arith.constant 32 : index
          %get3A_1198 = tpu.vector_load %arg7[%get3A_1196, %get3A_1197] {strides = array<i32>} : memref<128x128xi32, #tpu.memory_space<vmem>>, vector<16xi32>,
          %bitcast3A_1199 = vector.bitcast %get3A_1198 : vector<16xi32> to vector<32xbf16>
          %mul3A_1200 = arith.mulf %bitcast3A_1193, %bitcast3A_1199 : vector<32xbf16>
          %unpack3A_1201 = tpu.unpack_subelements %mul3A_1200, 0 {pack_format = #tpu.pack_format<interleaved>} : vector<32xbf16> -> vector<16xf32>
          %unpack3A_1202 = tpu.unpack_subelements %mul3A_1200, 1 {pack_format = #tpu.pack_format<interleaved>} : vector<32xbf16> -> vector<16xf32>
          %add3A_1203 = arith.addf %add3A_1188, %unpack3A_1201 : vector<16xf32>
          %add3A_1204 = arith.addf %add3A_1189, %unpack3A_1202 : vector<16xf32>
          %get3A_1205 = arith.index_cast %add3A_1155 : i32 to index
          %get3A_1206 = arith.constant 48 : index
          %get3A_1207 = tpu.vector_load %arg7[%get3A_1205, %get3A_1206] {strides = array<i32>} : memref<128x128xi32, #tpu.memory_space<vmem>>, vector<16xi32>,
          %bitcast3A_1208 = vector.bitcast %get3A_1207 : vector<16xi32> to vector<32xbf16>
          %add3A_1209 = arith.constant 64 : i32
          %add3A_1210 = arith.addi %add3A_1209, %add3A_1155 : i32
          %get3A_1211 = arith.index_cast %add3A_1210 : i32 to index
          %get3A_1212 = arith.constant 48 : index
          %get3A_1213 = tpu.vector_load %arg7[%get3A_1211, %get3A_1212] {strides = array<i32>} : memref<128x128xi32, #tpu.memory_space<vmem>>, vector<16xi32>,
          %bitcast3A_1214 = vector.bitcast %get3A_1213 : vector<16xi32> to vector<32xbf16>
          %mul3A_1215 = arith.mulf %bitcast3A_1208, %bitcast3A_1214 : vector<32xbf16>
          %unpack3A_1216 = tpu.unpack_subelements %mul3A_1215, 0 {pack_format = #tpu.pack_format<interleaved>} : vector<32xbf16> -> vector<16xf32>
          %unpack3A_1217 = tpu.unpack_subelements %mul3A_1215, 1 {pack_format = #tpu.pack_format<interleaved>} : vector<32xbf16> -> vector<16xf32>
          %add3A_1218 = arith.addf %add3A_1203, %unpack3A_1216 : vector<16xf32>
          %add3A_1219 = arith.addf %add3A_1204, %unpack3A_1217 : vector<16xf32>
          %add3A_1220 = arith.addf %add3A_1218, %add3A_1219 : vector<16xf32>
          %swap3A_1221 = arith.constant 14 : i32
          %swap3A_1222 = arith.index_cast %swap3A_1221 : i32 to index
          %swap3A_1223 = arith.constant 0 : index
          %swap3A_1224 = tpu.vector_load %arg11[%swap3A_1222, %swap3A_1223] {strides = array<i32>} : memref<16x24xf32, #tpu.memory_space<vmem>>, vector<16xf32>,
          tpu.vector_store %arg11[%swap3A_1222, %swap3A_1223], %add3A_1220 {strides = array<i32>} : memref<16x24xf32, #tpu.memory_space<vmem>>, vector<16xf32>,
          %mul3A_1225 = arith.constant 16 : i32
          %mul3A_1226 = arith.muli %scan3A_133, %mul3A_1225 : i32
          %add3A_1227 = arith.constant 15 : i32
          %add3A_1228 = arith.addi %mul3A_1226, %add3A_1227 : i32
          %broadcast_in_dim3A_1229 = arith.constant 0.000000e+00 : f32
          %broadcast_in_dim3A_1230 = vector.broadcast %broadcast_in_dim3A_1229 : f32 to vector<16xf32>
          %broadcast_in_dim3A_1231 = arith.constant 0.000000e+00 : f32
          %broadcast_in_dim3A_1232 = vector.broadcast %broadcast_in_dim3A_1231 : f32 to vector<16xf32>
          %get3A_1233 = arith.index_cast %add3A_1228 : i32 to index
          %get3A_1234 = arith.constant 0 : index
          %get3A_1235 = tpu.vector_load %arg7[%get3A_1233, %get3A_1234] {strides = array<i32>} : memref<128x128xi32, #tpu.memory_space<vmem>>, vector<16xi32>,
          %bitcast3A_1236 = vector.bitcast %get3A_1235 : vector<16xi32> to vector<32xbf16>
          %add3A_1237 = arith.constant 64 : i32
          %add3A_1238 = arith.addi %add3A_1237, %add3A_1228 : i32
          %get3A_1239 = arith.index_cast %add3A_1238 : i32 to index
          %get3A_1240 = arith.constant 0 : index
          %get3A_1241 = tpu.vector_load %arg7[%get3A_1239, %get3A_1240] {strides = array<i32>} : memref<128x128xi32, #tpu.memory_space<vmem>>, vector<16xi32>,
          %bitcast3A_1242 = vector.bitcast %get3A_1241 : vector<16xi32> to vector<32xbf16>
          %mul3A_1243 = arith.mulf %bitcast3A_1236, %bitcast3A_1242 : vector<32xbf16>
          %unpack3A_1244 = tpu.unpack_subelements %mul3A_1243, 0 {pack_format = #tpu.pack_format<interleaved>} : vector<32xbf16> -> vector<16xf32>
          %unpack3A_1245 = tpu.unpack_subelements %mul3A_1243, 1 {pack_format = #tpu.pack_format<interleaved>} : vector<32xbf16> -> vector<16xf32>
          %add3A_1246 = arith.addf %broadcast_in_dim3A_1230, %unpack3A_1244 : vector<16xf32>
          %add3A_1247 = arith.addf %broadcast_in_dim3A_1232, %unpack3A_1245 : vector<16xf32>
          %get3A_1248 = arith.index_cast %add3A_1228 : i32 to index
          %get3A_1249 = arith.constant 16 : index
          %get3A_1250 = tpu.vector_load %arg7[%get3A_1248, %get3A_1249] {strides = array<i32>} : memref<128x128xi32, #tpu.memory_space<vmem>>, vector<16xi32>,
          %bitcast3A_1251 = vector.bitcast %get3A_1250 : vector<16xi32> to vector<32xbf16>
          %add3A_1252 = arith.constant 64 : i32
          %add3A_1253 = arith.addi %add3A_1252, %add3A_1228 : i32
          %get3A_1254 = arith.index_cast %add3A_1253 : i32 to index
          %get3A_1255 = arith.constant 16 : index
          %get3A_1256 = tpu.vector_load %arg7[%get3A_1254, %get3A_1255] {strides = array<i32>} : memref<128x128xi32, #tpu.memory_space<vmem>>, vector<16xi32>,
          %bitcast3A_1257 = vector.bitcast %get3A_1256 : vector<16xi32> to vector<32xbf16>
          %mul3A_1258 = arith.mulf %bitcast3A_1251, %bitcast3A_1257 : vector<32xbf16>
          %unpack3A_1259 = tpu.unpack_subelements %mul3A_1258, 0 {pack_format = #tpu.pack_format<interleaved>} : vector<32xbf16> -> vector<16xf32>
          %unpack3A_1260 = tpu.unpack_subelements %mul3A_1258, 1 {pack_format = #tpu.pack_format<interleaved>} : vector<32xbf16> -> vector<16xf32>
          %add3A_1261 = arith.addf %add3A_1246, %unpack3A_1259 : vector<16xf32>
          %add3A_1262 = arith.addf %add3A_1247, %unpack3A_1260 : vector<16xf32>
          %get3A_1263 = arith.index_cast %add3A_1228 : i32 to index
          %get3A_1264 = arith.constant 32 : index
          %get3A_1265 = tpu.vector_load %arg7[%get3A_1263, %get3A_1264] {strides = array<i32>} : memref<128x128xi32, #tpu.memory_space<vmem>>, vector<16xi32>,
          %bitcast3A_1266 = vector.bitcast %get3A_1265 : vector<16xi32> to vector<32xbf16>
          %add3A_1267 = arith.constant 64 : i32
          %add3A_1268 = arith.addi %add3A_1267, %add3A_1228 : i32
          %get3A_1269 = arith.index_cast %add3A_1268 : i32 to index
          %get3A_1270 = arith.constant 32 : index
          %get3A_1271 = tpu.vector_load %arg7[%get3A_1269, %get3A_1270] {strides = array<i32>} : memref<128x128xi32, #tpu.memory_space<vmem>>, vector<16xi32>,
          %bitcast3A_1272 = vector.bitcast %get3A_1271 : vector<16xi32> to vector<32xbf16>
          %mul3A_1273 = arith.mulf %bitcast3A_1266, %bitcast3A_1272 : vector<32xbf16>
          %unpack3A_1274 = tpu.unpack_subelements %mul3A_1273, 0 {pack_format = #tpu.pack_format<interleaved>} : vector<32xbf16> -> vector<16xf32>
          %unpack3A_1275 = tpu.unpack_subelements %mul3A_1273, 1 {pack_format = #tpu.pack_format<interleaved>} : vector<32xbf16> -> vector<16xf32>
          %add3A_1276 = arith.addf %add3A_1261, %unpack3A_1274 : vector<16xf32>
          %add3A_1277 = arith.addf %add3A_1262, %unpack3A_1275 : vector<16xf32>
          %get3A_1278 = arith.index_cast %add3A_1228 : i32 to index
          %get3A_1279 = arith.constant 48 : index
          %get3A_1280 = tpu.vector_load %arg7[%get3A_1278, %get3A_1279] {strides = array<i32>} : memref<128x128xi32, #tpu.memory_space<vmem>>, vector<16xi32>,
          %bitcast3A_1281 = vector.bitcast %get3A_1280 : vector<16xi32> to vector<32xbf16>
          %add3A_1282 = arith.constant 64 : i32
          %add3A_1283 = arith.addi %add3A_1282, %add3A_1228 : i32
          %get3A_1284 = arith.index_cast %add3A_1283 : i32 to index
          %get3A_1285 = arith.constant 48 : index
          %get3A_1286 = tpu.vector_load %arg7[%get3A_1284, %get3A_1285] {strides = array<i32>} : memref<128x128xi32, #tpu.memory_space<vmem>>, vector<16xi32>,
          %bitcast3A_1287 = vector.bitcast %get3A_1286 : vector<16xi32> to vector<32xbf16>
          %mul3A_1288 = arith.mulf %bitcast3A_1281, %bitcast3A_1287 : vector<32xbf16>
          %unpack3A_1289 = tpu.unpack_subelements %mul3A_1288, 0 {pack_format = #tpu.pack_format<interleaved>} : vector<32xbf16> -> vector<16xf32>
          %unpack3A_1290 = tpu.unpack_subelements %mul3A_1288, 1 {pack_format = #tpu.pack_format<interleaved>} : vector<32xbf16> -> vector<16xf32>
          %add3A_1291 = arith.addf %add3A_1276, %unpack3A_1289 : vector<16xf32>
          %add3A_1292 = arith.addf %add3A_1277, %unpack3A_1290 : vector<16xf32>
          %add3A_1293 = arith.addf %add3A_1291, %add3A_1292 : vector<16xf32>
          %swap3A_1294 = arith.constant 15 : i32
          %swap3A_1295 = arith.index_cast %swap3A_1294 : i32 to index
          %swap3A_1296 = arith.constant 0 : index
          %swap3A_1297 = tpu.vector_load %arg11[%swap3A_1295, %swap3A_1296] {strides = array<i32>} : memref<16x24xf32, #tpu.memory_space<vmem>>, vector<16xf32>,
          tpu.vector_store %arg11[%swap3A_1295, %swap3A_1296], %add3A_1293 {strides = array<i32>} : memref<16x24xf32, #tpu.memory_space<vmem>>, vector<16xf32>,
          %broadcast_in_dim3A_1298 = arith.constant 0.000000e+00 : f32
          %broadcast_in_dim3A_1299 = vector.broadcast %broadcast_in_dim3A_1298 : f32 to vector<16xf32>
          %broadcast_in_dim3A_1300 = arith.constant 0.000000e+00 : f32
          %broadcast_in_dim3A_1301 = vector.broadcast %broadcast_in_dim3A_1300 : f32 to vector<16xf32>
          %broadcast_in_dim3A_1302 = arith.constant 0.000000e+00 : f32
          %broadcast_in_dim3A_1303 = vector.broadcast %broadcast_in_dim3A_1302 : f32 to vector<16xf32>
          %broadcast_in_dim3A_1304 = arith.constant 0.000000e+00 : f32
          %broadcast_in_dim3A_1305 = vector.broadcast %broadcast_in_dim3A_1304 : f32 to vector<16xf32>
          %broadcast_in_dim3A_1306 = arith.constant 0 : i32
          %broadcast_in_dim3A_1307 = vector.broadcast %broadcast_in_dim3A_1306 : i32 to vector<16xi32>
          %gather3A = tpu.vector_load_idx %arg11[%iota3A, %broadcast_in_dim3A_1307] : memref<16x24xf32, #tpu.memory_space<vmem>>[vector<16xi32>, vector<16xi32>], vector<16xf32>,
          %add3A_1308 = arith.addf %broadcast_in_dim3A_1299, %gather3A : vector<16xf32>
          %broadcast_in_dim3A_1309 = arith.constant 1 : i32
          %broadcast_in_dim3A_1310 = vector.broadcast %broadcast_in_dim3A_1309 : i32 to vector<16xi32>
          %gather3A_1311 = tpu.vector_load_idx %arg11[%iota3A, %broadcast_in_dim3A_1310] : memref<16x24xf32, #tpu.memory_space<vmem>>[vector<16xi32>, vector<16xi32>], vector<16xf32>,
          %add3A_1312 = arith.addf %broadcast_in_dim3A_1301, %gather3A_1311 : vector<16xf32>
          %broadcast_in_dim3A_1313 = arith.constant 2 : i32
          %broadcast_in_dim3A_1314 = vector.broadcast %broadcast_in_dim3A_1313 : i32 to vector<16xi32>
          %gather3A_1315 = tpu.vector_load_idx %arg11[%iota3A, %broadcast_in_dim3A_1314] : memref<16x24xf32, #tpu.memory_space<vmem>>[vector<16xi32>, vector<16xi32>], vector<16xf32>,
          %add3A_1316 = arith.addf %broadcast_in_dim3A_1303, %gather3A_1315 : vector<16xf32>
          %broadcast_in_dim3A_1317 = arith.constant 3 : i32
          %broadcast_in_dim3A_1318 = vector.broadcast %broadcast_in_dim3A_1317 : i32 to vector<16xi32>
          %gather3A_1319 = tpu.vector_load_idx %arg11[%iota3A, %broadcast_in_dim3A_1318] : memref<16x24xf32, #tpu.memory_space<vmem>>[vector<16xi32>, vector<16xi32>], vector<16xf32>,
          %add3A_1320 = arith.addf %broadcast_in_dim3A_1305, %gather3A_1319 : vector<16xf32>
          %broadcast_in_dim3A_1321 = arith.constant 4 : i32
          %broadcast_in_dim3A_1322 = vector.broadcast %broadcast_in_dim3A_1321 : i32 to vector<16xi32>
          %gather3A_1323 = tpu.vector_load_idx %arg11[%iota3A, %broadcast_in_dim3A_1322] : memref<16x24xf32, #tpu.memory_space<vmem>>[vector<16xi32>, vector<16xi32>], vector<16xf32>,
          %add3A_1324 = arith.addf %add3A_1308, %gather3A_1323 : vector<16xf32>
          %broadcast_in_dim3A_1325 = arith.constant 5 : i32
          %broadcast_in_dim3A_1326 = vector.broadcast %broadcast_in_dim3A_1325 : i32 to vector<16xi32>
          %gather3A_1327 = tpu.vector_load_idx %arg11[%iota3A, %broadcast_in_dim3A_1326] : memref<16x24xf32, #tpu.memory_space<vmem>>[vector<16xi32>, vector<16xi32>], vector<16xf32>,
          %add3A_1328 = arith.addf %add3A_1312, %gather3A_1327 : vector<16xf32>
          %broadcast_in_dim3A_1329 = arith.constant 6 : i32
          %broadcast_in_dim3A_1330 = vector.broadcast %broadcast_in_dim3A_1329 : i32 to vector<16xi32>
          %gather3A_1331 = tpu.vector_load_idx %arg11[%iota3A, %broadcast_in_dim3A_1330] : memref<16x24xf32, #tpu.memory_space<vmem>>[vector<16xi32>, vector<16xi32>], vector<16xf32>,
          %add3A_1332 = arith.addf %add3A_1316, %gather3A_1331 : vector<16xf32>
          %broadcast_in_dim3A_1333 = arith.constant 7 : i32
          %broadcast_in_dim3A_1334 = vector.broadcast %broadcast_in_dim3A_1333 : i32 to vector<16xi32>
          %gather3A_1335 = tpu.vector_load_idx %arg11[%iota3A, %broadcast_in_dim3A_1334] : memref<16x24xf32, #tpu.memory_space<vmem>>[vector<16xi32>, vector<16xi32>], vector<16xf32>,
          %add3A_1336 = arith.addf %add3A_1320, %gather3A_1335 : vector<16xf32>
          %broadcast_in_dim3A_1337 = arith.constant 8 : i32
          %broadcast_in_dim3A_1338 = vector.broadcast %broadcast_in_dim3A_1337 : i32 to vector<16xi32>
          %gather3A_1339 = tpu.vector_load_idx %arg11[%iota3A, %broadcast_in_dim3A_1338] : memref<16x24xf32, #tpu.memory_space<vmem>>[vector<16xi32>, vector<16xi32>], vector<16xf32>,
          %add3A_1340 = arith.addf %add3A_1324, %gather3A_1339 : vector<16xf32>
          %broadcast_in_dim3A_1341 = arith.constant 9 : i32
          %broadcast_in_dim3A_1342 = vector.broadcast %broadcast_in_dim3A_1341 : i32 to vector<16xi32>
          %gather3A_1343 = tpu.vector_load_idx %arg11[%iota3A, %broadcast_in_dim3A_1342] : memref<16x24xf32, #tpu.memory_space<vmem>>[vector<16xi32>, vector<16xi32>], vector<16xf32>,
          %add3A_1344 = arith.addf %add3A_1328, %gather3A_1343 : vector<16xf32>
          %broadcast_in_dim3A_1345 = arith.constant 10 : i32
          %broadcast_in_dim3A_1346 = vector.broadcast %broadcast_in_dim3A_1345 : i32 to vector<16xi32>
          %gather3A_1347 = tpu.vector_load_idx %arg11[%iota3A, %broadcast_in_dim3A_1346] : memref<16x24xf32, #tpu.memory_space<vmem>>[vector<16xi32>, vector<16xi32>], vector<16xf32>,
          %add3A_1348 = arith.addf %add3A_1332, %gather3A_1347 : vector<16xf32>
          %broadcast_in_dim3A_1349 = arith.constant 11 : i32
          %broadcast_in_dim3A_1350 = vector.broadcast %broadcast_in_dim3A_1349 : i32 to vector<16xi32>
          %gather3A_1351 = tpu.vector_load_idx %arg11[%iota3A, %broadcast_in_dim3A_1350] : memref<16x24xf32, #tpu.memory_space<vmem>>[vector<16xi32>, vector<16xi32>], vector<16xf32>,
          %add3A_1352 = arith.addf %add3A_1336, %gather3A_1351 : vector<16xf32>
          %broadcast_in_dim3A_1353 = arith.constant 12 : i32
          %broadcast_in_dim3A_1354 = vector.broadcast %broadcast_in_dim3A_1353 : i32 to vector<16xi32>
          %gather3A_1355 = tpu.vector_load_idx %arg11[%iota3A, %broadcast_in_dim3A_1354] : memref<16x24xf32, #tpu.memory_space<vmem>>[vector<16xi32>, vector<16xi32>], vector<16xf32>,
          %add3A_1356 = arith.addf %add3A_1340, %gather3A_1355 : vector<16xf32>
          %broadcast_in_dim3A_1357 = arith.constant 13 : i32
          %broadcast_in_dim3A_1358 = vector.broadcast %broadcast_in_dim3A_1357 : i32 to vector<16xi32>
          %gather3A_1359 = tpu.vector_load_idx %arg11[%iota3A, %broadcast_in_dim3A_1358] : memref<16x24xf32, #tpu.memory_space<vmem>>[vector<16xi32>, vector<16xi32>], vector<16xf32>,
          %add3A_1360 = arith.addf %add3A_1344, %gather3A_1359 : vector<16xf32>
          %broadcast_in_dim3A_1361 = arith.constant 14 : i32
          %broadcast_in_dim3A_1362 = vector.broadcast %broadcast_in_dim3A_1361 : i32 to vector<16xi32>
          %gather3A_1363 = tpu.vector_load_idx %arg11[%iota3A, %broadcast_in_dim3A_1362] : memref<16x24xf32, #tpu.memory_space<vmem>>[vector<16xi32>, vector<16xi32>], vector<16xf32>,
          %add3A_1364 = arith.addf %add3A_1348, %gather3A_1363 : vector<16xf32>
          %broadcast_in_dim3A_1365 = arith.constant 15 : i32
          %broadcast_in_dim3A_1366 = vector.broadcast %broadcast_in_dim3A_1365 : i32 to vector<16xi32>
          %gather3A_1367 = tpu.vector_load_idx %arg11[%iota3A, %broadcast_in_dim3A_1366] : memref<16x24xf32, #tpu.memory_space<vmem>>[vector<16xi32>, vector<16xi32>], vector<16xf32>,
          %add3A_1368 = arith.addf %add3A_1352, %gather3A_1367 : vector<16xf32>
          %add3A_1369 = arith.addf %add3A_1356, %add3A_1360 : vector<16xf32>
          %add3A_1370 = arith.addf %add3A_1364, %add3A_1368 : vector<16xf32>
          %add3A_1371 = arith.addf %add3A_1369, %add3A_1370 : vector<16xf32>
          %mul3A_1372 = arith.constant 16 : i32
          %mul3A_1373 = arith.muli %scan3A_133, %mul3A_1372 : i32
          %swap3A_1374 = arith.index_cast %mul3A_1373 : i32 to index
          %swap3A_1375 = tpu.vector_load %arg9[%swap3A_1374] {strides = array<i32>} : memref<64xf32, #tpu.memory_space<vmem>>, vector<16xf32>,
          tpu.vector_store %arg9[%swap3A_1374], %add3A_1371 {strides = array<i32>} : memref<64xf32, #tpu.memory_space<vmem>>, vector<16xf32>,
        }
        %scan3A_125 = arith.constant 4 : i32
        %mul3A_126 = arith.constant 32 : i32
        %mul3A_127 = arith.muli %add3A_87, %mul3A_126 : i32
        %add3A_128 = arith.addi %add3A, %mul3A_127 : i32
        %mul3A_129 = arith.constant 64 : i32
        %mul3A_130 = arith.muli %add3A_128, %mul3A_129 : i32
        %dma_start3A_131 = tpu.memref_slice %arg4[%mul3A_130] : memref<320000xf32, #tpu.memory_space<hbm>> -> memref<64xf32, #tpu.memory_space<hbm>>
        %dma_start3A_132 = tpu.memref_slice %arg4[%mul3A_130] : memref<320000xf32, #tpu.memory_space<hbm>> -> memref<64xf32, #tpu.memory_space<hbm>>
        tpu.enqueue_dma source(%arg9 : memref<64xf32, #tpu.memory_space<vmem>>) target(%dma_start3A_132 : memref<64xf32, #tpu.memory_space<hbm>>) target_semaphore(%arg17 : memref<!tpu.dma_semaphore, #tpu.memory_space<semaphore_mem>>)
      } else {
      }
      %mul3A_91 = arith.constant 2 : i32
      %mul3A_92 = arith.muli %mul3A_91, %while3A_83 : i32
      %add3A_93 = arith.constant 1 : i32
      %add3A_94 = arith.addi %mul3A_92, %add3A_93 : i32
      %lt3A_95 = arith.cmpi slt, %add3A_94, %select_n3A : i32
      %convert_element_type3A_96 = arith.extui %lt3A_95 : i1 to i32
      %cond3A_97 = arith.constant 0 : i32
      %cond3A_98 = arith.cmpi ne, %convert_element_type3A_96, %cond3A_97 : i32
      scf.if %cond3A_98 {
        %add3A_99 = arith.constant 1 : i32
        %add3A_100 = arith.addi %add3A_94, %add3A_99 : i32
        %lt3A_101 = arith.cmpi slt, %add3A_100, %select_n3A : i32
        %convert_element_type3A_102 = arith.extui %lt3A_101 : i1 to i32
        %cond3A_103 = arith.constant 0 : i32
        %cond3A_104 = arith.cmpi ne, %convert_element_type3A_102, %cond3A_103 : i32
        scf.if %cond3A_104 {
          %dma_wait3A_133 = arith.constant 0 : i32
          %dma_wait3A_134 = arith.constant 0 : i32
          %dma_wait3A_135 = tpu.memref_slice %arg3[%dma_wait3A_133, %dma_wait3A_134] : memref<5000x128xi32, #tpu.memory_space<hbm>> -> memref<1x128xi32, #tpu.memory_space<hbm>>
          %dma_wait3A_136 = arith.constant 0 : i32
          %dma_wait3A_137 = arith.constant 0 : i32
          %dma_wait3A_138 = tpu.memref_slice %arg3[%dma_wait3A_136, %dma_wait3A_137] : memref<5000x128xi32, #tpu.memory_space<hbm>> -> memref<1x128xi32, #tpu.memory_space<hbm>>
          tpu.wait_dma2 semaphore(%arg13 : memref<!tpu.dma_semaphore, #tpu.memory_space<semaphore_mem>>) src(%dma_wait3A_138 : memref<1x128xi32, #tpu.memory_space<hbm>>) dst(%arg5 : memref<1x128xi32, #tpu.memory_space<vmem>>)
          %dma_start3A_139 = arith.constant 0 : i32
          %dma_start3A_140 = arith.constant 0 : i32
          %dma_start3A_141 = tpu.memref_slice %arg5[%dma_start3A_139, %dma_start3A_140] : memref<1x128xi32, #tpu.memory_space<vmem>> -> memref<1x128xi32, #tpu.memory_space<vmem>>
          %dma_start3A_142 = tpu.memref_squeeze %dma_start3A_141 : memref<1x128xi32, #tpu.memory_space<vmem>> -> memref<128xi32, #tpu.memory_space<vmem>>
          %dma_start3A_143 = arith.constant 0 : i32
          %dma_start3A_144 = arith.constant 0 : i32
          %dma_start3A_145 = tpu.memref_slice %arg12[%dma_start3A_143, %dma_start3A_144] : memref<10000x128xi32, #tpu.memory_space<vmem_shared>> -> memref<10000x128xi32, #tpu.memory_space<vmem_shared>>
          tpu.enqueue_indirect_dma source(%dma_start3A_145 : memref<10000x128xi32, #tpu.memory_space<vmem_shared>>) target(%arg7 : memref<128x128xi32, #tpu.memory_space<vmem>>) offsets(%dma_start3A_142 : memref<128xi32, #tpu.memory_space<vmem>>) semaphore(%arg15 : memref<!tpu.dma_semaphore, #tpu.memory_space<semaphore_mem>>)
        } else {
        }
        %dma_wait3A_105 = arith.constant 0 : i32
        %dma_wait3A_106 = arith.constant 0 : i32
        %dma_wait3A_107 = tpu.memref_slice %arg6[%dma_wait3A_105, %dma_wait3A_106] : memref<1x128xi32, #tpu.memory_space<vmem>> -> memref<1x128xi32, #tpu.memory_space<vmem>>
        %dma_wait3A_108 = tpu.memref_squeeze %dma_wait3A_107 : memref<1x128xi32, #tpu.memory_space<vmem>> -> memref<128xi32, #tpu.memory_space<vmem>>
        %dma_wait3A_109 = arith.constant 0 : i32
        %dma_wait3A_110 = arith.constant 0 : i32
        %dma_wait3A_111 = tpu.memref_slice %arg2[%dma_wait3A_109, %dma_wait3A_110] : memref<10000x128xi32, #tpu.memory_space<hbm>> -> memref<10000x128xi32, #tpu.memory_space<hbm>>
        tpu.wait_indirect_dma semaphore(%arg16 : memref<!tpu.dma_semaphore, #tpu.memory_space<semaphore_mem>>) src(%dma_wait3A_111 : memref<10000x128xi32, #tpu.memory_space<hbm>>) dst(%arg8 : memref<128x128xi32, #tpu.memory_space<vmem>>)
        %add3A_112 = arith.constant 2 : i32
        %add3A_113 = arith.addi %add3A_94, %add3A_112 : i32
        %lt3A_114 = arith.cmpi slt, %add3A_113, %select_n3A : i32
        %convert_element_type3A_115 = arith.extui %lt3A_114 : i1 to i32
        %cond3A_116 = arith.constant 0 : i32
        %cond3A_117 = arith.cmpi ne, %convert_element_type3A_115, %cond3A_116 : i32
        scf.if %cond3A_117 {
          %add3A_133 = arith.constant 2 : i32
          %add3A_134 = arith.addi %add3A_94, %add3A_133 : i32
          %mul3A_135 = arith.constant 32 : i32
          %mul3A_136 = arith.muli %add3A_134, %mul3A_135 : i32
          %add3A_137 = arith.addi %add3A, %mul3A_136 : i32
          %dma_start3A_138 = arith.constant 0 : i32
          %dma_start3A_139 = tpu.memref_slice %arg3[%add3A_137, %dma_start3A_138] : memref<5000x128xi32, #tpu.memory_space<hbm>> -> memref<1x128xi32, #tpu.memory_space<hbm>>
          %dma_start3A_140 = arith.constant 0 : i32
          %dma_start3A_141 = tpu.memref_slice %arg3[%add3A_137, %dma_start3A_140] : memref<5000x128xi32, #tpu.memory_space<hbm>> -> memref<1x128xi32, #tpu.memory_space<hbm>>
          tpu.enqueue_dma source(%dma_start3A_141 : memref<1x128xi32, #tpu.memory_space<hbm>>) target(%arg6 : memref<1x128xi32, #tpu.memory_space<vmem>>) target_semaphore(%arg14 : memref<!tpu.dma_semaphore, #tpu.memory_space<semaphore_mem>>)
        } else {
        }
        %ge3A = arith.constant 2 : i32
        %ge3A_118 = arith.cmpi sge, %add3A_94, %ge3A : i32
        %convert_element_type3A_119 = arith.extui %ge3A_118 : i1 to i32
        %cond3A_120 = arith.constant 0 : i32
        %cond3A_121 = arith.cmpi ne, %convert_element_type3A_119, %cond3A_120 : i32
        scf.if %cond3A_121 {
          %dma_wait3A_133 = arith.constant 0 : i32
          %dma_wait3A_134 = tpu.memref_slice %arg4[%dma_wait3A_133] : memref<320000xf32, #tpu.memory_space<hbm>> -> memref<64xf32, #tpu.memory_space<hbm>>
          %dma_wait3A_135 = arith.constant 0 : i32
          %dma_wait3A_136 = tpu.memref_slice %arg4[%dma_wait3A_135] : memref<320000xf32, #tpu.memory_space<hbm>> -> memref<64xf32, #tpu.memory_space<hbm>>
          tpu.wait_dma2 semaphore(%arg18 : memref<!tpu.dma_semaphore, #tpu.memory_space<semaphore_mem>>) src(%arg10 : memref<64xf32, #tpu.memory_space<vmem>>) dst(%dma_wait3A_136 : memref<64xf32, #tpu.memory_space<hbm>>)
        } else {
        }
        %scan3A = arith.constant 0 : i32
        %scan3A_122 = arith.constant 4 : i32
        %scan3A_123 = arith.addi %scan3A, %scan3A_122 : i32
        %scan3A_124 = arith.constant 1 : i32
        scf.for %scan3A_133 = %scan3A to %scan3A_123 step %scan3A_124  : i32 {
          %mul3A_134 = arith.constant 16 : i32
          %mul3A_135 = arith.muli %scan3A_133, %mul3A_134 : i32
          %add3A_136 = arith.constant 0 : i32
          %add3A_137 = arith.addi %mul3A_135, %add3A_136 : i32
          %broadcast_in_dim3A_138 = arith.constant 0.000000e+00 : f32
          %broadcast_in_dim3A_139 = vector.broadcast %broadcast_in_dim3A_138 : f32 to vector<16xf32>
          %broadcast_in_dim3A_140 = arith.constant 0.000000e+00 : f32
          %broadcast_in_dim3A_141 = vector.broadcast %broadcast_in_dim3A_140 : f32 to vector<16xf32>
          %get3A = arith.index_cast %add3A_137 : i32 to index
          %get3A_142 = arith.constant 0 : index
          %get3A_143 = tpu.vector_load %arg8[%get3A, %get3A_142] {strides = array<i32>} : memref<128x128xi32, #tpu.memory_space<vmem>>, vector<16xi32>,
          %bitcast3A = vector.bitcast %get3A_143 : vector<16xi32> to vector<32xbf16>
          %add3A_144 = arith.constant 64 : i32
          %add3A_145 = arith.addi %add3A_144, %add3A_137 : i32
          %get3A_146 = arith.index_cast %add3A_145 : i32 to index
          %get3A_147 = arith.constant 0 : index
          %get3A_148 = tpu.vector_load %arg8[%get3A_146, %get3A_147] {strides = array<i32>} : memref<128x128xi32, #tpu.memory_space<vmem>>, vector<16xi32>,
          %bitcast3A_149 = vector.bitcast %get3A_148 : vector<16xi32> to vector<32xbf16>
          %mul3A_150 = arith.mulf %bitcast3A, %bitcast3A_149 : vector<32xbf16>
          %unpack3A = tpu.unpack_subelements %mul3A_150, 0 {pack_format = #tpu.pack_format<interleaved>} : vector<32xbf16> -> vector<16xf32>
          %unpack3A_151 = tpu.unpack_subelements %mul3A_150, 1 {pack_format = #tpu.pack_format<interleaved>} : vector<32xbf16> -> vector<16xf32>
          %add3A_152 = arith.addf %broadcast_in_dim3A_139, %unpack3A : vector<16xf32>
          %add3A_153 = arith.addf %broadcast_in_dim3A_141, %unpack3A_151 : vector<16xf32>
          %get3A_154 = arith.index_cast %add3A_137 : i32 to index
          %get3A_155 = arith.constant 16 : index
          %get3A_156 = tpu.vector_load %arg8[%get3A_154, %get3A_155] {strides = array<i32>} : memref<128x128xi32, #tpu.memory_space<vmem>>, vector<16xi32>,
          %bitcast3A_157 = vector.bitcast %get3A_156 : vector<16xi32> to vector<32xbf16>
          %add3A_158 = arith.constant 64 : i32
          %add3A_159 = arith.addi %add3A_158, %add3A_137 : i32
          %get3A_160 = arith.index_cast %add3A_159 : i32 to index
          %get3A_161 = arith.constant 16 : index
          %get3A_162 = tpu.vector_load %arg8[%get3A_160, %get3A_161] {strides = array<i32>} : memref<128x128xi32, #tpu.memory_space<vmem>>, vector<16xi32>,
          %bitcast3A_163 = vector.bitcast %get3A_162 : vector<16xi32> to vector<32xbf16>
          %mul3A_164 = arith.mulf %bitcast3A_157, %bitcast3A_163 : vector<32xbf16>
          %unpack3A_165 = tpu.unpack_subelements %mul3A_164, 0 {pack_format = #tpu.pack_format<interleaved>} : vector<32xbf16> -> vector<16xf32>
          %unpack3A_166 = tpu.unpack_subelements %mul3A_164, 1 {pack_format = #tpu.pack_format<interleaved>} : vector<32xbf16> -> vector<16xf32>
          %add3A_167 = arith.addf %add3A_152, %unpack3A_165 : vector<16xf32>
          %add3A_168 = arith.addf %add3A_153, %unpack3A_166 : vector<16xf32>
          %get3A_169 = arith.index_cast %add3A_137 : i32 to index
          %get3A_170 = arith.constant 32 : index
          %get3A_171 = tpu.vector_load %arg8[%get3A_169, %get3A_170] {strides = array<i32>} : memref<128x128xi32, #tpu.memory_space<vmem>>, vector<16xi32>,
          %bitcast3A_172 = vector.bitcast %get3A_171 : vector<16xi32> to vector<32xbf16>
          %add3A_173 = arith.constant 64 : i32
          %add3A_174 = arith.addi %add3A_173, %add3A_137 : i32
          %get3A_175 = arith.index_cast %add3A_174 : i32 to index
          %get3A_176 = arith.constant 32 : index
          %get3A_177 = tpu.vector_load %arg8[%get3A_175, %get3A_176] {strides = array<i32>} : memref<128x128xi32, #tpu.memory_space<vmem>>, vector<16xi32>,
          %bitcast3A_178 = vector.bitcast %get3A_177 : vector<16xi32> to vector<32xbf16>
          %mul3A_179 = arith.mulf %bitcast3A_172, %bitcast3A_178 : vector<32xbf16>
          %unpack3A_180 = tpu.unpack_subelements %mul3A_179, 0 {pack_format = #tpu.pack_format<interleaved>} : vector<32xbf16> -> vector<16xf32>
          %unpack3A_181 = tpu.unpack_subelements %mul3A_179, 1 {pack_format = #tpu.pack_format<interleaved>} : vector<32xbf16> -> vector<16xf32>
          %add3A_182 = arith.addf %add3A_167, %unpack3A_180 : vector<16xf32>
          %add3A_183 = arith.addf %add3A_168, %unpack3A_181 : vector<16xf32>
          %get3A_184 = arith.index_cast %add3A_137 : i32 to index
          %get3A_185 = arith.constant 48 : index
          %get3A_186 = tpu.vector_load %arg8[%get3A_184, %get3A_185] {strides = array<i32>} : memref<128x128xi32, #tpu.memory_space<vmem>>, vector<16xi32>,
          %bitcast3A_187 = vector.bitcast %get3A_186 : vector<16xi32> to vector<32xbf16>
          %add3A_188 = arith.constant 64 : i32
          %add3A_189 = arith.addi %add3A_188, %add3A_137 : i32
          %get3A_190 = arith.index_cast %add3A_189 : i32 to index
          %get3A_191 = arith.constant 48 : index
          %get3A_192 = tpu.vector_load %arg8[%get3A_190, %get3A_191] {strides = array<i32>} : memref<128x128xi32, #tpu.memory_space<vmem>>, vector<16xi32>,
          %bitcast3A_193 = vector.bitcast %get3A_192 : vector<16xi32> to vector<32xbf16>
          %mul3A_194 = arith.mulf %bitcast3A_187, %bitcast3A_193 : vector<32xbf16>
          %unpack3A_195 = tpu.unpack_subelements %mul3A_194, 0 {pack_format = #tpu.pack_format<interleaved>} : vector<32xbf16> -> vector<16xf32>
          %unpack3A_196 = tpu.unpack_subelements %mul3A_194, 1 {pack_format = #tpu.pack_format<interleaved>} : vector<32xbf16> -> vector<16xf32>
          %add3A_197 = arith.addf %add3A_182, %unpack3A_195 : vector<16xf32>
          %add3A_198 = arith.addf %add3A_183, %unpack3A_196 : vector<16xf32>
          %add3A_199 = arith.addf %add3A_197, %add3A_198 : vector<16xf32>
          %swap3A = arith.constant 0 : i32
          %swap3A_200 = arith.index_cast %swap3A : i32 to index
          %swap3A_201 = arith.constant 0 : index
          %swap3A_202 = tpu.vector_load %arg11[%swap3A_200, %swap3A_201] {strides = array<i32>} : memref<16x24xf32, #tpu.memory_space<vmem>>, vector<16xf32>,
          tpu.vector_store %arg11[%swap3A_200, %swap3A_201], %add3A_199 {strides = array<i32>} : memref<16x24xf32, #tpu.memory_space<vmem>>, vector<16xf32>,
          %mul3A_203 = arith.constant 16 : i32
          %mul3A_204 = arith.muli %scan3A_133, %mul3A_203 : i32
          %add3A_205 = arith.constant 1 : i32
          %add3A_206 = arith.addi %mul3A_204, %add3A_205 : i32
          %broadcast_in_dim3A_207 = arith.constant 0.000000e+00 : f32
          %broadcast_in_dim3A_208 = vector.broadcast %broadcast_in_dim3A_207 : f32 to vector<16xf32>
          %broadcast_in_dim3A_209 = arith.constant 0.000000e+00 : f32
          %broadcast_in_dim3A_210 = vector.broadcast %broadcast_in_dim3A_209 : f32 to vector<16xf32>
          %get3A_211 = arith.index_cast %add3A_206 : i32 to index
          %get3A_212 = arith.constant 0 : index
          %get3A_213 = tpu.vector_load %arg8[%get3A_211, %get3A_212] {strides = array<i32>} : memref<128x128xi32, #tpu.memory_space<vmem>>, vector<16xi32>,
          %bitcast3A_214 = vector.bitcast %get3A_213 : vector<16xi32> to vector<32xbf16>
          %add3A_215 = arith.constant 64 : i32
          %add3A_216 = arith.addi %add3A_215, %add3A_206 : i32
          %get3A_217 = arith.index_cast %add3A_216 : i32 to index
          %get3A_218 = arith.constant 0 : index
          %get3A_219 = tpu.vector_load %arg8[%get3A_217, %get3A_218] {strides = array<i32>} : memref<128x128xi32, #tpu.memory_space<vmem>>, vector<16xi32>,
          %bitcast3A_220 = vector.bitcast %get3A_219 : vector<16xi32> to vector<32xbf16>
          %mul3A_221 = arith.mulf %bitcast3A_214, %bitcast3A_220 : vector<32xbf16>
          %unpack3A_222 = tpu.unpack_subelements %mul3A_221, 0 {pack_format = #tpu.pack_format<interleaved>} : vector<32xbf16> -> vector<16xf32>
          %unpack3A_223 = tpu.unpack_subelements %mul3A_221, 1 {pack_format = #tpu.pack_format<interleaved>} : vector<32xbf16> -> vector<16xf32>
          %add3A_224 = arith.addf %broadcast_in_dim3A_208, %unpack3A_222 : vector<16xf32>
          %add3A_225 = arith.addf %broadcast_in_dim3A_210, %unpack3A_223 : vector<16xf32>
          %get3A_226 = arith.index_cast %add3A_206 : i32 to index
          %get3A_227 = arith.constant 16 : index
          %get3A_228 = tpu.vector_load %arg8[%get3A_226, %get3A_227] {strides = array<i32>} : memref<128x128xi32, #tpu.memory_space<vmem>>, vector<16xi32>,
          %bitcast3A_229 = vector.bitcast %get3A_228 : vector<16xi32> to vector<32xbf16>
          %add3A_230 = arith.constant 64 : i32
          %add3A_231 = arith.addi %add3A_230, %add3A_206 : i32
          %get3A_232 = arith.index_cast %add3A_231 : i32 to index
          %get3A_233 = arith.constant 16 : index
          %get3A_234 = tpu.vector_load %arg8[%get3A_232, %get3A_233] {strides = array<i32>} : memref<128x128xi32, #tpu.memory_space<vmem>>, vector<16xi32>,
          %bitcast3A_235 = vector.bitcast %get3A_234 : vector<16xi32> to vector<32xbf16>
          %mul3A_236 = arith.mulf %bitcast3A_229, %bitcast3A_235 : vector<32xbf16>
          %unpack3A_237 = tpu.unpack_subelements %mul3A_236, 0 {pack_format = #tpu.pack_format<interleaved>} : vector<32xbf16> -> vector<16xf32>
          %unpack3A_238 = tpu.unpack_subelements %mul3A_236, 1 {pack_format = #tpu.pack_format<interleaved>} : vector<32xbf16> -> vector<16xf32>
          %add3A_239 = arith.addf %add3A_224, %unpack3A_237 : vector<16xf32>
          %add3A_240 = arith.addf %add3A_225, %unpack3A_238 : vector<16xf32>
          %get3A_241 = arith.index_cast %add3A_206 : i32 to index
          %get3A_242 = arith.constant 32 : index
          %get3A_243 = tpu.vector_load %arg8[%get3A_241, %get3A_242] {strides = array<i32>} : memref<128x128xi32, #tpu.memory_space<vmem>>, vector<16xi32>,
          %bitcast3A_244 = vector.bitcast %get3A_243 : vector<16xi32> to vector<32xbf16>
          %add3A_245 = arith.constant 64 : i32
          %add3A_246 = arith.addi %add3A_245, %add3A_206 : i32
          %get3A_247 = arith.index_cast %add3A_246 : i32 to index
          %get3A_248 = arith.constant 32 : index
          %get3A_249 = tpu.vector_load %arg8[%get3A_247, %get3A_248] {strides = array<i32>} : memref<128x128xi32, #tpu.memory_space<vmem>>, vector<16xi32>,
          %bitcast3A_250 = vector.bitcast %get3A_249 : vector<16xi32> to vector<32xbf16>
          %mul3A_251 = arith.mulf %bitcast3A_244, %bitcast3A_250 : vector<32xbf16>
          %unpack3A_252 = tpu.unpack_subelements %mul3A_251, 0 {pack_format = #tpu.pack_format<interleaved>} : vector<32xbf16> -> vector<16xf32>
          %unpack3A_253 = tpu.unpack_subelements %mul3A_251, 1 {pack_format = #tpu.pack_format<interleaved>} : vector<32xbf16> -> vector<16xf32>
          %add3A_254 = arith.addf %add3A_239, %unpack3A_252 : vector<16xf32>
          %add3A_255 = arith.addf %add3A_240, %unpack3A_253 : vector<16xf32>
          %get3A_256 = arith.index_cast %add3A_206 : i32 to index
          %get3A_257 = arith.constant 48 : index
          %get3A_258 = tpu.vector_load %arg8[%get3A_256, %get3A_257] {strides = array<i32>} : memref<128x128xi32, #tpu.memory_space<vmem>>, vector<16xi32>,
          %bitcast3A_259 = vector.bitcast %get3A_258 : vector<16xi32> to vector<32xbf16>
          %add3A_260 = arith.constant 64 : i32
          %add3A_261 = arith.addi %add3A_260, %add3A_206 : i32
          %get3A_262 = arith.index_cast %add3A_261 : i32 to index
          %get3A_263 = arith.constant 48 : index
          %get3A_264 = tpu.vector_load %arg8[%get3A_262, %get3A_263] {strides = array<i32>} : memref<128x128xi32, #tpu.memory_space<vmem>>, vector<16xi32>,
          %bitcast3A_265 = vector.bitcast %get3A_264 : vector<16xi32> to vector<32xbf16>
          %mul3A_266 = arith.mulf %bitcast3A_259, %bitcast3A_265 : vector<32xbf16>
          %unpack3A_267 = tpu.unpack_subelements %mul3A_266, 0 {pack_format = #tpu.pack_format<interleaved>} : vector<32xbf16> -> vector<16xf32>
          %unpack3A_268 = tpu.unpack_subelements %mul3A_266, 1 {pack_format = #tpu.pack_format<interleaved>} : vector<32xbf16> -> vector<16xf32>
          %add3A_269 = arith.addf %add3A_254, %unpack3A_267 : vector<16xf32>
          %add3A_270 = arith.addf %add3A_255, %unpack3A_268 : vector<16xf32>
          %add3A_271 = arith.addf %add3A_269, %add3A_270 : vector<16xf32>
          %swap3A_272 = arith.constant 1 : i32
          %swap3A_273 = arith.index_cast %swap3A_272 : i32 to index
          %swap3A_274 = arith.constant 0 : index
          %swap3A_275 = tpu.vector_load %arg11[%swap3A_273, %swap3A_274] {strides = array<i32>} : memref<16x24xf32, #tpu.memory_space<vmem>>, vector<16xf32>,
          tpu.vector_store %arg11[%swap3A_273, %swap3A_274], %add3A_271 {strides = array<i32>} : memref<16x24xf32, #tpu.memory_space<vmem>>, vector<16xf32>,
          %mul3A_276 = arith.constant 16 : i32
          %mul3A_277 = arith.muli %scan3A_133, %mul3A_276 : i32
          %add3A_278 = arith.constant 2 : i32
          %add3A_279 = arith.addi %mul3A_277, %add3A_278 : i32
          %broadcast_in_dim3A_280 = arith.constant 0.000000e+00 : f32
          %broadcast_in_dim3A_281 = vector.broadcast %broadcast_in_dim3A_280 : f32 to vector<16xf32>
          %broadcast_in_dim3A_282 = arith.constant 0.000000e+00 : f32
          %broadcast_in_dim3A_283 = vector.broadcast %broadcast_in_dim3A_282 : f32 to vector<16xf32>
          %get3A_284 = arith.index_cast %add3A_279 : i32 to index
          %get3A_285 = arith.constant 0 : index
          %get3A_286 = tpu.vector_load %arg8[%get3A_284, %get3A_285] {strides = array<i32>} : memref<128x128xi32, #tpu.memory_space<vmem>>, vector<16xi32>,
          %bitcast3A_287 = vector.bitcast %get3A_286 : vector<16xi32> to vector<32xbf16>
          %add3A_288 = arith.constant 64 : i32
          %add3A_289 = arith.addi %add3A_288, %add3A_279 : i32
          %get3A_290 = arith.index_cast %add3A_289 : i32 to index
          %get3A_291 = arith.constant 0 : index
          %get3A_292 = tpu.vector_load %arg8[%get3A_290, %get3A_291] {strides = array<i32>} : memref<128x128xi32, #tpu.memory_space<vmem>>, vector<16xi32>,
          %bitcast3A_293 = vector.bitcast %get3A_292 : vector<16xi32> to vector<32xbf16>
          %mul3A_294 = arith.mulf %bitcast3A_287, %bitcast3A_293 : vector<32xbf16>
          %unpack3A_295 = tpu.unpack_subelements %mul3A_294, 0 {pack_format = #tpu.pack_format<interleaved>} : vector<32xbf16> -> vector<16xf32>
          %unpack3A_296 = tpu.unpack_subelements %mul3A_294, 1 {pack_format = #tpu.pack_format<interleaved>} : vector<32xbf16> -> vector<16xf32>
          %add3A_297 = arith.addf %broadcast_in_dim3A_281, %unpack3A_295 : vector<16xf32>
          %add3A_298 = arith.addf %broadcast_in_dim3A_283, %unpack3A_296 : vector<16xf32>
          %get3A_299 = arith.index_cast %add3A_279 : i32 to index
          %get3A_300 = arith.constant 16 : index
          %get3A_301 = tpu.vector_load %arg8[%get3A_299, %get3A_300] {strides = array<i32>} : memref<128x128xi32, #tpu.memory_space<vmem>>, vector<16xi32>,
          %bitcast3A_302 = vector.bitcast %get3A_301 : vector<16xi32> to vector<32xbf16>
          %add3A_303 = arith.constant 64 : i32
          %add3A_304 = arith.addi %add3A_303, %add3A_279 : i32
          %get3A_305 = arith.index_cast %add3A_304 : i32 to index
          %get3A_306 = arith.constant 16 : index
          %get3A_307 = tpu.vector_load %arg8[%get3A_305, %get3A_306] {strides = array<i32>} : memref<128x128xi32, #tpu.memory_space<vmem>>, vector<16xi32>,
          %bitcast3A_308 = vector.bitcast %get3A_307 : vector<16xi32> to vector<32xbf16>
          %mul3A_309 = arith.mulf %bitcast3A_302, %bitcast3A_308 : vector<32xbf16>
          %unpack3A_310 = tpu.unpack_subelements %mul3A_309, 0 {pack_format = #tpu.pack_format<interleaved>} : vector<32xbf16> -> vector<16xf32>
          %unpack3A_311 = tpu.unpack_subelements %mul3A_309, 1 {pack_format = #tpu.pack_format<interleaved>} : vector<32xbf16> -> vector<16xf32>
          %add3A_312 = arith.addf %add3A_297, %unpack3A_310 : vector<16xf32>
          %add3A_313 = arith.addf %add3A_298, %unpack3A_311 : vector<16xf32>
          %get3A_314 = arith.index_cast %add3A_279 : i32 to index
          %get3A_315 = arith.constant 32 : index
          %get3A_316 = tpu.vector_load %arg8[%get3A_314, %get3A_315] {strides = array<i32>} : memref<128x128xi32, #tpu.memory_space<vmem>>, vector<16xi32>,
          %bitcast3A_317 = vector.bitcast %get3A_316 : vector<16xi32> to vector<32xbf16>
          %add3A_318 = arith.constant 64 : i32
          %add3A_319 = arith.addi %add3A_318, %add3A_279 : i32
          %get3A_320 = arith.index_cast %add3A_319 : i32 to index
          %get3A_321 = arith.constant 32 : index
          %get3A_322 = tpu.vector_load %arg8[%get3A_320, %get3A_321] {strides = array<i32>} : memref<128x128xi32, #tpu.memory_space<vmem>>, vector<16xi32>,
          %bitcast3A_323 = vector.bitcast %get3A_322 : vector<16xi32> to vector<32xbf16>
          %mul3A_324 = arith.mulf %bitcast3A_317, %bitcast3A_323 : vector<32xbf16>
          %unpack3A_325 = tpu.unpack_subelements %mul3A_324, 0 {pack_format = #tpu.pack_format<interleaved>} : vector<32xbf16> -> vector<16xf32>
          %unpack3A_326 = tpu.unpack_subelements %mul3A_324, 1 {pack_format = #tpu.pack_format<interleaved>} : vector<32xbf16> -> vector<16xf32>
          %add3A_327 = arith.addf %add3A_312, %unpack3A_325 : vector<16xf32>
          %add3A_328 = arith.addf %add3A_313, %unpack3A_326 : vector<16xf32>
          %get3A_329 = arith.index_cast %add3A_279 : i32 to index
          %get3A_330 = arith.constant 48 : index
          %get3A_331 = tpu.vector_load %arg8[%get3A_329, %get3A_330] {strides = array<i32>} : memref<128x128xi32, #tpu.memory_space<vmem>>, vector<16xi32>,
          %bitcast3A_332 = vector.bitcast %get3A_331 : vector<16xi32> to vector<32xbf16>
          %add3A_333 = arith.constant 64 : i32
          %add3A_334 = arith.addi %add3A_333, %add3A_279 : i32
          %get3A_335 = arith.index_cast %add3A_334 : i32 to index
          %get3A_336 = arith.constant 48 : index
          %get3A_337 = tpu.vector_load %arg8[%get3A_335, %get3A_336] {strides = array<i32>} : memref<128x128xi32, #tpu.memory_space<vmem>>, vector<16xi32>,
          %bitcast3A_338 = vector.bitcast %get3A_337 : vector<16xi32> to vector<32xbf16>
          %mul3A_339 = arith.mulf %bitcast3A_332, %bitcast3A_338 : vector<32xbf16>
          %unpack3A_340 = tpu.unpack_subelements %mul3A_339, 0 {pack_format = #tpu.pack_format<interleaved>} : vector<32xbf16> -> vector<16xf32>
          %unpack3A_341 = tpu.unpack_subelements %mul3A_339, 1 {pack_format = #tpu.pack_format<interleaved>} : vector<32xbf16> -> vector<16xf32>
          %add3A_342 = arith.addf %add3A_327, %unpack3A_340 : vector<16xf32>
          %add3A_343 = arith.addf %add3A_328, %unpack3A_341 : vector<16xf32>
          %add3A_344 = arith.addf %add3A_342, %add3A_343 : vector<16xf32>
          %swap3A_345 = arith.constant 2 : i32
          %swap3A_346 = arith.index_cast %swap3A_345 : i32 to index
          %swap3A_347 = arith.constant 0 : index
          %swap3A_348 = tpu.vector_load %arg11[%swap3A_346, %swap3A_347] {strides = array<i32>} : memref<16x24xf32, #tpu.memory_space<vmem>>, vector<16xf32>,
          tpu.vector_store %arg11[%swap3A_346, %swap3A_347], %add3A_344 {strides = array<i32>} : memref<16x24xf32, #tpu.memory_space<vmem>>, vector<16xf32>,
          %mul3A_349 = arith.constant 16 : i32
          %mul3A_350 = arith.muli %scan3A_133, %mul3A_349 : i32
          %add3A_351 = arith.constant 3 : i32
          %add3A_352 = arith.addi %mul3A_350, %add3A_351 : i32
          %broadcast_in_dim3A_353 = arith.constant 0.000000e+00 : f32
          %broadcast_in_dim3A_354 = vector.broadcast %broadcast_in_dim3A_353 : f32 to vector<16xf32>
          %broadcast_in_dim3A_355 = arith.constant 0.000000e+00 : f32
          %broadcast_in_dim3A_356 = vector.broadcast %broadcast_in_dim3A_355 : f32 to vector<16xf32>
          %get3A_357 = arith.index_cast %add3A_352 : i32 to index
          %get3A_358 = arith.constant 0 : index
          %get3A_359 = tpu.vector_load %arg8[%get3A_357, %get3A_358] {strides = array<i32>} : memref<128x128xi32, #tpu.memory_space<vmem>>, vector<16xi32>,
          %bitcast3A_360 = vector.bitcast %get3A_359 : vector<16xi32> to vector<32xbf16>
          %add3A_361 = arith.constant 64 : i32
          %add3A_362 = arith.addi %add3A_361, %add3A_352 : i32
          %get3A_363 = arith.index_cast %add3A_362 : i32 to index
          %get3A_364 = arith.constant 0 : index
          %get3A_365 = tpu.vector_load %arg8[%get3A_363, %get3A_364] {strides = array<i32>} : memref<128x128xi32, #tpu.memory_space<vmem>>, vector<16xi32>,
          %bitcast3A_366 = vector.bitcast %get3A_365 : vector<16xi32> to vector<32xbf16>
          %mul3A_367 = arith.mulf %bitcast3A_360, %bitcast3A_366 : vector<32xbf16>
          %unpack3A_368 = tpu.unpack_subelements %mul3A_367, 0 {pack_format = #tpu.pack_format<interleaved>} : vector<32xbf16> -> vector<16xf32>
          %unpack3A_369 = tpu.unpack_subelements %mul3A_367, 1 {pack_format = #tpu.pack_format<interleaved>} : vector<32xbf16> -> vector<16xf32>
          %add3A_370 = arith.addf %broadcast_in_dim3A_354, %unpack3A_368 : vector<16xf32>
          %add3A_371 = arith.addf %broadcast_in_dim3A_356, %unpack3A_369 : vector<16xf32>
          %get3A_372 = arith.index_cast %add3A_352 : i32 to index
          %get3A_373 = arith.constant 16 : index
          %get3A_374 = tpu.vector_load %arg8[%get3A_372, %get3A_373] {strides = array<i32>} : memref<128x128xi32, #tpu.memory_space<vmem>>, vector<16xi32>,
          %bitcast3A_375 = vector.bitcast %get3A_374 : vector<16xi32> to vector<32xbf16>
          %add3A_376 = arith.constant 64 : i32
          %add3A_377 = arith.addi %add3A_376, %add3A_352 : i32
          %get3A_378 = arith.index_cast %add3A_377 : i32 to index
          %get3A_379 = arith.constant 16 : index
          %get3A_380 = tpu.vector_load %arg8[%get3A_378, %get3A_379] {strides = array<i32>} : memref<128x128xi32, #tpu.memory_space<vmem>>, vector<16xi32>,
          %bitcast3A_381 = vector.bitcast %get3A_380 : vector<16xi32> to vector<32xbf16>
          %mul3A_382 = arith.mulf %bitcast3A_375, %bitcast3A_381 : vector<32xbf16>
          %unpack3A_383 = tpu.unpack_subelements %mul3A_382, 0 {pack_format = #tpu.pack_format<interleaved>} : vector<32xbf16> -> vector<16xf32>
          %unpack3A_384 = tpu.unpack_subelements %mul3A_382, 1 {pack_format = #tpu.pack_format<interleaved>} : vector<32xbf16> -> vector<16xf32>
          %add3A_385 = arith.addf %add3A_370, %unpack3A_383 : vector<16xf32>
          %add3A_386 = arith.addf %add3A_371, %unpack3A_384 : vector<16xf32>
          %get3A_387 = arith.index_cast %add3A_352 : i32 to index
          %get3A_388 = arith.constant 32 : index
          %get3A_389 = tpu.vector_load %arg8[%get3A_387, %get3A_388] {strides = array<i32>} : memref<128x128xi32, #tpu.memory_space<vmem>>, vector<16xi32>,
          %bitcast3A_390 = vector.bitcast %get3A_389 : vector<16xi32> to vector<32xbf16>
          %add3A_391 = arith.constant 64 : i32
          %add3A_392 = arith.addi %add3A_391, %add3A_352 : i32
          %get3A_393 = arith.index_cast %add3A_392 : i32 to index
          %get3A_394 = arith.constant 32 : index
          %get3A_395 = tpu.vector_load %arg8[%get3A_393, %get3A_394] {strides = array<i32>} : memref<128x128xi32, #tpu.memory_space<vmem>>, vector<16xi32>,
          %bitcast3A_396 = vector.bitcast %get3A_395 : vector<16xi32> to vector<32xbf16>
          %mul3A_397 = arith.mulf %bitcast3A_390, %bitcast3A_396 : vector<32xbf16>
          %unpack3A_398 = tpu.unpack_subelements %mul3A_397, 0 {pack_format = #tpu.pack_format<interleaved>} : vector<32xbf16> -> vector<16xf32>
          %unpack3A_399 = tpu.unpack_subelements %mul3A_397, 1 {pack_format = #tpu.pack_format<interleaved>} : vector<32xbf16> -> vector<16xf32>
          %add3A_400 = arith.addf %add3A_385, %unpack3A_398 : vector<16xf32>
          %add3A_401 = arith.addf %add3A_386, %unpack3A_399 : vector<16xf32>
          %get3A_402 = arith.index_cast %add3A_352 : i32 to index
          %get3A_403 = arith.constant 48 : index
          %get3A_404 = tpu.vector_load %arg8[%get3A_402, %get3A_403] {strides = array<i32>} : memref<128x128xi32, #tpu.memory_space<vmem>>, vector<16xi32>,
          %bitcast3A_405 = vector.bitcast %get3A_404 : vector<16xi32> to vector<32xbf16>
          %add3A_406 = arith.constant 64 : i32
          %add3A_407 = arith.addi %add3A_406, %add3A_352 : i32
          %get3A_408 = arith.index_cast %add3A_407 : i32 to index
          %get3A_409 = arith.constant 48 : index
          %get3A_410 = tpu.vector_load %arg8[%get3A_408, %get3A_409] {strides = array<i32>} : memref<128x128xi32, #tpu.memory_space<vmem>>, vector<16xi32>,
          %bitcast3A_411 = vector.bitcast %get3A_410 : vector<16xi32> to vector<32xbf16>
          %mul3A_412 = arith.mulf %bitcast3A_405, %bitcast3A_411 : vector<32xbf16>
          %unpack3A_413 = tpu.unpack_subelements %mul3A_412, 0 {pack_format = #tpu.pack_format<interleaved>} : vector<32xbf16> -> vector<16xf32>
          %unpack3A_414 = tpu.unpack_subelements %mul3A_412, 1 {pack_format = #tpu.pack_format<interleaved>} : vector<32xbf16> -> vector<16xf32>
          %add3A_415 = arith.addf %add3A_400, %unpack3A_413 : vector<16xf32>
          %add3A_416 = arith.addf %add3A_401, %unpack3A_414 : vector<16xf32>
          %add3A_417 = arith.addf %add3A_415, %add3A_416 : vector<16xf32>
          %swap3A_418 = arith.constant 3 : i32
          %swap3A_419 = arith.index_cast %swap3A_418 : i32 to index
          %swap3A_420 = arith.constant 0 : index
          %swap3A_421 = tpu.vector_load %arg11[%swap3A_419, %swap3A_420] {strides = array<i32>} : memref<16x24xf32, #tpu.memory_space<vmem>>, vector<16xf32>,
          tpu.vector_store %arg11[%swap3A_419, %swap3A_420], %add3A_417 {strides = array<i32>} : memref<16x24xf32, #tpu.memory_space<vmem>>, vector<16xf32>,
          %mul3A_422 = arith.constant 16 : i32
          %mul3A_423 = arith.muli %scan3A_133, %mul3A_422 : i32
          %add3A_424 = arith.constant 4 : i32
          %add3A_425 = arith.addi %mul3A_423, %add3A_424 : i32
          %broadcast_in_dim3A_426 = arith.constant 0.000000e+00 : f32
          %broadcast_in_dim3A_427 = vector.broadcast %broadcast_in_dim3A_426 : f32 to vector<16xf32>
          %broadcast_in_dim3A_428 = arith.constant 0.000000e+00 : f32
          %broadcast_in_dim3A_429 = vector.broadcast %broadcast_in_dim3A_428 : f32 to vector<16xf32>
          %get3A_430 = arith.index_cast %add3A_425 : i32 to index
          %get3A_431 = arith.constant 0 : index
          %get3A_432 = tpu.vector_load %arg8[%get3A_430, %get3A_431] {strides = array<i32>} : memref<128x128xi32, #tpu.memory_space<vmem>>, vector<16xi32>,
          %bitcast3A_433 = vector.bitcast %get3A_432 : vector<16xi32> to vector<32xbf16>
          %add3A_434 = arith.constant 64 : i32
          %add3A_435 = arith.addi %add3A_434, %add3A_425 : i32
          %get3A_436 = arith.index_cast %add3A_435 : i32 to index
          %get3A_437 = arith.constant 0 : index
          %get3A_438 = tpu.vector_load %arg8[%get3A_436, %get3A_437] {strides = array<i32>} : memref<128x128xi32, #tpu.memory_space<vmem>>, vector<16xi32>,
          %bitcast3A_439 = vector.bitcast %get3A_438 : vector<16xi32> to vector<32xbf16>
          %mul3A_440 = arith.mulf %bitcast3A_433, %bitcast3A_439 : vector<32xbf16>
          %unpack3A_441 = tpu.unpack_subelements %mul3A_440, 0 {pack_format = #tpu.pack_format<interleaved>} : vector<32xbf16> -> vector<16xf32>
          %unpack3A_442 = tpu.unpack_subelements %mul3A_440, 1 {pack_format = #tpu.pack_format<interleaved>} : vector<32xbf16> -> vector<16xf32>
          %add3A_443 = arith.addf %broadcast_in_dim3A_427, %unpack3A_441 : vector<16xf32>
          %add3A_444 = arith.addf %broadcast_in_dim3A_429, %unpack3A_442 : vector<16xf32>
          %get3A_445 = arith.index_cast %add3A_425 : i32 to index
          %get3A_446 = arith.constant 16 : index
          %get3A_447 = tpu.vector_load %arg8[%get3A_445, %get3A_446] {strides = array<i32>} : memref<128x128xi32, #tpu.memory_space<vmem>>, vector<16xi32>,
          %bitcast3A_448 = vector.bitcast %get3A_447 : vector<16xi32> to vector<32xbf16>
          %add3A_449 = arith.constant 64 : i32
          %add3A_450 = arith.addi %add3A_449, %add3A_425 : i32
          %get3A_451 = arith.index_cast %add3A_450 : i32 to index
          %get3A_452 = arith.constant 16 : index
          %get3A_453 = tpu.vector_load %arg8[%get3A_451, %get3A_452] {strides = array<i32>} : memref<128x128xi32, #tpu.memory_space<vmem>>, vector<16xi32>,
          %bitcast3A_454 = vector.bitcast %get3A_453 : vector<16xi32> to vector<32xbf16>
          %mul3A_455 = arith.mulf %bitcast3A_448, %bitcast3A_454 : vector<32xbf16>
          %unpack3A_456 = tpu.unpack_subelements %mul3A_455, 0 {pack_format = #tpu.pack_format<interleaved>} : vector<32xbf16> -> vector<16xf32>
          %unpack3A_457 = tpu.unpack_subelements %mul3A_455, 1 {pack_format = #tpu.pack_format<interleaved>} : vector<32xbf16> -> vector<16xf32>
          %add3A_458 = arith.addf %add3A_443, %unpack3A_456 : vector<16xf32>
          %add3A_459 = arith.addf %add3A_444, %unpack3A_457 : vector<16xf32>
          %get3A_460 = arith.index_cast %add3A_425 : i32 to index
          %get3A_461 = arith.constant 32 : index
          %get3A_462 = tpu.vector_load %arg8[%get3A_460, %get3A_461] {strides = array<i32>} : memref<128x128xi32, #tpu.memory_space<vmem>>, vector<16xi32>,
          %bitcast3A_463 = vector.bitcast %get3A_462 : vector<16xi32> to vector<32xbf16>
          %add3A_464 = arith.constant 64 : i32
          %add3A_465 = arith.addi %add3A_464, %add3A_425 : i32
          %get3A_466 = arith.index_cast %add3A_465 : i32 to index
          %get3A_467 = arith.constant 32 : index
          %get3A_468 = tpu.vector_load %arg8[%get3A_466, %get3A_467] {strides = array<i32>} : memref<128x128xi32, #tpu.memory_space<vmem>>, vector<16xi32>,
          %bitcast3A_469 = vector.bitcast %get3A_468 : vector<16xi32> to vector<32xbf16>
          %mul3A_470 = arith.mulf %bitcast3A_463, %bitcast3A_469 : vector<32xbf16>
          %unpack3A_471 = tpu.unpack_subelements %mul3A_470, 0 {pack_format = #tpu.pack_format<interleaved>} : vector<32xbf16> -> vector<16xf32>
          %unpack3A_472 = tpu.unpack_subelements %mul3A_470, 1 {pack_format = #tpu.pack_format<interleaved>} : vector<32xbf16> -> vector<16xf32>
          %add3A_473 = arith.addf %add3A_458, %unpack3A_471 : vector<16xf32>
          %add3A_474 = arith.addf %add3A_459, %unpack3A_472 : vector<16xf32>
          %get3A_475 = arith.index_cast %add3A_425 : i32 to index
          %get3A_476 = arith.constant 48 : index
          %get3A_477 = tpu.vector_load %arg8[%get3A_475, %get3A_476] {strides = array<i32>} : memref<128x128xi32, #tpu.memory_space<vmem>>, vector<16xi32>,
          %bitcast3A_478 = vector.bitcast %get3A_477 : vector<16xi32> to vector<32xbf16>
          %add3A_479 = arith.constant 64 : i32
          %add3A_480 = arith.addi %add3A_479, %add3A_425 : i32
          %get3A_481 = arith.index_cast %add3A_480 : i32 to index
          %get3A_482 = arith.constant 48 : index
          %get3A_483 = tpu.vector_load %arg8[%get3A_481, %get3A_482] {strides = array<i32>} : memref<128x128xi32, #tpu.memory_space<vmem>>, vector<16xi32>,
          %bitcast3A_484 = vector.bitcast %get3A_483 : vector<16xi32> to vector<32xbf16>
          %mul3A_485 = arith.mulf %bitcast3A_478, %bitcast3A_484 : vector<32xbf16>
          %unpack3A_486 = tpu.unpack_subelements %mul3A_485, 0 {pack_format = #tpu.pack_format<interleaved>} : vector<32xbf16> -> vector<16xf32>
          %unpack3A_487 = tpu.unpack_subelements %mul3A_485, 1 {pack_format = #tpu.pack_format<interleaved>} : vector<32xbf16> -> vector<16xf32>
          %add3A_488 = arith.addf %add3A_473, %unpack3A_486 : vector<16xf32>
          %add3A_489 = arith.addf %add3A_474, %unpack3A_487 : vector<16xf32>
          %add3A_490 = arith.addf %add3A_488, %add3A_489 : vector<16xf32>
          %swap3A_491 = arith.constant 4 : i32
          %swap3A_492 = arith.index_cast %swap3A_491 : i32 to index
          %swap3A_493 = arith.constant 0 : index
          %swap3A_494 = tpu.vector_load %arg11[%swap3A_492, %swap3A_493] {strides = array<i32>} : memref<16x24xf32, #tpu.memory_space<vmem>>, vector<16xf32>,
          tpu.vector_store %arg11[%swap3A_492, %swap3A_493], %add3A_490 {strides = array<i32>} : memref<16x24xf32, #tpu.memory_space<vmem>>, vector<16xf32>,
          %mul3A_495 = arith.constant 16 : i32
          %mul3A_496 = arith.muli %scan3A_133, %mul3A_495 : i32
          %add3A_497 = arith.constant 5 : i32
          %add3A_498 = arith.addi %mul3A_496, %add3A_497 : i32
          %broadcast_in_dim3A_499 = arith.constant 0.000000e+00 : f32
          %broadcast_in_dim3A_500 = vector.broadcast %broadcast_in_dim3A_499 : f32 to vector<16xf32>
          %broadcast_in_dim3A_501 = arith.constant 0.000000e+00 : f32
          %broadcast_in_dim3A_502 = vector.broadcast %broadcast_in_dim3A_501 : f32 to vector<16xf32>
          %get3A_503 = arith.index_cast %add3A_498 : i32 to index
          %get3A_504 = arith.constant 0 : index
          %get3A_505 = tpu.vector_load %arg8[%get3A_503, %get3A_504] {strides = array<i32>} : memref<128x128xi32, #tpu.memory_space<vmem>>, vector<16xi32>,
          %bitcast3A_506 = vector.bitcast %get3A_505 : vector<16xi32> to vector<32xbf16>
          %add3A_507 = arith.constant 64 : i32
          %add3A_508 = arith.addi %add3A_507, %add3A_498 : i32
          %get3A_509 = arith.index_cast %add3A_508 : i32 to index
          %get3A_510 = arith.constant 0 : index
          %get3A_511 = tpu.vector_load %arg8[%get3A_509, %get3A_510] {strides = array<i32>} : memref<128x128xi32, #tpu.memory_space<vmem>>, vector<16xi32>,
          %bitcast3A_512 = vector.bitcast %get3A_511 : vector<16xi32> to vector<32xbf16>
          %mul3A_513 = arith.mulf %bitcast3A_506, %bitcast3A_512 : vector<32xbf16>
          %unpack3A_514 = tpu.unpack_subelements %mul3A_513, 0 {pack_format = #tpu.pack_format<interleaved>} : vector<32xbf16> -> vector<16xf32>
          %unpack3A_515 = tpu.unpack_subelements %mul3A_513, 1 {pack_format = #tpu.pack_format<interleaved>} : vector<32xbf16> -> vector<16xf32>
          %add3A_516 = arith.addf %broadcast_in_dim3A_500, %unpack3A_514 : vector<16xf32>
          %add3A_517 = arith.addf %broadcast_in_dim3A_502, %unpack3A_515 : vector<16xf32>
          %get3A_518 = arith.index_cast %add3A_498 : i32 to index
          %get3A_519 = arith.constant 16 : index
          %get3A_520 = tpu.vector_load %arg8[%get3A_518, %get3A_519] {strides = array<i32>} : memref<128x128xi32, #tpu.memory_space<vmem>>, vector<16xi32>,
          %bitcast3A_521 = vector.bitcast %get3A_520 : vector<16xi32> to vector<32xbf16>
          %add3A_522 = arith.constant 64 : i32
          %add3A_523 = arith.addi %add3A_522, %add3A_498 : i32
          %get3A_524 = arith.index_cast %add3A_523 : i32 to index
          %get3A_525 = arith.constant 16 : index
          %get3A_526 = tpu.vector_load %arg8[%get3A_524, %get3A_525] {strides = array<i32>} : memref<128x128xi32, #tpu.memory_space<vmem>>, vector<16xi32>,
          %bitcast3A_527 = vector.bitcast %get3A_526 : vector<16xi32> to vector<32xbf16>
          %mul3A_528 = arith.mulf %bitcast3A_521, %bitcast3A_527 : vector<32xbf16>
          %unpack3A_529 = tpu.unpack_subelements %mul3A_528, 0 {pack_format = #tpu.pack_format<interleaved>} : vector<32xbf16> -> vector<16xf32>
          %unpack3A_530 = tpu.unpack_subelements %mul3A_528, 1 {pack_format = #tpu.pack_format<interleaved>} : vector<32xbf16> -> vector<16xf32>
          %add3A_531 = arith.addf %add3A_516, %unpack3A_529 : vector<16xf32>
          %add3A_532 = arith.addf %add3A_517, %unpack3A_530 : vector<16xf32>
          %get3A_533 = arith.index_cast %add3A_498 : i32 to index
          %get3A_534 = arith.constant 32 : index
          %get3A_535 = tpu.vector_load %arg8[%get3A_533, %get3A_534] {strides = array<i32>} : memref<128x128xi32, #tpu.memory_space<vmem>>, vector<16xi32>,
          %bitcast3A_536 = vector.bitcast %get3A_535 : vector<16xi32> to vector<32xbf16>
          %add3A_537 = arith.constant 64 : i32
          %add3A_538 = arith.addi %add3A_537, %add3A_498 : i32
          %get3A_539 = arith.index_cast %add3A_538 : i32 to index
          %get3A_540 = arith.constant 32 : index
          %get3A_541 = tpu.vector_load %arg8[%get3A_539, %get3A_540] {strides = array<i32>} : memref<128x128xi32, #tpu.memory_space<vmem>>, vector<16xi32>,
          %bitcast3A_542 = vector.bitcast %get3A_541 : vector<16xi32> to vector<32xbf16>
          %mul3A_543 = arith.mulf %bitcast3A_536, %bitcast3A_542 : vector<32xbf16>
          %unpack3A_544 = tpu.unpack_subelements %mul3A_543, 0 {pack_format = #tpu.pack_format<interleaved>} : vector<32xbf16> -> vector<16xf32>
          %unpack3A_545 = tpu.unpack_subelements %mul3A_543, 1 {pack_format = #tpu.pack_format<interleaved>} : vector<32xbf16> -> vector<16xf32>
          %add3A_546 = arith.addf %add3A_531, %unpack3A_544 : vector<16xf32>
          %add3A_547 = arith.addf %add3A_532, %unpack3A_545 : vector<16xf32>
          %get3A_548 = arith.index_cast %add3A_498 : i32 to index
          %get3A_549 = arith.constant 48 : index
          %get3A_550 = tpu.vector_load %arg8[%get3A_548, %get3A_549] {strides = array<i32>} : memref<128x128xi32, #tpu.memory_space<vmem>>, vector<16xi32>,
          %bitcast3A_551 = vector.bitcast %get3A_550 : vector<16xi32> to vector<32xbf16>
          %add3A_552 = arith.constant 64 : i32
          %add3A_553 = arith.addi %add3A_552, %add3A_498 : i32
          %get3A_554 = arith.index_cast %add3A_553 : i32 to index
          %get3A_555 = arith.constant 48 : index
          %get3A_556 = tpu.vector_load %arg8[%get3A_554, %get3A_555] {strides = array<i32>} : memref<128x128xi32, #tpu.memory_space<vmem>>, vector<16xi32>,
          %bitcast3A_557 = vector.bitcast %get3A_556 : vector<16xi32> to vector<32xbf16>
          %mul3A_558 = arith.mulf %bitcast3A_551, %bitcast3A_557 : vector<32xbf16>
          %unpack3A_559 = tpu.unpack_subelements %mul3A_558, 0 {pack_format = #tpu.pack_format<interleaved>} : vector<32xbf16> -> vector<16xf32>
          %unpack3A_560 = tpu.unpack_subelements %mul3A_558, 1 {pack_format = #tpu.pack_format<interleaved>} : vector<32xbf16> -> vector<16xf32>
          %add3A_561 = arith.addf %add3A_546, %unpack3A_559 : vector<16xf32>
          %add3A_562 = arith.addf %add3A_547, %unpack3A_560 : vector<16xf32>
          %add3A_563 = arith.addf %add3A_561, %add3A_562 : vector<16xf32>
          %swap3A_564 = arith.constant 5 : i32
          %swap3A_565 = arith.index_cast %swap3A_564 : i32 to index
          %swap3A_566 = arith.constant 0 : index
          %swap3A_567 = tpu.vector_load %arg11[%swap3A_565, %swap3A_566] {strides = array<i32>} : memref<16x24xf32, #tpu.memory_space<vmem>>, vector<16xf32>,
          tpu.vector_store %arg11[%swap3A_565, %swap3A_566], %add3A_563 {strides = array<i32>} : memref<16x24xf32, #tpu.memory_space<vmem>>, vector<16xf32>,
          %mul3A_568 = arith.constant 16 : i32
          %mul3A_569 = arith.muli %scan3A_133, %mul3A_568 : i32
          %add3A_570 = arith.constant 6 : i32
          %add3A_571 = arith.addi %mul3A_569, %add3A_570 : i32
          %broadcast_in_dim3A_572 = arith.constant 0.000000e+00 : f32
          %broadcast_in_dim3A_573 = vector.broadcast %broadcast_in_dim3A_572 : f32 to vector<16xf32>
          %broadcast_in_dim3A_574 = arith.constant 0.000000e+00 : f32
          %broadcast_in_dim3A_575 = vector.broadcast %broadcast_in_dim3A_574 : f32 to vector<16xf32>
          %get3A_576 = arith.index_cast %add3A_571 : i32 to index
          %get3A_577 = arith.constant 0 : index
          %get3A_578 = tpu.vector_load %arg8[%get3A_576, %get3A_577] {strides = array<i32>} : memref<128x128xi32, #tpu.memory_space<vmem>>, vector<16xi32>,
          %bitcast3A_579 = vector.bitcast %get3A_578 : vector<16xi32> to vector<32xbf16>
          %add3A_580 = arith.constant 64 : i32
          %add3A_581 = arith.addi %add3A_580, %add3A_571 : i32
          %get3A_582 = arith.index_cast %add3A_581 : i32 to index
          %get3A_583 = arith.constant 0 : index
          %get3A_584 = tpu.vector_load %arg8[%get3A_582, %get3A_583] {strides = array<i32>} : memref<128x128xi32, #tpu.memory_space<vmem>>, vector<16xi32>,
          %bitcast3A_585 = vector.bitcast %get3A_584 : vector<16xi32> to vector<32xbf16>
          %mul3A_586 = arith.mulf %bitcast3A_579, %bitcast3A_585 : vector<32xbf16>
          %unpack3A_587 = tpu.unpack_subelements %mul3A_586, 0 {pack_format = #tpu.pack_format<interleaved>} : vector<32xbf16> -> vector<16xf32>
          %unpack3A_588 = tpu.unpack_subelements %mul3A_586, 1 {pack_format = #tpu.pack_format<interleaved>} : vector<32xbf16> -> vector<16xf32>
          %add3A_589 = arith.addf %broadcast_in_dim3A_573, %unpack3A_587 : vector<16xf32>
          %add3A_590 = arith.addf %broadcast_in_dim3A_575, %unpack3A_588 : vector<16xf32>
          %get3A_591 = arith.index_cast %add3A_571 : i32 to index
          %get3A_592 = arith.constant 16 : index
          %get3A_593 = tpu.vector_load %arg8[%get3A_591, %get3A_592] {strides = array<i32>} : memref<128x128xi32, #tpu.memory_space<vmem>>, vector<16xi32>,
          %bitcast3A_594 = vector.bitcast %get3A_593 : vector<16xi32> to vector<32xbf16>
          %add3A_595 = arith.constant 64 : i32
          %add3A_596 = arith.addi %add3A_595, %add3A_571 : i32
          %get3A_597 = arith.index_cast %add3A_596 : i32 to index
          %get3A_598 = arith.constant 16 : index
          %get3A_599 = tpu.vector_load %arg8[%get3A_597, %get3A_598] {strides = array<i32>} : memref<128x128xi32, #tpu.memory_space<vmem>>, vector<16xi32>,
          %bitcast3A_600 = vector.bitcast %get3A_599 : vector<16xi32> to vector<32xbf16>
          %mul3A_601 = arith.mulf %bitcast3A_594, %bitcast3A_600 : vector<32xbf16>
          %unpack3A_602 = tpu.unpack_subelements %mul3A_601, 0 {pack_format = #tpu.pack_format<interleaved>} : vector<32xbf16> -> vector<16xf32>
          %unpack3A_603 = tpu.unpack_subelements %mul3A_601, 1 {pack_format = #tpu.pack_format<interleaved>} : vector<32xbf16> -> vector<16xf32>
          %add3A_604 = arith.addf %add3A_589, %unpack3A_602 : vector<16xf32>
          %add3A_605 = arith.addf %add3A_590, %unpack3A_603 : vector<16xf32>
          %get3A_606 = arith.index_cast %add3A_571 : i32 to index
          %get3A_607 = arith.constant 32 : index
          %get3A_608 = tpu.vector_load %arg8[%get3A_606, %get3A_607] {strides = array<i32>} : memref<128x128xi32, #tpu.memory_space<vmem>>, vector<16xi32>,
          %bitcast3A_609 = vector.bitcast %get3A_608 : vector<16xi32> to vector<32xbf16>
          %add3A_610 = arith.constant 64 : i32
          %add3A_611 = arith.addi %add3A_610, %add3A_571 : i32
          %get3A_612 = arith.index_cast %add3A_611 : i32 to index
          %get3A_613 = arith.constant 32 : index
          %get3A_614 = tpu.vector_load %arg8[%get3A_612, %get3A_613] {strides = array<i32>} : memref<128x128xi32, #tpu.memory_space<vmem>>, vector<16xi32>,
          %bitcast3A_615 = vector.bitcast %get3A_614 : vector<16xi32> to vector<32xbf16>
          %mul3A_616 = arith.mulf %bitcast3A_609, %bitcast3A_615 : vector<32xbf16>
          %unpack3A_617 = tpu.unpack_subelements %mul3A_616, 0 {pack_format = #tpu.pack_format<interleaved>} : vector<32xbf16> -> vector<16xf32>
          %unpack3A_618 = tpu.unpack_subelements %mul3A_616, 1 {pack_format = #tpu.pack_format<interleaved>} : vector<32xbf16> -> vector<16xf32>
          %add3A_619 = arith.addf %add3A_604, %unpack3A_617 : vector<16xf32>
          %add3A_620 = arith.addf %add3A_605, %unpack3A_618 : vector<16xf32>
          %get3A_621 = arith.index_cast %add3A_571 : i32 to index
          %get3A_622 = arith.constant 48 : index
          %get3A_623 = tpu.vector_load %arg8[%get3A_621, %get3A_622] {strides = array<i32>} : memref<128x128xi32, #tpu.memory_space<vmem>>, vector<16xi32>,
          %bitcast3A_624 = vector.bitcast %get3A_623 : vector<16xi32> to vector<32xbf16>
          %add3A_625 = arith.constant 64 : i32
          %add3A_626 = arith.addi %add3A_625, %add3A_571 : i32
          %get3A_627 = arith.index_cast %add3A_626 : i32 to index
          %get3A_628 = arith.constant 48 : index
          %get3A_629 = tpu.vector_load %arg8[%get3A_627, %get3A_628] {strides = array<i32>} : memref<128x128xi32, #tpu.memory_space<vmem>>, vector<16xi32>,
          %bitcast3A_630 = vector.bitcast %get3A_629 : vector<16xi32> to vector<32xbf16>
          %mul3A_631 = arith.mulf %bitcast3A_624, %bitcast3A_630 : vector<32xbf16>
          %unpack3A_632 = tpu.unpack_subelements %mul3A_631, 0 {pack_format = #tpu.pack_format<interleaved>} : vector<32xbf16> -> vector<16xf32>
          %unpack3A_633 = tpu.unpack_subelements %mul3A_631, 1 {pack_format = #tpu.pack_format<interleaved>} : vector<32xbf16> -> vector<16xf32>
          %add3A_634 = arith.addf %add3A_619, %unpack3A_632 : vector<16xf32>
          %add3A_635 = arith.addf %add3A_620, %unpack3A_633 : vector<16xf32>
          %add3A_636 = arith.addf %add3A_634, %add3A_635 : vector<16xf32>
          %swap3A_637 = arith.constant 6 : i32
          %swap3A_638 = arith.index_cast %swap3A_637 : i32 to index
          %swap3A_639 = arith.constant 0 : index
          %swap3A_640 = tpu.vector_load %arg11[%swap3A_638, %swap3A_639] {strides = array<i32>} : memref<16x24xf32, #tpu.memory_space<vmem>>, vector<16xf32>,
          tpu.vector_store %arg11[%swap3A_638, %swap3A_639], %add3A_636 {strides = array<i32>} : memref<16x24xf32, #tpu.memory_space<vmem>>, vector<16xf32>,
          %mul3A_641 = arith.constant 16 : i32
          %mul3A_642 = arith.muli %scan3A_133, %mul3A_641 : i32
          %add3A_643 = arith.constant 7 : i32
          %add3A_644 = arith.addi %mul3A_642, %add3A_643 : i32
          %broadcast_in_dim3A_645 = arith.constant 0.000000e+00 : f32
          %broadcast_in_dim3A_646 = vector.broadcast %broadcast_in_dim3A_645 : f32 to vector<16xf32>
          %broadcast_in_dim3A_647 = arith.constant 0.000000e+00 : f32
          %broadcast_in_dim3A_648 = vector.broadcast %broadcast_in_dim3A_647 : f32 to vector<16xf32>
          %get3A_649 = arith.index_cast %add3A_644 : i32 to index
          %get3A_650 = arith.constant 0 : index
          %get3A_651 = tpu.vector_load %arg8[%get3A_649, %get3A_650] {strides = array<i32>} : memref<128x128xi32, #tpu.memory_space<vmem>>, vector<16xi32>,
          %bitcast3A_652 = vector.bitcast %get3A_651 : vector<16xi32> to vector<32xbf16>
          %add3A_653 = arith.constant 64 : i32
          %add3A_654 = arith.addi %add3A_653, %add3A_644 : i32
          %get3A_655 = arith.index_cast %add3A_654 : i32 to index
          %get3A_656 = arith.constant 0 : index
          %get3A_657 = tpu.vector_load %arg8[%get3A_655, %get3A_656] {strides = array<i32>} : memref<128x128xi32, #tpu.memory_space<vmem>>, vector<16xi32>,
          %bitcast3A_658 = vector.bitcast %get3A_657 : vector<16xi32> to vector<32xbf16>
          %mul3A_659 = arith.mulf %bitcast3A_652, %bitcast3A_658 : vector<32xbf16>
          %unpack3A_660 = tpu.unpack_subelements %mul3A_659, 0 {pack_format = #tpu.pack_format<interleaved>} : vector<32xbf16> -> vector<16xf32>
          %unpack3A_661 = tpu.unpack_subelements %mul3A_659, 1 {pack_format = #tpu.pack_format<interleaved>} : vector<32xbf16> -> vector<16xf32>
          %add3A_662 = arith.addf %broadcast_in_dim3A_646, %unpack3A_660 : vector<16xf32>
          %add3A_663 = arith.addf %broadcast_in_dim3A_648, %unpack3A_661 : vector<16xf32>
          %get3A_664 = arith.index_cast %add3A_644 : i32 to index
          %get3A_665 = arith.constant 16 : index
          %get3A_666 = tpu.vector_load %arg8[%get3A_664, %get3A_665] {strides = array<i32>} : memref<128x128xi32, #tpu.memory_space<vmem>>, vector<16xi32>,
          %bitcast3A_667 = vector.bitcast %get3A_666 : vector<16xi32> to vector<32xbf16>
          %add3A_668 = arith.constant 64 : i32
          %add3A_669 = arith.addi %add3A_668, %add3A_644 : i32
          %get3A_670 = arith.index_cast %add3A_669 : i32 to index
          %get3A_671 = arith.constant 16 : index
          %get3A_672 = tpu.vector_load %arg8[%get3A_670, %get3A_671] {strides = array<i32>} : memref<128x128xi32, #tpu.memory_space<vmem>>, vector<16xi32>,
          %bitcast3A_673 = vector.bitcast %get3A_672 : vector<16xi32> to vector<32xbf16>
          %mul3A_674 = arith.mulf %bitcast3A_667, %bitcast3A_673 : vector<32xbf16>
          %unpack3A_675 = tpu.unpack_subelements %mul3A_674, 0 {pack_format = #tpu.pack_format<interleaved>} : vector<32xbf16> -> vector<16xf32>
          %unpack3A_676 = tpu.unpack_subelements %mul3A_674, 1 {pack_format = #tpu.pack_format<interleaved>} : vector<32xbf16> -> vector<16xf32>
          %add3A_677 = arith.addf %add3A_662, %unpack3A_675 : vector<16xf32>
          %add3A_678 = arith.addf %add3A_663, %unpack3A_676 : vector<16xf32>
          %get3A_679 = arith.index_cast %add3A_644 : i32 to index
          %get3A_680 = arith.constant 32 : index
          %get3A_681 = tpu.vector_load %arg8[%get3A_679, %get3A_680] {strides = array<i32>} : memref<128x128xi32, #tpu.memory_space<vmem>>, vector<16xi32>,
          %bitcast3A_682 = vector.bitcast %get3A_681 : vector<16xi32> to vector<32xbf16>
          %add3A_683 = arith.constant 64 : i32
          %add3A_684 = arith.addi %add3A_683, %add3A_644 : i32
          %get3A_685 = arith.index_cast %add3A_684 : i32 to index
          %get3A_686 = arith.constant 32 : index
          %get3A_687 = tpu.vector_load %arg8[%get3A_685, %get3A_686] {strides = array<i32>} : memref<128x128xi32, #tpu.memory_space<vmem>>, vector<16xi32>,
          %bitcast3A_688 = vector.bitcast %get3A_687 : vector<16xi32> to vector<32xbf16>
          %mul3A_689 = arith.mulf %bitcast3A_682, %bitcast3A_688 : vector<32xbf16>
          %unpack3A_690 = tpu.unpack_subelements %mul3A_689, 0 {pack_format = #tpu.pack_format<interleaved>} : vector<32xbf16> -> vector<16xf32>
          %unpack3A_691 = tpu.unpack_subelements %mul3A_689, 1 {pack_format = #tpu.pack_format<interleaved>} : vector<32xbf16> -> vector<16xf32>
          %add3A_692 = arith.addf %add3A_677, %unpack3A_690 : vector<16xf32>
          %add3A_693 = arith.addf %add3A_678, %unpack3A_691 : vector<16xf32>
          %get3A_694 = arith.index_cast %add3A_644 : i32 to index
          %get3A_695 = arith.constant 48 : index
          %get3A_696 = tpu.vector_load %arg8[%get3A_694, %get3A_695] {strides = array<i32>} : memref<128x128xi32, #tpu.memory_space<vmem>>, vector<16xi32>,
          %bitcast3A_697 = vector.bitcast %get3A_696 : vector<16xi32> to vector<32xbf16>
          %add3A_698 = arith.constant 64 : i32
          %add3A_699 = arith.addi %add3A_698, %add3A_644 : i32
          %get3A_700 = arith.index_cast %add3A_699 : i32 to index
          %get3A_701 = arith.constant 48 : index
          %get3A_702 = tpu.vector_load %arg8[%get3A_700, %get3A_701] {strides = array<i32>} : memref<128x128xi32, #tpu.memory_space<vmem>>, vector<16xi32>,
          %bitcast3A_703 = vector.bitcast %get3A_702 : vector<16xi32> to vector<32xbf16>
          %mul3A_704 = arith.mulf %bitcast3A_697, %bitcast3A_703 : vector<32xbf16>
          %unpack3A_705 = tpu.unpack_subelements %mul3A_704, 0 {pack_format = #tpu.pack_format<interleaved>} : vector<32xbf16> -> vector<16xf32>
          %unpack3A_706 = tpu.unpack_subelements %mul3A_704, 1 {pack_format = #tpu.pack_format<interleaved>} : vector<32xbf16> -> vector<16xf32>
          %add3A_707 = arith.addf %add3A_692, %unpack3A_705 : vector<16xf32>
          %add3A_708 = arith.addf %add3A_693, %unpack3A_706 : vector<16xf32>
          %add3A_709 = arith.addf %add3A_707, %add3A_708 : vector<16xf32>
          %swap3A_710 = arith.constant 7 : i32
          %swap3A_711 = arith.index_cast %swap3A_710 : i32 to index
          %swap3A_712 = arith.constant 0 : index
          %swap3A_713 = tpu.vector_load %arg11[%swap3A_711, %swap3A_712] {strides = array<i32>} : memref<16x24xf32, #tpu.memory_space<vmem>>, vector<16xf32>,
          tpu.vector_store %arg11[%swap3A_711, %swap3A_712], %add3A_709 {strides = array<i32>} : memref<16x24xf32, #tpu.memory_space<vmem>>, vector<16xf32>,
          %mul3A_714 = arith.constant 16 : i32
          %mul3A_715 = arith.muli %scan3A_133, %mul3A_714 : i32
          %add3A_716 = arith.constant 8 : i32
          %add3A_717 = arith.addi %mul3A_715, %add3A_716 : i32
          %broadcast_in_dim3A_718 = arith.constant 0.000000e+00 : f32
          %broadcast_in_dim3A_719 = vector.broadcast %broadcast_in_dim3A_718 : f32 to vector<16xf32>
          %broadcast_in_dim3A_720 = arith.constant 0.000000e+00 : f32
          %broadcast_in_dim3A_721 = vector.broadcast %broadcast_in_dim3A_720 : f32 to vector<16xf32>
          %get3A_722 = arith.index_cast %add3A_717 : i32 to index
          %get3A_723 = arith.constant 0 : index
          %get3A_724 = tpu.vector_load %arg8[%get3A_722, %get3A_723] {strides = array<i32>} : memref<128x128xi32, #tpu.memory_space<vmem>>, vector<16xi32>,
          %bitcast3A_725 = vector.bitcast %get3A_724 : vector<16xi32> to vector<32xbf16>
          %add3A_726 = arith.constant 64 : i32
          %add3A_727 = arith.addi %add3A_726, %add3A_717 : i32
          %get3A_728 = arith.index_cast %add3A_727 : i32 to index
          %get3A_729 = arith.constant 0 : index
          %get3A_730 = tpu.vector_load %arg8[%get3A_728, %get3A_729] {strides = array<i32>} : memref<128x128xi32, #tpu.memory_space<vmem>>, vector<16xi32>,
          %bitcast3A_731 = vector.bitcast %get3A_730 : vector<16xi32> to vector<32xbf16>
          %mul3A_732 = arith.mulf %bitcast3A_725, %bitcast3A_731 : vector<32xbf16>
          %unpack3A_733 = tpu.unpack_subelements %mul3A_732, 0 {pack_format = #tpu.pack_format<interleaved>} : vector<32xbf16> -> vector<16xf32>
          %unpack3A_734 = tpu.unpack_subelements %mul3A_732, 1 {pack_format = #tpu.pack_format<interleaved>} : vector<32xbf16> -> vector<16xf32>
          %add3A_735 = arith.addf %broadcast_in_dim3A_719, %unpack3A_733 : vector<16xf32>
          %add3A_736 = arith.addf %broadcast_in_dim3A_721, %unpack3A_734 : vector<16xf32>
          %get3A_737 = arith.index_cast %add3A_717 : i32 to index
          %get3A_738 = arith.constant 16 : index
          %get3A_739 = tpu.vector_load %arg8[%get3A_737, %get3A_738] {strides = array<i32>} : memref<128x128xi32, #tpu.memory_space<vmem>>, vector<16xi32>,
          %bitcast3A_740 = vector.bitcast %get3A_739 : vector<16xi32> to vector<32xbf16>
          %add3A_741 = arith.constant 64 : i32
          %add3A_742 = arith.addi %add3A_741, %add3A_717 : i32
          %get3A_743 = arith.index_cast %add3A_742 : i32 to index
          %get3A_744 = arith.constant 16 : index
          %get3A_745 = tpu.vector_load %arg8[%get3A_743, %get3A_744] {strides = array<i32>} : memref<128x128xi32, #tpu.memory_space<vmem>>, vector<16xi32>,
          %bitcast3A_746 = vector.bitcast %get3A_745 : vector<16xi32> to vector<32xbf16>
          %mul3A_747 = arith.mulf %bitcast3A_740, %bitcast3A_746 : vector<32xbf16>
          %unpack3A_748 = tpu.unpack_subelements %mul3A_747, 0 {pack_format = #tpu.pack_format<interleaved>} : vector<32xbf16> -> vector<16xf32>
          %unpack3A_749 = tpu.unpack_subelements %mul3A_747, 1 {pack_format = #tpu.pack_format<interleaved>} : vector<32xbf16> -> vector<16xf32>
          %add3A_750 = arith.addf %add3A_735, %unpack3A_748 : vector<16xf32>
          %add3A_751 = arith.addf %add3A_736, %unpack3A_749 : vector<16xf32>
          %get3A_752 = arith.index_cast %add3A_717 : i32 to index
          %get3A_753 = arith.constant 32 : index
          %get3A_754 = tpu.vector_load %arg8[%get3A_752, %get3A_753] {strides = array<i32>} : memref<128x128xi32, #tpu.memory_space<vmem>>, vector<16xi32>,
          %bitcast3A_755 = vector.bitcast %get3A_754 : vector<16xi32> to vector<32xbf16>
          %add3A_756 = arith.constant 64 : i32
          %add3A_757 = arith.addi %add3A_756, %add3A_717 : i32
          %get3A_758 = arith.index_cast %add3A_757 : i32 to index
          %get3A_759 = arith.constant 32 : index
          %get3A_760 = tpu.vector_load %arg8[%get3A_758, %get3A_759] {strides = array<i32>} : memref<128x128xi32, #tpu.memory_space<vmem>>, vector<16xi32>,
          %bitcast3A_761 = vector.bitcast %get3A_760 : vector<16xi32> to vector<32xbf16>
          %mul3A_762 = arith.mulf %bitcast3A_755, %bitcast3A_761 : vector<32xbf16>
          %unpack3A_763 = tpu.unpack_subelements %mul3A_762, 0 {pack_format = #tpu.pack_format<interleaved>} : vector<32xbf16> -> vector<16xf32>
          %unpack3A_764 = tpu.unpack_subelements %mul3A_762, 1 {pack_format = #tpu.pack_format<interleaved>} : vector<32xbf16> -> vector<16xf32>
          %add3A_765 = arith.addf %add3A_750, %unpack3A_763 : vector<16xf32>
          %add3A_766 = arith.addf %add3A_751, %unpack3A_764 : vector<16xf32>
          %get3A_767 = arith.index_cast %add3A_717 : i32 to index
          %get3A_768 = arith.constant 48 : index
          %get3A_769 = tpu.vector_load %arg8[%get3A_767, %get3A_768] {strides = array<i32>} : memref<128x128xi32, #tpu.memory_space<vmem>>, vector<16xi32>,
          %bitcast3A_770 = vector.bitcast %get3A_769 : vector<16xi32> to vector<32xbf16>
          %add3A_771 = arith.constant 64 : i32
          %add3A_772 = arith.addi %add3A_771, %add3A_717 : i32
          %get3A_773 = arith.index_cast %add3A_772 : i32 to index
          %get3A_774 = arith.constant 48 : index
          %get3A_775 = tpu.vector_load %arg8[%get3A_773, %get3A_774] {strides = array<i32>} : memref<128x128xi32, #tpu.memory_space<vmem>>, vector<16xi32>,
          %bitcast3A_776 = vector.bitcast %get3A_775 : vector<16xi32> to vector<32xbf16>
          %mul3A_777 = arith.mulf %bitcast3A_770, %bitcast3A_776 : vector<32xbf16>
          %unpack3A_778 = tpu.unpack_subelements %mul3A_777, 0 {pack_format = #tpu.pack_format<interleaved>} : vector<32xbf16> -> vector<16xf32>
          %unpack3A_779 = tpu.unpack_subelements %mul3A_777, 1 {pack_format = #tpu.pack_format<interleaved>} : vector<32xbf16> -> vector<16xf32>
          %add3A_780 = arith.addf %add3A_765, %unpack3A_778 : vector<16xf32>
          %add3A_781 = arith.addf %add3A_766, %unpack3A_779 : vector<16xf32>
          %add3A_782 = arith.addf %add3A_780, %add3A_781 : vector<16xf32>
          %swap3A_783 = arith.constant 8 : i32
          %swap3A_784 = arith.index_cast %swap3A_783 : i32 to index
          %swap3A_785 = arith.constant 0 : index
          %swap3A_786 = tpu.vector_load %arg11[%swap3A_784, %swap3A_785] {strides = array<i32>} : memref<16x24xf32, #tpu.memory_space<vmem>>, vector<16xf32>,
          tpu.vector_store %arg11[%swap3A_784, %swap3A_785], %add3A_782 {strides = array<i32>} : memref<16x24xf32, #tpu.memory_space<vmem>>, vector<16xf32>,
          %mul3A_787 = arith.constant 16 : i32
          %mul3A_788 = arith.muli %scan3A_133, %mul3A_787 : i32
          %add3A_789 = arith.constant 9 : i32
          %add3A_790 = arith.addi %mul3A_788, %add3A_789 : i32
          %broadcast_in_dim3A_791 = arith.constant 0.000000e+00 : f32
          %broadcast_in_dim3A_792 = vector.broadcast %broadcast_in_dim3A_791 : f32 to vector<16xf32>
          %broadcast_in_dim3A_793 = arith.constant 0.000000e+00 : f32
          %broadcast_in_dim3A_794 = vector.broadcast %broadcast_in_dim3A_793 : f32 to vector<16xf32>
          %get3A_795 = arith.index_cast %add3A_790 : i32 to index
          %get3A_796 = arith.constant 0 : index
          %get3A_797 = tpu.vector_load %arg8[%get3A_795, %get3A_796] {strides = array<i32>} : memref<128x128xi32, #tpu.memory_space<vmem>>, vector<16xi32>,
          %bitcast3A_798 = vector.bitcast %get3A_797 : vector<16xi32> to vector<32xbf16>
          %add3A_799 = arith.constant 64 : i32
          %add3A_800 = arith.addi %add3A_799, %add3A_790 : i32
          %get3A_801 = arith.index_cast %add3A_800 : i32 to index
          %get3A_802 = arith.constant 0 : index
          %get3A_803 = tpu.vector_load %arg8[%get3A_801, %get3A_802] {strides = array<i32>} : memref<128x128xi32, #tpu.memory_space<vmem>>, vector<16xi32>,
          %bitcast3A_804 = vector.bitcast %get3A_803 : vector<16xi32> to vector<32xbf16>
          %mul3A_805 = arith.mulf %bitcast3A_798, %bitcast3A_804 : vector<32xbf16>
          %unpack3A_806 = tpu.unpack_subelements %mul3A_805, 0 {pack_format = #tpu.pack_format<interleaved>} : vector<32xbf16> -> vector<16xf32>
          %unpack3A_807 = tpu.unpack_subelements %mul3A_805, 1 {pack_format = #tpu.pack_format<interleaved>} : vector<32xbf16> -> vector<16xf32>
          %add3A_808 = arith.addf %broadcast_in_dim3A_792, %unpack3A_806 : vector<16xf32>
          %add3A_809 = arith.addf %broadcast_in_dim3A_794, %unpack3A_807 : vector<16xf32>
          %get3A_810 = arith.index_cast %add3A_790 : i32 to index
          %get3A_811 = arith.constant 16 : index
          %get3A_812 = tpu.vector_load %arg8[%get3A_810, %get3A_811] {strides = array<i32>} : memref<128x128xi32, #tpu.memory_space<vmem>>, vector<16xi32>,
          %bitcast3A_813 = vector.bitcast %get3A_812 : vector<16xi32> to vector<32xbf16>
          %add3A_814 = arith.constant 64 : i32
          %add3A_815 = arith.addi %add3A_814, %add3A_790 : i32
          %get3A_816 = arith.index_cast %add3A_815 : i32 to index
          %get3A_817 = arith.constant 16 : index
          %get3A_818 = tpu.vector_load %arg8[%get3A_816, %get3A_817] {strides = array<i32>} : memref<128x128xi32, #tpu.memory_space<vmem>>, vector<16xi32>,
          %bitcast3A_819 = vector.bitcast %get3A_818 : vector<16xi32> to vector<32xbf16>
          %mul3A_820 = arith.mulf %bitcast3A_813, %bitcast3A_819 : vector<32xbf16>
          %unpack3A_821 = tpu.unpack_subelements %mul3A_820, 0 {pack_format = #tpu.pack_format<interleaved>} : vector<32xbf16> -> vector<16xf32>
          %unpack3A_822 = tpu.unpack_subelements %mul3A_820, 1 {pack_format = #tpu.pack_format<interleaved>} : vector<32xbf16> -> vector<16xf32>
          %add3A_823 = arith.addf %add3A_808, %unpack3A_821 : vector<16xf32>
          %add3A_824 = arith.addf %add3A_809, %unpack3A_822 : vector<16xf32>
          %get3A_825 = arith.index_cast %add3A_790 : i32 to index
          %get3A_826 = arith.constant 32 : index
          %get3A_827 = tpu.vector_load %arg8[%get3A_825, %get3A_826] {strides = array<i32>} : memref<128x128xi32, #tpu.memory_space<vmem>>, vector<16xi32>,
          %bitcast3A_828 = vector.bitcast %get3A_827 : vector<16xi32> to vector<32xbf16>
          %add3A_829 = arith.constant 64 : i32
          %add3A_830 = arith.addi %add3A_829, %add3A_790 : i32
          %get3A_831 = arith.index_cast %add3A_830 : i32 to index
          %get3A_832 = arith.constant 32 : index
          %get3A_833 = tpu.vector_load %arg8[%get3A_831, %get3A_832] {strides = array<i32>} : memref<128x128xi32, #tpu.memory_space<vmem>>, vector<16xi32>,
          %bitcast3A_834 = vector.bitcast %get3A_833 : vector<16xi32> to vector<32xbf16>
          %mul3A_835 = arith.mulf %bitcast3A_828, %bitcast3A_834 : vector<32xbf16>
          %unpack3A_836 = tpu.unpack_subelements %mul3A_835, 0 {pack_format = #tpu.pack_format<interleaved>} : vector<32xbf16> -> vector<16xf32>
          %unpack3A_837 = tpu.unpack_subelements %mul3A_835, 1 {pack_format = #tpu.pack_format<interleaved>} : vector<32xbf16> -> vector<16xf32>
          %add3A_838 = arith.addf %add3A_823, %unpack3A_836 : vector<16xf32>
          %add3A_839 = arith.addf %add3A_824, %unpack3A_837 : vector<16xf32>
          %get3A_840 = arith.index_cast %add3A_790 : i32 to index
          %get3A_841 = arith.constant 48 : index
          %get3A_842 = tpu.vector_load %arg8[%get3A_840, %get3A_841] {strides = array<i32>} : memref<128x128xi32, #tpu.memory_space<vmem>>, vector<16xi32>,
          %bitcast3A_843 = vector.bitcast %get3A_842 : vector<16xi32> to vector<32xbf16>
          %add3A_844 = arith.constant 64 : i32
          %add3A_845 = arith.addi %add3A_844, %add3A_790 : i32
          %get3A_846 = arith.index_cast %add3A_845 : i32 to index
          %get3A_847 = arith.constant 48 : index
          %get3A_848 = tpu.vector_load %arg8[%get3A_846, %get3A_847] {strides = array<i32>} : memref<128x128xi32, #tpu.memory_space<vmem>>, vector<16xi32>,
          %bitcast3A_849 = vector.bitcast %get3A_848 : vector<16xi32> to vector<32xbf16>
          %mul3A_850 = arith.mulf %bitcast3A_843, %bitcast3A_849 : vector<32xbf16>
          %unpack3A_851 = tpu.unpack_subelements %mul3A_850, 0 {pack_format = #tpu.pack_format<interleaved>} : vector<32xbf16> -> vector<16xf32>
          %unpack3A_852 = tpu.unpack_subelements %mul3A_850, 1 {pack_format = #tpu.pack_format<interleaved>} : vector<32xbf16> -> vector<16xf32>
          %add3A_853 = arith.addf %add3A_838, %unpack3A_851 : vector<16xf32>
          %add3A_854 = arith.addf %add3A_839, %unpack3A_852 : vector<16xf32>
          %add3A_855 = arith.addf %add3A_853, %add3A_854 : vector<16xf32>
          %swap3A_856 = arith.constant 9 : i32
          %swap3A_857 = arith.index_cast %swap3A_856 : i32 to index
          %swap3A_858 = arith.constant 0 : index
          %swap3A_859 = tpu.vector_load %arg11[%swap3A_857, %swap3A_858] {strides = array<i32>} : memref<16x24xf32, #tpu.memory_space<vmem>>, vector<16xf32>,
          tpu.vector_store %arg11[%swap3A_857, %swap3A_858], %add3A_855 {strides = array<i32>} : memref<16x24xf32, #tpu.memory_space<vmem>>, vector<16xf32>,
          %mul3A_860 = arith.constant 16 : i32
          %mul3A_861 = arith.muli %scan3A_133, %mul3A_860 : i32
          %add3A_862 = arith.constant 10 : i32
          %add3A_863 = arith.addi %mul3A_861, %add3A_862 : i32
          %broadcast_in_dim3A_864 = arith.constant 0.000000e+00 : f32
          %broadcast_in_dim3A_865 = vector.broadcast %broadcast_in_dim3A_864 : f32 to vector<16xf32>
          %broadcast_in_dim3A_866 = arith.constant 0.000000e+00 : f32
          %broadcast_in_dim3A_867 = vector.broadcast %broadcast_in_dim3A_866 : f32 to vector<16xf32>
          %get3A_868 = arith.index_cast %add3A_863 : i32 to index
          %get3A_869 = arith.constant 0 : index
          %get3A_870 = tpu.vector_load %arg8[%get3A_868, %get3A_869] {strides = array<i32>} : memref<128x128xi32, #tpu.memory_space<vmem>>, vector<16xi32>,
          %bitcast3A_871 = vector.bitcast %get3A_870 : vector<16xi32> to vector<32xbf16>
          %add3A_872 = arith.constant 64 : i32
          %add3A_873 = arith.addi %add3A_872, %add3A_863 : i32
          %get3A_874 = arith.index_cast %add3A_873 : i32 to index
          %get3A_875 = arith.constant 0 : index
          %get3A_876 = tpu.vector_load %arg8[%get3A_874, %get3A_875] {strides = array<i32>} : memref<128x128xi32, #tpu.memory_space<vmem>>, vector<16xi32>,
          %bitcast3A_877 = vector.bitcast %get3A_876 : vector<16xi32> to vector<32xbf16>
          %mul3A_878 = arith.mulf %bitcast3A_871, %bitcast3A_877 : vector<32xbf16>
          %unpack3A_879 = tpu.unpack_subelements %mul3A_878, 0 {pack_format = #tpu.pack_format<interleaved>} : vector<32xbf16> -> vector<16xf32>
          %unpack3A_880 = tpu.unpack_subelements %mul3A_878, 1 {pack_format = #tpu.pack_format<interleaved>} : vector<32xbf16> -> vector<16xf32>
          %add3A_881 = arith.addf %broadcast_in_dim3A_865, %unpack3A_879 : vector<16xf32>
          %add3A_882 = arith.addf %broadcast_in_dim3A_867, %unpack3A_880 : vector<16xf32>
          %get3A_883 = arith.index_cast %add3A_863 : i32 to index
          %get3A_884 = arith.constant 16 : index
          %get3A_885 = tpu.vector_load %arg8[%get3A_883, %get3A_884] {strides = array<i32>} : memref<128x128xi32, #tpu.memory_space<vmem>>, vector<16xi32>,
          %bitcast3A_886 = vector.bitcast %get3A_885 : vector<16xi32> to vector<32xbf16>
          %add3A_887 = arith.constant 64 : i32
          %add3A_888 = arith.addi %add3A_887, %add3A_863 : i32
          %get3A_889 = arith.index_cast %add3A_888 : i32 to index
          %get3A_890 = arith.constant 16 : index
          %get3A_891 = tpu.vector_load %arg8[%get3A_889, %get3A_890] {strides = array<i32>} : memref<128x128xi32, #tpu.memory_space<vmem>>, vector<16xi32>,
          %bitcast3A_892 = vector.bitcast %get3A_891 : vector<16xi32> to vector<32xbf16>
          %mul3A_893 = arith.mulf %bitcast3A_886, %bitcast3A_892 : vector<32xbf16>
          %unpack3A_894 = tpu.unpack_subelements %mul3A_893, 0 {pack_format = #tpu.pack_format<interleaved>} : vector<32xbf16> -> vector<16xf32>
          %unpack3A_895 = tpu.unpack_subelements %mul3A_893, 1 {pack_format = #tpu.pack_format<interleaved>} : vector<32xbf16> -> vector<16xf32>
          %add3A_896 = arith.addf %add3A_881, %unpack3A_894 : vector<16xf32>
          %add3A_897 = arith.addf %add3A_882, %unpack3A_895 : vector<16xf32>
          %get3A_898 = arith.index_cast %add3A_863 : i32 to index
          %get3A_899 = arith.constant 32 : index
          %get3A_900 = tpu.vector_load %arg8[%get3A_898, %get3A_899] {strides = array<i32>} : memref<128x128xi32, #tpu.memory_space<vmem>>, vector<16xi32>,
          %bitcast3A_901 = vector.bitcast %get3A_900 : vector<16xi32> to vector<32xbf16>
          %add3A_902 = arith.constant 64 : i32
          %add3A_903 = arith.addi %add3A_902, %add3A_863 : i32
          %get3A_904 = arith.index_cast %add3A_903 : i32 to index
          %get3A_905 = arith.constant 32 : index
          %get3A_906 = tpu.vector_load %arg8[%get3A_904, %get3A_905] {strides = array<i32>} : memref<128x128xi32, #tpu.memory_space<vmem>>, vector<16xi32>,
          %bitcast3A_907 = vector.bitcast %get3A_906 : vector<16xi32> to vector<32xbf16>
          %mul3A_908 = arith.mulf %bitcast3A_901, %bitcast3A_907 : vector<32xbf16>
          %unpack3A_909 = tpu.unpack_subelements %mul3A_908, 0 {pack_format = #tpu.pack_format<interleaved>} : vector<32xbf16> -> vector<16xf32>
          %unpack3A_910 = tpu.unpack_subelements %mul3A_908, 1 {pack_format = #tpu.pack_format<interleaved>} : vector<32xbf16> -> vector<16xf32>
          %add3A_911 = arith.addf %add3A_896, %unpack3A_909 : vector<16xf32>
          %add3A_912 = arith.addf %add3A_897, %unpack3A_910 : vector<16xf32>
          %get3A_913 = arith.index_cast %add3A_863 : i32 to index
          %get3A_914 = arith.constant 48 : index
          %get3A_915 = tpu.vector_load %arg8[%get3A_913, %get3A_914] {strides = array<i32>} : memref<128x128xi32, #tpu.memory_space<vmem>>, vector<16xi32>,
          %bitcast3A_916 = vector.bitcast %get3A_915 : vector<16xi32> to vector<32xbf16>
          %add3A_917 = arith.constant 64 : i32
          %add3A_918 = arith.addi %add3A_917, %add3A_863 : i32
          %get3A_919 = arith.index_cast %add3A_918 : i32 to index
          %get3A_920 = arith.constant 48 : index
          %get3A_921 = tpu.vector_load %arg8[%get3A_919, %get3A_920] {strides = array<i32>} : memref<128x128xi32, #tpu.memory_space<vmem>>, vector<16xi32>,
          %bitcast3A_922 = vector.bitcast %get3A_921 : vector<16xi32> to vector<32xbf16>
          %mul3A_923 = arith.mulf %bitcast3A_916, %bitcast3A_922 : vector<32xbf16>
          %unpack3A_924 = tpu.unpack_subelements %mul3A_923, 0 {pack_format = #tpu.pack_format<interleaved>} : vector<32xbf16> -> vector<16xf32>
          %unpack3A_925 = tpu.unpack_subelements %mul3A_923, 1 {pack_format = #tpu.pack_format<interleaved>} : vector<32xbf16> -> vector<16xf32>
          %add3A_926 = arith.addf %add3A_911, %unpack3A_924 : vector<16xf32>
          %add3A_927 = arith.addf %add3A_912, %unpack3A_925 : vector<16xf32>
          %add3A_928 = arith.addf %add3A_926, %add3A_927 : vector<16xf32>
          %swap3A_929 = arith.constant 10 : i32
          %swap3A_930 = arith.index_cast %swap3A_929 : i32 to index
          %swap3A_931 = arith.constant 0 : index
          %swap3A_932 = tpu.vector_load %arg11[%swap3A_930, %swap3A_931] {strides = array<i32>} : memref<16x24xf32, #tpu.memory_space<vmem>>, vector<16xf32>,
          tpu.vector_store %arg11[%swap3A_930, %swap3A_931], %add3A_928 {strides = array<i32>} : memref<16x24xf32, #tpu.memory_space<vmem>>, vector<16xf32>,
          %mul3A_933 = arith.constant 16 : i32
          %mul3A_934 = arith.muli %scan3A_133, %mul3A_933 : i32
          %add3A_935 = arith.constant 11 : i32
          %add3A_936 = arith.addi %mul3A_934, %add3A_935 : i32
          %broadcast_in_dim3A_937 = arith.constant 0.000000e+00 : f32
          %broadcast_in_dim3A_938 = vector.broadcast %broadcast_in_dim3A_937 : f32 to vector<16xf32>
          %broadcast_in_dim3A_939 = arith.constant 0.000000e+00 : f32
          %broadcast_in_dim3A_940 = vector.broadcast %broadcast_in_dim3A_939 : f32 to vector<16xf32>
          %get3A_941 = arith.index_cast %add3A_936 : i32 to index
          %get3A_942 = arith.constant 0 : index
          %get3A_943 = tpu.vector_load %arg8[%get3A_941, %get3A_942] {strides = array<i32>} : memref<128x128xi32, #tpu.memory_space<vmem>>, vector<16xi32>,
          %bitcast3A_944 = vector.bitcast %get3A_943 : vector<16xi32> to vector<32xbf16>
          %add3A_945 = arith.constant 64 : i32
          %add3A_946 = arith.addi %add3A_945, %add3A_936 : i32
          %get3A_947 = arith.index_cast %add3A_946 : i32 to index
          %get3A_948 = arith.constant 0 : index
          %get3A_949 = tpu.vector_load %arg8[%get3A_947, %get3A_948] {strides = array<i32>} : memref<128x128xi32, #tpu.memory_space<vmem>>, vector<16xi32>,
          %bitcast3A_950 = vector.bitcast %get3A_949 : vector<16xi32> to vector<32xbf16>
          %mul3A_951 = arith.mulf %bitcast3A_944, %bitcast3A_950 : vector<32xbf16>
          %unpack3A_952 = tpu.unpack_subelements %mul3A_951, 0 {pack_format = #tpu.pack_format<interleaved>} : vector<32xbf16> -> vector<16xf32>
          %unpack3A_953 = tpu.unpack_subelements %mul3A_951, 1 {pack_format = #tpu.pack_format<interleaved>} : vector<32xbf16> -> vector<16xf32>
          %add3A_954 = arith.addf %broadcast_in_dim3A_938, %unpack3A_952 : vector<16xf32>
          %add3A_955 = arith.addf %broadcast_in_dim3A_940, %unpack3A_953 : vector<16xf32>
          %get3A_956 = arith.index_cast %add3A_936 : i32 to index
          %get3A_957 = arith.constant 16 : index
          %get3A_958 = tpu.vector_load %arg8[%get3A_956, %get3A_957] {strides = array<i32>} : memref<128x128xi32, #tpu.memory_space<vmem>>, vector<16xi32>,
          %bitcast3A_959 = vector.bitcast %get3A_958 : vector<16xi32> to vector<32xbf16>
          %add3A_960 = arith.constant 64 : i32
          %add3A_961 = arith.addi %add3A_960, %add3A_936 : i32
          %get3A_962 = arith.index_cast %add3A_961 : i32 to index
          %get3A_963 = arith.constant 16 : index
          %get3A_964 = tpu.vector_load %arg8[%get3A_962, %get3A_963] {strides = array<i32>} : memref<128x128xi32, #tpu.memory_space<vmem>>, vector<16xi32>,
          %bitcast3A_965 = vector.bitcast %get3A_964 : vector<16xi32> to vector<32xbf16>
          %mul3A_966 = arith.mulf %bitcast3A_959, %bitcast3A_965 : vector<32xbf16>
          %unpack3A_967 = tpu.unpack_subelements %mul3A_966, 0 {pack_format = #tpu.pack_format<interleaved>} : vector<32xbf16> -> vector<16xf32>
          %unpack3A_968 = tpu.unpack_subelements %mul3A_966, 1 {pack_format = #tpu.pack_format<interleaved>} : vector<32xbf16> -> vector<16xf32>
          %add3A_969 = arith.addf %add3A_954, %unpack3A_967 : vector<16xf32>
          %add3A_970 = arith.addf %add3A_955, %unpack3A_968 : vector<16xf32>
          %get3A_971 = arith.index_cast %add3A_936 : i32 to index
          %get3A_972 = arith.constant 32 : index
          %get3A_973 = tpu.vector_load %arg8[%get3A_971, %get3A_972] {strides = array<i32>} : memref<128x128xi32, #tpu.memory_space<vmem>>, vector<16xi32>,
          %bitcast3A_974 = vector.bitcast %get3A_973 : vector<16xi32> to vector<32xbf16>
          %add3A_975 = arith.constant 64 : i32
          %add3A_976 = arith.addi %add3A_975, %add3A_936 : i32
          %get3A_977 = arith.index_cast %add3A_976 : i32 to index
          %get3A_978 = arith.constant 32 : index
          %get3A_979 = tpu.vector_load %arg8[%get3A_977, %get3A_978] {strides = array<i32>} : memref<128x128xi32, #tpu.memory_space<vmem>>, vector<16xi32>,
          %bitcast3A_980 = vector.bitcast %get3A_979 : vector<16xi32> to vector<32xbf16>
          %mul3A_981 = arith.mulf %bitcast3A_974, %bitcast3A_980 : vector<32xbf16>
          %unpack3A_982 = tpu.unpack_subelements %mul3A_981, 0 {pack_format = #tpu.pack_format<interleaved>} : vector<32xbf16> -> vector<16xf32>
          %unpack3A_983 = tpu.unpack_subelements %mul3A_981, 1 {pack_format = #tpu.pack_format<interleaved>} : vector<32xbf16> -> vector<16xf32>
          %add3A_984 = arith.addf %add3A_969, %unpack3A_982 : vector<16xf32>
          %add3A_985 = arith.addf %add3A_970, %unpack3A_983 : vector<16xf32>
          %get3A_986 = arith.index_cast %add3A_936 : i32 to index
          %get3A_987 = arith.constant 48 : index
          %get3A_988 = tpu.vector_load %arg8[%get3A_986, %get3A_987] {strides = array<i32>} : memref<128x128xi32, #tpu.memory_space<vmem>>, vector<16xi32>,
          %bitcast3A_989 = vector.bitcast %get3A_988 : vector<16xi32> to vector<32xbf16>
          %add3A_990 = arith.constant 64 : i32
          %add3A_991 = arith.addi %add3A_990, %add3A_936 : i32
          %get3A_992 = arith.index_cast %add3A_991 : i32 to index
          %get3A_993 = arith.constant 48 : index
          %get3A_994 = tpu.vector_load %arg8[%get3A_992, %get3A_993] {strides = array<i32>} : memref<128x128xi32, #tpu.memory_space<vmem>>, vector<16xi32>,
          %bitcast3A_995 = vector.bitcast %get3A_994 : vector<16xi32> to vector<32xbf16>
          %mul3A_996 = arith.mulf %bitcast3A_989, %bitcast3A_995 : vector<32xbf16>
          %unpack3A_997 = tpu.unpack_subelements %mul3A_996, 0 {pack_format = #tpu.pack_format<interleaved>} : vector<32xbf16> -> vector<16xf32>
          %unpack3A_998 = tpu.unpack_subelements %mul3A_996, 1 {pack_format = #tpu.pack_format<interleaved>} : vector<32xbf16> -> vector<16xf32>
          %add3A_999 = arith.addf %add3A_984, %unpack3A_997 : vector<16xf32>
          %add3A_1000 = arith.addf %add3A_985, %unpack3A_998 : vector<16xf32>
          %add3A_1001 = arith.addf %add3A_999, %add3A_1000 : vector<16xf32>
          %swap3A_1002 = arith.constant 11 : i32
          %swap3A_1003 = arith.index_cast %swap3A_1002 : i32 to index
          %swap3A_1004 = arith.constant 0 : index
          %swap3A_1005 = tpu.vector_load %arg11[%swap3A_1003, %swap3A_1004] {strides = array<i32>} : memref<16x24xf32, #tpu.memory_space<vmem>>, vector<16xf32>,
          tpu.vector_store %arg11[%swap3A_1003, %swap3A_1004], %add3A_1001 {strides = array<i32>} : memref<16x24xf32, #tpu.memory_space<vmem>>, vector<16xf32>,
          %mul3A_1006 = arith.constant 16 : i32
          %mul3A_1007 = arith.muli %scan3A_133, %mul3A_1006 : i32
          %add3A_1008 = arith.constant 12 : i32
          %add3A_1009 = arith.addi %mul3A_1007, %add3A_1008 : i32
          %broadcast_in_dim3A_1010 = arith.constant 0.000000e+00 : f32
          %broadcast_in_dim3A_1011 = vector.broadcast %broadcast_in_dim3A_1010 : f32 to vector<16xf32>
          %broadcast_in_dim3A_1012 = arith.constant 0.000000e+00 : f32
          %broadcast_in_dim3A_1013 = vector.broadcast %broadcast_in_dim3A_1012 : f32 to vector<16xf32>
          %get3A_1014 = arith.index_cast %add3A_1009 : i32 to index
          %get3A_1015 = arith.constant 0 : index
          %get3A_1016 = tpu.vector_load %arg8[%get3A_1014, %get3A_1015] {strides = array<i32>} : memref<128x128xi32, #tpu.memory_space<vmem>>, vector<16xi32>,
          %bitcast3A_1017 = vector.bitcast %get3A_1016 : vector<16xi32> to vector<32xbf16>
          %add3A_1018 = arith.constant 64 : i32
          %add3A_1019 = arith.addi %add3A_1018, %add3A_1009 : i32
          %get3A_1020 = arith.index_cast %add3A_1019 : i32 to index
          %get3A_1021 = arith.constant 0 : index
          %get3A_1022 = tpu.vector_load %arg8[%get3A_1020, %get3A_1021] {strides = array<i32>} : memref<128x128xi32, #tpu.memory_space<vmem>>, vector<16xi32>,
          %bitcast3A_1023 = vector.bitcast %get3A_1022 : vector<16xi32> to vector<32xbf16>
          %mul3A_1024 = arith.mulf %bitcast3A_1017, %bitcast3A_1023 : vector<32xbf16>
          %unpack3A_1025 = tpu.unpack_subelements %mul3A_1024, 0 {pack_format = #tpu.pack_format<interleaved>} : vector<32xbf16> -> vector<16xf32>
          %unpack3A_1026 = tpu.unpack_subelements %mul3A_1024, 1 {pack_format = #tpu.pack_format<interleaved>} : vector<32xbf16> -> vector<16xf32>
          %add3A_1027 = arith.addf %broadcast_in_dim3A_1011, %unpack3A_1025 : vector<16xf32>
          %add3A_1028 = arith.addf %broadcast_in_dim3A_1013, %unpack3A_1026 : vector<16xf32>
          %get3A_1029 = arith.index_cast %add3A_1009 : i32 to index
          %get3A_1030 = arith.constant 16 : index
          %get3A_1031 = tpu.vector_load %arg8[%get3A_1029, %get3A_1030] {strides = array<i32>} : memref<128x128xi32, #tpu.memory_space<vmem>>, vector<16xi32>,
          %bitcast3A_1032 = vector.bitcast %get3A_1031 : vector<16xi32> to vector<32xbf16>
          %add3A_1033 = arith.constant 64 : i32
          %add3A_1034 = arith.addi %add3A_1033, %add3A_1009 : i32
          %get3A_1035 = arith.index_cast %add3A_1034 : i32 to index
          %get3A_1036 = arith.constant 16 : index
          %get3A_1037 = tpu.vector_load %arg8[%get3A_1035, %get3A_1036] {strides = array<i32>} : memref<128x128xi32, #tpu.memory_space<vmem>>, vector<16xi32>,
          %bitcast3A_1038 = vector.bitcast %get3A_1037 : vector<16xi32> to vector<32xbf16>
          %mul3A_1039 = arith.mulf %bitcast3A_1032, %bitcast3A_1038 : vector<32xbf16>
          %unpack3A_1040 = tpu.unpack_subelements %mul3A_1039, 0 {pack_format = #tpu.pack_format<interleaved>} : vector<32xbf16> -> vector<16xf32>
          %unpack3A_1041 = tpu.unpack_subelements %mul3A_1039, 1 {pack_format = #tpu.pack_format<interleaved>} : vector<32xbf16> -> vector<16xf32>
          %add3A_1042 = arith.addf %add3A_1027, %unpack3A_1040 : vector<16xf32>
          %add3A_1043 = arith.addf %add3A_1028, %unpack3A_1041 : vector<16xf32>
          %get3A_1044 = arith.index_cast %add3A_1009 : i32 to index
          %get3A_1045 = arith.constant 32 : index
          %get3A_1046 = tpu.vector_load %arg8[%get3A_1044, %get3A_1045] {strides = array<i32>} : memref<128x128xi32, #tpu.memory_space<vmem>>, vector<16xi32>,
          %bitcast3A_1047 = vector.bitcast %get3A_1046 : vector<16xi32> to vector<32xbf16>
          %add3A_1048 = arith.constant 64 : i32
          %add3A_1049 = arith.addi %add3A_1048, %add3A_1009 : i32
          %get3A_1050 = arith.index_cast %add3A_1049 : i32 to index
          %get3A_1051 = arith.constant 32 : index
          %get3A_1052 = tpu.vector_load %arg8[%get3A_1050, %get3A_1051] {strides = array<i32>} : memref<128x128xi32, #tpu.memory_space<vmem>>, vector<16xi32>,
          %bitcast3A_1053 = vector.bitcast %get3A_1052 : vector<16xi32> to vector<32xbf16>
          %mul3A_1054 = arith.mulf %bitcast3A_1047, %bitcast3A_1053 : vector<32xbf16>
          %unpack3A_1055 = tpu.unpack_subelements %mul3A_1054, 0 {pack_format = #tpu.pack_format<interleaved>} : vector<32xbf16> -> vector<16xf32>
          %unpack3A_1056 = tpu.unpack_subelements %mul3A_1054, 1 {pack_format = #tpu.pack_format<interleaved>} : vector<32xbf16> -> vector<16xf32>
          %add3A_1057 = arith.addf %add3A_1042, %unpack3A_1055 : vector<16xf32>
          %add3A_1058 = arith.addf %add3A_1043, %unpack3A_1056 : vector<16xf32>
          %get3A_1059 = arith.index_cast %add3A_1009 : i32 to index
          %get3A_1060 = arith.constant 48 : index
          %get3A_1061 = tpu.vector_load %arg8[%get3A_1059, %get3A_1060] {strides = array<i32>} : memref<128x128xi32, #tpu.memory_space<vmem>>, vector<16xi32>,
          %bitcast3A_1062 = vector.bitcast %get3A_1061 : vector<16xi32> to vector<32xbf16>
          %add3A_1063 = arith.constant 64 : i32
          %add3A_1064 = arith.addi %add3A_1063, %add3A_1009 : i32
          %get3A_1065 = arith.index_cast %add3A_1064 : i32 to index
          %get3A_1066 = arith.constant 48 : index
          %get3A_1067 = tpu.vector_load %arg8[%get3A_1065, %get3A_1066] {strides = array<i32>} : memref<128x128xi32, #tpu.memory_space<vmem>>, vector<16xi32>,
          %bitcast3A_1068 = vector.bitcast %get3A_1067 : vector<16xi32> to vector<32xbf16>
          %mul3A_1069 = arith.mulf %bitcast3A_1062, %bitcast3A_1068 : vector<32xbf16>
          %unpack3A_1070 = tpu.unpack_subelements %mul3A_1069, 0 {pack_format = #tpu.pack_format<interleaved>} : vector<32xbf16> -> vector<16xf32>
          %unpack3A_1071 = tpu.unpack_subelements %mul3A_1069, 1 {pack_format = #tpu.pack_format<interleaved>} : vector<32xbf16> -> vector<16xf32>
          %add3A_1072 = arith.addf %add3A_1057, %unpack3A_1070 : vector<16xf32>
          %add3A_1073 = arith.addf %add3A_1058, %unpack3A_1071 : vector<16xf32>
          %add3A_1074 = arith.addf %add3A_1072, %add3A_1073 : vector<16xf32>
          %swap3A_1075 = arith.constant 12 : i32
          %swap3A_1076 = arith.index_cast %swap3A_1075 : i32 to index
          %swap3A_1077 = arith.constant 0 : index
          %swap3A_1078 = tpu.vector_load %arg11[%swap3A_1076, %swap3A_1077] {strides = array<i32>} : memref<16x24xf32, #tpu.memory_space<vmem>>, vector<16xf32>,
          tpu.vector_store %arg11[%swap3A_1076, %swap3A_1077], %add3A_1074 {strides = array<i32>} : memref<16x24xf32, #tpu.memory_space<vmem>>, vector<16xf32>,
          %mul3A_1079 = arith.constant 16 : i32
          %mul3A_1080 = arith.muli %scan3A_133, %mul3A_1079 : i32
          %add3A_1081 = arith.constant 13 : i32
          %add3A_1082 = arith.addi %mul3A_1080, %add3A_1081 : i32
          %broadcast_in_dim3A_1083 = arith.constant 0.000000e+00 : f32
          %broadcast_in_dim3A_1084 = vector.broadcast %broadcast_in_dim3A_1083 : f32 to vector<16xf32>
          %broadcast_in_dim3A_1085 = arith.constant 0.000000e+00 : f32
          %broadcast_in_dim3A_1086 = vector.broadcast %broadcast_in_dim3A_1085 : f32 to vector<16xf32>
          %get3A_1087 = arith.index_cast %add3A_1082 : i32 to index
          %get3A_1088 = arith.constant 0 : index
          %get3A_1089 = tpu.vector_load %arg8[%get3A_1087, %get3A_1088] {strides = array<i32>} : memref<128x128xi32, #tpu.memory_space<vmem>>, vector<16xi32>,
          %bitcast3A_1090 = vector.bitcast %get3A_1089 : vector<16xi32> to vector<32xbf16>
          %add3A_1091 = arith.constant 64 : i32
          %add3A_1092 = arith.addi %add3A_1091, %add3A_1082 : i32
          %get3A_1093 = arith.index_cast %add3A_1092 : i32 to index
          %get3A_1094 = arith.constant 0 : index
          %get3A_1095 = tpu.vector_load %arg8[%get3A_1093, %get3A_1094] {strides = array<i32>} : memref<128x128xi32, #tpu.memory_space<vmem>>, vector<16xi32>,
          %bitcast3A_1096 = vector.bitcast %get3A_1095 : vector<16xi32> to vector<32xbf16>
          %mul3A_1097 = arith.mulf %bitcast3A_1090, %bitcast3A_1096 : vector<32xbf16>
          %unpack3A_1098 = tpu.unpack_subelements %mul3A_1097, 0 {pack_format = #tpu.pack_format<interleaved>} : vector<32xbf16> -> vector<16xf32>
          %unpack3A_1099 = tpu.unpack_subelements %mul3A_1097, 1 {pack_format = #tpu.pack_format<interleaved>} : vector<32xbf16> -> vector<16xf32>
          %add3A_1100 = arith.addf %broadcast_in_dim3A_1084, %unpack3A_1098 : vector<16xf32>
          %add3A_1101 = arith.addf %broadcast_in_dim3A_1086, %unpack3A_1099 : vector<16xf32>
          %get3A_1102 = arith.index_cast %add3A_1082 : i32 to index
          %get3A_1103 = arith.constant 16 : index
          %get3A_1104 = tpu.vector_load %arg8[%get3A_1102, %get3A_1103] {strides = array<i32>} : memref<128x128xi32, #tpu.memory_space<vmem>>, vector<16xi32>,
          %bitcast3A_1105 = vector.bitcast %get3A_1104 : vector<16xi32> to vector<32xbf16>
          %add3A_1106 = arith.constant 64 : i32
          %add3A_1107 = arith.addi %add3A_1106, %add3A_1082 : i32
          %get3A_1108 = arith.index_cast %add3A_1107 : i32 to index
          %get3A_1109 = arith.constant 16 : index
          %get3A_1110 = tpu.vector_load %arg8[%get3A_1108, %get3A_1109] {strides = array<i32>} : memref<128x128xi32, #tpu.memory_space<vmem>>, vector<16xi32>,
          %bitcast3A_1111 = vector.bitcast %get3A_1110 : vector<16xi32> to vector<32xbf16>
          %mul3A_1112 = arith.mulf %bitcast3A_1105, %bitcast3A_1111 : vector<32xbf16>
          %unpack3A_1113 = tpu.unpack_subelements %mul3A_1112, 0 {pack_format = #tpu.pack_format<interleaved>} : vector<32xbf16> -> vector<16xf32>
          %unpack3A_1114 = tpu.unpack_subelements %mul3A_1112, 1 {pack_format = #tpu.pack_format<interleaved>} : vector<32xbf16> -> vector<16xf32>
          %add3A_1115 = arith.addf %add3A_1100, %unpack3A_1113 : vector<16xf32>
          %add3A_1116 = arith.addf %add3A_1101, %unpack3A_1114 : vector<16xf32>
          %get3A_1117 = arith.index_cast %add3A_1082 : i32 to index
          %get3A_1118 = arith.constant 32 : index
          %get3A_1119 = tpu.vector_load %arg8[%get3A_1117, %get3A_1118] {strides = array<i32>} : memref<128x128xi32, #tpu.memory_space<vmem>>, vector<16xi32>,
          %bitcast3A_1120 = vector.bitcast %get3A_1119 : vector<16xi32> to vector<32xbf16>
          %add3A_1121 = arith.constant 64 : i32
          %add3A_1122 = arith.addi %add3A_1121, %add3A_1082 : i32
          %get3A_1123 = arith.index_cast %add3A_1122 : i32 to index
          %get3A_1124 = arith.constant 32 : index
          %get3A_1125 = tpu.vector_load %arg8[%get3A_1123, %get3A_1124] {strides = array<i32>} : memref<128x128xi32, #tpu.memory_space<vmem>>, vector<16xi32>,
          %bitcast3A_1126 = vector.bitcast %get3A_1125 : vector<16xi32> to vector<32xbf16>
          %mul3A_1127 = arith.mulf %bitcast3A_1120, %bitcast3A_1126 : vector<32xbf16>
          %unpack3A_1128 = tpu.unpack_subelements %mul3A_1127, 0 {pack_format = #tpu.pack_format<interleaved>} : vector<32xbf16> -> vector<16xf32>
          %unpack3A_1129 = tpu.unpack_subelements %mul3A_1127, 1 {pack_format = #tpu.pack_format<interleaved>} : vector<32xbf16> -> vector<16xf32>
          %add3A_1130 = arith.addf %add3A_1115, %unpack3A_1128 : vector<16xf32>
          %add3A_1131 = arith.addf %add3A_1116, %unpack3A_1129 : vector<16xf32>
          %get3A_1132 = arith.index_cast %add3A_1082 : i32 to index
          %get3A_1133 = arith.constant 48 : index
          %get3A_1134 = tpu.vector_load %arg8[%get3A_1132, %get3A_1133] {strides = array<i32>} : memref<128x128xi32, #tpu.memory_space<vmem>>, vector<16xi32>,
          %bitcast3A_1135 = vector.bitcast %get3A_1134 : vector<16xi32> to vector<32xbf16>
          %add3A_1136 = arith.constant 64 : i32
          %add3A_1137 = arith.addi %add3A_1136, %add3A_1082 : i32
          %get3A_1138 = arith.index_cast %add3A_1137 : i32 to index
          %get3A_1139 = arith.constant 48 : index
          %get3A_1140 = tpu.vector_load %arg8[%get3A_1138, %get3A_1139] {strides = array<i32>} : memref<128x128xi32, #tpu.memory_space<vmem>>, vector<16xi32>,
          %bitcast3A_1141 = vector.bitcast %get3A_1140 : vector<16xi32> to vector<32xbf16>
          %mul3A_1142 = arith.mulf %bitcast3A_1135, %bitcast3A_1141 : vector<32xbf16>
          %unpack3A_1143 = tpu.unpack_subelements %mul3A_1142, 0 {pack_format = #tpu.pack_format<interleaved>} : vector<32xbf16> -> vector<16xf32>
          %unpack3A_1144 = tpu.unpack_subelements %mul3A_1142, 1 {pack_format = #tpu.pack_format<interleaved>} : vector<32xbf16> -> vector<16xf32>
          %add3A_1145 = arith.addf %add3A_1130, %unpack3A_1143 : vector<16xf32>
          %add3A_1146 = arith.addf %add3A_1131, %unpack3A_1144 : vector<16xf32>
          %add3A_1147 = arith.addf %add3A_1145, %add3A_1146 : vector<16xf32>
          %swap3A_1148 = arith.constant 13 : i32
          %swap3A_1149 = arith.index_cast %swap3A_1148 : i32 to index
          %swap3A_1150 = arith.constant 0 : index
          %swap3A_1151 = tpu.vector_load %arg11[%swap3A_1149, %swap3A_1150] {strides = array<i32>} : memref<16x24xf32, #tpu.memory_space<vmem>>, vector<16xf32>,
          tpu.vector_store %arg11[%swap3A_1149, %swap3A_1150], %add3A_1147 {strides = array<i32>} : memref<16x24xf32, #tpu.memory_space<vmem>>, vector<16xf32>,
          %mul3A_1152 = arith.constant 16 : i32
          %mul3A_1153 = arith.muli %scan3A_133, %mul3A_1152 : i32
          %add3A_1154 = arith.constant 14 : i32
          %add3A_1155 = arith.addi %mul3A_1153, %add3A_1154 : i32
          %broadcast_in_dim3A_1156 = arith.constant 0.000000e+00 : f32
          %broadcast_in_dim3A_1157 = vector.broadcast %broadcast_in_dim3A_1156 : f32 to vector<16xf32>
          %broadcast_in_dim3A_1158 = arith.constant 0.000000e+00 : f32
          %broadcast_in_dim3A_1159 = vector.broadcast %broadcast_in_dim3A_1158 : f32 to vector<16xf32>
          %get3A_1160 = arith.index_cast %add3A_1155 : i32 to index
          %get3A_1161 = arith.constant 0 : index
          %get3A_1162 = tpu.vector_load %arg8[%get3A_1160, %get3A_1161] {strides = array<i32>} : memref<128x128xi32, #tpu.memory_space<vmem>>, vector<16xi32>,
          %bitcast3A_1163 = vector.bitcast %get3A_1162 : vector<16xi32> to vector<32xbf16>
          %add3A_1164 = arith.constant 64 : i32
          %add3A_1165 = arith.addi %add3A_1164, %add3A_1155 : i32
          %get3A_1166 = arith.index_cast %add3A_1165 : i32 to index
          %get3A_1167 = arith.constant 0 : index
          %get3A_1168 = tpu.vector_load %arg8[%get3A_1166, %get3A_1167] {strides = array<i32>} : memref<128x128xi32, #tpu.memory_space<vmem>>, vector<16xi32>,
          %bitcast3A_1169 = vector.bitcast %get3A_1168 : vector<16xi32> to vector<32xbf16>
          %mul3A_1170 = arith.mulf %bitcast3A_1163, %bitcast3A_1169 : vector<32xbf16>
          %unpack3A_1171 = tpu.unpack_subelements %mul3A_1170, 0 {pack_format = #tpu.pack_format<interleaved>} : vector<32xbf16> -> vector<16xf32>
          %unpack3A_1172 = tpu.unpack_subelements %mul3A_1170, 1 {pack_format = #tpu.pack_format<interleaved>} : vector<32xbf16> -> vector<16xf32>
          %add3A_1173 = arith.addf %broadcast_in_dim3A_1157, %unpack3A_1171 : vector<16xf32>
          %add3A_1174 = arith.addf %broadcast_in_dim3A_1159, %unpack3A_1172 : vector<16xf32>
          %get3A_1175 = arith.index_cast %add3A_1155 : i32 to index
          %get3A_1176 = arith.constant 16 : index
          %get3A_1177 = tpu.vector_load %arg8[%get3A_1175, %get3A_1176] {strides = array<i32>} : memref<128x128xi32, #tpu.memory_space<vmem>>, vector<16xi32>,
          %bitcast3A_1178 = vector.bitcast %get3A_1177 : vector<16xi32> to vector<32xbf16>
          %add3A_1179 = arith.constant 64 : i32
          %add3A_1180 = arith.addi %add3A_1179, %add3A_1155 : i32
          %get3A_1181 = arith.index_cast %add3A_1180 : i32 to index
          %get3A_1182 = arith.constant 16 : index
          %get3A_1183 = tpu.vector_load %arg8[%get3A_1181, %get3A_1182] {strides = array<i32>} : memref<128x128xi32, #tpu.memory_space<vmem>>, vector<16xi32>,
          %bitcast3A_1184 = vector.bitcast %get3A_1183 : vector<16xi32> to vector<32xbf16>
          %mul3A_1185 = arith.mulf %bitcast3A_1178, %bitcast3A_1184 : vector<32xbf16>
          %unpack3A_1186 = tpu.unpack_subelements %mul3A_1185, 0 {pack_format = #tpu.pack_format<interleaved>} : vector<32xbf16> -> vector<16xf32>
          %unpack3A_1187 = tpu.unpack_subelements %mul3A_1185, 1 {pack_format = #tpu.pack_format<interleaved>} : vector<32xbf16> -> vector<16xf32>
          %add3A_1188 = arith.addf %add3A_1173, %unpack3A_1186 : vector<16xf32>
          %add3A_1189 = arith.addf %add3A_1174, %unpack3A_1187 : vector<16xf32>
          %get3A_1190 = arith.index_cast %add3A_1155 : i32 to index
          %get3A_1191 = arith.constant 32 : index
          %get3A_1192 = tpu.vector_load %arg8[%get3A_1190, %get3A_1191] {strides = array<i32>} : memref<128x128xi32, #tpu.memory_space<vmem>>, vector<16xi32>,
          %bitcast3A_1193 = vector.bitcast %get3A_1192 : vector<16xi32> to vector<32xbf16>
          %add3A_1194 = arith.constant 64 : i32
          %add3A_1195 = arith.addi %add3A_1194, %add3A_1155 : i32
          %get3A_1196 = arith.index_cast %add3A_1195 : i32 to index
          %get3A_1197 = arith.constant 32 : index
          %get3A_1198 = tpu.vector_load %arg8[%get3A_1196, %get3A_1197] {strides = array<i32>} : memref<128x128xi32, #tpu.memory_space<vmem>>, vector<16xi32>,
          %bitcast3A_1199 = vector.bitcast %get3A_1198 : vector<16xi32> to vector<32xbf16>
          %mul3A_1200 = arith.mulf %bitcast3A_1193, %bitcast3A_1199 : vector<32xbf16>
          %unpack3A_1201 = tpu.unpack_subelements %mul3A_1200, 0 {pack_format = #tpu.pack_format<interleaved>} : vector<32xbf16> -> vector<16xf32>
          %unpack3A_1202 = tpu.unpack_subelements %mul3A_1200, 1 {pack_format = #tpu.pack_format<interleaved>} : vector<32xbf16> -> vector<16xf32>
          %add3A_1203 = arith.addf %add3A_1188, %unpack3A_1201 : vector<16xf32>
          %add3A_1204 = arith.addf %add3A_1189, %unpack3A_1202 : vector<16xf32>
          %get3A_1205 = arith.index_cast %add3A_1155 : i32 to index
          %get3A_1206 = arith.constant 48 : index
          %get3A_1207 = tpu.vector_load %arg8[%get3A_1205, %get3A_1206] {strides = array<i32>} : memref<128x128xi32, #tpu.memory_space<vmem>>, vector<16xi32>,
          %bitcast3A_1208 = vector.bitcast %get3A_1207 : vector<16xi32> to vector<32xbf16>
          %add3A_1209 = arith.constant 64 : i32
          %add3A_1210 = arith.addi %add3A_1209, %add3A_1155 : i32
          %get3A_1211 = arith.index_cast %add3A_1210 : i32 to index
          %get3A_1212 = arith.constant 48 : index
          %get3A_1213 = tpu.vector_load %arg8[%get3A_1211, %get3A_1212] {strides = array<i32>} : memref<128x128xi32, #tpu.memory_space<vmem>>, vector<16xi32>,
          %bitcast3A_1214 = vector.bitcast %get3A_1213 : vector<16xi32> to vector<32xbf16>
          %mul3A_1215 = arith.mulf %bitcast3A_1208, %bitcast3A_1214 : vector<32xbf16>
          %unpack3A_1216 = tpu.unpack_subelements %mul3A_1215, 0 {pack_format = #tpu.pack_format<interleaved>} : vector<32xbf16> -> vector<16xf32>
          %unpack3A_1217 = tpu.unpack_subelements %mul3A_1215, 1 {pack_format = #tpu.pack_format<interleaved>} : vector<32xbf16> -> vector<16xf32>
          %add3A_1218 = arith.addf %add3A_1203, %unpack3A_1216 : vector<16xf32>
          %add3A_1219 = arith.addf %add3A_1204, %unpack3A_1217 : vector<16xf32>
          %add3A_1220 = arith.addf %add3A_1218, %add3A_1219 : vector<16xf32>
          %swap3A_1221 = arith.constant 14 : i32
          %swap3A_1222 = arith.index_cast %swap3A_1221 : i32 to index
          %swap3A_1223 = arith.constant 0 : index
          %swap3A_1224 = tpu.vector_load %arg11[%swap3A_1222, %swap3A_1223] {strides = array<i32>} : memref<16x24xf32, #tpu.memory_space<vmem>>, vector<16xf32>,
          tpu.vector_store %arg11[%swap3A_1222, %swap3A_1223], %add3A_1220 {strides = array<i32>} : memref<16x24xf32, #tpu.memory_space<vmem>>, vector<16xf32>,
          %mul3A_1225 = arith.constant 16 : i32
          %mul3A_1226 = arith.muli %scan3A_133, %mul3A_1225 : i32
          %add3A_1227 = arith.constant 15 : i32
          %add3A_1228 = arith.addi %mul3A_1226, %add3A_1227 : i32
          %broadcast_in_dim3A_1229 = arith.constant 0.000000e+00 : f32
          %broadcast_in_dim3A_1230 = vector.broadcast %broadcast_in_dim3A_1229 : f32 to vector<16xf32>
          %broadcast_in_dim3A_1231 = arith.constant 0.000000e+00 : f32
          %broadcast_in_dim3A_1232 = vector.broadcast %broadcast_in_dim3A_1231 : f32 to vector<16xf32>
          %get3A_1233 = arith.index_cast %add3A_1228 : i32 to index
          %get3A_1234 = arith.constant 0 : index
          %get3A_1235 = tpu.vector_load %arg8[%get3A_1233, %get3A_1234] {strides = array<i32>} : memref<128x128xi32, #tpu.memory_space<vmem>>, vector<16xi32>,
          %bitcast3A_1236 = vector.bitcast %get3A_1235 : vector<16xi32> to vector<32xbf16>
          %add3A_1237 = arith.constant 64 : i32
          %add3A_1238 = arith.addi %add3A_1237, %add3A_1228 : i32
          %get3A_1239 = arith.index_cast %add3A_1238 : i32 to index
          %get3A_1240 = arith.constant 0 : index
          %get3A_1241 = tpu.vector_load %arg8[%get3A_1239, %get3A_1240] {strides = array<i32>} : memref<128x128xi32, #tpu.memory_space<vmem>>, vector<16xi32>,
          %bitcast3A_1242 = vector.bitcast %get3A_1241 : vector<16xi32> to vector<32xbf16>
          %mul3A_1243 = arith.mulf %bitcast3A_1236, %bitcast3A_1242 : vector<32xbf16>
          %unpack3A_1244 = tpu.unpack_subelements %mul3A_1243, 0 {pack_format = #tpu.pack_format<interleaved>} : vector<32xbf16> -> vector<16xf32>
          %unpack3A_1245 = tpu.unpack_subelements %mul3A_1243, 1 {pack_format = #tpu.pack_format<interleaved>} : vector<32xbf16> -> vector<16xf32>
          %add3A_1246 = arith.addf %broadcast_in_dim3A_1230, %unpack3A_1244 : vector<16xf32>
          %add3A_1247 = arith.addf %broadcast_in_dim3A_1232, %unpack3A_1245 : vector<16xf32>
          %get3A_1248 = arith.index_cast %add3A_1228 : i32 to index
          %get3A_1249 = arith.constant 16 : index
          %get3A_1250 = tpu.vector_load %arg8[%get3A_1248, %get3A_1249] {strides = array<i32>} : memref<128x128xi32, #tpu.memory_space<vmem>>, vector<16xi32>,
          %bitcast3A_1251 = vector.bitcast %get3A_1250 : vector<16xi32> to vector<32xbf16>
          %add3A_1252 = arith.constant 64 : i32
          %add3A_1253 = arith.addi %add3A_1252, %add3A_1228 : i32
          %get3A_1254 = arith.index_cast %add3A_1253 : i32 to index
          %get3A_1255 = arith.constant 16 : index
          %get3A_1256 = tpu.vector_load %arg8[%get3A_1254, %get3A_1255] {strides = array<i32>} : memref<128x128xi32, #tpu.memory_space<vmem>>, vector<16xi32>,
          %bitcast3A_1257 = vector.bitcast %get3A_1256 : vector<16xi32> to vector<32xbf16>
          %mul3A_1258 = arith.mulf %bitcast3A_1251, %bitcast3A_1257 : vector<32xbf16>
          %unpack3A_1259 = tpu.unpack_subelements %mul3A_1258, 0 {pack_format = #tpu.pack_format<interleaved>} : vector<32xbf16> -> vector<16xf32>
          %unpack3A_1260 = tpu.unpack_subelements %mul3A_1258, 1 {pack_format = #tpu.pack_format<interleaved>} : vector<32xbf16> -> vector<16xf32>
          %add3A_1261 = arith.addf %add3A_1246, %unpack3A_1259 : vector<16xf32>
          %add3A_1262 = arith.addf %add3A_1247, %unpack3A_1260 : vector<16xf32>
          %get3A_1263 = arith.index_cast %add3A_1228 : i32 to index
          %get3A_1264 = arith.constant 32 : index
          %get3A_1265 = tpu.vector_load %arg8[%get3A_1263, %get3A_1264] {strides = array<i32>} : memref<128x128xi32, #tpu.memory_space<vmem>>, vector<16xi32>,
          %bitcast3A_1266 = vector.bitcast %get3A_1265 : vector<16xi32> to vector<32xbf16>
          %add3A_1267 = arith.constant 64 : i32
          %add3A_1268 = arith.addi %add3A_1267, %add3A_1228 : i32
          %get3A_1269 = arith.index_cast %add3A_1268 : i32 to index
          %get3A_1270 = arith.constant 32 : index
          %get3A_1271 = tpu.vector_load %arg8[%get3A_1269, %get3A_1270] {strides = array<i32>} : memref<128x128xi32, #tpu.memory_space<vmem>>, vector<16xi32>,
          %bitcast3A_1272 = vector.bitcast %get3A_1271 : vector<16xi32> to vector<32xbf16>
          %mul3A_1273 = arith.mulf %bitcast3A_1266, %bitcast3A_1272 : vector<32xbf16>
          %unpack3A_1274 = tpu.unpack_subelements %mul3A_1273, 0 {pack_format = #tpu.pack_format<interleaved>} : vector<32xbf16> -> vector<16xf32>
          %unpack3A_1275 = tpu.unpack_subelements %mul3A_1273, 1 {pack_format = #tpu.pack_format<interleaved>} : vector<32xbf16> -> vector<16xf32>
          %add3A_1276 = arith.addf %add3A_1261, %unpack3A_1274 : vector<16xf32>
          %add3A_1277 = arith.addf %add3A_1262, %unpack3A_1275 : vector<16xf32>
          %get3A_1278 = arith.index_cast %add3A_1228 : i32 to index
          %get3A_1279 = arith.constant 48 : index
          %get3A_1280 = tpu.vector_load %arg8[%get3A_1278, %get3A_1279] {strides = array<i32>} : memref<128x128xi32, #tpu.memory_space<vmem>>, vector<16xi32>,
          %bitcast3A_1281 = vector.bitcast %get3A_1280 : vector<16xi32> to vector<32xbf16>
          %add3A_1282 = arith.constant 64 : i32
          %add3A_1283 = arith.addi %add3A_1282, %add3A_1228 : i32
          %get3A_1284 = arith.index_cast %add3A_1283 : i32 to index
          %get3A_1285 = arith.constant 48 : index
          %get3A_1286 = tpu.vector_load %arg8[%get3A_1284, %get3A_1285] {strides = array<i32>} : memref<128x128xi32, #tpu.memory_space<vmem>>, vector<16xi32>,
          %bitcast3A_1287 = vector.bitcast %get3A_1286 : vector<16xi32> to vector<32xbf16>
          %mul3A_1288 = arith.mulf %bitcast3A_1281, %bitcast3A_1287 : vector<32xbf16>
          %unpack3A_1289 = tpu.unpack_subelements %mul3A_1288, 0 {pack_format = #tpu.pack_format<interleaved>} : vector<32xbf16> -> vector<16xf32>
          %unpack3A_1290 = tpu.unpack_subelements %mul3A_1288, 1 {pack_format = #tpu.pack_format<interleaved>} : vector<32xbf16> -> vector<16xf32>
          %add3A_1291 = arith.addf %add3A_1276, %unpack3A_1289 : vector<16xf32>
          %add3A_1292 = arith.addf %add3A_1277, %unpack3A_1290 : vector<16xf32>
          %add3A_1293 = arith.addf %add3A_1291, %add3A_1292 : vector<16xf32>
          %swap3A_1294 = arith.constant 15 : i32
          %swap3A_1295 = arith.index_cast %swap3A_1294 : i32 to index
          %swap3A_1296 = arith.constant 0 : index
          %swap3A_1297 = tpu.vector_load %arg11[%swap3A_1295, %swap3A_1296] {strides = array<i32>} : memref<16x24xf32, #tpu.memory_space<vmem>>, vector<16xf32>,
          tpu.vector_store %arg11[%swap3A_1295, %swap3A_1296], %add3A_1293 {strides = array<i32>} : memref<16x24xf32, #tpu.memory_space<vmem>>, vector<16xf32>,
          %broadcast_in_dim3A_1298 = arith.constant 0.000000e+00 : f32
          %broadcast_in_dim3A_1299 = vector.broadcast %broadcast_in_dim3A_1298 : f32 to vector<16xf32>
          %broadcast_in_dim3A_1300 = arith.constant 0.000000e+00 : f32
          %broadcast_in_dim3A_1301 = vector.broadcast %broadcast_in_dim3A_1300 : f32 to vector<16xf32>
          %broadcast_in_dim3A_1302 = arith.constant 0.000000e+00 : f32
          %broadcast_in_dim3A_1303 = vector.broadcast %broadcast_in_dim3A_1302 : f32 to vector<16xf32>
          %broadcast_in_dim3A_1304 = arith.constant 0.000000e+00 : f32
          %broadcast_in_dim3A_1305 = vector.broadcast %broadcast_in_dim3A_1304 : f32 to vector<16xf32>
          %broadcast_in_dim3A_1306 = arith.constant 0 : i32
          %broadcast_in_dim3A_1307 = vector.broadcast %broadcast_in_dim3A_1306 : i32 to vector<16xi32>
          %gather3A = tpu.vector_load_idx %arg11[%iota3A, %broadcast_in_dim3A_1307] : memref<16x24xf32, #tpu.memory_space<vmem>>[vector<16xi32>, vector<16xi32>], vector<16xf32>,
          %add3A_1308 = arith.addf %broadcast_in_dim3A_1299, %gather3A : vector<16xf32>
          %broadcast_in_dim3A_1309 = arith.constant 1 : i32
          %broadcast_in_dim3A_1310 = vector.broadcast %broadcast_in_dim3A_1309 : i32 to vector<16xi32>
          %gather3A_1311 = tpu.vector_load_idx %arg11[%iota3A, %broadcast_in_dim3A_1310] : memref<16x24xf32, #tpu.memory_space<vmem>>[vector<16xi32>, vector<16xi32>], vector<16xf32>,
          %add3A_1312 = arith.addf %broadcast_in_dim3A_1301, %gather3A_1311 : vector<16xf32>
          %broadcast_in_dim3A_1313 = arith.constant 2 : i32
          %broadcast_in_dim3A_1314 = vector.broadcast %broadcast_in_dim3A_1313 : i32 to vector<16xi32>
          %gather3A_1315 = tpu.vector_load_idx %arg11[%iota3A, %broadcast_in_dim3A_1314] : memref<16x24xf32, #tpu.memory_space<vmem>>[vector<16xi32>, vector<16xi32>], vector<16xf32>,
          %add3A_1316 = arith.addf %broadcast_in_dim3A_1303, %gather3A_1315 : vector<16xf32>
          %broadcast_in_dim3A_1317 = arith.constant 3 : i32
          %broadcast_in_dim3A_1318 = vector.broadcast %broadcast_in_dim3A_1317 : i32 to vector<16xi32>
          %gather3A_1319 = tpu.vector_load_idx %arg11[%iota3A, %broadcast_in_dim3A_1318] : memref<16x24xf32, #tpu.memory_space<vmem>>[vector<16xi32>, vector<16xi32>], vector<16xf32>,
          %add3A_1320 = arith.addf %broadcast_in_dim3A_1305, %gather3A_1319 : vector<16xf32>
          %broadcast_in_dim3A_1321 = arith.constant 4 : i32
          %broadcast_in_dim3A_1322 = vector.broadcast %broadcast_in_dim3A_1321 : i32 to vector<16xi32>
          %gather3A_1323 = tpu.vector_load_idx %arg11[%iota3A, %broadcast_in_dim3A_1322] : memref<16x24xf32, #tpu.memory_space<vmem>>[vector<16xi32>, vector<16xi32>], vector<16xf32>,
          %add3A_1324 = arith.addf %add3A_1308, %gather3A_1323 : vector<16xf32>
          %broadcast_in_dim3A_1325 = arith.constant 5 : i32
          %broadcast_in_dim3A_1326 = vector.broadcast %broadcast_in_dim3A_1325 : i32 to vector<16xi32>
          %gather3A_1327 = tpu.vector_load_idx %arg11[%iota3A, %broadcast_in_dim3A_1326] : memref<16x24xf32, #tpu.memory_space<vmem>>[vector<16xi32>, vector<16xi32>], vector<16xf32>,
          %add3A_1328 = arith.addf %add3A_1312, %gather3A_1327 : vector<16xf32>
          %broadcast_in_dim3A_1329 = arith.constant 6 : i32
          %broadcast_in_dim3A_1330 = vector.broadcast %broadcast_in_dim3A_1329 : i32 to vector<16xi32>
          %gather3A_1331 = tpu.vector_load_idx %arg11[%iota3A, %broadcast_in_dim3A_1330] : memref<16x24xf32, #tpu.memory_space<vmem>>[vector<16xi32>, vector<16xi32>], vector<16xf32>,
          %add3A_1332 = arith.addf %add3A_1316, %gather3A_1331 : vector<16xf32>
          %broadcast_in_dim3A_1333 = arith.constant 7 : i32
          %broadcast_in_dim3A_1334 = vector.broadcast %broadcast_in_dim3A_1333 : i32 to vector<16xi32>
          %gather3A_1335 = tpu.vector_load_idx %arg11[%iota3A, %broadcast_in_dim3A_1334] : memref<16x24xf32, #tpu.memory_space<vmem>>[vector<16xi32>, vector<16xi32>], vector<16xf32>,
          %add3A_1336 = arith.addf %add3A_1320, %gather3A_1335 : vector<16xf32>
          %broadcast_in_dim3A_1337 = arith.constant 8 : i32
          %broadcast_in_dim3A_1338 = vector.broadcast %broadcast_in_dim3A_1337 : i32 to vector<16xi32>
          %gather3A_1339 = tpu.vector_load_idx %arg11[%iota3A, %broadcast_in_dim3A_1338] : memref<16x24xf32, #tpu.memory_space<vmem>>[vector<16xi32>, vector<16xi32>], vector<16xf32>,
          %add3A_1340 = arith.addf %add3A_1324, %gather3A_1339 : vector<16xf32>
          %broadcast_in_dim3A_1341 = arith.constant 9 : i32
          %broadcast_in_dim3A_1342 = vector.broadcast %broadcast_in_dim3A_1341 : i32 to vector<16xi32>
          %gather3A_1343 = tpu.vector_load_idx %arg11[%iota3A, %broadcast_in_dim3A_1342] : memref<16x24xf32, #tpu.memory_space<vmem>>[vector<16xi32>, vector<16xi32>], vector<16xf32>,
          %add3A_1344 = arith.addf %add3A_1328, %gather3A_1343 : vector<16xf32>
          %broadcast_in_dim3A_1345 = arith.constant 10 : i32
          %broadcast_in_dim3A_1346 = vector.broadcast %broadcast_in_dim3A_1345 : i32 to vector<16xi32>
          %gather3A_1347 = tpu.vector_load_idx %arg11[%iota3A, %broadcast_in_dim3A_1346] : memref<16x24xf32, #tpu.memory_space<vmem>>[vector<16xi32>, vector<16xi32>], vector<16xf32>,
          %add3A_1348 = arith.addf %add3A_1332, %gather3A_1347 : vector<16xf32>
          %broadcast_in_dim3A_1349 = arith.constant 11 : i32
          %broadcast_in_dim3A_1350 = vector.broadcast %broadcast_in_dim3A_1349 : i32 to vector<16xi32>
          %gather3A_1351 = tpu.vector_load_idx %arg11[%iota3A, %broadcast_in_dim3A_1350] : memref<16x24xf32, #tpu.memory_space<vmem>>[vector<16xi32>, vector<16xi32>], vector<16xf32>,
          %add3A_1352 = arith.addf %add3A_1336, %gather3A_1351 : vector<16xf32>
          %broadcast_in_dim3A_1353 = arith.constant 12 : i32
          %broadcast_in_dim3A_1354 = vector.broadcast %broadcast_in_dim3A_1353 : i32 to vector<16xi32>
          %gather3A_1355 = tpu.vector_load_idx %arg11[%iota3A, %broadcast_in_dim3A_1354] : memref<16x24xf32, #tpu.memory_space<vmem>>[vector<16xi32>, vector<16xi32>], vector<16xf32>,
          %add3A_1356 = arith.addf %add3A_1340, %gather3A_1355 : vector<16xf32>
          %broadcast_in_dim3A_1357 = arith.constant 13 : i32
          %broadcast_in_dim3A_1358 = vector.broadcast %broadcast_in_dim3A_1357 : i32 to vector<16xi32>
          %gather3A_1359 = tpu.vector_load_idx %arg11[%iota3A, %broadcast_in_dim3A_1358] : memref<16x24xf32, #tpu.memory_space<vmem>>[vector<16xi32>, vector<16xi32>], vector<16xf32>,
          %add3A_1360 = arith.addf %add3A_1344, %gather3A_1359 : vector<16xf32>
          %broadcast_in_dim3A_1361 = arith.constant 14 : i32
          %broadcast_in_dim3A_1362 = vector.broadcast %broadcast_in_dim3A_1361 : i32 to vector<16xi32>
          %gather3A_1363 = tpu.vector_load_idx %arg11[%iota3A, %broadcast_in_dim3A_1362] : memref<16x24xf32, #tpu.memory_space<vmem>>[vector<16xi32>, vector<16xi32>], vector<16xf32>,
          %add3A_1364 = arith.addf %add3A_1348, %gather3A_1363 : vector<16xf32>
          %broadcast_in_dim3A_1365 = arith.constant 15 : i32
          %broadcast_in_dim3A_1366 = vector.broadcast %broadcast_in_dim3A_1365 : i32 to vector<16xi32>
          %gather3A_1367 = tpu.vector_load_idx %arg11[%iota3A, %broadcast_in_dim3A_1366] : memref<16x24xf32, #tpu.memory_space<vmem>>[vector<16xi32>, vector<16xi32>], vector<16xf32>,
          %add3A_1368 = arith.addf %add3A_1352, %gather3A_1367 : vector<16xf32>
          %add3A_1369 = arith.addf %add3A_1356, %add3A_1360 : vector<16xf32>
          %add3A_1370 = arith.addf %add3A_1364, %add3A_1368 : vector<16xf32>
          %add3A_1371 = arith.addf %add3A_1369, %add3A_1370 : vector<16xf32>
          %mul3A_1372 = arith.constant 16 : i32
          %mul3A_1373 = arith.muli %scan3A_133, %mul3A_1372 : i32
          %swap3A_1374 = arith.index_cast %mul3A_1373 : i32 to index
          %swap3A_1375 = tpu.vector_load %arg10[%swap3A_1374] {strides = array<i32>} : memref<64xf32, #tpu.memory_space<vmem>>, vector<16xf32>,
          tpu.vector_store %arg10[%swap3A_1374], %add3A_1371 {strides = array<i32>} : memref<64xf32, #tpu.memory_space<vmem>>, vector<16xf32>,
        }
        %scan3A_125 = arith.constant 4 : i32
        %mul3A_126 = arith.constant 32 : i32
        %mul3A_127 = arith.muli %add3A_94, %mul3A_126 : i32
        %add3A_128 = arith.addi %add3A, %mul3A_127 : i32
        %mul3A_129 = arith.constant 64 : i32
        %mul3A_130 = arith.muli %add3A_128, %mul3A_129 : i32
        %dma_start3A_131 = tpu.memref_slice %arg4[%mul3A_130] : memref<320000xf32, #tpu.memory_space<hbm>> -> memref<64xf32, #tpu.memory_space<hbm>>
        %dma_start3A_132 = tpu.memref_slice %arg4[%mul3A_130] : memref<320000xf32, #tpu.memory_space<hbm>> -> memref<64xf32, #tpu.memory_space<hbm>>
        tpu.enqueue_dma source(%arg10 : memref<64xf32, #tpu.memory_space<vmem>>) target(%dma_start3A_132 : memref<64xf32, #tpu.memory_space<hbm>>) target_semaphore(%arg18 : memref<!tpu.dma_semaphore, #tpu.memory_space<semaphore_mem>>)
      } else {
      }
    }
    %dma_wait3A = arith.constant 0 : i32
    %dma_wait3A_76 = tpu.memref_slice %arg4[%dma_wait3A] : memref<320000xf32, #tpu.memory_space<hbm>> -> memref<64xf32, #tpu.memory_space<hbm>>
    %dma_wait3A_77 = arith.constant 0 : i32
    %dma_wait3A_78 = tpu.memref_slice %arg4[%dma_wait3A_77] : memref<320000xf32, #tpu.memory_space<hbm>> -> memref<64xf32, #tpu.memory_space<hbm>>
    tpu.wait_dma2 semaphore(%arg17 : memref<!tpu.dma_semaphore, #tpu.memory_space<semaphore_mem>>) src(%arg9 : memref<64xf32, #tpu.memory_space<vmem>>) dst(%dma_wait3A_78 : memref<64xf32, #tpu.memory_space<hbm>>)
    %dma_wait3A_79 = arith.constant 0 : i32
    %dma_wait3A_80 = tpu.memref_slice %arg4[%dma_wait3A_79] : memref<320000xf32, #tpu.memory_space<hbm>> -> memref<64xf32, #tpu.memory_space<hbm>>
    %dma_wait3A_81 = arith.constant 0 : i32
    %dma_wait3A_82 = tpu.memref_slice %arg4[%dma_wait3A_81] : memref<320000xf32, #tpu.memory_space<hbm>> -> memref<64xf32, #tpu.memory_space<hbm>>
    tpu.wait_dma2 semaphore(%arg18 : memref<!tpu.dma_semaphore, #tpu.memory_space<semaphore_mem>>) src(%arg10 : memref<64xf32, #tpu.memory_space<vmem>>) dst(%dma_wait3A_82 : memref<64xf32, #tpu.memory_space<hbm>>)
    return
  }
}

</mosaic_0001>

<sc_bundles>
// kernel: kernel.3.cloned.1.call-start
scs
__scs_entry_jumppad:
0x0: {  	(pc) =	sbr.rel $0x88, $3  }
0x1: {  	(tag) =	ssettag $0x0;
	lr =	simm.s32 $0x1  }
0x2: {  	[smem:$0x3F9F] =	sst lr;
	_ =	strace $0xD0000000  }
0x3: {  	_ = 	snop  }
0x4: {  	_ = 	snop  }
0x5: {  	_ = 	snop  }
0x6: {  	_ = 	snop  }
0x7: {  	_ = 	snop  }
__scs_overlays_trampoline_lowered:
0x8: {  	[smem:$0x3FAE] =	sst s0  }
0x9: {  	[smem:$0x3FAF] =	sst s1  }
0xa: {  	[smem:$0x3FB0] =	sst s2  }
0xb: {  	[smem:$0x3FB1] =	sst s3  }
0xc: {  	[smem:$0x3FB2] =	sst s4  }
0xd: {  	[smem:$0x3FB3] =	sst s5  }
0xe: {  	[smem:$0x3FB4] =	sst s6  }
0xf: {  	[smem:$0x3FB5] =	sst s7  }
0x10: {  	[smem:$0x3FB6] =	sst s8  }
0x11: {  	[smem:$0x3FB7] =	sst s9;
	s0 =	simm.s32 @!p0 $0x0  }
0x12: {  	s1 =	sld [smem:$0x3F9D];
	s0 =	simm.s32 @p0 $0x1  }
0x13: {  	[smem:$0x3FB8] =	sst s0;
	s0 =	simm.s32 @!p1 $0x0  }
0x14: {  	s2 =	sld [smem:$0x3F9C];
	s0 =	simm.s32 @p1 $0x1  }
0x15: {  	[smem:$0x3FB9] =	sst s0;
	s0 =	simm.s32 @!p2 $0x0  }
0x16: {  	s3 =	sld [smem:$0x3FDB];
	s0 =	simm.s32 @p2 $0x1  }
0x17: {  	s4 =	simm.s32 $0x1BF5;
	[smem:$0x3FBB] =	sst s0  }
0x18: {  	s0 =	sld [smem:$0x3F9E];
	_ =	swait.ge [sflag:s4], $0x0  }
0x19: {  	s7 =	sld [smem:$0x3F9F]  }
0x1a: {  	s8 =	sadd.s32 $0xFFFFE003, lr  }
0x1b: {  	s9 =	sadd.s32 $0xFFFFFEF7, lr;
	s5 =	simm.s32 $0xFFFFFFFF;
	p2 =	slt.u32 s8, $0xFFFFF086  }
0x1c: {  	p1 =	slt.u32 s9, $0xF7A;
	s5 =	simm.s32 @!p2 $0x0  }
0x1d: {  	s5 =	simm.s32 @p1 $0x1;
	p0 =	seq.s32 s7, s2  }
0x1e: {  	s7 =	smul.u32 @!p0 $0xF7A, s2;
	p2 =	seq.s32 @!p0 s5, $0x0  }
0x1f: {  	s9 =	smul.u32 $0xF7A, s1;
	s8 =	simm.s32 @!p0 $0x1BF5;
	p2 =	por !p2, p0  }
0x20: {  	[sflag:s8] =	ssyncset.s32 @!p0 $0xFFFFF086;
	s6 =	sadd.s32 @!p0 s3, s7;
	s7 =	simm.s32 @!p0 $0x108  }
0x21: {  	s3 =	sadd.s32 s3, s9;
	s6 =	sadd.s32 @!p0 $0x88, s6;
	s7 =	simm.s32 @p2 $0x1082  }
0x22: {  	[simem:s7], [sflag:s8] =	dma.local @!p0 [hbm:s6], $0xF7A  }
0x23: {  	s9 =	sor.u32 $0xD0000000, s2;
	s6 =	simm.s32 $0x108;
	_ =	swait.ge @!p0 [sflag:s8], $0x0  }
0x24: {  	s3 =	sadd.s32 $0x88, s3;
	s6 =	simm.s32 @!p1 $0x1082;
	[sflag:s4] =	ssyncset.s32 $0xFFFFF086  }
0x25: {  	[simem:s6], [sflag:s4] =	dma.local [hbm:s3], $0xF7A  }
0x26: {  	[smem:$0x3F9F] =	sst s1;
	(tag) =	ssettag s2;
	_ =	strace s9  }
0x27: {  	s1 =	sld [smem:$0x3FAF]  }
0x28: {  	s2 =	sld [smem:$0x3FB0]  }
0x29: {  	s4 =	sld [smem:$0x3FB2]  }
0x2a: {  	p0 =	seq.s32 s5, $0x0;
	s5 =	sld [smem:$0x3FB3]  }
0x2b: {  	s6 =	sld [smem:$0x3FB4]  }
0x2c: {  	s7 =	sld [smem:$0x3FB5]  }
0x2d: {  	s3 =	simm.s32 $0x108;
	s8 =	sld [smem:$0x3FB6]  }
0x2e: {  	s3 =	simm.s32 @!p0 $0x1082;
	s9 =	sld [smem:$0x3FB7]  }
0x2f: {  	lr =	sadd.s32 s0, s3;
	s0 =	sld [smem:$0x3FAE]  }
0x30: {  	s3 =	sld [smem:$0x3FB1]  }
0x31: {  	[smem:$0x3FBA] =	sst s10  }
0x32: {  	s10 =	sld [smem:$0x3FB8];
	_ =	sdelay $0x3  }
0x33: {  	p0 =	seq.s32 s10, $0x1;
	s10 =	sld [smem:$0x3FBA];
	_ =	sdelay $0x3  }
0x34: {  	[smem:$0x3FBA] =	sst s10  }
0x35: {  	s10 =	sld [smem:$0x3FB9];
	_ =	sdelay $0x3  }
0x36: {  	p1 =	seq.s32 s10, $0x1;
	s10 =	sld [smem:$0x3FBA];
	_ =	sdelay $0x3  }
0x37: {  	[smem:$0x3FBA] =	sst s10  }
0x38: {  	s10 =	sld [smem:$0x3FBB]  }
0x39: {  	_ = 	snop;
	(pc) =	sbr.ind lr, $3  }
0x3a: {  	_ = 	snop  }
0x3b: {  	_ = 	snop  }
0x3c: {  	p2 =	seq.s32 s10, $0x1;
	s10 =	sld [smem:$0x3FBA]  }
0x3d: {  	_ =	shalt  }
0x3e: {  	_ =	shalt  }
0x3f: {  	_ =	shalt  }
0x40: {  	_ =	shalt  }
0x41: {  	_ =	shalt  }
0x42: {  	_ =	shalt  }
0x43: {  	_ =	shalt  }
0x44: {  	_ =	shalt  }
0x45: {  	_ =	shalt  }
0x46: {  	_ =	shalt  }
0x47: {  	_ =	shalt  }
0x48: {  	_ =	shalt  }
0x49: {  	_ =	shalt  }
0x4a: {  	_ =	shalt  }
0x4b: {  	_ =	shalt  }
0x4c: {  	_ =	shalt  }
0x4d: {  	_ =	shalt  }
0x4e: {  	_ =	shalt  }
0x4f: {  	_ =	shalt  }
0x50: {  	_ =	shalt  }
0x51: {  	_ =	shalt  }
0x52: {  	_ =	shalt  }
0x53: {  	_ =	shalt  }
0x54: {  	_ =	shalt  }
0x55: {  	_ =	shalt  }
0x56: {  	_ =	shalt  }
0x57: {  	_ =	shalt  }
0x58: {  	_ =	shalt  }
0x59: {  	_ =	shalt  }
0x5a: {  	_ =	shalt  }
0x5b: {  	_ =	shalt  }
0x5c: {  	_ =	shalt  }
0x5d: {  	_ =	shalt  }
0x5e: {  	_ =	shalt  }
0x5f: {  	_ =	shalt  }
0x60: {  	_ =	shalt  }
0x61: {  	_ =	shalt  }
0x62: {  	_ =	shalt  }
0x63: {  	_ =	shalt  }
0x64: {  	_ =	shalt  }
0x65: {  	_ =	shalt  }
0x66: {  	_ =	shalt  }
0x67: {  	_ =	shalt  }
0x68: {  	_ =	shalt  }
0x69: {  	_ =	shalt  }
0x6a: {  	_ =	shalt  }
0x6b: {  	_ =	shalt  }
0x6c: {  	_ =	shalt  }
0x6d: {  	_ =	shalt  }
0x6e: {  	_ =	shalt  }
0x6f: {  	_ =	shalt  }
0x70: {  	_ =	shalt  }
0x71: {  	_ =	shalt  }
0x72: {  	_ =	shalt  }
0x73: {  	_ =	shalt  }
0x74: {  	_ =	shalt  }
0x75: {  	_ =	shalt  }
0x76: {  	_ =	shalt  }
0x77: {  	_ =	shalt  }
0x78: {  	_ =	shalt  }
0x79: {  	_ =	shalt  }
0x7a: {  	_ =	shalt  }
0x7b: {  	_ =	shalt  }
0x7c: {  	_ =	shalt  }
0x7d: {  	_ =	shalt  }
0x7e: {  	_ =	shalt  }
0x7f: {  	_ =	shalt  }
0x80: {  	_ =	shalt  }
0x81: {  	_ =	shalt  }
0x82: {  	_ =	shalt  }
0x83: {  	_ =	shalt  }
0x84: {  	_ =	shalt  }
0x85: {  	_ =	shalt  }
0x86: {  	_ =	shalt  }
0x87: {  	_ =	shalt  }
.Lfunc_end0:
.L_simem_size_0:
called_computation_lowered:
.L_overlay_start_0:
0x88: {  	s2 =	sld [smem:$0x3FD9]  }
0x89: {  	s3 =	sld [smem:$0x3FFE];
	_ =	sdelay $0x1  }
0x8a: {  	s1 =	srdreg.scid  }
0x8b: {  	s0 =	sand.u32 $0x1, s1  }
0x8c: {  	s17 =	sshll.u32 s0, $0xA;
	s2 =	sadd.s32 s3, s2  }
0x8d: {  	s2 =	sadd.s32 s2, s17  }
0x8e: {  	[smem:$0x3FC6] =	sst s2  }
0x8f: {  	_ = 	snop  }
0x90: {  	s2 =	sld [smem:$0x3FD0];
	(tm) =	ssettm $0x1  }
0x91: {  	s18 =	sld [smem:$0x3FFB];
	_ =	sdelay $0x3  }
0x92: {  	_ =	strace s18  }
0x93: {  	s3 =	sld [smem:$0x3FFC];
	_ =	sdelay $0x3  }
0x94: {  	_ =	strace s3  }
0x95: {  	s3 =	sld [smem:$0x3FFD];
	_ =	sdelay $0x3  }
0x96: {  	_ =	strace s3  }
0x97: {  	_ =	strace $0x8FFFFFFF  }
0x98: {  	s19 =	sld [smem:$0x3FDB];
	_ =	sdelay $0x1  }
0x99: {  	s4 =	simm.s32 $_scs_section_size  }
0x9a: {  	s5 =	simm.s32 $_size__tile_overlayer_lowered;
	s6 =	simm.s32 $_tile_overlayer_lowered  }
0x9b: {  	s22 =	simm.s32 $0x1BFF;
	s21 =	sshll.u32 s6, $0x1;
	s3 =	sadd.s32 s4, s19  }
0x9c: {  	s7 =	simm.s32 $0x0;
	s20 =	sshll.u32 s5, $0x1;
	s5 =	sadd.s32 s21, s3  }
0x9d: {  	[timem:s7], [sflag:s22] =	dma.local [hbm:s5], s20  }
0x9e: {  	_ =	swait.ge [sflag:s22], s20  }
0x9f: {  	s4 =	ssub.s32 $0x0, s20;
	[sflag:s22] =	ssyncset.done $0x0  }
0xa0: {  	[sflag:s22] =	ssyncadd.s32 s4;
	_ =	sdelay $0x1  }
0xa1: {  	s23 =	simm.s32 $0x1B8B  }
0xa2: {  	_ =	swait.ge [sflag:s23], $0x1  }
0xa3: {  	[sflag:s23] =	ssyncset.done $0x0  }
0xa4: {  	s25 =	simm.s32 $0x1B8E;
	s24 =	sld [smem:$0x3FFE];
	[sflag:s23] =	ssyncadd.s32 $0xFFFFFFFF  }
0xa5: {  	s26 =	simm.s32 $execute0_lowered;
	[smem:$0x3FD2] =	sst s25  }
0xa6: {  	s5 =	sshll.u32 s26, $0x1;
	_ =	strace $0x80000046;
	[dreg:$0x1] =	wrdreg $0xFFFFFFFF  }
0xa7: {  	s28 =	simm.s32 $_size_execute0_lowered;
	s3 =	sadd.s32 s3, s5;
	[dreg:$0x0] =	wrdreg $0x0  }
0xa8: {  	s5 =	sshll.u32 s28, $0x1;
	[dreg:$0x2] =	wrdreg s3  }
0xa9: {  	[dreg:$0x3] =	wrdreg s5  }
0xaa: {  	[dreg:$0x4] =	wrdreg $0xC0  }
0xab: {  	_ =	task [dreg:s7], $0x5FFFF  }
0xac: {  	[dreg:$0x1] =	wrdreg $0xFFFFFFFF  }
0xad: {  	[dreg:$0x0] =	wrdreg $0x60  }
0xae: {  	[dreg:$0x2] =	wrdreg s24  }
0xaf: {  	[dreg:$0x3] =	wrdreg s2  }
0xb0: {  	[dreg:$0x4] =	wrdreg $0x8A000  }
0xb1: {  	[dreg:$0x5] =	wrdreg $0x9  }
0xb2: {  	_ =	task.clear_ibuf [dreg:s7], $0x6FFFF;
	_ =	strace $0x90000046  }
0xb3: {  	s29 =	simm.s32 $0x9;
	_ =	strace $0x80000048  }
0xb4: {  	_ =	swait.ge [sflag:s29], $0x1  }
0xb5: {  	[sflag:s29] =	ssyncadd.s32 $0xFFFFFFFF  }
0xb6: {  	_ =	strace $0x90000048  }
0xb7: {  	_ =	sfence  }
0xb8: {  	s30 =	sld [smem:$0x0];
	_ =	sdelay $0x2  }
0xb9: {  	s31 =	sshll.u32 s1, $0xD;
	s1 =	sshrl.u32 s1, $0x2  }
0xba: {  	s3 =	sand.u32 $0x4000, s31;
	s1 =	sadd.s32 s1, s30  }
0xbb: {  	s0 =	sor.u32 s3, s0;
	s1 =	sshll.u32 s1, $0x11  }
0xbc: {  	s0 =	sor.u32 s1, s0  }
0xbd: {  	s0 =	sadd.s32 $0x8F2B, s0  }
0xbe: {  	[sflag:s0] =	ssyncadd.remote.s32 $0x1  }
0xbf: {  	_ =	sfence.sel $0xFFFF  }
0xc0: {  	[dreg:$0x0] =	wrdreg $0xFFFFFFFF;
	(pc) =	sbr.abs _section_cstart, $3  }
0xc1: {  	[dreg:$0x1] =	wrdreg $0xFFFFFFFF  }
0xc2: {  	_ =	task.clear_ibuf [dreg:s7], $0x2FFFF;
	_ =	strace $0x9FFFFFFF  }
0xc3: {  	(tm) =	ssettm $0x7FFFFFFF  }
tec
execute0_lowered:
.L_overlay_start_1:
0x0: {  	(tag) =	ssettag $0x1  }
0x1: {  	s0 =	rddreg [dreg:$0x0]  }
0x2: {  	s1 =	rddreg [dreg:$0x1]  }
0x3: {  	s2 =	rddreg [dreg:$0x2]  }
0x4: {  	s3 =	simm.s32 $0x0;
	s5 =	srdreg.scid;
	s7 =	stileid.u32  }
0x5: {  	s19 =	simm.s32 $0x7;
	s28 =	simm.s32 $0x8180;
	s29 =	simm.s32 $0x5  }
0x6: {  	s30 =	simm.s32 $0x6;
	s31 =	simm.s32 $0x0;
	[smem:$0x7FF] =	sst s3  }
0x7: {  	s4 =	sadd.s32 $0x13C00, s0;
	s6 =	sand.u32 $0x1, s5;
	s11 =	smul.u32 $0x4E000, s7  }
0x8: {  	s5 =	sadd.s32 $0x200, s0;
	s9 =	sshll.u32 s7, $0x1;
	s20 =	smul.u32 $0x2700, s7  }
0x9: {  	s22 =	sshll.u32 s7, $0x6;
	s0 =	sadd.s32 $0x3AC00, s0;
	s13 =	sshll.u32 s7, $0x8  }
0xa: {  	p0 =	sne.s32 s7, $0x0;
	_ =	strace $0x80000047;
	s8 =	ssub.s32 $0x2, s6  }
0xb: {  	s9 =	sor.u32 s6, s9;
	[dreg:$0x5] =	wrdreg s0;
	s17 =	sand.u32 $0xC00, s13  }
0xc: {  	s10 =	sshrl.u32 s8, $0x1;
	s6 =	ssub.s32 $0x13A7, s9;
	s21 =	sshrl.u32 s11, $0x2  }
0xd: {  	s23 =	sshll.u32 s9, $0x7;
	s24 =	sshll.u32 s9, $0x4;
	s13 =	sshll.u32 s9, $0x6  }
0xe: {  	v0 =	vlaneseq.u32;
	s15 =	ssub.s32 s8, s10;
	s6 =	sshrl.u32 s6, $0x5;
	s18 =	sadd.s32 s21, s2  }
0xf: {  	v0 =	vmul.u32 $0x80, v0;
	s8 =	sadd.s32 s4, s20;
	s20 =	sadd.s32 $0x138000, s2;
	s25 =	sand.u32 $0x380, s23  }
0x10: {  	s10 =	sadd.s32 s5, s24;
	s23 =	simm.s32 $0x3;
	s24 =	simm.s32 $0x8200  }
.Ltmp0:
0x11: {  	v1 =	vor.u32 $0x1, v0;
	v2 =	vor.u32 $0x2, v0;
	v3 =	vor.u32 $0x3, v0;
	[dreg:$0x4] =	wrdreg s8;
	s8 =	sor.u32 $0x1C07, s22;
	(pc) =	sbr.rel .LBB2_1-.Ltmp0, $4  }
0x12: {  	v4 =	vor.u32 $0x4, v0;
	v5 =	vor.u32 $0x5, v0;
	v6 =	vor.u32 $0x6, v0;
	s11 =	sadd.s32 $0x200, s10;
	s12 =	sadd.s32 $0xFFFFFFFF, s6;
	s26 =	sadd.s32 $0x1, s6  }
0x13: {  	v7 =	vor.u32 $0x7, v0;
	v8 =	vor.u32 $0x8, v0;
	v9 =	vor.u32 $0x9, v0;
	s15 =	smax.u32 s15, $0x1;
	s16 =	sadd.s32 $0xFFFFFFFE, s6;
	s17 =	sor.u32 s17, s25  }
0x14: {  	v10 =	vor.u32 $0xA, v0;
	v11 =	vor.u32 $0xB, v0;
	v12 =	vor.u32 $0xC, v0;
	s18 =	sshrl.u32 s18, $0x3;
	s20 =	sshrl.u32 @!p0 s20, $0x3;
	s25 =	simm.s32 $0x8100  }
0x15: {  	v13 =	vor.u32 $0xD, v0;
	v14 =	vor.u32 $0xE, v0;
	v15 =	vor.u32 $0xF, v0;
	[dreg:$0x6] =	wrdreg s11;
	s14 =	sshrl.u32 s26, $0x1;
	s26 =	simm.s32 $0x4  }
.LBB2_11:
0x16: {  	s31 =	sadd.s32 $0x1, s31  }
0x17: {  	_ =	swait.ge [sflag:s29], $0x40;
	p1 =	sne.s32 s31, s15  }
.Ltmp1:
0x18: {  	[sflag:s29] =	ssyncset.done $0x0;
	(pc) =	sbr.rel @!p1 .LBB2_12-.Ltmp1, $4  }
0x19: {  	[sflag:s29] =	ssyncadd.s32 $0xFFFFFFC0  }
0x1a: {  	_ =	swait.ge [sflag:s30], $0x40  }
0x1b: {  	[sflag:s30] =	ssyncset.done $0x0  }
0x1c: {  	[sflag:s30] =	ssyncadd.s32 $0xFFFFFFC0  }
.LBB2_1:
0x1d: {  	s0 =	rddreg [dreg:$0x4]  }
0x1e: {  	[spmem:s18], [sflag:s8] =	dma.local [hbm:s0], $0x2700  }
0x1f: {  	_ =	swait.ge [sflag:s19], $0x2700  }
0x20: {  	[sflag:s19] =	ssyncset.done $0x0  }
0x21: {  	s0 =	rddreg [dreg:$0x5];
	[sflag:s19] =	ssyncadd.s32 $0xFFFFD900  }
0x22: {  	[spmem:s20], [sflag:s8] =	dma.local @!p0 [hbm:s0], $0x100  }
0x23: {  	s0 =	simm.s32 @!p0 $0x7  }
0x24: {  	_ =	swait.ge @!p0 [sflag:s0], $0x100  }
0x25: {  	[sflag:s0] =	ssyncset.done @!p0 $0x0  }
0x26: {  	[sflag:s0] =	ssyncadd.s32 @!p0 $0xFFFFFF00  }
0x27: {  	[bflag:$0x0] =	sbarrier.arrive $0xFFFF  }
0x28: {  	[tilespmem:s3], [sflag:$0x7] =	stream.linear.gather [hbm4b:s10+s3], $0x80, $0x38;
	[tilespmem:$0x1C280] =	vst v63  }
0x29: {  	_ =	swait.ge [sflag:s19], $0x80  }
.Ltmp2:
0x2a: {  	[sflag:s19] =	ssyncset.done $0x0;
	(pc) =	sbr.rel .LBB2_2-.Ltmp2, $4  }
0x2b: {  	s7 =	simm.s32 $0x80;
	s21 =	simm.s32 $0x100;
	[sflag:s19] =	ssyncadd.s32 $0xFFFFFF80  }
0x2c: {  	[tilespmem:s21], [sflag:$0x3] =	stream.indirect.gather [spmem:s2], $0x80, s3, s7, $0xb8;
	[tilespmem:$0x1C280] =	vst v63  }
0x2d: {  	s0 =	simm.s32 $0x0;
	s22 =	rddreg [dreg:$0x6]  }
0x2e: {  	[tilespmem:s7], [sflag:$0x2] =	stream.linear.gather [hbm4b:s22+s3], $0x80, $0x38;
	[tilespmem:$0x1C280] =	vst v63  }
.LBB2_10:
0x2f: {  	s0 =	sadd.s32 $0x1, s0  }
0x30: {  	p1 =	sne.s32 s0, s14  }
.Ltmp3:
0x31: {  	_ = 	snop;
	(pc) =	sbr.rel @!p1 .LBB2_11-.Ltmp3, $1  }
0x32: {  	_ =	sdelay $0x3  }
.LBB2_2:
0x33: {  	s22 =	sshll.u32 s0, $0x1  }
0x34: {  	p1 =	sge.u32 s22, s6  }
.Ltmp4:
0x35: {  	_ = 	snop;
	(pc) =	sbr.rel @p1 .LBB2_6-.Ltmp4, $1  }
0x36: {  	_ =	sdelay $0x3  }
0x37: {  	p1 =	sge.u32 s22, s12  }
0x38: {  	s7 =	simm.s32 @!p1 $0x2  }
0x39: {  	_ =	swait.ge @!p1 [sflag:s7], $0x80  }
0x3a: {  	[sflag:s7] =	ssyncset.done @!p1 $0x0  }
0x3b: {  	s9 =	simm.s32 @!p1 $0x4100;
	[sflag:s7] =	ssyncadd.s32 @!p1 $0xFFFFFF80;
	s7 =	simm.s32 @!p1 $0x80  }
0x3c: {  	[tilespmem:s9], [sflag:$0x4] =	stream.indirect.gather @!p1 [hbm4b:s4+s7], $0x80, s7, s7, $0xb8;
	[tilespmem:$0x1C280] =	vst v63  }
0x3d: {  	s7 =	sadd.s32 $0x2, s22  }
0x3e: {  	p1 =	sge.u32 s7, s6  }
0x3f: {  	s7 =	sshll.u32 @!p1 s7, $0xC  }
0x40: {  	_ =	swait.ge [sflag:s23], $0x4000;
	s7 =	sor.u32 @!p1 s17, s7  }
0x41: {  	[sflag:s23] =	ssyncset.done $0x0;
	s7 =	sshrl.u32 @!p1 s7, $0x3  }
0x42: {  	s9 =	simm.s32 @!p1 $0x0;
	[sflag:s23] =	ssyncadd.s32 $0xFFFFC000;
	s7 =	sadd.s32 @!p1 s5, s7  }
0x43: {  	[tilespmem:s9], [sflag:$0x1] =	stream.linear.gather @!p1 [hbm4b:s7+s9], $0x80, $0x38;
	[tilespmem:$0x1C280] =	vst v63  }
0x44: {  	p1 =	seq.s32 s0, $0x0  }
0x45: {  	s7 =	simm.s32 @!p1 $0x5  }
0x46: {  	_ =	swait.ge @!p1 [sflag:s7], $0x40  }
0x47: {  	[sflag:s7] =	ssyncset.done @!p1 $0x0  }
0x48: {  	s9 =	simm.s32 $0x2100;
	[sflag:s7] =	ssyncadd.s32 @!p1 $0xFFFFFFC0;
	s7 =	simm.s32 $0x0  }
.LBB2_4:
0x49: {  	v16 =	vld [tilespmem:s9+$0xFFFFE000]  }
0x4a: {  	v17 =	vld [tilespmem:s9+$0x0]  }
0x4b: {  	v18 =	vld [tilespmem:s9+$0xFFFFE010]  }
0x4c: {  	v19 =	vld [tilespmem:s9+$0x10]  }
0x4d: {  	v20 =	vld [tilespmem:s9+$0xFFFFE020]  }
0x4e: {  	v21 =	vld [tilespmem:s9+$0x20]  }
0x4f: {  	v22 =	vld [tilespmem:s9+$0x30];
	v16 =	vmul.bf16 v17, v16  }
0x50: {  	v17 =	vld [tilespmem:s9+$0xFFFFE030]  }
0x51: {  	v18 =	vmul.bf16 v19, v18;
	v23 =	vunpack.i.u.bf16.f32 v16;
	v16 =	vunpack.i.l.bf16.f32 v16  }
0x52: {  	v16 =	vadd.f32 $0.0e+00, v16;
	v49 =	vadd.f32 $0.0e+00, v23  }
0x53: {  	v20 =	vmul.bf16 v21, v20;
	v50 =	vunpack.i.u.bf16.f32 v18;
	v18 =	vunpack.i.l.bf16.f32 v18  }
0x54: {  	v16 =	vadd.f32 v18, v16;
	v51 =	vadd.f32 v50, v49  }
0x55: {  	v52 =	vunpack.i.u.bf16.f32 v20;
	v20 =	vunpack.i.l.bf16.f32 v20;
	v17 =	vmul.bf16 v22, v17  }
0x56: {  	v16 =	vadd.f32 v20, v16;
	v18 =	vadd.f32 v52, v51  }
0x57: {  	v53 =	vunpack.i.u.bf16.f32 v17;
	v17 =	vunpack.i.l.bf16.f32 v17  }
0x58: {  	v16 =	vadd.f32 v17, v16;
	v17 =	vadd.f32 v53, v18;
	_ =	sdelay $0x1  }
0x59: {  	v16 =	vadd.f32 v16, v17;
	_ =	sdelay $0x1  }
0x5a: {  	[tilespmem:$0x8200] =	vst v16  }
0x5b: {  	v16 =	vld [tilespmem:s9+$0xFFFFE080]  }
0x5c: {  	v17 =	vld [tilespmem:s9+$0x80]  }
0x5d: {  	v54 =	vld [tilespmem:s9+$0xFFFFE090]  }
0x5e: {  	v55 =	vld [tilespmem:s9+$0x90]  }
0x5f: {  	v56 =	vld [tilespmem:s9+$0xFFFFE0A0]  }
0x60: {  	v57 =	vld [tilespmem:s9+$0xA0]  }
0x61: {  	v58 =	vld [tilespmem:s9+$0xB0];
	v16 =	vmul.bf16 v17, v16  }
0x62: {  	v17 =	vld [tilespmem:s9+$0xFFFFE0B0]  }
0x63: {  	v18 =	vmul.bf16 v55, v54;
	v59 =	vunpack.i.u.bf16.f32 v16;
	v16 =	vunpack.i.l.bf16.f32 v16  }
0x64: {  	v16 =	vadd.f32 $0.0e+00, v16;
	v60 =	vadd.f32 $0.0e+00, v59  }
0x65: {  	v20 =	vmul.bf16 v57, v56;
	v61 =	vunpack.i.u.bf16.f32 v18;
	v18 =	vunpack.i.l.bf16.f32 v18  }
0x66: {  	v16 =	vadd.f32 v18, v16;
	v62 =	vadd.f32 v61, v60  }
0x67: {  	v63 =	vunpack.i.u.bf16.f32 v20;
	v20 =	vunpack.i.l.bf16.f32 v20;
	v17 =	vmul.bf16 v58, v17  }
0x68: {  	v16 =	vadd.f32 v20, v16;
	v18 =	vadd.f32 v63, v62  }
0x69: {  	v23 =	vunpack.i.u.bf16.f32 v17;
	v17 =	vunpack.i.l.bf16.f32 v17  }
0x6a: {  	v16 =	vadd.f32 v17, v16;
	v17 =	vadd.f32 v23, v18;
	_ =	sdelay $0x1  }
0x6b: {  	v16 =	vadd.f32 v16, v17;
	_ =	sdelay $0x1  }
0x6c: {  	[tilespmem:$0x8280] =	vst v16  }
0x6d: {  	v16 =	vld [tilespmem:s9+$0xFFFFE100]  }
0x6e: {  	v17 =	vld [tilespmem:s9+$0x100]  }
0x6f: {  	v24 =	vld [tilespmem:s9+$0xFFFFE110]  }
0x70: {  	v25 =	vld [tilespmem:s9+$0x110]  }
0x71: {  	v26 =	vld [tilespmem:s9+$0xFFFFE120]  }
0x72: {  	v27 =	vld [tilespmem:s9+$0x120]  }
0x73: {  	v28 =	vld [tilespmem:s9+$0x130];
	v16 =	vmul.bf16 v17, v16  }
0x74: {  	v17 =	vld [tilespmem:s9+$0xFFFFE130]  }
0x75: {  	v18 =	vmul.bf16 v25, v24;
	v29 =	vunpack.i.u.bf16.f32 v16;
	v16 =	vunpack.i.l.bf16.f32 v16  }
0x76: {  	v16 =	vadd.f32 $0.0e+00, v16;
	v30 =	vadd.f32 $0.0e+00, v29  }
0x77: {  	v20 =	vmul.bf16 v27, v26;
	v31 =	vunpack.i.u.bf16.f32 v18;
	v18 =	vunpack.i.l.bf16.f32 v18  }
0x78: {  	v16 =	vadd.f32 v18, v16;
	v32 =	vadd.f32 v31, v30  }
0x79: {  	v33 =	vunpack.i.u.bf16.f32 v20;
	v20 =	vunpack.i.l.bf16.f32 v20;
	v17 =	vmul.bf16 v28, v17  }
0x7a: {  	v16 =	vadd.f32 v20, v16;
	v18 =	vadd.f32 v33, v32  }
0x7b: {  	v34 =	vunpack.i.u.bf16.f32 v17;
	v17 =	vunpack.i.l.bf16.f32 v17  }
0x7c: {  	v16 =	vadd.f32 v17, v16;
	v17 =	vadd.f32 v34, v18;
	_ =	sdelay $0x1  }
0x7d: {  	v16 =	vadd.f32 v16, v17;
	_ =	sdelay $0x1  }
0x7e: {  	[tilespmem:$0x8300] =	vst v16  }
0x7f: {  	v16 =	vld [tilespmem:s9+$0xFFFFE180]  }
0x80: {  	v17 =	vld [tilespmem:s9+$0x180]  }
0x81: {  	v35 =	vld [tilespmem:s9+$0xFFFFE190]  }
0x82: {  	v36 =	vld [tilespmem:s9+$0x190]  }
0x83: {  	v37 =	vld [tilespmem:s9+$0xFFFFE1A0]  }
0x84: {  	v38 =	vld [tilespmem:s9+$0x1A0]  }
0x85: {  	v39 =	vld [tilespmem:s9+$0x1B0];
	v16 =	vmul.bf16 v17, v16  }
0x86: {  	v17 =	vld [tilespmem:s9+$0xFFFFE1B0]  }
0x87: {  	v18 =	vmul.bf16 v36, v35;
	v40 =	vunpack.i.u.bf16.f32 v16;
	v16 =	vunpack.i.l.bf16.f32 v16  }
0x88: {  	v16 =	vadd.f32 $0.0e+00, v16;
	v41 =	vadd.f32 $0.0e+00, v40  }
0x89: {  	v20 =	vmul.bf16 v38, v37;
	v42 =	vunpack.i.u.bf16.f32 v18;
	v18 =	vunpack.i.l.bf16.f32 v18  }
0x8a: {  	v16 =	vadd.f32 v18, v16;
	v43 =	vadd.f32 v42, v41  }
0x8b: {  	v44 =	vunpack.i.u.bf16.f32 v20;
	v20 =	vunpack.i.l.bf16.f32 v20;
	v17 =	vmul.bf16 v39, v17  }
0x8c: {  	v16 =	vadd.f32 v20, v16;
	v18 =	vadd.f32 v44, v43  }
0x8d: {  	v45 =	vunpack.i.u.bf16.f32 v17;
	v17 =	vunpack.i.l.bf16.f32 v17  }
0x8e: {  	v16 =	vadd.f32 v17, v16;
	v17 =	vadd.f32 v45, v18;
	_ =	sdelay $0x1  }
0x8f: {  	v16 =	vadd.f32 v16, v17;
	_ =	sdelay $0x1  }
0x90: {  	[tilespmem:$0x8380] =	vst v16  }
0x91: {  	v16 =	vld [tilespmem:s9+$0xFFFFE200]  }
0x92: {  	v17 =	vld [tilespmem:s9+$0x200]  }
0x93: {  	v46 =	vld [tilespmem:s9+$0xFFFFE210]  }
0x94: {  	v47 =	vld [tilespmem:s9+$0x210]  }
0x95: {  	v48 =	vld [tilespmem:s9+$0xFFFFE220]  }
0x96: {  	v49 =	vld [tilespmem:s9+$0x220]  }
0x97: {  	v50 =	vld [tilespmem:s9+$0x230];
	v16 =	vmul.bf16 v17, v16  }
0x98: {  	v17 =	vld [tilespmem:s9+$0xFFFFE230]  }
0x99: {  	v18 =	vmul.bf16 v47, v46;
	v51 =	vunpack.i.u.bf16.f32 v16;
	v16 =	vunpack.i.l.bf16.f32 v16  }
0x9a: {  	v16 =	vadd.f32 $0.0e+00, v16;
	v52 =	vadd.f32 $0.0e+00, v51  }
0x9b: {  	v20 =	vmul.bf16 v49, v48;
	v53 =	vunpack.i.u.bf16.f32 v18;
	v18 =	vunpack.i.l.bf16.f32 v18  }
0x9c: {  	v16 =	vadd.f32 v18, v16;
	v54 =	vadd.f32 v53, v52  }
0x9d: {  	v55 =	vunpack.i.u.bf16.f32 v20;
	v20 =	vunpack.i.l.bf16.f32 v20;
	v17 =	vmul.bf16 v50, v17  }
0x9e: {  	v16 =	vadd.f32 v20, v16;
	v18 =	vadd.f32 v55, v54  }
0x9f: {  	v56 =	vunpack.i.u.bf16.f32 v17;
	v17 =	vunpack.i.l.bf16.f32 v17  }
0xa0: {  	v16 =	vadd.f32 v17, v16;
	v17 =	vadd.f32 v56, v18;
	_ =	sdelay $0x1  }
0xa1: {  	v16 =	vadd.f32 v16, v17;
	_ =	sdelay $0x1  }
0xa2: {  	[tilespmem:$0x8400] =	vst v16  }
0xa3: {  	v16 =	vld [tilespmem:s9+$0xFFFFE280]  }
0xa4: {  	v17 =	vld [tilespmem:s9+$0x280]  }
0xa5: {  	v57 =	vld [tilespmem:s9+$0xFFFFE290]  }
0xa6: {  	v58 =	vld [tilespmem:s9+$0x290]  }
0xa7: {  	v59 =	vld [tilespmem:s9+$0xFFFFE2A0]  }
0xa8: {  	v60 =	vld [tilespmem:s9+$0x2A0]  }
0xa9: {  	v61 =	vld [tilespmem:s9+$0x2B0];
	v16 =	vmul.bf16 v17, v16  }
0xaa: {  	v17 =	vld [tilespmem:s9+$0xFFFFE2B0]  }
0xab: {  	v18 =	vmul.bf16 v58, v57;
	v62 =	vunpack.i.u.bf16.f32 v16;
	v16 =	vunpack.i.l.bf16.f32 v16  }
0xac: {  	v16 =	vadd.f32 $0.0e+00, v16;
	v63 =	vadd.f32 $0.0e+00, v62  }
0xad: {  	v20 =	vmul.bf16 v60, v59;
	v24 =	vunpack.i.u.bf16.f32 v18;
	v18 =	vunpack.i.l.bf16.f32 v18  }
0xae: {  	v16 =	vadd.f32 v18, v16;
	v25 =	vadd.f32 v24, v63  }
0xaf: {  	v26 =	vunpack.i.u.bf16.f32 v20;
	v20 =	vunpack.i.l.bf16.f32 v20;
	v17 =	vmul.bf16 v61, v17  }
0xb0: {  	v16 =	vadd.f32 v20, v16;
	v18 =	vadd.f32 v26, v25  }
0xb1: {  	v27 =	vunpack.i.u.bf16.f32 v17;
	v17 =	vunpack.i.l.bf16.f32 v17  }
0xb2: {  	v16 =	vadd.f32 v17, v16;
	v17 =	vadd.f32 v27, v18;
	_ =	sdelay $0x1  }
0xb3: {  	v16 =	vadd.f32 v16, v17;
	_ =	sdelay $0x1  }
0xb4: {  	[tilespmem:$0x8480] =	vst v16  }
0xb5: {  	v16 =	vld [tilespmem:s9+$0xFFFFE300]  }
0xb6: {  	v17 =	vld [tilespmem:s9+$0x300]  }
0xb7: {  	v28 =	vld [tilespmem:s9+$0xFFFFE310]  }
0xb8: {  	v29 =	vld [tilespmem:s9+$0x310]  }
0xb9: {  	v30 =	vld [tilespmem:s9+$0xFFFFE320]  }
0xba: {  	v31 =	vld [tilespmem:s9+$0x320]  }
0xbb: {  	v32 =	vld [tilespmem:s9+$0x330];
	v16 =	vmul.bf16 v17, v16  }
0xbc: {  	v17 =	vld [tilespmem:s9+$0xFFFFE330]  }
0xbd: {  	v18 =	vmul.bf16 v29, v28;
	v33 =	vunpack.i.u.bf16.f32 v16;
	v16 =	vunpack.i.l.bf16.f32 v16  }
0xbe: {  	v16 =	vadd.f32 $0.0e+00, v16;
	v34 =	vadd.f32 $0.0e+00, v33  }
0xbf: {  	v20 =	vmul.bf16 v31, v30;
	v35 =	vunpack.i.u.bf16.f32 v18;
	v18 =	vunpack.i.l.bf16.f32 v18  }
0xc0: {  	v16 =	vadd.f32 v18, v16;
	v36 =	vadd.f32 v35, v34  }
0xc1: {  	v37 =	vunpack.i.u.bf16.f32 v20;
	v20 =	vunpack.i.l.bf16.f32 v20;
	v17 =	vmul.bf16 v32, v17  }
0xc2: {  	v16 =	vadd.f32 v20, v16;
	v18 =	vadd.f32 v37, v36  }
0xc3: {  	v38 =	vunpack.i.u.bf16.f32 v17;
	v17 =	vunpack.i.l.bf16.f32 v17  }
0xc4: {  	v16 =	vadd.f32 v17, v16;
	v17 =	vadd.f32 v38, v18;
	_ =	sdelay $0x1  }
0xc5: {  	v16 =	vadd.f32 v16, v17;
	_ =	sdelay $0x1  }
0xc6: {  	[tilespmem:$0x8500] =	vst v16  }
0xc7: {  	v16 =	vld [tilespmem:s9+$0xFFFFE380]  }
0xc8: {  	v17 =	vld [tilespmem:s9+$0x380]  }
0xc9: {  	v39 =	vld [tilespmem:s9+$0xFFFFE390]  }
0xca: {  	v40 =	vld [tilespmem:s9+$0x390]  }
0xcb: {  	v41 =	vld [tilespmem:s9+$0xFFFFE3A0]  }
0xcc: {  	v42 =	vld [tilespmem:s9+$0x3A0]  }
0xcd: {  	v43 =	vld [tilespmem:s9+$0x3B0];
	v16 =	vmul.bf16 v17, v16  }
0xce: {  	v17 =	vld [tilespmem:s9+$0xFFFFE3B0]  }
0xcf: {  	v18 =	vmul.bf16 v40, v39;
	v44 =	vunpack.i.u.bf16.f32 v16;
	v16 =	vunpack.i.l.bf16.f32 v16  }
0xd0: {  	v16 =	vadd.f32 $0.0e+00, v16;
	v45 =	vadd.f32 $0.0e+00, v44  }
0xd1: {  	v20 =	vmul.bf16 v42, v41;
	v46 =	vunpack.i.u.bf16.f32 v18;
	v18 =	vunpack.i.l.bf16.f32 v18  }
0xd2: {  	v16 =	vadd.f32 v18, v16;
	v47 =	vadd.f32 v46, v45  }
0xd3: {  	v48 =	vunpack.i.u.bf16.f32 v20;
	v20 =	vunpack.i.l.bf16.f32 v20;
	v17 =	vmul.bf16 v43, v17  }
0xd4: {  	v16 =	vadd.f32 v20, v16;
	v18 =	vadd.f32 v48, v47  }
0xd5: {  	v49 =	vunpack.i.u.bf16.f32 v17;
	v17 =	vunpack.i.l.bf16.f32 v17  }
0xd6: {  	v16 =	vadd.f32 v17, v16;
	v17 =	vadd.f32 v49, v18;
	_ =	sdelay $0x1  }
0xd7: {  	v16 =	vadd.f32 v16, v17;
	_ =	sdelay $0x1  }
0xd8: {  	[tilespmem:$0x8580] =	vst v16  }
0xd9: {  	v16 =	vld [tilespmem:s9+$0xFFFFE400]  }
0xda: {  	v17 =	vld [tilespmem:s9+$0x400]  }
0xdb: {  	v50 =	vld [tilespmem:s9+$0xFFFFE410]  }
0xdc: {  	v51 =	vld [tilespmem:s9+$0x410]  }
0xdd: {  	v52 =	vld [tilespmem:s9+$0xFFFFE420]  }
0xde: {  	v53 =	vld [tilespmem:s9+$0x420]  }
0xdf: {  	v54 =	vld [tilespmem:s9+$0x430];
	v16 =	vmul.bf16 v17, v16  }
0xe0: {  	v17 =	vld [tilespmem:s9+$0xFFFFE430]  }
0xe1: {  	v18 =	vmul.bf16 v51, v50;
	v55 =	vunpack.i.u.bf16.f32 v16;
	v16 =	vunpack.i.l.bf16.f32 v16  }
0xe2: {  	v16 =	vadd.f32 $0.0e+00, v16;
	v56 =	vadd.f32 $0.0e+00, v55  }
0xe3: {  	v20 =	vmul.bf16 v53, v52;
	v57 =	vunpack.i.u.bf16.f32 v18;
	v18 =	vunpack.i.l.bf16.f32 v18  }
0xe4: {  	v16 =	vadd.f32 v18, v16;
	v58 =	vadd.f32 v57, v56  }
0xe5: {  	v59 =	vunpack.i.u.bf16.f32 v20;
	v20 =	vunpack.i.l.bf16.f32 v20;
	v17 =	vmul.bf16 v54, v17  }
0xe6: {  	v16 =	vadd.f32 v20, v16;
	v18 =	vadd.f32 v59, v58  }
0xe7: {  	v60 =	vunpack.i.u.bf16.f32 v17;
	v17 =	vunpack.i.l.bf16.f32 v17  }
0xe8: {  	v16 =	vadd.f32 v17, v16;
	v17 =	vadd.f32 v60, v18;
	_ =	sdelay $0x1  }
0xe9: {  	v16 =	vadd.f32 v16, v17;
	_ =	sdelay $0x1  }
0xea: {  	[tilespmem:$0x8600] =	vst v16  }
0xeb: {  	v16 =	vld [tilespmem:s9+$0xFFFFE480]  }
0xec: {  	v17 =	vld [tilespmem:s9+$0x480]  }
0xed: {  	v61 =	vld [tilespmem:s9+$0xFFFFE490]  }
0xee: {  	v62 =	vld [tilespmem:s9+$0x490]  }
0xef: {  	v63 =	vld [tilespmem:s9+$0xFFFFE4A0]  }
0xf0: {  	v24 =	vld [tilespmem:s9+$0x4A0]  }
0xf1: {  	v25 =	vld [tilespmem:s9+$0x4B0];
	v16 =	vmul.bf16 v17, v16  }
0xf2: {  	v17 =	vld [tilespmem:s9+$0xFFFFE4B0]  }
0xf3: {  	v18 =	vmul.bf16 v62, v61;
	v26 =	vunpack.i.u.bf16.f32 v16;
	v16 =	vunpack.i.l.bf16.f32 v16  }
0xf4: {  	v16 =	vadd.f32 $0.0e+00, v16;
	v27 =	vadd.f32 $0.0e+00, v26  }
0xf5: {  	v20 =	vmul.bf16 v24, v63;
	v28 =	vunpack.i.u.bf16.f32 v18;
	v18 =	vunpack.i.l.bf16.f32 v18  }
0xf6: {  	v16 =	vadd.f32 v18, v16;
	v29 =	vadd.f32 v28, v27  }
0xf7: {  	v30 =	vunpack.i.u.bf16.f32 v20;
	v20 =	vunpack.i.l.bf16.f32 v20;
	v17 =	vmul.bf16 v25, v17  }
0xf8: {  	v16 =	vadd.f32 v20, v16;
	v18 =	vadd.f32 v30, v29  }
0xf9: {  	v31 =	vunpack.i.u.bf16.f32 v17;
	v17 =	vunpack.i.l.bf16.f32 v17  }
0xfa: {  	v16 =	vadd.f32 v17, v16;
	v17 =	vadd.f32 v31, v18;
	_ =	sdelay $0x1  }
0xfb: {  	v16 =	vadd.f32 v16, v17;
	_ =	sdelay $0x1  }
0xfc: {  	[tilespmem:$0x8680] =	vst v16  }
0xfd: {  	v16 =	vld [tilespmem:s9+$0xFFFFE500]  }
0xfe: {  	v17 =	vld [tilespmem:s9+$0x500]  }
0xff: {  	v32 =	vld [tilespmem:s9+$0xFFFFE510]  }
0x100: {  	v33 =	vld [tilespmem:s9+$0x510]  }
0x101: {  	v34 =	vld [tilespmem:s9+$0xFFFFE520]  }
0x102: {  	v35 =	vld [tilespmem:s9+$0x520]  }
0x103: {  	v36 =	vld [tilespmem:s9+$0x530];
	v16 =	vmul.bf16 v17, v16  }
0x104: {  	v17 =	vld [tilespmem:s9+$0xFFFFE530]  }
0x105: {  	v18 =	vmul.bf16 v33, v32;
	v37 =	vunpack.i.u.bf16.f32 v16;
	v16 =	vunpack.i.l.bf16.f32 v16  }
0x106: {  	v16 =	vadd.f32 $0.0e+00, v16;
	v38 =	vadd.f32 $0.0e+00, v37  }
0x107: {  	v20 =	vmul.bf16 v35, v34;
	v39 =	vunpack.i.u.bf16.f32 v18;
	v18 =	vunpack.i.l.bf16.f32 v18  }
0x108: {  	v16 =	vadd.f32 v18, v16;
	v40 =	vadd.f32 v39, v38  }
0x109: {  	v41 =	vunpack.i.u.bf16.f32 v20;
	v20 =	vunpack.i.l.bf16.f32 v20;
	v17 =	vmul.bf16 v36, v17  }
0x10a: {  	v16 =	vadd.f32 v20, v16;
	v18 =	vadd.f32 v41, v40  }
0x10b: {  	v42 =	vunpack.i.u.bf16.f32 v17;
	v17 =	vunpack.i.l.bf16.f32 v17  }
0x10c: {  	v16 =	vadd.f32 v17, v16;
	v17 =	vadd.f32 v42, v18;
	_ =	sdelay $0x1  }
0x10d: {  	v16 =	vadd.f32 v16, v17;
	_ =	sdelay $0x1  }
0x10e: {  	[tilespmem:$0x8700] =	vst v16  }
0x10f: {  	v16 =	vld [tilespmem:s9+$0xFFFFE580]  }
0x110: {  	v17 =	vld [tilespmem:s9+$0x580]  }
0x111: {  	v43 =	vld [tilespmem:s9+$0xFFFFE590]  }
0x112: {  	v44 =	vld [tilespmem:s9+$0x590]  }
0x113: {  	v45 =	vld [tilespmem:s9+$0xFFFFE5A0]  }
0x114: {  	v46 =	vld [tilespmem:s9+$0x5A0]  }
0x115: {  	v47 =	vld [tilespmem:s9+$0x5B0];
	v16 =	vmul.bf16 v17, v16  }
0x116: {  	v17 =	vld [tilespmem:s9+$0xFFFFE5B0]  }
0x117: {  	v18 =	vmul.bf16 v44, v43;
	v48 =	vunpack.i.u.bf16.f32 v16;
	v16 =	vunpack.i.l.bf16.f32 v16  }
0x118: {  	v16 =	vadd.f32 $0.0e+00, v16;
	v49 =	vadd.f32 $0.0e+00, v48  }
0x119: {  	v20 =	vmul.bf16 v46, v45;
	v50 =	vunpack.i.u.bf16.f32 v18;
	v18 =	vunpack.i.l.bf16.f32 v18  }
0x11a: {  	v16 =	vadd.f32 v18, v16;
	v51 =	vadd.f32 v50, v49  }
0x11b: {  	v52 =	vunpack.i.u.bf16.f32 v20;
	v20 =	vunpack.i.l.bf16.f32 v20;
	v17 =	vmul.bf16 v47, v17  }
0x11c: {  	v16 =	vadd.f32 v20, v16;
	v18 =	vadd.f32 v52, v51  }
0x11d: {  	v53 =	vunpack.i.u.bf16.f32 v17;
	v17 =	vunpack.i.l.bf16.f32 v17  }
0x11e: {  	v16 =	vadd.f32 v17, v16;
	v17 =	vadd.f32 v53, v18;
	_ =	sdelay $0x1  }
0x11f: {  	v16 =	vadd.f32 v16, v17;
	_ =	sdelay $0x1  }
0x120: {  	[tilespmem:$0x8780] =	vst v16  }
0x121: {  	v16 =	vld [tilespmem:s9+$0xFFFFE600]  }
0x122: {  	v17 =	vld [tilespmem:s9+$0x600]  }
0x123: {  	v54 =	vld [tilespmem:s9+$0xFFFFE610]  }
0x124: {  	v55 =	vld [tilespmem:s9+$0x610]  }
0x125: {  	v56 =	vld [tilespmem:s9+$0xFFFFE620]  }
0x126: {  	v57 =	vld [tilespmem:s9+$0x620]  }
0x127: {  	v58 =	vld [tilespmem:s9+$0x630];
	v16 =	vmul.bf16 v17, v16  }
0x128: {  	v17 =	vld [tilespmem:s9+$0xFFFFE630]  }
0x129: {  	v18 =	vmul.bf16 v55, v54;
	v59 =	vunpack.i.u.bf16.f32 v16;
	v16 =	vunpack.i.l.bf16.f32 v16  }
0x12a: {  	v16 =	vadd.f32 $0.0e+00, v16;
	v60 =	vadd.f32 $0.0e+00, v59  }
0x12b: {  	v20 =	vmul.bf16 v57, v56;
	v61 =	vunpack.i.u.bf16.f32 v18;
	v18 =	vunpack.i.l.bf16.f32 v18  }
0x12c: {  	v16 =	vadd.f32 v18, v16;
	v62 =	vadd.f32 v61, v60  }
0x12d: {  	v63 =	vunpack.i.u.bf16.f32 v20;
	v20 =	vunpack.i.l.bf16.f32 v20;
	v17 =	vmul.bf16 v58, v17  }
0x12e: {  	v16 =	vadd.f32 v20, v16;
	v18 =	vadd.f32 v63, v62  }
0x12f: {  	v23 =	vunpack.i.u.bf16.f32 v17;
	v17 =	vunpack.i.l.bf16.f32 v17  }
0x130: {  	v16 =	vadd.f32 v17, v16;
	v17 =	vadd.f32 v23, v18;
	_ =	sdelay $0x1  }
0x131: {  	v16 =	vadd.f32 v16, v17;
	_ =	sdelay $0x1  }
0x132: {  	[tilespmem:$0x8800] =	vst v16  }
0x133: {  	v16 =	vld [tilespmem:s9+$0xFFFFE680]  }
0x134: {  	v17 =	vld [tilespmem:s9+$0x680]  }
0x135: {  	v24 =	vld [tilespmem:s9+$0xFFFFE690]  }
0x136: {  	v25 =	vld [tilespmem:s9+$0x690]  }
0x137: {  	v26 =	vld [tilespmem:s9+$0xFFFFE6A0]  }
0x138: {  	v27 =	vld [tilespmem:s9+$0x6A0]  }
0x139: {  	v28 =	vld [tilespmem:s9+$0x6B0];
	v16 =	vmul.bf16 v17, v16  }
0x13a: {  	v17 =	vld [tilespmem:s9+$0xFFFFE6B0]  }
0x13b: {  	v18 =	vmul.bf16 v25, v24;
	v29 =	vunpack.i.u.bf16.f32 v16;
	v16 =	vunpack.i.l.bf16.f32 v16  }
0x13c: {  	v16 =	vadd.f32 $0.0e+00, v16;
	v30 =	vadd.f32 $0.0e+00, v29  }
0x13d: {  	v20 =	vmul.bf16 v27, v26;
	v31 =	vunpack.i.u.bf16.f32 v18;
	v18 =	vunpack.i.l.bf16.f32 v18  }
0x13e: {  	v16 =	vadd.f32 v18, v16;
	v32 =	vadd.f32 v31, v30  }
0x13f: {  	v33 =	vunpack.i.u.bf16.f32 v20;
	v20 =	vunpack.i.l.bf16.f32 v20;
	v17 =	vmul.bf16 v28, v17  }
0x140: {  	v16 =	vadd.f32 v20, v16;
	v18 =	vadd.f32 v33, v32  }
0x141: {  	v34 =	vunpack.i.u.bf16.f32 v17;
	v17 =	vunpack.i.l.bf16.f32 v17  }
0x142: {  	v16 =	vadd.f32 v17, v16;
	v17 =	vadd.f32 v34, v18;
	_ =	sdelay $0x1  }
0x143: {  	v16 =	vadd.f32 v16, v17;
	_ =	sdelay $0x1  }
0x144: {  	[tilespmem:$0x8880] =	vst v16  }
0x145: {  	v16 =	vld [tilespmem:s9+$0xFFFFE700]  }
0x146: {  	v17 =	vld [tilespmem:s9+$0x700]  }
0x147: {  	v35 =	vld [tilespmem:s9+$0xFFFFE710]  }
0x148: {  	v36 =	vld [tilespmem:s9+$0x710]  }
0x149: {  	v37 =	vld [tilespmem:s9+$0xFFFFE720]  }
0x14a: {  	v38 =	vld [tilespmem:s9+$0x720]  }
0x14b: {  	v39 =	vld [tilespmem:s9+$0x730];
	v16 =	vmul.bf16 v17, v16  }
0x14c: {  	v17 =	vld [tilespmem:s9+$0xFFFFE730]  }
0x14d: {  	v18 =	vmul.bf16 v36, v35;
	v40 =	vunpack.i.u.bf16.f32 v16;
	v16 =	vunpack.i.l.bf16.f32 v16  }
0x14e: {  	v16 =	vadd.f32 $0.0e+00, v16;
	v41 =	vadd.f32 $0.0e+00, v40  }
0x14f: {  	v20 =	vmul.bf16 v38, v37;
	v42 =	vunpack.i.u.bf16.f32 v18;
	v18 =	vunpack.i.l.bf16.f32 v18  }
0x150: {  	v16 =	vadd.f32 v18, v16;
	v43 =	vadd.f32 v42, v41  }
0x151: {  	v44 =	vunpack.i.u.bf16.f32 v20;
	v20 =	vunpack.i.l.bf16.f32 v20;
	v17 =	vmul.bf16 v39, v17  }
0x152: {  	v16 =	vadd.f32 v20, v16;
	v18 =	vadd.f32 v44, v43  }
0x153: {  	v45 =	vunpack.i.u.bf16.f32 v17;
	v17 =	vunpack.i.l.bf16.f32 v17  }
0x154: {  	v16 =	vadd.f32 v17, v16;
	v17 =	vadd.f32 v45, v18;
	_ =	sdelay $0x1  }
0x155: {  	v16 =	vadd.f32 v16, v17;
	_ =	sdelay $0x1  }
0x156: {  	[tilespmem:$0x8900] =	vst v16  }
0x157: {  	v16 =	vld [tilespmem:s9+$0xFFFFE780]  }
0x158: {  	v17 =	vld [tilespmem:s9+$0x780]  }
0x159: {  	v46 =	vld [tilespmem:s9+$0xFFFFE790]  }
0x15a: {  	v47 =	vld [tilespmem:s9+$0x790]  }
0x15b: {  	v48 =	vld [tilespmem:s9+$0xFFFFE7A0]  }
0x15c: {  	v49 =	vld [tilespmem:s9+$0x7A0]  }
0x15d: {  	v50 =	vld [tilespmem:s9+$0x7B0];
	v16 =	vmul.bf16 v17, v16  }
0x15e: {  	v17 =	vld [tilespmem:s9+$0xFFFFE7B0]  }
0x15f: {  	v18 =	vmul.bf16 v47, v46;
	v51 =	vunpack.i.u.bf16.f32 v16;
	v16 =	vunpack.i.l.bf16.f32 v16  }
0x160: {  	v16 =	vadd.f32 $0.0e+00, v16;
	v52 =	vadd.f32 $0.0e+00, v51  }
0x161: {  	v20 =	vmul.bf16 v49, v48;
	v53 =	vunpack.i.u.bf16.f32 v18;
	v18 =	vunpack.i.l.bf16.f32 v18  }
0x162: {  	v16 =	vadd.f32 v18, v16;
	v54 =	vadd.f32 v53, v52  }
0x163: {  	v55 =	vunpack.i.u.bf16.f32 v20;
	v20 =	vunpack.i.l.bf16.f32 v20;
	v17 =	vmul.bf16 v50, v17  }
0x164: {  	v16 =	vadd.f32 v20, v16;
	v18 =	vadd.f32 v55, v54  }
0x165: {  	v56 =	vunpack.i.u.bf16.f32 v17;
	v17 =	vunpack.i.l.bf16.f32 v17  }
0x166: {  	v16 =	vadd.f32 v17, v16;
	v17 =	vadd.f32 v56, v18;
	_ =	sdelay $0x1  }
0x167: {  	v16 =	vadd.f32 v16, v17;
	_ =	sdelay $0x1  }
0x168: {  	[tilespmem:$0x8980] =	vst v16  }
0x169: {  	v16 =	vld.idx.msk [tilespmem:v0+s24+$0x0], $0xffff  }
0x16a: {  	v17 =	vld.idx.msk [tilespmem:v1+s24+$0x0], $0xffff  }
0x16b: {  	v57 =	vld.idx.msk [tilespmem:v2+s24+$0x0], $0xffff  }
0x16c: {  	v58 =	vld.idx.msk [tilespmem:v3+s24+$0x0], $0xffff  }
0x16d: {  	v59 =	vld.idx.msk [tilespmem:v4+s24+$0x0], $0xffff  }
0x16e: {  	v60 =	vld.idx.msk [tilespmem:v5+s24+$0x0], $0xffff  }
0x16f: {  	v61 =	vld.idx.msk [tilespmem:v6+s24+$0x0], $0xffff  }
0x170: {  	v62 =	vld.idx.msk [tilespmem:v7+s24+$0x0], $0xffff  }
0x171: {  	v24 =	vld.idx.msk [tilespmem:v8+s24+$0x0], $0xffff  }
0x172: {  	v25 =	vld.idx.msk [tilespmem:v9+s24+$0x0], $0xffff  }
0x173: {  	v26 =	vld.idx.msk [tilespmem:v10+s24+$0x0], $0xffff  }
0x174: {  	v27 =	vld.idx.msk [tilespmem:v11+s24+$0x0], $0xffff  }
0x175: {  	v28 =	vld.idx.msk [tilespmem:v12+s24+$0x0], $0xffff  }
0x176: {  	v29 =	vld.idx.msk [tilespmem:v13+s24+$0x0], $0xffff;
	v16 =	vadd.f32 $0.0e+00, v16;
	v17 =	vadd.f32 $0.0e+00, v17  }
0x177: {  	v30 =	vld.idx.msk [tilespmem:v14+s24+$0x0], $0xffff;
	v18 =	vadd.f32 $0.0e+00, v57;
	v19 =	vadd.f32 $0.0e+00, v58  }
0x178: {  	v63 =	vld.idx.msk [tilespmem:v15+s24+$0x0], $0xffff;
	v16 =	vadd.f32 v59, v16;
	v17 =	vadd.f32 v60, v17  }
0x179: {  	v18 =	vadd.f32 v61, v18;
	v19 =	vadd.f32 v62, v19  }
0x17a: {  	v16 =	vadd.f32 v24, v16;
	v17 =	vadd.f32 v25, v17  }
0x17b: {  	v18 =	vadd.f32 v26, v18;
	v19 =	vadd.f32 v27, v19  }
0x17c: {  	v16 =	vadd.f32 v28, v16;
	v17 =	vadd.f32 v29, v17  }
0x17d: {  	v18 =	vadd.f32 v30, v18;
	v19 =	vadd.f32 v63, v19  }
0x17e: {  	p1 =	sne.s32 s7, $0xC0  }
.Ltmp5:
0x17f: {  	v16 =	vadd.f32 v17, v16;
	v17 =	vadd.f32 v19, v18;
	(pc) =	sbr.rel @p1 .LBB2_4-.Ltmp5, $4  }
0x180: {  	_ = 	snop  }
0x181: {  	v16 =	vadd.f32 v17, v16  }
0x182: {  	s11 =	sshra.s32 s7, $0x2  }
0x183: {  	s7 =	sadd.s32 $0x40, s7;
	s9 =	sadd.s32 $0x800, s9;
	[tilespmem:s11+$0x8100] =	vst v16  }
0x184: {  	s7 =	sshll.u32 s0, $0xC  }
0x185: {  	s7 =	sor.u32 s13, s7  }
0x186: {  	s7 =	sshrl.u32 s7, $0x3  }
0x187: {  	s7 =	sadd.s32 s1, s7  }
0x188: {  	[hbm4b:s7+s3] =	stream.linear.scatter [tilespmem:s25], [sflag:$0x5], $0x40, $0x38;
	[tilespmem:$0x1C280] =	vst v63  }
.LBB2_6:
0x189: {  	s7 =	sor.u32 $0x1, s22  }
0x18a: {  	p1 =	sge.u32 s7, s6  }
.Ltmp6:
0x18b: {  	_ = 	snop;
	(pc) =	sbr.rel @p1 .LBB2_10-.Ltmp6, $1  }
0x18c: {  	_ =	sdelay $0x3  }
0x18d: {  	p1 =	sge.u32 s22, s16  }
0x18e: {  	s9 =	simm.s32 @!p1 $0x1  }
0x18f: {  	_ =	swait.ge @!p1 [sflag:s9], $0x80  }
0x190: {  	s11 =	simm.s32 @!p1 $0x0;
	[sflag:s9] =	ssyncset.done @!p1 $0x0  }
0x191: {  	s21 =	simm.s32 @!p1 $0x100;
	[sflag:s9] =	ssyncadd.s32 @!p1 $0xFFFFFF80;
	s9 =	simm.s32 @!p1 $0x80  }
0x192: {  	[tilespmem:s21], [sflag:$0x3] =	stream.indirect.gather @!p1 [spmem:s2], $0x80, s11, s9, $0xb8;
	[tilespmem:$0x1C280] =	vst v63  }
0x193: {  	s9 =	sadd.s32 $0x3, s22  }
0x194: {  	p1 =	sge.u32 s9, s6  }
0x195: {  	s9 =	sshll.u32 @!p1 s9, $0xC  }
0x196: {  	_ =	swait.ge [sflag:s26], $0x4000;
	s9 =	sor.u32 @!p1 s17, s9  }
0x197: {  	[sflag:s26] =	ssyncset.done $0x0;
	s11 =	simm.s32 @!p1 $0x0;
	s9 =	sshrl.u32 @!p1 s9, $0x3  }
0x198: {  	s21 =	simm.s32 @!p1 $0x80;
	[sflag:s26] =	ssyncadd.s32 $0xFFFFC000;
	s9 =	sadd.s32 @!p1 s5, s9  }
0x199: {  	[tilespmem:s21], [sflag:$0x2] =	stream.linear.gather @!p1 [hbm4b:s9+s11], $0x80, $0x38;
	[tilespmem:$0x1C280] =	vst v63  }
0x19a: {  	p1 =	seq.s32 s0, $0x0  }
0x19b: {  	s9 =	simm.s32 @!p1 $0x6  }
0x19c: {  	_ =	swait.ge @!p1 [sflag:s9], $0x40  }
0x19d: {  	[sflag:s9] =	ssyncset.done @!p1 $0x0  }
0x19e: {  	s22 =	simm.s32 $0x0;
	[sflag:s9] =	ssyncadd.s32 @!p1 $0xFFFFFFC0;
	s9 =	simm.s32 $0x6100  }
.LBB2_8:
0x19f: {  	v16 =	vld [tilespmem:s9+$0xFFFFE000]  }
0x1a0: {  	v17 =	vld [tilespmem:s9+$0x0]  }
0x1a1: {  	v18 =	vld [tilespmem:s9+$0xFFFFE010]  }
0x1a2: {  	v19 =	vld [tilespmem:s9+$0x10]  }
0x1a3: {  	v20 =	vld [tilespmem:s9+$0xFFFFE020]  }
0x1a4: {  	v21 =	vld [tilespmem:s9+$0x20]  }
0x1a5: {  	v22 =	vld [tilespmem:s9+$0x30];
	v16 =	vmul.bf16 v17, v16  }
0x1a6: {  	v17 =	vld [tilespmem:s9+$0xFFFFE030]  }
0x1a7: {  	v18 =	vmul.bf16 v19, v18;
	v23 =	vunpack.i.u.bf16.f32 v16;
	v16 =	vunpack.i.l.bf16.f32 v16  }
0x1a8: {  	v16 =	vadd.f32 $0.0e+00, v16;
	v49 =	vadd.f32 $0.0e+00, v23  }
0x1a9: {  	v20 =	vmul.bf16 v21, v20;
	v50 =	vunpack.i.u.bf16.f32 v18;
	v18 =	vunpack.i.l.bf16.f32 v18  }
0x1aa: {  	v16 =	vadd.f32 v18, v16;
	v51 =	vadd.f32 v50, v49  }
0x1ab: {  	v52 =	vunpack.i.u.bf16.f32 v20;
	v20 =	vunpack.i.l.bf16.f32 v20;
	v17 =	vmul.bf16 v22, v17  }
0x1ac: {  	v16 =	vadd.f32 v20, v16;
	v18 =	vadd.f32 v52, v51  }
0x1ad: {  	v53 =	vunpack.i.u.bf16.f32 v17;
	v17 =	vunpack.i.l.bf16.f32 v17  }
0x1ae: {  	v16 =	vadd.f32 v17, v16;
	v17 =	vadd.f32 v53, v18;
	_ =	sdelay $0x1  }
0x1af: {  	v16 =	vadd.f32 v16, v17;
	_ =	sdelay $0x1  }
0x1b0: {  	[tilespmem:$0x8200] =	vst v16  }
0x1b1: {  	v16 =	vld [tilespmem:s9+$0xFFFFE080]  }
0x1b2: {  	v17 =	vld [tilespmem:s9+$0x80]  }
0x1b3: {  	v54 =	vld [tilespmem:s9+$0xFFFFE090]  }
0x1b4: {  	v55 =	vld [tilespmem:s9+$0x90]  }
0x1b5: {  	v56 =	vld [tilespmem:s9+$0xFFFFE0A0]  }
0x1b6: {  	v57 =	vld [tilespmem:s9+$0xA0]  }
0x1b7: {  	v58 =	vld [tilespmem:s9+$0xB0];
	v16 =	vmul.bf16 v17, v16  }
0x1b8: {  	v17 =	vld [tilespmem:s9+$0xFFFFE0B0]  }
0x1b9: {  	v18 =	vmul.bf16 v55, v54;
	v59 =	vunpack.i.u.bf16.f32 v16;
	v16 =	vunpack.i.l.bf16.f32 v16  }
0x1ba: {  	v16 =	vadd.f32 $0.0e+00, v16;
	v60 =	vadd.f32 $0.0e+00, v59  }
0x1bb: {  	v20 =	vmul.bf16 v57, v56;
	v61 =	vunpack.i.u.bf16.f32 v18;
	v18 =	vunpack.i.l.bf16.f32 v18  }
0x1bc: {  	v16 =	vadd.f32 v18, v16;
	v62 =	vadd.f32 v61, v60  }
0x1bd: {  	v63 =	vunpack.i.u.bf16.f32 v20;
	v20 =	vunpack.i.l.bf16.f32 v20;
	v17 =	vmul.bf16 v58, v17  }
0x1be: {  	v16 =	vadd.f32 v20, v16;
	v18 =	vadd.f32 v63, v62  }
0x1bf: {  	v23 =	vunpack.i.u.bf16.f32 v17;
	v17 =	vunpack.i.l.bf16.f32 v17  }
0x1c0: {  	v16 =	vadd.f32 v17, v16;
	v17 =	vadd.f32 v23, v18;
	_ =	sdelay $0x1  }
0x1c1: {  	v16 =	vadd.f32 v16, v17;
	_ =	sdelay $0x1  }
0x1c2: {  	[tilespmem:$0x8280] =	vst v16  }
0x1c3: {  	v16 =	vld [tilespmem:s9+$0xFFFFE100]  }
0x1c4: {  	v17 =	vld [tilespmem:s9+$0x100]  }
0x1c5: {  	v24 =	vld [tilespmem:s9+$0xFFFFE110]  }
0x1c6: {  	v25 =	vld [tilespmem:s9+$0x110]  }
0x1c7: {  	v26 =	vld [tilespmem:s9+$0xFFFFE120]  }
0x1c8: {  	v27 =	vld [tilespmem:s9+$0x120]  }
0x1c9: {  	v28 =	vld [tilespmem:s9+$0x130];
	v16 =	vmul.bf16 v17, v16  }
0x1ca: {  	v17 =	vld [tilespmem:s9+$0xFFFFE130]  }
0x1cb: {  	v18 =	vmul.bf16 v25, v24;
	v29 =	vunpack.i.u.bf16.f32 v16;
	v16 =	vunpack.i.l.bf16.f32 v16  }
0x1cc: {  	v16 =	vadd.f32 $0.0e+00, v16;
	v30 =	vadd.f32 $0.0e+00, v29  }
0x1cd: {  	v20 =	vmul.bf16 v27, v26;
	v31 =	vunpack.i.u.bf16.f32 v18;
	v18 =	vunpack.i.l.bf16.f32 v18  }
0x1ce: {  	v16 =	vadd.f32 v18, v16;
	v32 =	vadd.f32 v31, v30  }
0x1cf: {  	v33 =	vunpack.i.u.bf16.f32 v20;
	v20 =	vunpack.i.l.bf16.f32 v20;
	v17 =	vmul.bf16 v28, v17  }
0x1d0: {  	v16 =	vadd.f32 v20, v16;
	v18 =	vadd.f32 v33, v32  }
0x1d1: {  	v34 =	vunpack.i.u.bf16.f32 v17;
	v17 =	vunpack.i.l.bf16.f32 v17  }
0x1d2: {  	v16 =	vadd.f32 v17, v16;
	v17 =	vadd.f32 v34, v18;
	_ =	sdelay $0x1  }
0x1d3: {  	v16 =	vadd.f32 v16, v17;
	_ =	sdelay $0x1  }
0x1d4: {  	[tilespmem:$0x8300] =	vst v16  }
0x1d5: {  	v16 =	vld [tilespmem:s9+$0xFFFFE180]  }
0x1d6: {  	v17 =	vld [tilespmem:s9+$0x180]  }
0x1d7: {  	v35 =	vld [tilespmem:s9+$0xFFFFE190]  }
0x1d8: {  	v36 =	vld [tilespmem:s9+$0x190]  }
0x1d9: {  	v37 =	vld [tilespmem:s9+$0xFFFFE1A0]  }
0x1da: {  	v38 =	vld [tilespmem:s9+$0x1A0]  }
0x1db: {  	v39 =	vld [tilespmem:s9+$0x1B0];
	v16 =	vmul.bf16 v17, v16  }
0x1dc: {  	v17 =	vld [tilespmem:s9+$0xFFFFE1B0]  }
0x1dd: {  	v18 =	vmul.bf16 v36, v35;
	v40 =	vunpack.i.u.bf16.f32 v16;
	v16 =	vunpack.i.l.bf16.f32 v16  }
0x1de: {  	v16 =	vadd.f32 $0.0e+00, v16;
	v41 =	vadd.f32 $0.0e+00, v40  }
0x1df: {  	v20 =	vmul.bf16 v38, v37;
	v42 =	vunpack.i.u.bf16.f32 v18;
	v18 =	vunpack.i.l.bf16.f32 v18  }
0x1e0: {  	v16 =	vadd.f32 v18, v16;
	v43 =	vadd.f32 v42, v41  }
0x1e1: {  	v44 =	vunpack.i.u.bf16.f32 v20;
	v20 =	vunpack.i.l.bf16.f32 v20;
	v17 =	vmul.bf16 v39, v17  }
0x1e2: {  	v16 =	vadd.f32 v20, v16;
	v18 =	vadd.f32 v44, v43  }
0x1e3: {  	v45 =	vunpack.i.u.bf16.f32 v17;
	v17 =	vunpack.i.l.bf16.f32 v17  }
0x1e4: {  	v16 =	vadd.f32 v17, v16;
	v17 =	vadd.f32 v45, v18;
	_ =	sdelay $0x1  }
0x1e5: {  	v16 =	vadd.f32 v16, v17;
	_ =	sdelay $0x1  }
0x1e6: {  	[tilespmem:$0x8380] =	vst v16  }
0x1e7: {  	v16 =	vld [tilespmem:s9+$0xFFFFE200]  }
0x1e8: {  	v17 =	vld [tilespmem:s9+$0x200]  }
0x1e9: {  	v46 =	vld [tilespmem:s9+$0xFFFFE210]  }
0x1ea: {  	v47 =	vld [tilespmem:s9+$0x210]  }
0x1eb: {  	v48 =	vld [tilespmem:s9+$0xFFFFE220]  }
0x1ec: {  	v49 =	vld [tilespmem:s9+$0x220]  }
0x1ed: {  	v50 =	vld [tilespmem:s9+$0x230];
	v16 =	vmul.bf16 v17, v16  }
0x1ee: {  	v17 =	vld [tilespmem:s9+$0xFFFFE230]  }
0x1ef: {  	v18 =	vmul.bf16 v47, v46;
	v51 =	vunpack.i.u.bf16.f32 v16;
	v16 =	vunpack.i.l.bf16.f32 v16  }
0x1f0: {  	v16 =	vadd.f32 $0.0e+00, v16;
	v52 =	vadd.f32 $0.0e+00, v51  }
0x1f1: {  	v20 =	vmul.bf16 v49, v48;
	v53 =	vunpack.i.u.bf16.f32 v18;
	v18 =	vunpack.i.l.bf16.f32 v18  }
0x1f2: {  	v16 =	vadd.f32 v18, v16;
	v54 =	vadd.f32 v53, v52  }
0x1f3: {  	v55 =	vunpack.i.u.bf16.f32 v20;
	v20 =	vunpack.i.l.bf16.f32 v20;
	v17 =	vmul.bf16 v50, v17  }
0x1f4: {  	v16 =	vadd.f32 v20, v16;
	v18 =	vadd.f32 v55, v54  }
0x1f5: {  	v56 =	vunpack.i.u.bf16.f32 v17;
	v17 =	vunpack.i.l.bf16.f32 v17  }
0x1f6: {  	v16 =	vadd.f32 v17, v16;
	v17 =	vadd.f32 v56, v18;
	_ =	sdelay $0x1  }
0x1f7: {  	v16 =	vadd.f32 v16, v17;
	_ =	sdelay $0x1  }
0x1f8: {  	[tilespmem:$0x8400] =	vst v16  }
0x1f9: {  	v16 =	vld [tilespmem:s9+$0xFFFFE280]  }
0x1fa: {  	v17 =	vld [tilespmem:s9+$0x280]  }
0x1fb: {  	v57 =	vld [tilespmem:s9+$0xFFFFE290]  }
0x1fc: {  	v58 =	vld [tilespmem:s9+$0x290]  }
0x1fd: {  	v59 =	vld [tilespmem:s9+$0xFFFFE2A0]  }
0x1fe: {  	v60 =	vld [tilespmem:s9+$0x2A0]  }
0x1ff: {  	v61 =	vld [tilespmem:s9+$0x2B0];
	v16 =	vmul.bf16 v17, v16  }
0x200: {  	v17 =	vld [tilespmem:s9+$0xFFFFE2B0]  }
0x201: {  	v18 =	vmul.bf16 v58, v57;
	v62 =	vunpack.i.u.bf16.f32 v16;
	v16 =	vunpack.i.l.bf16.f32 v16  }
0x202: {  	v16 =	vadd.f32 $0.0e+00, v16;
	v63 =	vadd.f32 $0.0e+00, v62  }
0x203: {  	v20 =	vmul.bf16 v60, v59;
	v24 =	vunpack.i.u.bf16.f32 v18;
	v18 =	vunpack.i.l.bf16.f32 v18  }
0x204: {  	v16 =	vadd.f32 v18, v16;
	v25 =	vadd.f32 v24, v63  }
0x205: {  	v26 =	vunpack.i.u.bf16.f32 v20;
	v20 =	vunpack.i.l.bf16.f32 v20;
	v17 =	vmul.bf16 v61, v17  }
0x206: {  	v16 =	vadd.f32 v20, v16;
	v18 =	vadd.f32 v26, v25  }
0x207: {  	v27 =	vunpack.i.u.bf16.f32 v17;
	v17 =	vunpack.i.l.bf16.f32 v17  }
0x208: {  	v16 =	vadd.f32 v17, v16;
	v17 =	vadd.f32 v27, v18;
	_ =	sdelay $0x1  }
0x209: {  	v16 =	vadd.f32 v16, v17;
	_ =	sdelay $0x1  }
0x20a: {  	[tilespmem:$0x8480] =	vst v16  }
0x20b: {  	v16 =	vld [tilespmem:s9+$0xFFFFE300]  }
0x20c: {  	v17 =	vld [tilespmem:s9+$0x300]  }
0x20d: {  	v28 =	vld [tilespmem:s9+$0xFFFFE310]  }
0x20e: {  	v29 =	vld [tilespmem:s9+$0x310]  }
0x20f: {  	v30 =	vld [tilespmem:s9+$0xFFFFE320]  }
0x210: {  	v31 =	vld [tilespmem:s9+$0x320]  }
0x211: {  	v32 =	vld [tilespmem:s9+$0x330];
	v16 =	vmul.bf16 v17, v16  }
0x212: {  	v17 =	vld [tilespmem:s9+$0xFFFFE330]  }
0x213: {  	v18 =	vmul.bf16 v29, v28;
	v33 =	vunpack.i.u.bf16.f32 v16;
	v16 =	vunpack.i.l.bf16.f32 v16  }
0x214: {  	v16 =	vadd.f32 $0.0e+00, v16;
	v34 =	vadd.f32 $0.0e+00, v33  }
0x215: {  	v20 =	vmul.bf16 v31, v30;
	v35 =	vunpack.i.u.bf16.f32 v18;
	v18 =	vunpack.i.l.bf16.f32 v18  }
0x216: {  	v16 =	vadd.f32 v18, v16;
	v36 =	vadd.f32 v35, v34  }
0x217: {  	v37 =	vunpack.i.u.bf16.f32 v20;
	v20 =	vunpack.i.l.bf16.f32 v20;
	v17 =	vmul.bf16 v32, v17  }
0x218: {  	v16 =	vadd.f32 v20, v16;
	v18 =	vadd.f32 v37, v36  }
0x219: {  	v38 =	vunpack.i.u.bf16.f32 v17;
	v17 =	vunpack.i.l.bf16.f32 v17  }
0x21a: {  	v16 =	vadd.f32 v17, v16;
	v17 =	vadd.f32 v38, v18;
	_ =	sdelay $0x1  }
0x21b: {  	v16 =	vadd.f32 v16, v17;
	_ =	sdelay $0x1  }
0x21c: {  	[tilespmem:$0x8500] =	vst v16  }
0x21d: {  	v16 =	vld [tilespmem:s9+$0xFFFFE380]  }
0x21e: {  	v17 =	vld [tilespmem:s9+$0x380]  }
0x21f: {  	v39 =	vld [tilespmem:s9+$0xFFFFE390]  }
0x220: {  	v40 =	vld [tilespmem:s9+$0x390]  }
0x221: {  	v41 =	vld [tilespmem:s9+$0xFFFFE3A0]  }
0x222: {  	v42 =	vld [tilespmem:s9+$0x3A0]  }
0x223: {  	v43 =	vld [tilespmem:s9+$0x3B0];
	v16 =	vmul.bf16 v17, v16  }
0x224: {  	v17 =	vld [tilespmem:s9+$0xFFFFE3B0]  }
0x225: {  	v18 =	vmul.bf16 v40, v39;
	v44 =	vunpack.i.u.bf16.f32 v16;
	v16 =	vunpack.i.l.bf16.f32 v16  }
0x226: {  	v16 =	vadd.f32 $0.0e+00, v16;
	v45 =	vadd.f32 $0.0e+00, v44  }
0x227: {  	v20 =	vmul.bf16 v42, v41;
	v46 =	vunpack.i.u.bf16.f32 v18;
	v18 =	vunpack.i.l.bf16.f32 v18  }
0x228: {  	v16 =	vadd.f32 v18, v16;
	v47 =	vadd.f32 v46, v45  }
0x229: {  	v48 =	vunpack.i.u.bf16.f32 v20;
	v20 =	vunpack.i.l.bf16.f32 v20;
	v17 =	vmul.bf16 v43, v17  }
0x22a: {  	v16 =	vadd.f32 v20, v16;
	v18 =	vadd.f32 v48, v47  }
0x22b: {  	v49 =	vunpack.i.u.bf16.f32 v17;
	v17 =	vunpack.i.l.bf16.f32 v17  }
0x22c: {  	v16 =	vadd.f32 v17, v16;
	v17 =	vadd.f32 v49, v18;
	_ =	sdelay $0x1  }
0x22d: {  	v16 =	vadd.f32 v16, v17;
	_ =	sdelay $0x1  }
0x22e: {  	[tilespmem:$0x8580] =	vst v16  }
0x22f: {  	v16 =	vld [tilespmem:s9+$0xFFFFE400]  }
0x230: {  	v17 =	vld [tilespmem:s9+$0x400]  }
0x231: {  	v50 =	vld [tilespmem:s9+$0xFFFFE410]  }
0x232: {  	v51 =	vld [tilespmem:s9+$0x410]  }
0x233: {  	v52 =	vld [tilespmem:s9+$0xFFFFE420]  }
0x234: {  	v53 =	vld [tilespmem:s9+$0x420]  }
0x235: {  	v54 =	vld [tilespmem:s9+$0x430];
	v16 =	vmul.bf16 v17, v16  }
0x236: {  	v17 =	vld [tilespmem:s9+$0xFFFFE430]  }
0x237: {  	v18 =	vmul.bf16 v51, v50;
	v55 =	vunpack.i.u.bf16.f32 v16;
	v16 =	vunpack.i.l.bf16.f32 v16  }
0x238: {  	v16 =	vadd.f32 $0.0e+00, v16;
	v56 =	vadd.f32 $0.0e+00, v55  }
0x239: {  	v20 =	vmul.bf16 v53, v52;
	v57 =	vunpack.i.u.bf16.f32 v18;
	v18 =	vunpack.i.l.bf16.f32 v18  }
0x23a: {  	v16 =	vadd.f32 v18, v16;
	v58 =	vadd.f32 v57, v56  }
0x23b: {  	v59 =	vunpack.i.u.bf16.f32 v20;
	v20 =	vunpack.i.l.bf16.f32 v20;
	v17 =	vmul.bf16 v54, v17  }
0x23c: {  	v16 =	vadd.f32 v20, v16;
	v18 =	vadd.f32 v59, v58  }
0x23d: {  	v60 =	vunpack.i.u.bf16.f32 v17;
	v17 =	vunpack.i.l.bf16.f32 v17  }
0x23e: {  	v16 =	vadd.f32 v17, v16;
	v17 =	vadd.f32 v60, v18;
	_ =	sdelay $0x1  }
0x23f: {  	v16 =	vadd.f32 v16, v17;
	_ =	sdelay $0x1  }
0x240: {  	[tilespmem:$0x8600] =	vst v16  }
0x241: {  	v16 =	vld [tilespmem:s9+$0xFFFFE480]  }
0x242: {  	v17 =	vld [tilespmem:s9+$0x480]  }
0x243: {  	v61 =	vld [tilespmem:s9+$0xFFFFE490]  }
0x244: {  	v62 =	vld [tilespmem:s9+$0x490]  }
0x245: {  	v63 =	vld [tilespmem:s9+$0xFFFFE4A0]  }
0x246: {  	v24 =	vld [tilespmem:s9+$0x4A0]  }
0x247: {  	v25 =	vld [tilespmem:s9+$0x4B0];
	v16 =	vmul.bf16 v17, v16  }
0x248: {  	v17 =	vld [tilespmem:s9+$0xFFFFE4B0]  }
0x249: {  	v18 =	vmul.bf16 v62, v61;
	v26 =	vunpack.i.u.bf16.f32 v16;
	v16 =	vunpack.i.l.bf16.f32 v16  }
0x24a: {  	v16 =	vadd.f32 $0.0e+00, v16;
	v27 =	vadd.f32 $0.0e+00, v26  }
0x24b: {  	v20 =	vmul.bf16 v24, v63;
	v28 =	vunpack.i.u.bf16.f32 v18;
	v18 =	vunpack.i.l.bf16.f32 v18  }
0x24c: {  	v16 =	vadd.f32 v18, v16;
	v29 =	vadd.f32 v28, v27  }
0x24d: {  	v30 =	vunpack.i.u.bf16.f32 v20;
	v20 =	vunpack.i.l.bf16.f32 v20;
	v17 =	vmul.bf16 v25, v17  }
0x24e: {  	v16 =	vadd.f32 v20, v16;
	v18 =	vadd.f32 v30, v29  }
0x24f: {  	v31 =	vunpack.i.u.bf16.f32 v17;
	v17 =	vunpack.i.l.bf16.f32 v17  }
0x250: {  	v16 =	vadd.f32 v17, v16;
	v17 =	vadd.f32 v31, v18;
	_ =	sdelay $0x1  }
0x251: {  	v16 =	vadd.f32 v16, v17;
	_ =	sdelay $0x1  }
0x252: {  	[tilespmem:$0x8680] =	vst v16  }
0x253: {  	v16 =	vld [tilespmem:s9+$0xFFFFE500]  }
0x254: {  	v17 =	vld [tilespmem:s9+$0x500]  }
0x255: {  	v32 =	vld [tilespmem:s9+$0xFFFFE510]  }
0x256: {  	v33 =	vld [tilespmem:s9+$0x510]  }
0x257: {  	v34 =	vld [tilespmem:s9+$0xFFFFE520]  }
0x258: {  	v35 =	vld [tilespmem:s9+$0x520]  }
0x259: {  	v36 =	vld [tilespmem:s9+$0x530];
	v16 =	vmul.bf16 v17, v16  }
0x25a: {  	v17 =	vld [tilespmem:s9+$0xFFFFE530]  }
0x25b: {  	v18 =	vmul.bf16 v33, v32;
	v37 =	vunpack.i.u.bf16.f32 v16;
	v16 =	vunpack.i.l.bf16.f32 v16  }
0x25c: {  	v16 =	vadd.f32 $0.0e+00, v16;
	v38 =	vadd.f32 $0.0e+00, v37  }
0x25d: {  	v20 =	vmul.bf16 v35, v34;
	v39 =	vunpack.i.u.bf16.f32 v18;
	v18 =	vunpack.i.l.bf16.f32 v18  }
0x25e: {  	v16 =	vadd.f32 v18, v16;
	v40 =	vadd.f32 v39, v38  }
0x25f: {  	v41 =	vunpack.i.u.bf16.f32 v20;
	v20 =	vunpack.i.l.bf16.f32 v20;
	v17 =	vmul.bf16 v36, v17  }
0x260: {  	v16 =	vadd.f32 v20, v16;
	v18 =	vadd.f32 v41, v40  }
0x261: {  	v42 =	vunpack.i.u.bf16.f32 v17;
	v17 =	vunpack.i.l.bf16.f32 v17  }
0x262: {  	v16 =	vadd.f32 v17, v16;
	v17 =	vadd.f32 v42, v18;
	_ =	sdelay $0x1  }
0x263: {  	v16 =	vadd.f32 v16, v17;
	_ =	sdelay $0x1  }
0x264: {  	[tilespmem:$0x8700] =	vst v16  }
0x265: {  	v16 =	vld [tilespmem:s9+$0xFFFFE580]  }
0x266: {  	v17 =	vld [tilespmem:s9+$0x580]  }
0x267: {  	v43 =	vld [tilespmem:s9+$0xFFFFE590]  }
0x268: {  	v44 =	vld [tilespmem:s9+$0x590]  }
0x269: {  	v45 =	vld [tilespmem:s9+$0xFFFFE5A0]  }
0x26a: {  	v46 =	vld [tilespmem:s9+$0x5A0]  }
0x26b: {  	v47 =	vld [tilespmem:s9+$0x5B0];
	v16 =	vmul.bf16 v17, v16  }
0x26c: {  	v17 =	vld [tilespmem:s9+$0xFFFFE5B0]  }
0x26d: {  	v18 =	vmul.bf16 v44, v43;
	v48 =	vunpack.i.u.bf16.f32 v16;
	v16 =	vunpack.i.l.bf16.f32 v16  }
0x26e: {  	v16 =	vadd.f32 $0.0e+00, v16;
	v49 =	vadd.f32 $0.0e+00, v48  }
0x26f: {  	v20 =	vmul.bf16 v46, v45;
	v50 =	vunpack.i.u.bf16.f32 v18;
	v18 =	vunpack.i.l.bf16.f32 v18  }
0x270: {  	v16 =	vadd.f32 v18, v16;
	v51 =	vadd.f32 v50, v49  }
0x271: {  	v52 =	vunpack.i.u.bf16.f32 v20;
	v20 =	vunpack.i.l.bf16.f32 v20;
	v17 =	vmul.bf16 v47, v17  }
0x272: {  	v16 =	vadd.f32 v20, v16;
	v18 =	vadd.f32 v52, v51  }
0x273: {  	v53 =	vunpack.i.u.bf16.f32 v17;
	v17 =	vunpack.i.l.bf16.f32 v17  }
0x274: {  	v16 =	vadd.f32 v17, v16;
	v17 =	vadd.f32 v53, v18;
	_ =	sdelay $0x1  }
0x275: {  	v16 =	vadd.f32 v16, v17;
	_ =	sdelay $0x1  }
0x276: {  	[tilespmem:$0x8780] =	vst v16  }
0x277: {  	v16 =	vld [tilespmem:s9+$0xFFFFE600]  }
0x278: {  	v17 =	vld [tilespmem:s9+$0x600]  }
0x279: {  	v54 =	vld [tilespmem:s9+$0xFFFFE610]  }
0x27a: {  	v55 =	vld [tilespmem:s9+$0x610]  }
0x27b: {  	v56 =	vld [tilespmem:s9+$0xFFFFE620]  }
0x27c: {  	v57 =	vld [tilespmem:s9+$0x620]  }
0x27d: {  	v58 =	vld [tilespmem:s9+$0x630];
	v16 =	vmul.bf16 v17, v16  }
0x27e: {  	v17 =	vld [tilespmem:s9+$0xFFFFE630]  }
0x27f: {  	v18 =	vmul.bf16 v55, v54;
	v59 =	vunpack.i.u.bf16.f32 v16;
	v16 =	vunpack.i.l.bf16.f32 v16  }
0x280: {  	v16 =	vadd.f32 $0.0e+00, v16;
	v60 =	vadd.f32 $0.0e+00, v59  }
0x281: {  	v20 =	vmul.bf16 v57, v56;
	v61 =	vunpack.i.u.bf16.f32 v18;
	v18 =	vunpack.i.l.bf16.f32 v18  }
0x282: {  	v16 =	vadd.f32 v18, v16;
	v62 =	vadd.f32 v61, v60  }
0x283: {  	v63 =	vunpack.i.u.bf16.f32 v20;
	v20 =	vunpack.i.l.bf16.f32 v20;
	v17 =	vmul.bf16 v58, v17  }
0x284: {  	v16 =	vadd.f32 v20, v16;
	v18 =	vadd.f32 v63, v62  }
0x285: {  	v23 =	vunpack.i.u.bf16.f32 v17;
	v17 =	vunpack.i.l.bf16.f32 v17  }
0x286: {  	v16 =	vadd.f32 v17, v16;
	v17 =	vadd.f32 v23, v18;
	_ =	sdelay $0x1  }
0x287: {  	v16 =	vadd.f32 v16, v17;
	_ =	sdelay $0x1  }
0x288: {  	[tilespmem:$0x8800] =	vst v16  }
0x289: {  	v16 =	vld [tilespmem:s9+$0xFFFFE680]  }
0x28a: {  	v17 =	vld [tilespmem:s9+$0x680]  }
0x28b: {  	v24 =	vld [tilespmem:s9+$0xFFFFE690]  }
0x28c: {  	v25 =	vld [tilespmem:s9+$0x690]  }
0x28d: {  	v26 =	vld [tilespmem:s9+$0xFFFFE6A0]  }
0x28e: {  	v27 =	vld [tilespmem:s9+$0x6A0]  }
0x28f: {  	v28 =	vld [tilespmem:s9+$0x6B0];
	v16 =	vmul.bf16 v17, v16  }
0x290: {  	v17 =	vld [tilespmem:s9+$0xFFFFE6B0]  }
0x291: {  	v18 =	vmul.bf16 v25, v24;
	v29 =	vunpack.i.u.bf16.f32 v16;
	v16 =	vunpack.i.l.bf16.f32 v16  }
0x292: {  	v16 =	vadd.f32 $0.0e+00, v16;
	v30 =	vadd.f32 $0.0e+00, v29  }
0x293: {  	v20 =	vmul.bf16 v27, v26;
	v31 =	vunpack.i.u.bf16.f32 v18;
	v18 =	vunpack.i.l.bf16.f32 v18  }
0x294: {  	v16 =	vadd.f32 v18, v16;
	v32 =	vadd.f32 v31, v30  }
0x295: {  	v33 =	vunpack.i.u.bf16.f32 v20;
	v20 =	vunpack.i.l.bf16.f32 v20;
	v17 =	vmul.bf16 v28, v17  }
0x296: {  	v16 =	vadd.f32 v20, v16;
	v18 =	vadd.f32 v33, v32  }
0x297: {  	v34 =	vunpack.i.u.bf16.f32 v17;
	v17 =	vunpack.i.l.bf16.f32 v17  }
0x298: {  	v16 =	vadd.f32 v17, v16;
	v17 =	vadd.f32 v34, v18;
	_ =	sdelay $0x1  }
0x299: {  	v16 =	vadd.f32 v16, v17;
	_ =	sdelay $0x1  }
0x29a: {  	[tilespmem:$0x8880] =	vst v16  }
0x29b: {  	v16 =	vld [tilespmem:s9+$0xFFFFE700]  }
0x29c: {  	v17 =	vld [tilespmem:s9+$0x700]  }
0x29d: {  	v35 =	vld [tilespmem:s9+$0xFFFFE710]  }
0x29e: {  	v36 =	vld [tilespmem:s9+$0x710]  }
0x29f: {  	v37 =	vld [tilespmem:s9+$0xFFFFE720]  }
0x2a0: {  	v38 =	vld [tilespmem:s9+$0x720]  }
0x2a1: {  	v39 =	vld [tilespmem:s9+$0x730];
	v16 =	vmul.bf16 v17, v16  }
0x2a2: {  	v17 =	vld [tilespmem:s9+$0xFFFFE730]  }
0x2a3: {  	v18 =	vmul.bf16 v36, v35;
	v40 =	vunpack.i.u.bf16.f32 v16;
	v16 =	vunpack.i.l.bf16.f32 v16  }
0x2a4: {  	v16 =	vadd.f32 $0.0e+00, v16;
	v41 =	vadd.f32 $0.0e+00, v40  }
0x2a5: {  	v20 =	vmul.bf16 v38, v37;
	v42 =	vunpack.i.u.bf16.f32 v18;
	v18 =	vunpack.i.l.bf16.f32 v18  }
0x2a6: {  	v16 =	vadd.f32 v18, v16;
	v43 =	vadd.f32 v42, v41  }
0x2a7: {  	v44 =	vunpack.i.u.bf16.f32 v20;
	v20 =	vunpack.i.l.bf16.f32 v20;
	v17 =	vmul.bf16 v39, v17  }
0x2a8: {  	v16 =	vadd.f32 v20, v16;
	v18 =	vadd.f32 v44, v43  }
0x2a9: {  	v45 =	vunpack.i.u.bf16.f32 v17;
	v17 =	vunpack.i.l.bf16.f32 v17  }
0x2aa: {  	v16 =	vadd.f32 v17, v16;
	v17 =	vadd.f32 v45, v18;
	_ =	sdelay $0x1  }
0x2ab: {  	v16 =	vadd.f32 v16, v17;
	_ =	sdelay $0x1  }
0x2ac: {  	[tilespmem:$0x8900] =	vst v16  }
0x2ad: {  	v16 =	vld [tilespmem:s9+$0xFFFFE780]  }
0x2ae: {  	v17 =	vld [tilespmem:s9+$0x780]  }
0x2af: {  	v46 =	vld [tilespmem:s9+$0xFFFFE790]  }
0x2b0: {  	v47 =	vld [tilespmem:s9+$0x790]  }
0x2b1: {  	v48 =	vld [tilespmem:s9+$0xFFFFE7A0]  }
0x2b2: {  	v49 =	vld [tilespmem:s9+$0x7A0]  }
0x2b3: {  	v50 =	vld [tilespmem:s9+$0x7B0];
	v16 =	vmul.bf16 v17, v16  }
0x2b4: {  	v17 =	vld [tilespmem:s9+$0xFFFFE7B0]  }
0x2b5: {  	v18 =	vmul.bf16 v47, v46;
	v51 =	vunpack.i.u.bf16.f32 v16;
	v16 =	vunpack.i.l.bf16.f32 v16  }
0x2b6: {  	v16 =	vadd.f32 $0.0e+00, v16;
	v52 =	vadd.f32 $0.0e+00, v51  }
0x2b7: {  	v20 =	vmul.bf16 v49, v48;
	v53 =	vunpack.i.u.bf16.f32 v18;
	v18 =	vunpack.i.l.bf16.f32 v18  }
0x2b8: {  	v16 =	vadd.f32 v18, v16;
	v54 =	vadd.f32 v53, v52  }
0x2b9: {  	v55 =	vunpack.i.u.bf16.f32 v20;
	v20 =	vunpack.i.l.bf16.f32 v20;
	v17 =	vmul.bf16 v50, v17  }
0x2ba: {  	v16 =	vadd.f32 v20, v16;
	v18 =	vadd.f32 v55, v54  }
0x2bb: {  	v56 =	vunpack.i.u.bf16.f32 v17;
	v17 =	vunpack.i.l.bf16.f32 v17  }
0x2bc: {  	v16 =	vadd.f32 v17, v16;
	v17 =	vadd.f32 v56, v18;
	_ =	sdelay $0x1  }
0x2bd: {  	v16 =	vadd.f32 v16, v17;
	_ =	sdelay $0x1  }
0x2be: {  	[tilespmem:$0x8980] =	vst v16  }
0x2bf: {  	v16 =	vld.idx.msk [tilespmem:v0+s24+$0x0], $0xffff  }
0x2c0: {  	v17 =	vld.idx.msk [tilespmem:v1+s24+$0x0], $0xffff  }
0x2c1: {  	v57 =	vld.idx.msk [tilespmem:v2+s24+$0x0], $0xffff  }
0x2c2: {  	v58 =	vld.idx.msk [tilespmem:v3+s24+$0x0], $0xffff  }
0x2c3: {  	v59 =	vld.idx.msk [tilespmem:v4+s24+$0x0], $0xffff  }
0x2c4: {  	v60 =	vld.idx.msk [tilespmem:v5+s24+$0x0], $0xffff  }
0x2c5: {  	v61 =	vld.idx.msk [tilespmem:v6+s24+$0x0], $0xffff  }
0x2c6: {  	v62 =	vld.idx.msk [tilespmem:v7+s24+$0x0], $0xffff  }
0x2c7: {  	v24 =	vld.idx.msk [tilespmem:v8+s24+$0x0], $0xffff  }
0x2c8: {  	v25 =	vld.idx.msk [tilespmem:v9+s24+$0x0], $0xffff  }
0x2c9: {  	v26 =	vld.idx.msk [tilespmem:v10+s24+$0x0], $0xffff  }
0x2ca: {  	v27 =	vld.idx.msk [tilespmem:v11+s24+$0x0], $0xffff  }
0x2cb: {  	v28 =	vld.idx.msk [tilespmem:v12+s24+$0x0], $0xffff  }
0x2cc: {  	v29 =	vld.idx.msk [tilespmem:v13+s24+$0x0], $0xffff;
	v16 =	vadd.f32 $0.0e+00, v16;
	v17 =	vadd.f32 $0.0e+00, v17  }
0x2cd: {  	v30 =	vld.idx.msk [tilespmem:v14+s24+$0x0], $0xffff;
	v18 =	vadd.f32 $0.0e+00, v57;
	v19 =	vadd.f32 $0.0e+00, v58  }
0x2ce: {  	v63 =	vld.idx.msk [tilespmem:v15+s24+$0x0], $0xffff;
	v16 =	vadd.f32 v59, v16;
	v17 =	vadd.f32 v60, v17  }
0x2cf: {  	v18 =	vadd.f32 v61, v18;
	v19 =	vadd.f32 v62, v19  }
0x2d0: {  	v16 =	vadd.f32 v24, v16;
	v17 =	vadd.f32 v25, v17  }
0x2d1: {  	v18 =	vadd.f32 v26, v18;
	v19 =	vadd.f32 v27, v19  }
0x2d2: {  	v16 =	vadd.f32 v28, v16;
	v17 =	vadd.f32 v29, v17  }
0x2d3: {  	v18 =	vadd.f32 v30, v18;
	v19 =	vadd.f32 v63, v19  }
0x2d4: {  	p1 =	sne.s32 s22, $0xC0  }
.Ltmp7:
0x2d5: {  	v16 =	vadd.f32 v17, v16;
	v17 =	vadd.f32 v19, v18;
	(pc) =	sbr.rel @p1 .LBB2_8-.Ltmp7, $4  }
0x2d6: {  	_ = 	snop  }
0x2d7: {  	v16 =	vadd.f32 v17, v16  }
0x2d8: {  	s11 =	sshra.s32 s22, $0x2  }
0x2d9: {  	s22 =	sadd.s32 $0x40, s22;
	s9 =	sadd.s32 $0x800, s9;
	[tilespmem:s11+$0x8180] =	vst v16  }
.Ltmp8:
0x2da: {  	s7 =	sshll.u32 s7, $0xB;
	(pc) =	sbr.rel .LBB2_10-.Ltmp8, $4  }
0x2db: {  	s7 =	sor.u32 s13, s7  }
0x2dc: {  	s7 =	sshrl.u32 s7, $0x3  }
0x2dd: {  	s7 =	sadd.s32 s1, s7  }
0x2de: {  	[hbm4b:s7+s3] =	stream.linear.scatter [tilespmem:s28], [sflag:$0x6], $0x40, $0x38;
	[tilespmem:$0x1C280] =	vst v63  }
.LBB2_12:
0x2df: {  	_ =	sfence.sel $0x180000  }
0x2e0: {  	[bflag:$0x0] =	sbarrier.arrive $0xFFFF  }
0x2e1: {  	_ =	strace $0x90000047  }
0x2e2: {  	[bflag:$0x2] =	sbarrier.arrive $0xFFFF  }
0x2e3: {  	s0 =	rddreg [dreg:$0x3]  }
0x2e4: {  	s0 =	sadd.s32 @!p0 $0x100000, s0  }
0x2e5: {  	[sflag:s0] =	ssyncadd.tile.s32 @!p0 $0x1;
	_ =	shalt  }
.Lfunc_end2:
_tile_overlayer_lowered:
.L_overlay_start_2:
0x2e6: {  	(tag) =	ssettag $0x2  }
0x2e7: {  	s0 =	rddreg [dreg:$0x0];
	s2 =	stileid.u32  }
0x2e8: {  	s1 =	rddreg [dreg:$0x1];
	p0 =	sne.s32 s2, $0x0  }
0x2e9: {  	s3 =	rddreg [dreg:$0x2];
	[bflag:$0x3] =	sbarrier.arrive $0xFFFF;
	s2 =	simm.s32 @!p0 $0x1C07  }
0x2ea: {  	[timem:s3], [sflag:s2] =	dma.local @!p0 [hbm:s0], s1  }
0x2eb: {  	s0 =	simm.s32 @!p0 $0x7  }
0x2ec: {  	_ =	swait.ge @!p0 [sflag:s0], s1  }
0x2ed: {  	s1 =	ssub.s32 @!p0 $0x0, s1;
	[sflag:s0] =	ssyncset.done @!p0 $0x0  }
0x2ee: {  	[sflag:s0] =	ssyncadd.s32 @!p0 s1  }
0x2ef: {  	[bflag:$0x3] =	sbarrier.arrive $0xFFFF  }
0x2f0: {  	_ =	shalt  }

</sc_bundles>
